<compile_context>
chip_gen: v7x
topology: tpu7x:2x2x1
jax: 0.10.2.dev20260603
libtpu: 0.0.44.dev20260713+nightly
codegen_flags: <defaults>
</compile_context>

<pallas_src>
import jax
import jax.numpy as jnp
from jax import lax
from jax.experimental import pallas as pl
from jax.experimental.pallas import tpu as pltpu
from jax.experimental.pallas import tpu_sc as plsc

_N = 10000
_E = 320000
_H = 128
_BN_EPS = 1e-5

_NC = 2
_NS = 16
_NW = _NC * _NS
_CH = 128
_CPW0 = 120
_CPW1 = 38
_CPWM = _CPW0
_E0 = _NS * _CPW0 * _CH
_E1 = _NS * _CPW1 * _CH
_RPT = 632
_NP = _NS * _RPT


def _agg_body(h_hbm, src_hbm, dst_hbm, z_hbm, out_hbm,
              sring, dring, buf, acc,
              gsem0, gsem1, ssem0, ssem1, dsem0, dsem1):
    c = lax.axis_index("c")
    s = lax.axis_index("s")
    wid = c * _NS + s
    cpw = jnp.where(c == 0, _CPW0, _CPW1)

    pltpu.sync_copy(z_hbm, acc.at[pl.ds(s * _RPT, _RPT)])

    pltpu.async_copy(src_hbm.at[wid, 0], sring.at[0], ssem0)
    pltpu.async_copy(src_hbm.at[wid, 1], sring.at[1], ssem1)
    pltpu.async_copy(dst_hbm.at[wid, 0], dring.at[0], dsem0)
    pltpu.async_copy(dst_hbm.at[wid, 1], dring.at[1], dsem1)
    plsc.subcore_barrier()
    pltpu.make_async_copy(src_hbm.at[wid, 0], sring.at[0], ssem0).wait()
    pltpu.async_copy(h_hbm.at[sring.at[0]], buf.at[0], gsem0)
    pltpu.make_async_copy(src_hbm.at[wid, 1], sring.at[1], ssem1).wait()
    pltpu.async_copy(h_hbm.at[sring.at[1]], buf.at[1], gsem1)

    @pl.loop(0, cpw, step=2)
    def _(j):
        pltpu.make_async_copy(h_hbm.at[sring.at[0]], buf.at[0], gsem0).wait()

        @pl.when(j + 2 < cpw)
        def _():
            pltpu.async_copy(src_hbm.at[wid, j + 2], sring.at[0], ssem0)

        pltpu.make_async_copy(dst_hbm.at[wid, 0], dring.at[0], dsem0).wait()
        pltpu.sync_copy(buf.at[0], acc.at[dring.at[0]], add=True)

        @pl.when(j + 2 < cpw)
        def _():
            pltpu.async_copy(dst_hbm.at[wid, j + 2], dring.at[0], dsem0)
            pltpu.make_async_copy(src_hbm.at[wid, 0], sring.at[0], ssem0).wait()
            pltpu.async_copy(h_hbm.at[sring.at[0]], buf.at[0], gsem0)

        pltpu.make_async_copy(h_hbm.at[sring.at[1]], buf.at[1], gsem1).wait()

        @pl.when(j + 3 < cpw)
        def _():
            pltpu.async_copy(src_hbm.at[wid, j + 3], sring.at[1], ssem1)

        pltpu.make_async_copy(dst_hbm.at[wid, 0], dring.at[1], dsem1).wait()
        pltpu.sync_copy(buf.at[1], acc.at[dring.at[1]], add=True)

        @pl.when(j + 3 < cpw)
        def _():
            pltpu.async_copy(dst_hbm.at[wid, j + 3], dring.at[1], dsem1)
            pltpu.make_async_copy(src_hbm.at[wid, 0], sring.at[1], ssem1).wait()
            pltpu.async_copy(h_hbm.at[sring.at[1]], buf.at[1], gsem1)

    plsc.subcore_barrier()
    pltpu.sync_copy(acc.at[pl.ds(s * _RPT, _RPT)],
                    out_hbm.at[c, pl.ds(s * _RPT, _RPT)])


def _aggregate(h_pad, src_g, dst_g, zeros_blk):
    mesh = plsc.VectorSubcoreMesh(core_axis_name="c", subcore_axis_name="s")
    return pl.kernel(
        _agg_body,
        out_type=jax.ShapeDtypeStruct((_NC, _NP, _H), jnp.float32),
        mesh=mesh,
        scratch_types=[
            pltpu.VMEM((2, _CH), jnp.int32),
            pltpu.VMEM((2, _CH), jnp.int32),
            pltpu.VMEM((2, _CH, _H), jnp.float32),
            pltpu.VMEM_SHARED((_NP, _H), jnp.float32),
            pltpu.SemaphoreType.DMA,
            pltpu.SemaphoreType.DMA,
            pltpu.SemaphoreType.DMA,
            pltpu.SemaphoreType.DMA,
            pltpu.SemaphoreType.DMA,
            pltpu.SemaphoreType.DMA,
        ],
    )(h_pad, src_g, dst_g, zeros_blk)


def _mlp_body(x_ref, agg_ref, W1_ref, b1_ref, g_ref, beta_ref, W2_ref, b2_ref,
              eps_ref, out_ref):
    x = x_ref[: _N, :]
    agg = agg_ref[0, : _N, :] + agg_ref[1, : _N, :]
    h = (1.0 + eps_ref[0]) * x + agg
    t = jnp.dot(h, W1_ref[...], preferred_element_type=jnp.float32) + b1_ref[...]
    mu = jnp.mean(t, axis=0, keepdims=True)
    d = t - mu
    var = jnp.mean(d * d, axis=0, keepdims=True)
    r = d * jax.lax.rsqrt(var + _BN_EPS) * g_ref[...] + beta_ref[...]
    r = jnp.maximum(r, 0.0)
    o = jnp.dot(r, W2_ref[...], preferred_element_type=jnp.float32) + b2_ref[...]
    out_ref[: _N, :] = o
    out_ref[_N:, :] = jnp.zeros((_NP - _N, _H), jnp.float32)


def _mlp(x_pad, agg, eps, W1, b1, g, beta, W2, b2):
    eps_s = jnp.reshape(eps, (1,))
    return pl.pallas_call(
        _mlp_body,
        out_shape=jax.ShapeDtypeStruct((_NP, _H), jnp.float32),
        in_specs=[pl.BlockSpec(memory_space=pltpu.VMEM)] * 8
        + [pl.BlockSpec(memory_space=pltpu.SMEM)],
        out_specs=pl.BlockSpec(memory_space=pltpu.VMEM),
    )(x_pad, agg, W1, jnp.reshape(b1, (1, -1)), jnp.reshape(g, (1, -1)),
      jnp.reshape(beta, (1, -1)), W2, jnp.reshape(b2, (1, -1)), eps_s)


def _mlp_final_body(x_ref, agg_ref, W1_ref, b1_ref, g_ref, beta_ref, W2_ref,
                    b2_ref, lw_ref, lb_ref, eps_ref, out_ref):
    x = x_ref[: _N, :]
    agg = agg_ref[0, : _N, :] + agg_ref[1, : _N, :]
    h = (1.0 + eps_ref[0]) * x + agg
    t = jnp.dot(h, W1_ref[...], preferred_element_type=jnp.float32) + b1_ref[...]
    mu = jnp.mean(t, axis=0, keepdims=True)
    d = t - mu
    var = jnp.mean(d * d, axis=0, keepdims=True)
    r = d * jax.lax.rsqrt(var + _BN_EPS) * g_ref[...] + beta_ref[...]
    r = jnp.maximum(r, 0.0)
    o = jnp.dot(r, W2_ref[...], preferred_element_type=jnp.float32) + b2_ref[...]
    out_ref[...] = (
        jnp.dot(o, lw_ref[...], preferred_element_type=jnp.float32) + lb_ref[...]
    )


def _mlp_final(x_pad, agg, eps, W1, b1, g, beta, W2, b2, lin_W, lin_b):
    eps_s = jnp.reshape(eps, (1,))
    return pl.pallas_call(
        _mlp_final_body,
        out_shape=jax.ShapeDtypeStruct((_N, _H), jnp.float32),
        in_specs=[pl.BlockSpec(memory_space=pltpu.VMEM)] * 10
        + [pl.BlockSpec(memory_space=pltpu.SMEM)],
        out_specs=pl.BlockSpec(memory_space=pltpu.VMEM),
    )(x_pad, agg, W1, jnp.reshape(b1, (1, -1)), jnp.reshape(g, (1, -1)),
      jnp.reshape(beta, (1, -1)), W2, jnp.reshape(b2, (1, -1)), lin_W,
      jnp.reshape(lin_b, (1, -1)), eps_s)


def kernel(x, edge_index, W1_0, b1_0, g_0, beta_0, W2_0, b2_0, eps_0,
           W1_1, b1_1, g_1, beta_1, W2_1, b2_1, eps_1,
           W1_2, b1_2, g_2, beta_2, W2_2, b2_2, eps_2, lin_W, lin_b):
    def shard(v):
        a = v[:_E0]
        b = jnp.concatenate(
            [v[_E0:], jnp.full((_E0 + _E1 - _E,), _N, jnp.int32)])
        a = a.reshape(_NS, _CPW0, _CH)
        b = b.reshape(_NS, _CPW1, _CH)
        b = jnp.pad(b, ((0, 0), (0, _CPWM - _CPW1), (0, 0)))
        return jnp.concatenate([a, b], axis=0)

    src_g = shard(edge_index[0])
    dst_g = shard(edge_index[1])
    zeros_blk = jnp.zeros((_RPT, _H), jnp.float32)
    h = jnp.pad(x, ((0, _NP - _N), (0, 0)))

    layers = (
        (eps_0, W1_0, b1_0, g_0, beta_0, W2_0, b2_0),
        (eps_1, W1_1, b1_1, g_1, beta_1, W2_1, b2_1),
    )
    for eps, W1, b1, g, beta, W2, b2 in layers:
        agg = _aggregate(h, src_g, dst_g, zeros_blk)
        h = _mlp(h, agg, eps, W1, b1, g, beta, W2, b2)

    agg = _aggregate(h, src_g, dst_g, zeros_blk)
    return _mlp_final(h, agg, eps_2, W1_2, b1_2, g_2, beta_2, W2_2, b2_2,
                      lin_W, lin_b)

# --- scband reference (transcript-rebuilt; emitter-appended) ---
"""Pipeline reference for scband-simple-graph-neural-net-19782619365957 (READ-ONLY COPY).

The authoritative reference and input builder live on the scoring server;
editing this copy changes nothing except your own understanding.
"""

import jax, jax.numpy as jnp
import numpy as np

N = 10000
E = 320000
H = 128
OUT = 128
L = 3
BN_EPS = 1e-5


def setup_inputs(seed: int = 0) -> dict:
    key = jax.random.key(seed)
    inp = {}
    k = jax.random.fold_in(key, 0)
    inp["x"] = jax.random.normal(k, (N, H), dtype=jnp.float32)
    k = jax.random.fold_in(key, 1)
    inp["edge_index"] = jax.random.randint(k, (2, E), 0, N, dtype=jnp.int32)
    c = 2
    for l in range(L):
        k = jax.random.fold_in(key, c); c += 1
        inp[f"W1_{l}"] = jax.random.normal(k, (H, 2 * H), dtype=jnp.float32) * (1.0 / np.sqrt(H))
        inp[f"b1_{l}"] = jnp.zeros((2 * H,), dtype=jnp.float32)
        inp[f"g_{l}"] = jnp.ones((2 * H,), dtype=jnp.float32)
        inp[f"beta_{l}"] = jnp.zeros((2 * H,), dtype=jnp.float32)
        k = jax.random.fold_in(key, c); c += 1
        inp[f"W2_{l}"] = jax.random.normal(k, (2 * H, H), dtype=jnp.float32) * (1.0 / np.sqrt(2 * H))
        inp[f"b2_{l}"] = jnp.zeros((H,), dtype=jnp.float32)
        inp[f"eps_{l}"] = jnp.zeros((), dtype=jnp.float32)
    k = jax.random.fold_in(key, c); c += 1
    inp["lin_W"] = jax.random.normal(k, (H, OUT), dtype=jnp.float32) * (1.0 / np.sqrt(H))
    inp["lin_b"] = jnp.zeros((OUT,), dtype=jnp.float32)
    return inp


def _gin_layer(x, src, dst, eps, W1, b1, g, beta, W2, b2):
    # sum aggregation of neighbor features (scatter-add to destination nodes)
    agg = jnp.zeros_like(x).at[dst].add(x[src])
    h = (1.0 + eps) * x + agg
    # MLP: Linear -> BatchNorm1d (batch stats, training mode) -> ReLU -> Linear
    h = h @ W1 + b1
    mu = jnp.mean(h, axis=0)
    var = jnp.var(h, axis=0)
    h = (h - mu) / jnp.sqrt(var + BN_EPS) * g + beta
    h = jax.nn.relu(h)
    h = h @ W2 + b2
    return h


def reference(x, edge_index,
              W1_0, b1_0, g_0, beta_0, W2_0, b2_0, eps_0,
              W1_1, b1_1, g_1, beta_1, W2_1, b2_1, eps_1,
              W1_2, b1_2, g_2, beta_2, W2_2, b2_2, eps_2,
              lin_W, lin_b):
    src = edge_index[0]
    dst = edge_index[1]
    h = x
    h = _gin_layer(h, src, dst, eps_0, W1_0, b1_0, g_0, beta_0, W2_0, b2_0)
    h = _gin_layer(h, src, dst, eps_1, W1_1, b1_1, g_1, beta_1, W2_1, b2_1)
    h = _gin_layer(h, src, dst, eps_2, W1_2, b1_2, g_2, beta_2, W2_2, b2_2)
    out = h @ lin_W + lin_b
    return out

if __name__ == "__main__":
    import jax
    _d = setup_inputs()
    print(jax.jit(kernel)(*tuple(_d.values())))

</pallas_src>

<mosaic_0001>
#map = affine_map<(d0, d1) -> (0, 0)>
#map1 = affine_map<(d0, d1) -> (0, 0, 0)>
module attributes {stable_mosaic.version = 14 : i64} {
  func.func @_agg_body(%arg0: i32, %arg1: i32, %arg2: memref<10112x128xf32, #tpu.memory_space<hbm>>, %arg3: memref<32x120x128xi32, #tpu.memory_space<hbm>>, %arg4: memref<32x120x128xi32, #tpu.memory_space<hbm>>, %arg5: memref<632x128xf32, #tpu.memory_space<hbm>>, %arg6: memref<2x10112x128xf32, #tpu.memory_space<hbm>>, %arg7: memref<2x128xi32, #tpu.memory_space<vmem>>, %arg8: memref<2x128xi32, #tpu.memory_space<vmem>>, %arg9: memref<2x128x128xf32, #tpu.memory_space<vmem>>, %arg10: memref<10112x128xf32, #tpu.memory_space<vmem_shared>>, %arg11: memref<!tpu.dma_semaphore, #tpu.memory_space<semaphore_mem>>, %arg12: memref<!tpu.dma_semaphore, #tpu.memory_space<semaphore_mem>>, %arg13: memref<!tpu.dma_semaphore, #tpu.memory_space<semaphore_mem>>, %arg14: memref<!tpu.dma_semaphore, #tpu.memory_space<semaphore_mem>>, %arg15: memref<!tpu.dma_semaphore, #tpu.memory_space<semaphore_mem>>, %arg16: memref<!tpu.dma_semaphore, #tpu.memory_space<semaphore_mem>>) attributes {dimension_semantics = [#tpu.dimension_semantics<core_parallel>, #tpu.dimension_semantics<subcore_parallel>], iteration_bounds = array<i64: 2, 16>, scalar_prefetch = 0 : i64, scratch_operands = 10 : i64, tpu.core_type = #tpu.core_type<sc_vector_subcore>, window_params = [{transform_indices = #map}, {transform_indices = #map1}, {transform_indices = #map1}, {transform_indices = #map}, {transform_indices = #map1}]} {
    %mul3A = arith.constant 16 : i32
    %mul3A_0 = arith.muli %arg0, %mul3A : i32
    %add3A = arith.addi %mul3A_0, %arg1 : i32
    %eq3A = arith.constant 0 : i32
    %eq3A_1 = arith.cmpi eq, %arg0, %eq3A : i32
    %jit3A = arith.constant 120 : i32
    %jit3A_2 = arith.constant 38 : i32
    %select_n3A = arith.select %eq3A_1, %jit3A, %jit3A_2 : i32
    %mul3A_3 = arith.constant 632 : i32
    %mul3A_4 = arith.muli %arg1, %mul3A_3 : i32
    "tpu.region"() ({
      %run_scoped3A = tpu.sem_alloc : memref<!tpu.dma_semaphore, #tpu.memory_space<semaphore_mem>>
      %dma_start3A_132 = arith.constant 0 : i32
      %dma_start3A_133 = tpu.memref_slice %arg10[%mul3A_4, %dma_start3A_132] : memref<10112x128xf32, #tpu.memory_space<vmem_shared>> -> memref<632x128xf32, #tpu.memory_space<vmem_shared>>
      tpu.enqueue_dma source(%arg5 : memref<632x128xf32, #tpu.memory_space<hbm>>) target(%dma_start3A_133 : memref<632x128xf32, #tpu.memory_space<vmem_shared>>) target_semaphore(%run_scoped3A : memref<!tpu.dma_semaphore, #tpu.memory_space<semaphore_mem>>)
      %dma_wait3A_134 = arith.constant 0 : i32
      %dma_wait3A_135 = tpu.memref_slice %arg10[%mul3A_4, %dma_wait3A_134] : memref<10112x128xf32, #tpu.memory_space<vmem_shared>> -> memref<632x128xf32, #tpu.memory_space<vmem_shared>>
      tpu.wait_dma2 semaphore(%run_scoped3A : memref<!tpu.dma_semaphore, #tpu.memory_space<semaphore_mem>>) src(%arg5 : memref<632x128xf32, #tpu.memory_space<hbm>>) dst(%dma_wait3A_135 : memref<632x128xf32, #tpu.memory_space<vmem_shared>>)
      tpu.yield
    }) : () -> ()
    %dma_start3A = arith.constant 0 : i32
    %dma_start3A_5 = arith.constant 0 : i32
    %dma_start3A_6 = arith.constant 0 : i32
    %dma_start3A_7 = tpu.memref_slice %arg7[%dma_start3A_5, %dma_start3A_6] : memref<2x128xi32, #tpu.memory_space<vmem>> -> memref<1x128xi32, #tpu.memory_space<vmem>>
    %dma_start3A_8 = tpu.memref_squeeze %dma_start3A_7 : memref<1x128xi32, #tpu.memory_space<vmem>> -> memref<128xi32, #tpu.memory_space<vmem>>
    %dma_start3A_9 = arith.constant 0 : i32
    %dma_start3A_10 = tpu.memref_slice %arg3[%add3A, %dma_start3A, %dma_start3A_9] : memref<32x120x128xi32, #tpu.memory_space<hbm>> -> memref<1x1x128xi32, #tpu.memory_space<hbm>>
    %dma_start3A_11 = tpu.memref_squeeze %dma_start3A_10 : memref<1x1x128xi32, #tpu.memory_space<hbm>> -> memref<128xi32, #tpu.memory_space<hbm>>
    %dma_start3A_12 = arith.constant 0 : i32
    %dma_start3A_13 = tpu.memref_slice %arg7[%dma_start3A_5, %dma_start3A_12] : memref<2x128xi32, #tpu.memory_space<vmem>> -> memref<1x128xi32, #tpu.memory_space<vmem>>
    %dma_start3A_14 = tpu.memref_squeeze %dma_start3A_13 : memref<1x128xi32, #tpu.memory_space<vmem>> -> memref<128xi32, #tpu.memory_space<vmem>>
    %dma_start3A_15 = arith.constant 0 : i32
    %dma_start3A_16 = tpu.memref_slice %arg3[%add3A, %dma_start3A, %dma_start3A_15] : memref<32x120x128xi32, #tpu.memory_space<hbm>> -> memref<1x1x128xi32, #tpu.memory_space<hbm>>
    %dma_start3A_17 = tpu.memref_squeeze %dma_start3A_16 : memref<1x1x128xi32, #tpu.memory_space<hbm>> -> memref<128xi32, #tpu.memory_space<hbm>>
    tpu.enqueue_dma source(%dma_start3A_17 : memref<128xi32, #tpu.memory_space<hbm>>) target(%dma_start3A_14 : memref<128xi32, #tpu.memory_space<vmem>>) target_semaphore(%arg13 : memref<!tpu.dma_semaphore, #tpu.memory_space<semaphore_mem>>)
    %dma_start3A_18 = arith.constant 1 : i32
    %dma_start3A_19 = arith.constant 1 : i32
    %dma_start3A_20 = arith.constant 0 : i32
    %dma_start3A_21 = tpu.memref_slice %arg7[%dma_start3A_19, %dma_start3A_20] : memref<2x128xi32, #tpu.memory_space<vmem>> -> memref<1x128xi32, #tpu.memory_space<vmem>>
    %dma_start3A_22 = tpu.memref_squeeze %dma_start3A_21 : memref<1x128xi32, #tpu.memory_space<vmem>> -> memref<128xi32, #tpu.memory_space<vmem>>
    %dma_start3A_23 = arith.constant 0 : i32
    %dma_start3A_24 = tpu.memref_slice %arg3[%add3A, %dma_start3A_18, %dma_start3A_23] : memref<32x120x128xi32, #tpu.memory_space<hbm>> -> memref<1x1x128xi32, #tpu.memory_space<hbm>>
    %dma_start3A_25 = tpu.memref_squeeze %dma_start3A_24 : memref<1x1x128xi32, #tpu.memory_space<hbm>> -> memref<128xi32, #tpu.memory_space<hbm>>
    %dma_start3A_26 = arith.constant 0 : i32
    %dma_start3A_27 = tpu.memref_slice %arg7[%dma_start3A_19, %dma_start3A_26] : memref<2x128xi32, #tpu.memory_space<vmem>> -> memref<1x128xi32, #tpu.memory_space<vmem>>
    %dma_start3A_28 = tpu.memref_squeeze %dma_start3A_27 : memref<1x128xi32, #tpu.memory_space<vmem>> -> memref<128xi32, #tpu.memory_space<vmem>>
    %dma_start3A_29 = arith.constant 0 : i32
    %dma_start3A_30 = tpu.memref_slice %arg3[%add3A, %dma_start3A_18, %dma_start3A_29] : memref<32x120x128xi32, #tpu.memory_space<hbm>> -> memref<1x1x128xi32, #tpu.memory_space<hbm>>
    %dma_start3A_31 = tpu.memref_squeeze %dma_start3A_30 : memref<1x1x128xi32, #tpu.memory_space<hbm>> -> memref<128xi32, #tpu.memory_space<hbm>>
    tpu.enqueue_dma source(%dma_start3A_31 : memref<128xi32, #tpu.memory_space<hbm>>) target(%dma_start3A_28 : memref<128xi32, #tpu.memory_space<vmem>>) target_semaphore(%arg14 : memref<!tpu.dma_semaphore, #tpu.memory_space<semaphore_mem>>)
    %dma_start3A_32 = arith.constant 0 : i32
    %dma_start3A_33 = arith.constant 0 : i32
    %dma_start3A_34 = arith.constant 0 : i32
    %dma_start3A_35 = tpu.memref_slice %arg8[%dma_start3A_33, %dma_start3A_34] : memref<2x128xi32, #tpu.memory_space<vmem>> -> memref<1x128xi32, #tpu.memory_space<vmem>>
    %dma_start3A_36 = tpu.memref_squeeze %dma_start3A_35 : memref<1x128xi32, #tpu.memory_space<vmem>> -> memref<128xi32, #tpu.memory_space<vmem>>
    %dma_start3A_37 = arith.constant 0 : i32
    %dma_start3A_38 = tpu.memref_slice %arg4[%add3A, %dma_start3A_32, %dma_start3A_37] : memref<32x120x128xi32, #tpu.memory_space<hbm>> -> memref<1x1x128xi32, #tpu.memory_space<hbm>>
    %dma_start3A_39 = tpu.memref_squeeze %dma_start3A_38 : memref<1x1x128xi32, #tpu.memory_space<hbm>> -> memref<128xi32, #tpu.memory_space<hbm>>
    %dma_start3A_40 = arith.constant 0 : i32
    %dma_start3A_41 = tpu.memref_slice %arg8[%dma_start3A_33, %dma_start3A_40] : memref<2x128xi32, #tpu.memory_space<vmem>> -> memref<1x128xi32, #tpu.memory_space<vmem>>
    %dma_start3A_42 = tpu.memref_squeeze %dma_start3A_41 : memref<1x128xi32, #tpu.memory_space<vmem>> -> memref<128xi32, #tpu.memory_space<vmem>>
    %dma_start3A_43 = arith.constant 0 : i32
    %dma_start3A_44 = tpu.memref_slice %arg4[%add3A, %dma_start3A_32, %dma_start3A_43] : memref<32x120x128xi32, #tpu.memory_space<hbm>> -> memref<1x1x128xi32, #tpu.memory_space<hbm>>
    %dma_start3A_45 = tpu.memref_squeeze %dma_start3A_44 : memref<1x1x128xi32, #tpu.memory_space<hbm>> -> memref<128xi32, #tpu.memory_space<hbm>>
    tpu.enqueue_dma source(%dma_start3A_45 : memref<128xi32, #tpu.memory_space<hbm>>) target(%dma_start3A_42 : memref<128xi32, #tpu.memory_space<vmem>>) target_semaphore(%arg15 : memref<!tpu.dma_semaphore, #tpu.memory_space<semaphore_mem>>)
    %dma_start3A_46 = arith.constant 1 : i32
    %dma_start3A_47 = arith.constant 1 : i32
    %dma_start3A_48 = arith.constant 0 : i32
    %dma_start3A_49 = tpu.memref_slice %arg8[%dma_start3A_47, %dma_start3A_48] : memref<2x128xi32, #tpu.memory_space<vmem>> -> memref<1x128xi32, #tpu.memory_space<vmem>>
    %dma_start3A_50 = tpu.memref_squeeze %dma_start3A_49 : memref<1x128xi32, #tpu.memory_space<vmem>> -> memref<128xi32, #tpu.memory_space<vmem>>
    %dma_start3A_51 = arith.constant 0 : i32
    %dma_start3A_52 = tpu.memref_slice %arg4[%add3A, %dma_start3A_46, %dma_start3A_51] : memref<32x120x128xi32, #tpu.memory_space<hbm>> -> memref<1x1x128xi32, #tpu.memory_space<hbm>>
    %dma_start3A_53 = tpu.memref_squeeze %dma_start3A_52 : memref<1x1x128xi32, #tpu.memory_space<hbm>> -> memref<128xi32, #tpu.memory_space<hbm>>
    %dma_start3A_54 = arith.constant 0 : i32
    %dma_start3A_55 = tpu.memref_slice %arg8[%dma_start3A_47, %dma_start3A_54] : memref<2x128xi32, #tpu.memory_space<vmem>> -> memref<1x128xi32, #tpu.memory_space<vmem>>
    %dma_start3A_56 = tpu.memref_squeeze %dma_start3A_55 : memref<1x128xi32, #tpu.memory_space<vmem>> -> memref<128xi32, #tpu.memory_space<vmem>>
    %dma_start3A_57 = arith.constant 0 : i32
    %dma_start3A_58 = tpu.memref_slice %arg4[%add3A, %dma_start3A_46, %dma_start3A_57] : memref<32x120x128xi32, #tpu.memory_space<hbm>> -> memref<1x1x128xi32, #tpu.memory_space<hbm>>
    %dma_start3A_59 = tpu.memref_squeeze %dma_start3A_58 : memref<1x1x128xi32, #tpu.memory_space<hbm>> -> memref<128xi32, #tpu.memory_space<hbm>>
    tpu.enqueue_dma source(%dma_start3A_59 : memref<128xi32, #tpu.memory_space<hbm>>) target(%dma_start3A_56 : memref<128xi32, #tpu.memory_space<vmem>>) target_semaphore(%arg16 : memref<!tpu.dma_semaphore, #tpu.memory_space<semaphore_mem>>)
    %barrier3A = arith.constant 0 : index
    tpu.barrier barrier_id(%barrier3A)
    %dma_wait3A = arith.constant 0 : i32
    %dma_wait3A_60 = arith.constant 0 : i32
    %dma_wait3A_61 = arith.constant 0 : i32
    %dma_wait3A_62 = tpu.memref_slice %arg7[%dma_wait3A_60, %dma_wait3A_61] : memref<2x128xi32, #tpu.memory_space<vmem>> -> memref<1x128xi32, #tpu.memory_space<vmem>>
    %dma_wait3A_63 = tpu.memref_squeeze %dma_wait3A_62 : memref<1x128xi32, #tpu.memory_space<vmem>> -> memref<128xi32, #tpu.memory_space<vmem>>
    %dma_wait3A_64 = arith.constant 0 : i32
    %dma_wait3A_65 = tpu.memref_slice %arg3[%add3A, %dma_wait3A, %dma_wait3A_64] : memref<32x120x128xi32, #tpu.memory_space<hbm>> -> memref<1x1x128xi32, #tpu.memory_space<hbm>>
    %dma_wait3A_66 = tpu.memref_squeeze %dma_wait3A_65 : memref<1x1x128xi32, #tpu.memory_space<hbm>> -> memref<128xi32, #tpu.memory_space<hbm>>
    %dma_wait3A_67 = arith.constant 0 : i32
    %dma_wait3A_68 = tpu.memref_slice %arg7[%dma_wait3A_60, %dma_wait3A_67] : memref<2x128xi32, #tpu.memory_space<vmem>> -> memref<1x128xi32, #tpu.memory_space<vmem>>
    %dma_wait3A_69 = tpu.memref_squeeze %dma_wait3A_68 : memref<1x128xi32, #tpu.memory_space<vmem>> -> memref<128xi32, #tpu.memory_space<vmem>>
    %dma_wait3A_70 = arith.constant 0 : i32
    %dma_wait3A_71 = tpu.memref_slice %arg3[%add3A, %dma_wait3A, %dma_wait3A_70] : memref<32x120x128xi32, #tpu.memory_space<hbm>> -> memref<1x1x128xi32, #tpu.memory_space<hbm>>
    %dma_wait3A_72 = tpu.memref_squeeze %dma_wait3A_71 : memref<1x1x128xi32, #tpu.memory_space<hbm>> -> memref<128xi32, #tpu.memory_space<hbm>>
    tpu.wait_dma2 semaphore(%arg13 : memref<!tpu.dma_semaphore, #tpu.memory_space<semaphore_mem>>) src(%dma_wait3A_72 : memref<128xi32, #tpu.memory_space<hbm>>) dst(%dma_wait3A_69 : memref<128xi32, #tpu.memory_space<vmem>>)
    %dma_start3A_73 = arith.constant 0 : i32
    %dma_start3A_74 = arith.constant 0 : i32
    %dma_start3A_75 = arith.constant 0 : i32
    %dma_start3A_76 = arith.constant 0 : i32
    %dma_start3A_77 = tpu.memref_slice %arg9[%dma_start3A_74, %dma_start3A_75, %dma_start3A_76] : memref<2x128x128xf32, #tpu.memory_space<vmem>> -> memref<1x128x128xf32, #tpu.memory_space<vmem>>
    %dma_start3A_78 = tpu.memref_squeeze %dma_start3A_77 : memref<1x128x128xf32, #tpu.memory_space<vmem>> -> memref<128x128xf32, #tpu.memory_space<vmem>>
    %dma_start3A_79 = arith.constant 0 : i32
    %dma_start3A_80 = tpu.memref_slice %arg7[%dma_start3A_73, %dma_start3A_79] : memref<2x128xi32, #tpu.memory_space<vmem>> -> memref<1x128xi32, #tpu.memory_space<vmem>>
    %dma_start3A_81 = tpu.memref_squeeze %dma_start3A_80 : memref<1x128xi32, #tpu.memory_space<vmem>> -> memref<128xi32, #tpu.memory_space<vmem>>
    %dma_start3A_82 = arith.constant 0 : i32
    %dma_start3A_83 = arith.constant 0 : i32
    %dma_start3A_84 = tpu.memref_slice %arg2[%dma_start3A_82, %dma_start3A_83] : memref<10112x128xf32, #tpu.memory_space<hbm>> -> memref<10112x128xf32, #tpu.memory_space<hbm>>
    tpu.enqueue_indirect_dma source(%dma_start3A_84 : memref<10112x128xf32, #tpu.memory_space<hbm>>) target(%dma_start3A_78 : memref<128x128xf32, #tpu.memory_space<vmem>>) offsets(%dma_start3A_81 : memref<128xi32, #tpu.memory_space<vmem>>) semaphore(%arg11 : memref<!tpu.dma_semaphore, #tpu.memory_space<semaphore_mem>>)
    %dma_wait3A_85 = arith.constant 1 : i32
    %dma_wait3A_86 = arith.constant 1 : i32
    %dma_wait3A_87 = arith.constant 0 : i32
    %dma_wait3A_88 = tpu.memref_slice %arg7[%dma_wait3A_86, %dma_wait3A_87] : memref<2x128xi32, #tpu.memory_space<vmem>> -> memref<1x128xi32, #tpu.memory_space<vmem>>
    %dma_wait3A_89 = tpu.memref_squeeze %dma_wait3A_88 : memref<1x128xi32, #tpu.memory_space<vmem>> -> memref<128xi32, #tpu.memory_space<vmem>>
    %dma_wait3A_90 = arith.constant 0 : i32
    %dma_wait3A_91 = tpu.memref_slice %arg3[%add3A, %dma_wait3A_85, %dma_wait3A_90] : memref<32x120x128xi32, #tpu.memory_space<hbm>> -> memref<1x1x128xi32, #tpu.memory_space<hbm>>
    %dma_wait3A_92 = tpu.memref_squeeze %dma_wait3A_91 : memref<1x1x128xi32, #tpu.memory_space<hbm>> -> memref<128xi32, #tpu.memory_space<hbm>>
    %dma_wait3A_93 = arith.constant 0 : i32
    %dma_wait3A_94 = tpu.memref_slice %arg7[%dma_wait3A_86, %dma_wait3A_93] : memref<2x128xi32, #tpu.memory_space<vmem>> -> memref<1x128xi32, #tpu.memory_space<vmem>>
    %dma_wait3A_95 = tpu.memref_squeeze %dma_wait3A_94 : memref<1x128xi32, #tpu.memory_space<vmem>> -> memref<128xi32, #tpu.memory_space<vmem>>
    %dma_wait3A_96 = arith.constant 0 : i32
    %dma_wait3A_97 = tpu.memref_slice %arg3[%add3A, %dma_wait3A_85, %dma_wait3A_96] : memref<32x120x128xi32, #tpu.memory_space<hbm>> -> memref<1x1x128xi32, #tpu.memory_space<hbm>>
    %dma_wait3A_98 = tpu.memref_squeeze %dma_wait3A_97 : memref<1x1x128xi32, #tpu.memory_space<hbm>> -> memref<128xi32, #tpu.memory_space<hbm>>
    tpu.wait_dma2 semaphore(%arg14 : memref<!tpu.dma_semaphore, #tpu.memory_space<semaphore_mem>>) src(%dma_wait3A_98 : memref<128xi32, #tpu.memory_space<hbm>>) dst(%dma_wait3A_95 : memref<128xi32, #tpu.memory_space<vmem>>)
    %dma_start3A_99 = arith.constant 1 : i32
    %dma_start3A_100 = arith.constant 1 : i32
    %dma_start3A_101 = arith.constant 0 : i32
    %dma_start3A_102 = arith.constant 0 : i32
    %dma_start3A_103 = tpu.memref_slice %arg9[%dma_start3A_100, %dma_start3A_101, %dma_start3A_102] : memref<2x128x128xf32, #tpu.memory_space<vmem>> -> memref<1x128x128xf32, #tpu.memory_space<vmem>>
    %dma_start3A_104 = tpu.memref_squeeze %dma_start3A_103 : memref<1x128x128xf32, #tpu.memory_space<vmem>> -> memref<128x128xf32, #tpu.memory_space<vmem>>
    %dma_start3A_105 = arith.constant 0 : i32
    %dma_start3A_106 = tpu.memref_slice %arg7[%dma_start3A_99, %dma_start3A_105] : memref<2x128xi32, #tpu.memory_space<vmem>> -> memref<1x128xi32, #tpu.memory_space<vmem>>
    %dma_start3A_107 = tpu.memref_squeeze %dma_start3A_106 : memref<1x128xi32, #tpu.memory_space<vmem>> -> memref<128xi32, #tpu.memory_space<vmem>>
    %dma_start3A_108 = arith.constant 0 : i32
    %dma_start3A_109 = arith.constant 0 : i32
    %dma_start3A_110 = tpu.memref_slice %arg2[%dma_start3A_108, %dma_start3A_109] : memref<10112x128xf32, #tpu.memory_space<hbm>> -> memref<10112x128xf32, #tpu.memory_space<hbm>>
    tpu.enqueue_indirect_dma source(%dma_start3A_110 : memref<10112x128xf32, #tpu.memory_space<hbm>>) target(%dma_start3A_104 : memref<128x128xf32, #tpu.memory_space<vmem>>) offsets(%dma_start3A_107 : memref<128xi32, #tpu.memory_space<vmem>>) semaphore(%arg12 : memref<!tpu.dma_semaphore, #tpu.memory_space<semaphore_mem>>)
    %sub3A = arith.constant 0 : i32
    %sub3A_111 = arith.subi %select_n3A, %sub3A : i32
    %sub3A_112 = arith.constant 2 : i32
    %sub3A_113 = arith.constant 1 : i32
    %sub3A_114 = arith.subi %sub3A_112, %sub3A_113 : i32
    %add3A_115 = arith.addi %sub3A_111, %sub3A_114 : i32
    %div3A = arith.constant 2 : i32
    %div3A_116 = arith.divsi %add3A_115, %div3A : i32
    %while3A = arith.constant 2 : i32
    %while3A_117 = arith.constant 0 : i32
    %while3A_118 = arith.constant 0 : i32
    %while3A_119 = arith.subi %div3A_116, %while3A_118 : i32
    %while3A_120 = arith.addi %while3A_118, %while3A_119 : i32
    %while3A_121 = arith.constant 1 : i32
    %while3A_122 = arith.divsi %while3A_119, %while3A_121 : i32
    %while3A_123 = arith.muli %while3A_122, %while3A_121 : i32
    %while3A_124 = arith.addi %while3A_118, %while3A_123 : i32
    %while3A_125 = arith.constant 1 : i32
    scf.for %while3A_132 = %while3A_118 to %while3A_124 step %while3A_125  : i32 {
      %mul3A_133 = arith.muli %while3A_132, %while3A : i32
      %add3A_134 = arith.addi %while3A_117, %mul3A_133 : i32
      %dma_wait3A_135 = arith.constant 0 : i32
      %dma_wait3A_136 = arith.constant 0 : i32
      %dma_wait3A_137 = arith.constant 0 : i32
      %dma_wait3A_138 = arith.constant 0 : i32
      %dma_wait3A_139 = tpu.memref_slice %arg9[%dma_wait3A_136, %dma_wait3A_137, %dma_wait3A_138] : memref<2x128x128xf32, #tpu.memory_space<vmem>> -> memref<1x128x128xf32, #tpu.memory_space<vmem>>
      %dma_wait3A_140 = tpu.memref_squeeze %dma_wait3A_139 : memref<1x128x128xf32, #tpu.memory_space<vmem>> -> memref<128x128xf32, #tpu.memory_space<vmem>>
      %dma_wait3A_141 = arith.constant 0 : i32
      %dma_wait3A_142 = tpu.memref_slice %arg7[%dma_wait3A_135, %dma_wait3A_141] : memref<2x128xi32, #tpu.memory_space<vmem>> -> memref<1x128xi32, #tpu.memory_space<vmem>>
      %dma_wait3A_143 = tpu.memref_squeeze %dma_wait3A_142 : memref<1x128xi32, #tpu.memory_space<vmem>> -> memref<128xi32, #tpu.memory_space<vmem>>
      %dma_wait3A_144 = arith.constant 0 : i32
      %dma_wait3A_145 = arith.constant 0 : i32
      %dma_wait3A_146 = tpu.memref_slice %arg2[%dma_wait3A_144, %dma_wait3A_145] : memref<10112x128xf32, #tpu.memory_space<hbm>> -> memref<10112x128xf32, #tpu.memory_space<hbm>>
      tpu.wait_indirect_dma semaphore(%arg11 : memref<!tpu.dma_semaphore, #tpu.memory_space<semaphore_mem>>) src(%dma_wait3A_146 : memref<10112x128xf32, #tpu.memory_space<hbm>>) dst(%dma_wait3A_140 : memref<128x128xf32, #tpu.memory_space<vmem>>)
      %add3A_147 = arith.constant 2 : i32
      %add3A_148 = arith.addi %add3A_134, %add3A_147 : i32
      %lt3A = arith.cmpi slt, %add3A_148, %select_n3A : i32
      %convert_element_type3A = arith.extui %lt3A : i1 to i32
      %cond3A = arith.constant 0 : i32
      %cond3A_149 = arith.cmpi ne, %convert_element_type3A, %cond3A : i32
      scf.if %cond3A_149 {
        %add3A_211 = arith.constant 2 : i32
        %add3A_212 = arith.addi %add3A_134, %add3A_211 : i32
        %dma_start3A_213 = arith.constant 0 : i32
        %dma_start3A_214 = arith.constant 0 : i32
        %dma_start3A_215 = tpu.memref_slice %arg7[%dma_start3A_213, %dma_start3A_214] : memref<2x128xi32, #tpu.memory_space<vmem>> -> memref<1x128xi32, #tpu.memory_space<vmem>>
        %dma_start3A_216 = tpu.memref_squeeze %dma_start3A_215 : memref<1x128xi32, #tpu.memory_space<vmem>> -> memref<128xi32, #tpu.memory_space<vmem>>
        %dma_start3A_217 = arith.constant 0 : i32
        %dma_start3A_218 = tpu.memref_slice %arg3[%add3A, %add3A_212, %dma_start3A_217] : memref<32x120x128xi32, #tpu.memory_space<hbm>> -> memref<1x1x128xi32, #tpu.memory_space<hbm>>
        %dma_start3A_219 = tpu.memref_squeeze %dma_start3A_218 : memref<1x1x128xi32, #tpu.memory_space<hbm>> -> memref<128xi32, #tpu.memory_space<hbm>>
        %dma_start3A_220 = arith.constant 0 : i32
        %dma_start3A_221 = tpu.memref_slice %arg7[%dma_start3A_213, %dma_start3A_220] : memref<2x128xi32, #tpu.memory_space<vmem>> -> memref<1x128xi32, #tpu.memory_space<vmem>>
        %dma_start3A_222 = tpu.memref_squeeze %dma_start3A_221 : memref<1x128xi32, #tpu.memory_space<vmem>> -> memref<128xi32, #tpu.memory_space<vmem>>
        %dma_start3A_223 = arith.constant 0 : i32
        %dma_start3A_224 = tpu.memref_slice %arg3[%add3A, %add3A_212, %dma_start3A_223] : memref<32x120x128xi32, #tpu.memory_space<hbm>> -> memref<1x1x128xi32, #tpu.memory_space<hbm>>
        %dma_start3A_225 = tpu.memref_squeeze %dma_start3A_224 : memref<1x1x128xi32, #tpu.memory_space<hbm>> -> memref<128xi32, #tpu.memory_space<hbm>>
        tpu.enqueue_dma source(%dma_start3A_225 : memref<128xi32, #tpu.memory_space<hbm>>) target(%dma_start3A_222 : memref<128xi32, #tpu.memory_space<vmem>>) target_semaphore(%arg13 : memref<!tpu.dma_semaphore, #tpu.memory_space<semaphore_mem>>)
      } else {
      }
      %dma_wait3A_150 = arith.constant 0 : i32
      %dma_wait3A_151 = arith.constant 0 : i32
      %dma_wait3A_152 = arith.constant 0 : i32
      %dma_wait3A_153 = tpu.memref_slice %arg8[%dma_wait3A_151, %dma_wait3A_152] : memref<2x128xi32, #tpu.memory_space<vmem>> -> memref<1x128xi32, #tpu.memory_space<vmem>>
      %dma_wait3A_154 = tpu.memref_squeeze %dma_wait3A_153 : memref<1x128xi32, #tpu.memory_space<vmem>> -> memref<128xi32, #tpu.memory_space<vmem>>
      %dma_wait3A_155 = arith.constant 0 : i32
      %dma_wait3A_156 = tpu.memref_slice %arg4[%add3A, %dma_wait3A_150, %dma_wait3A_155] : memref<32x120x128xi32, #tpu.memory_space<hbm>> -> memref<1x1x128xi32, #tpu.memory_space<hbm>>
      %dma_wait3A_157 = tpu.memref_squeeze %dma_wait3A_156 : memref<1x1x128xi32, #tpu.memory_space<hbm>> -> memref<128xi32, #tpu.memory_space<hbm>>
      %dma_wait3A_158 = arith.constant 0 : i32
      %dma_wait3A_159 = tpu.memref_slice %arg8[%dma_wait3A_151, %dma_wait3A_158] : memref<2x128xi32, #tpu.memory_space<vmem>> -> memref<1x128xi32, #tpu.memory_space<vmem>>
      %dma_wait3A_160 = tpu.memref_squeeze %dma_wait3A_159 : memref<1x128xi32, #tpu.memory_space<vmem>> -> memref<128xi32, #tpu.memory_space<vmem>>
      %dma_wait3A_161 = arith.constant 0 : i32
      %dma_wait3A_162 = tpu.memref_slice %arg4[%add3A, %dma_wait3A_150, %dma_wait3A_161] : memref<32x120x128xi32, #tpu.memory_space<hbm>> -> memref<1x1x128xi32, #tpu.memory_space<hbm>>
      %dma_wait3A_163 = tpu.memref_squeeze %dma_wait3A_162 : memref<1x1x128xi32, #tpu.memory_space<hbm>> -> memref<128xi32, #tpu.memory_space<hbm>>
      tpu.wait_dma2 semaphore(%arg15 : memref<!tpu.dma_semaphore, #tpu.memory_space<semaphore_mem>>) src(%dma_wait3A_163 : memref<128xi32, #tpu.memory_space<hbm>>) dst(%dma_wait3A_160 : memref<128xi32, #tpu.memory_space<vmem>>)
      %run_scoped3A = arith.constant 0 : i32
      %run_scoped3A_164 = arith.constant 0 : i32
      "tpu.region"() ({
        %run_scoped3A_211 = tpu.sem_alloc : memref<!tpu.dma_semaphore, #tpu.memory_space<semaphore_mem>>
        %dma_start3A_212 = arith.constant 0 : i32
        %dma_start3A_213 = arith.constant 0 : i32
        %dma_start3A_214 = tpu.memref_slice %arg9[%run_scoped3A, %dma_start3A_212, %dma_start3A_213] : memref<2x128x128xf32, #tpu.memory_space<vmem>> -> memref<1x128x128xf32, #tpu.memory_space<vmem>>
        %dma_start3A_215 = tpu.memref_squeeze %dma_start3A_214 : memref<1x128x128xf32, #tpu.memory_space<vmem>> -> memref<128x128xf32, #tpu.memory_space<vmem>>
        %dma_start3A_216 = arith.constant 0 : i32
        %dma_start3A_217 = tpu.memref_slice %arg8[%run_scoped3A_164, %dma_start3A_216] : memref<2x128xi32, #tpu.memory_space<vmem>> -> memref<1x128xi32, #tpu.memory_space<vmem>>
        %dma_start3A_218 = tpu.memref_squeeze %dma_start3A_217 : memref<1x128xi32, #tpu.memory_space<vmem>> -> memref<128xi32, #tpu.memory_space<vmem>>
        %dma_start3A_219 = arith.constant 0 : i32
        %dma_start3A_220 = arith.constant 0 : i32
        %dma_start3A_221 = tpu.memref_slice %arg10[%dma_start3A_219, %dma_start3A_220] : memref<10112x128xf32, #tpu.memory_space<vmem_shared>> -> memref<10112x128xf32, #tpu.memory_space<vmem_shared>>
        tpu.enqueue_indirect_dma source(%dma_start3A_215 : memref<128x128xf32, #tpu.memory_space<vmem>>) target(%dma_start3A_221 : memref<10112x128xf32, #tpu.memory_space<vmem_shared>>) offsets(%dma_start3A_218 : memref<128xi32, #tpu.memory_space<vmem>>) semaphore(%run_scoped3A_211 : memref<!tpu.dma_semaphore, #tpu.memory_space<semaphore_mem>>) {add = true}
        %dma_wait3A_222 = arith.constant 0 : i32
        %dma_wait3A_223 = arith.constant 0 : i32
        %dma_wait3A_224 = tpu.memref_slice %arg9[%run_scoped3A, %dma_wait3A_222, %dma_wait3A_223] : memref<2x128x128xf32, #tpu.memory_space<vmem>> -> memref<1x128x128xf32, #tpu.memory_space<vmem>>
        %dma_wait3A_225 = tpu.memref_squeeze %dma_wait3A_224 : memref<1x128x128xf32, #tpu.memory_space<vmem>> -> memref<128x128xf32, #tpu.memory_space<vmem>>
        %dma_wait3A_226 = arith.constant 0 : i32
        %dma_wait3A_227 = tpu.memref_slice %arg8[%run_scoped3A_164, %dma_wait3A_226] : memref<2x128xi32, #tpu.memory_space<vmem>> -> memref<1x128xi32, #tpu.memory_space<vmem>>
        %dma_wait3A_228 = tpu.memref_squeeze %dma_wait3A_227 : memref<1x128xi32, #tpu.memory_space<vmem>> -> memref<128xi32, #tpu.memory_space<vmem>>
        %dma_wait3A_229 = arith.constant 0 : i32
        %dma_wait3A_230 = arith.constant 0 : i32
        %dma_wait3A_231 = tpu.memref_slice %arg10[%dma_wait3A_229, %dma_wait3A_230] : memref<10112x128xf32, #tpu.memory_space<vmem_shared>> -> memref<10112x128xf32, #tpu.memory_space<vmem_shared>>
        tpu.wait_indirect_dma semaphore(%run_scoped3A_211 : memref<!tpu.dma_semaphore, #tpu.memory_space<semaphore_mem>>) src(%dma_wait3A_225 : memref<128x128xf32, #tpu.memory_space<vmem>>) dst(%dma_wait3A_231 : memref<10112x128xf32, #tpu.memory_space<vmem_shared>>)
        tpu.yield
      }) : () -> ()
      %add3A_165 = arith.constant 2 : i32
      %add3A_166 = arith.addi %add3A_134, %add3A_165 : i32
      %lt3A_167 = arith.cmpi slt, %add3A_166, %select_n3A : i32
      %convert_element_type3A_168 = arith.extui %lt3A_167 : i1 to i32
      %cond3A_169 = arith.constant 0 : i32
      %cond3A_170 = arith.cmpi ne, %convert_element_type3A_168, %cond3A_169 : i32
      scf.if %cond3A_170 {
        %add3A_211 = arith.constant 2 : i32
        %add3A_212 = arith.addi %add3A_134, %add3A_211 : i32
        %dma_start3A_213 = arith.constant 0 : i32
        %dma_start3A_214 = arith.constant 0 : i32
        %dma_start3A_215 = tpu.memref_slice %arg8[%dma_start3A_213, %dma_start3A_214] : memref<2x128xi32, #tpu.memory_space<vmem>> -> memref<1x128xi32, #tpu.memory_space<vmem>>
        %dma_start3A_216 = tpu.memref_squeeze %dma_start3A_215 : memref<1x128xi32, #tpu.memory_space<vmem>> -> memref<128xi32, #tpu.memory_space<vmem>>
        %dma_start3A_217 = arith.constant 0 : i32
        %dma_start3A_218 = tpu.memref_slice %arg4[%add3A, %add3A_212, %dma_start3A_217] : memref<32x120x128xi32, #tpu.memory_space<hbm>> -> memref<1x1x128xi32, #tpu.memory_space<hbm>>
        %dma_start3A_219 = tpu.memref_squeeze %dma_start3A_218 : memref<1x1x128xi32, #tpu.memory_space<hbm>> -> memref<128xi32, #tpu.memory_space<hbm>>
        %dma_start3A_220 = arith.constant 0 : i32
        %dma_start3A_221 = tpu.memref_slice %arg8[%dma_start3A_213, %dma_start3A_220] : memref<2x128xi32, #tpu.memory_space<vmem>> -> memref<1x128xi32, #tpu.memory_space<vmem>>
        %dma_start3A_222 = tpu.memref_squeeze %dma_start3A_221 : memref<1x128xi32, #tpu.memory_space<vmem>> -> memref<128xi32, #tpu.memory_space<vmem>>
        %dma_start3A_223 = arith.constant 0 : i32
        %dma_start3A_224 = tpu.memref_slice %arg4[%add3A, %add3A_212, %dma_start3A_223] : memref<32x120x128xi32, #tpu.memory_space<hbm>> -> memref<1x1x128xi32, #tpu.memory_space<hbm>>
        %dma_start3A_225 = tpu.memref_squeeze %dma_start3A_224 : memref<1x1x128xi32, #tpu.memory_space<hbm>> -> memref<128xi32, #tpu.memory_space<hbm>>
        tpu.enqueue_dma source(%dma_start3A_225 : memref<128xi32, #tpu.memory_space<hbm>>) target(%dma_start3A_222 : memref<128xi32, #tpu.memory_space<vmem>>) target_semaphore(%arg15 : memref<!tpu.dma_semaphore, #tpu.memory_space<semaphore_mem>>)
        %dma_wait3A_226 = arith.constant 0 : i32
        %dma_wait3A_227 = arith.constant 0 : i32
        %dma_wait3A_228 = arith.constant 0 : i32
        %dma_wait3A_229 = tpu.memref_slice %arg7[%dma_wait3A_227, %dma_wait3A_228] : memref<2x128xi32, #tpu.memory_space<vmem>> -> memref<1x128xi32, #tpu.memory_space<vmem>>
        %dma_wait3A_230 = tpu.memref_squeeze %dma_wait3A_229 : memref<1x128xi32, #tpu.memory_space<vmem>> -> memref<128xi32, #tpu.memory_space<vmem>>
        %dma_wait3A_231 = arith.constant 0 : i32
        %dma_wait3A_232 = tpu.memref_slice %arg3[%add3A, %dma_wait3A_226, %dma_wait3A_231] : memref<32x120x128xi32, #tpu.memory_space<hbm>> -> memref<1x1x128xi32, #tpu.memory_space<hbm>>
        %dma_wait3A_233 = tpu.memref_squeeze %dma_wait3A_232 : memref<1x1x128xi32, #tpu.memory_space<hbm>> -> memref<128xi32, #tpu.memory_space<hbm>>
        %dma_wait3A_234 = arith.constant 0 : i32
        %dma_wait3A_235 = tpu.memref_slice %arg7[%dma_wait3A_227, %dma_wait3A_234] : memref<2x128xi32, #tpu.memory_space<vmem>> -> memref<1x128xi32, #tpu.memory_space<vmem>>
        %dma_wait3A_236 = tpu.memref_squeeze %dma_wait3A_235 : memref<1x128xi32, #tpu.memory_space<vmem>> -> memref<128xi32, #tpu.memory_space<vmem>>
        %dma_wait3A_237 = arith.constant 0 : i32
        %dma_wait3A_238 = tpu.memref_slice %arg3[%add3A, %dma_wait3A_226, %dma_wait3A_237] : memref<32x120x128xi32, #tpu.memory_space<hbm>> -> memref<1x1x128xi32, #tpu.memory_space<hbm>>
        %dma_wait3A_239 = tpu.memref_squeeze %dma_wait3A_238 : memref<1x1x128xi32, #tpu.memory_space<hbm>> -> memref<128xi32, #tpu.memory_space<hbm>>
        tpu.wait_dma2 semaphore(%arg13 : memref<!tpu.dma_semaphore, #tpu.memory_space<semaphore_mem>>) src(%dma_wait3A_239 : memref<128xi32, #tpu.memory_space<hbm>>) dst(%dma_wait3A_236 : memref<128xi32, #tpu.memory_space<vmem>>)
        %dma_start3A_240 = arith.constant 0 : i32
        %dma_start3A_241 = arith.constant 0 : i32
        %dma_start3A_242 = arith.constant 0 : i32
        %dma_start3A_243 = arith.constant 0 : i32
        %dma_start3A_244 = tpu.memref_slice %arg9[%dma_start3A_241, %dma_start3A_242, %dma_start3A_243] : memref<2x128x128xf32, #tpu.memory_space<vmem>> -> memref<1x128x128xf32, #tpu.memory_space<vmem>>
        %dma_start3A_245 = tpu.memref_squeeze %dma_start3A_244 : memref<1x128x128xf32, #tpu.memory_space<vmem>> -> memref<128x128xf32, #tpu.memory_space<vmem>>
        %dma_start3A_246 = arith.constant 0 : i32
        %dma_start3A_247 = tpu.memref_slice %arg7[%dma_start3A_240, %dma_start3A_246] : memref<2x128xi32, #tpu.memory_space<vmem>> -> memref<1x128xi32, #tpu.memory_space<vmem>>
        %dma_start3A_248 = tpu.memref_squeeze %dma_start3A_247 : memref<1x128xi32, #tpu.memory_space<vmem>> -> memref<128xi32, #tpu.memory_space<vmem>>
        %dma_start3A_249 = arith.constant 0 : i32
        %dma_start3A_250 = arith.constant 0 : i32
        %dma_start3A_251 = tpu.memref_slice %arg2[%dma_start3A_249, %dma_start3A_250] : memref<10112x128xf32, #tpu.memory_space<hbm>> -> memref<10112x128xf32, #tpu.memory_space<hbm>>
        tpu.enqueue_indirect_dma source(%dma_start3A_251 : memref<10112x128xf32, #tpu.memory_space<hbm>>) target(%dma_start3A_245 : memref<128x128xf32, #tpu.memory_space<vmem>>) offsets(%dma_start3A_248 : memref<128xi32, #tpu.memory_space<vmem>>) semaphore(%arg11 : memref<!tpu.dma_semaphore, #tpu.memory_space<semaphore_mem>>)
      } else {
      }
      %dma_wait3A_171 = arith.constant 1 : i32
      %dma_wait3A_172 = arith.constant 1 : i32
      %dma_wait3A_173 = arith.constant 0 : i32
      %dma_wait3A_174 = arith.constant 0 : i32
      %dma_wait3A_175 = tpu.memref_slice %arg9[%dma_wait3A_172, %dma_wait3A_173, %dma_wait3A_174] : memref<2x128x128xf32, #tpu.memory_space<vmem>> -> memref<1x128x128xf32, #tpu.memory_space<vmem>>
      %dma_wait3A_176 = tpu.memref_squeeze %dma_wait3A_175 : memref<1x128x128xf32, #tpu.memory_space<vmem>> -> memref<128x128xf32, #tpu.memory_space<vmem>>
      %dma_wait3A_177 = arith.constant 0 : i32
      %dma_wait3A_178 = tpu.memref_slice %arg7[%dma_wait3A_171, %dma_wait3A_177] : memref<2x128xi32, #tpu.memory_space<vmem>> -> memref<1x128xi32, #tpu.memory_space<vmem>>
      %dma_wait3A_179 = tpu.memref_squeeze %dma_wait3A_178 : memref<1x128xi32, #tpu.memory_space<vmem>> -> memref<128xi32, #tpu.memory_space<vmem>>
      %dma_wait3A_180 = arith.constant 0 : i32
      %dma_wait3A_181 = arith.constant 0 : i32
      %dma_wait3A_182 = tpu.memref_slice %arg2[%dma_wait3A_180, %dma_wait3A_181] : memref<10112x128xf32, #tpu.memory_space<hbm>> -> memref<10112x128xf32, #tpu.memory_space<hbm>>
      tpu.wait_indirect_dma semaphore(%arg12 : memref<!tpu.dma_semaphore, #tpu.memory_space<semaphore_mem>>) src(%dma_wait3A_182 : memref<10112x128xf32, #tpu.memory_space<hbm>>) dst(%dma_wait3A_176 : memref<128x128xf32, #tpu.memory_space<vmem>>)
      %add3A_183 = arith.constant 3 : i32
      %add3A_184 = arith.addi %add3A_134, %add3A_183 : i32
      %lt3A_185 = arith.cmpi slt, %add3A_184, %select_n3A : i32
      %convert_element_type3A_186 = arith.extui %lt3A_185 : i1 to i32
      %cond3A_187 = arith.constant 0 : i32
      %cond3A_188 = arith.cmpi ne, %convert_element_type3A_186, %cond3A_187 : i32
      scf.if %cond3A_188 {
        %add3A_211 = arith.constant 3 : i32
        %add3A_212 = arith.addi %add3A_134, %add3A_211 : i32
        %dma_start3A_213 = arith.constant 1 : i32
        %dma_start3A_214 = arith.constant 0 : i32
        %dma_start3A_215 = tpu.memref_slice %arg7[%dma_start3A_213, %dma_start3A_214] : memref<2x128xi32, #tpu.memory_space<vmem>> -> memref<1x128xi32, #tpu.memory_space<vmem>>
        %dma_start3A_216 = tpu.memref_squeeze %dma_start3A_215 : memref<1x128xi32, #tpu.memory_space<vmem>> -> memref<128xi32, #tpu.memory_space<vmem>>
        %dma_start3A_217 = arith.constant 0 : i32
        %dma_start3A_218 = tpu.memref_slice %arg3[%add3A, %add3A_212, %dma_start3A_217] : memref<32x120x128xi32, #tpu.memory_space<hbm>> -> memref<1x1x128xi32, #tpu.memory_space<hbm>>
        %dma_start3A_219 = tpu.memref_squeeze %dma_start3A_218 : memref<1x1x128xi32, #tpu.memory_space<hbm>> -> memref<128xi32, #tpu.memory_space<hbm>>
        %dma_start3A_220 = arith.constant 0 : i32
        %dma_start3A_221 = tpu.memref_slice %arg7[%dma_start3A_213, %dma_start3A_220] : memref<2x128xi32, #tpu.memory_space<vmem>> -> memref<1x128xi32, #tpu.memory_space<vmem>>
        %dma_start3A_222 = tpu.memref_squeeze %dma_start3A_221 : memref<1x128xi32, #tpu.memory_space<vmem>> -> memref<128xi32, #tpu.memory_space<vmem>>
        %dma_start3A_223 = arith.constant 0 : i32
        %dma_start3A_224 = tpu.memref_slice %arg3[%add3A, %add3A_212, %dma_start3A_223] : memref<32x120x128xi32, #tpu.memory_space<hbm>> -> memref<1x1x128xi32, #tpu.memory_space<hbm>>
        %dma_start3A_225 = tpu.memref_squeeze %dma_start3A_224 : memref<1x1x128xi32, #tpu.memory_space<hbm>> -> memref<128xi32, #tpu.memory_space<hbm>>
        tpu.enqueue_dma source(%dma_start3A_225 : memref<128xi32, #tpu.memory_space<hbm>>) target(%dma_start3A_222 : memref<128xi32, #tpu.memory_space<vmem>>) target_semaphore(%arg14 : memref<!tpu.dma_semaphore, #tpu.memory_space<semaphore_mem>>)
      } else {
      }
      %dma_wait3A_189 = arith.constant 0 : i32
      %dma_wait3A_190 = arith.constant 1 : i32
      %dma_wait3A_191 = arith.constant 0 : i32
      %dma_wait3A_192 = tpu.memref_slice %arg8[%dma_wait3A_190, %dma_wait3A_191] : memref<2x128xi32, #tpu.memory_space<vmem>> -> memref<1x128xi32, #tpu.memory_space<vmem>>
      %dma_wait3A_193 = tpu.memref_squeeze %dma_wait3A_192 : memref<1x128xi32, #tpu.memory_space<vmem>> -> memref<128xi32, #tpu.memory_space<vmem>>
      %dma_wait3A_194 = arith.constant 0 : i32
      %dma_wait3A_195 = tpu.memref_slice %arg4[%add3A, %dma_wait3A_189, %dma_wait3A_194] : memref<32x120x128xi32, #tpu.memory_space<hbm>> -> memref<1x1x128xi32, #tpu.memory_space<hbm>>
      %dma_wait3A_196 = tpu.memref_squeeze %dma_wait3A_195 : memref<1x1x128xi32, #tpu.memory_space<hbm>> -> memref<128xi32, #tpu.memory_space<hbm>>
      %dma_wait3A_197 = arith.constant 0 : i32
      %dma_wait3A_198 = tpu.memref_slice %arg8[%dma_wait3A_190, %dma_wait3A_197] : memref<2x128xi32, #tpu.memory_space<vmem>> -> memref<1x128xi32, #tpu.memory_space<vmem>>
      %dma_wait3A_199 = tpu.memref_squeeze %dma_wait3A_198 : memref<1x128xi32, #tpu.memory_space<vmem>> -> memref<128xi32, #tpu.memory_space<vmem>>
      %dma_wait3A_200 = arith.constant 0 : i32
      %dma_wait3A_201 = tpu.memref_slice %arg4[%add3A, %dma_wait3A_189, %dma_wait3A_200] : memref<32x120x128xi32, #tpu.memory_space<hbm>> -> memref<1x1x128xi32, #tpu.memory_space<hbm>>
      %dma_wait3A_202 = tpu.memref_squeeze %dma_wait3A_201 : memref<1x1x128xi32, #tpu.memory_space<hbm>> -> memref<128xi32, #tpu.memory_space<hbm>>
      tpu.wait_dma2 semaphore(%arg16 : memref<!tpu.dma_semaphore, #tpu.memory_space<semaphore_mem>>) src(%dma_wait3A_202 : memref<128xi32, #tpu.memory_space<hbm>>) dst(%dma_wait3A_199 : memref<128xi32, #tpu.memory_space<vmem>>)
      %run_scoped3A_203 = arith.constant 1 : i32
      %run_scoped3A_204 = arith.constant 1 : i32
      "tpu.region"() ({
        %run_scoped3A_211 = tpu.sem_alloc : memref<!tpu.dma_semaphore, #tpu.memory_space<semaphore_mem>>
        %dma_start3A_212 = arith.constant 0 : i32
        %dma_start3A_213 = arith.constant 0 : i32
        %dma_start3A_214 = tpu.memref_slice %arg9[%run_scoped3A_203, %dma_start3A_212, %dma_start3A_213] : memref<2x128x128xf32, #tpu.memory_space<vmem>> -> memref<1x128x128xf32, #tpu.memory_space<vmem>>
        %dma_start3A_215 = tpu.memref_squeeze %dma_start3A_214 : memref<1x128x128xf32, #tpu.memory_space<vmem>> -> memref<128x128xf32, #tpu.memory_space<vmem>>
        %dma_start3A_216 = arith.constant 0 : i32
        %dma_start3A_217 = tpu.memref_slice %arg8[%run_scoped3A_204, %dma_start3A_216] : memref<2x128xi32, #tpu.memory_space<vmem>> -> memref<1x128xi32, #tpu.memory_space<vmem>>
        %dma_start3A_218 = tpu.memref_squeeze %dma_start3A_217 : memref<1x128xi32, #tpu.memory_space<vmem>> -> memref<128xi32, #tpu.memory_space<vmem>>
        %dma_start3A_219 = arith.constant 0 : i32
        %dma_start3A_220 = arith.constant 0 : i32
        %dma_start3A_221 = tpu.memref_slice %arg10[%dma_start3A_219, %dma_start3A_220] : memref<10112x128xf32, #tpu.memory_space<vmem_shared>> -> memref<10112x128xf32, #tpu.memory_space<vmem_shared>>
        tpu.enqueue_indirect_dma source(%dma_start3A_215 : memref<128x128xf32, #tpu.memory_space<vmem>>) target(%dma_start3A_221 : memref<10112x128xf32, #tpu.memory_space<vmem_shared>>) offsets(%dma_start3A_218 : memref<128xi32, #tpu.memory_space<vmem>>) semaphore(%run_scoped3A_211 : memref<!tpu.dma_semaphore, #tpu.memory_space<semaphore_mem>>) {add = true}
        %dma_wait3A_222 = arith.constant 0 : i32
        %dma_wait3A_223 = arith.constant 0 : i32
        %dma_wait3A_224 = tpu.memref_slice %arg9[%run_scoped3A_203, %dma_wait3A_222, %dma_wait3A_223] : memref<2x128x128xf32, #tpu.memory_space<vmem>> -> memref<1x128x128xf32, #tpu.memory_space<vmem>>
        %dma_wait3A_225 = tpu.memref_squeeze %dma_wait3A_224 : memref<1x128x128xf32, #tpu.memory_space<vmem>> -> memref<128x128xf32, #tpu.memory_space<vmem>>
        %dma_wait3A_226 = arith.constant 0 : i32
        %dma_wait3A_227 = tpu.memref_slice %arg8[%run_scoped3A_204, %dma_wait3A_226] : memref<2x128xi32, #tpu.memory_space<vmem>> -> memref<1x128xi32, #tpu.memory_space<vmem>>
        %dma_wait3A_228 = tpu.memref_squeeze %dma_wait3A_227 : memref<1x128xi32, #tpu.memory_space<vmem>> -> memref<128xi32, #tpu.memory_space<vmem>>
        %dma_wait3A_229 = arith.constant 0 : i32
        %dma_wait3A_230 = arith.constant 0 : i32
        %dma_wait3A_231 = tpu.memref_slice %arg10[%dma_wait3A_229, %dma_wait3A_230] : memref<10112x128xf32, #tpu.memory_space<vmem_shared>> -> memref<10112x128xf32, #tpu.memory_space<vmem_shared>>
        tpu.wait_indirect_dma semaphore(%run_scoped3A_211 : memref<!tpu.dma_semaphore, #tpu.memory_space<semaphore_mem>>) src(%dma_wait3A_225 : memref<128x128xf32, #tpu.memory_space<vmem>>) dst(%dma_wait3A_231 : memref<10112x128xf32, #tpu.memory_space<vmem_shared>>)
        tpu.yield
      }) : () -> ()
      %add3A_205 = arith.constant 3 : i32
      %add3A_206 = arith.addi %add3A_134, %add3A_205 : i32
      %lt3A_207 = arith.cmpi slt, %add3A_206, %select_n3A : i32
      %convert_element_type3A_208 = arith.extui %lt3A_207 : i1 to i32
      %cond3A_209 = arith.constant 0 : i32
      %cond3A_210 = arith.cmpi ne, %convert_element_type3A_208, %cond3A_209 : i32
      scf.if %cond3A_210 {
        %add3A_211 = arith.constant 3 : i32
        %add3A_212 = arith.addi %add3A_134, %add3A_211 : i32
        %dma_start3A_213 = arith.constant 1 : i32
        %dma_start3A_214 = arith.constant 0 : i32
        %dma_start3A_215 = tpu.memref_slice %arg8[%dma_start3A_213, %dma_start3A_214] : memref<2x128xi32, #tpu.memory_space<vmem>> -> memref<1x128xi32, #tpu.memory_space<vmem>>
        %dma_start3A_216 = tpu.memref_squeeze %dma_start3A_215 : memref<1x128xi32, #tpu.memory_space<vmem>> -> memref<128xi32, #tpu.memory_space<vmem>>
        %dma_start3A_217 = arith.constant 0 : i32
        %dma_start3A_218 = tpu.memref_slice %arg4[%add3A, %add3A_212, %dma_start3A_217] : memref<32x120x128xi32, #tpu.memory_space<hbm>> -> memref<1x1x128xi32, #tpu.memory_space<hbm>>
        %dma_start3A_219 = tpu.memref_squeeze %dma_start3A_218 : memref<1x1x128xi32, #tpu.memory_space<hbm>> -> memref<128xi32, #tpu.memory_space<hbm>>
        %dma_start3A_220 = arith.constant 0 : i32
        %dma_start3A_221 = tpu.memref_slice %arg8[%dma_start3A_213, %dma_start3A_220] : memref<2x128xi32, #tpu.memory_space<vmem>> -> memref<1x128xi32, #tpu.memory_space<vmem>>
        %dma_start3A_222 = tpu.memref_squeeze %dma_start3A_221 : memref<1x128xi32, #tpu.memory_space<vmem>> -> memref<128xi32, #tpu.memory_space<vmem>>
        %dma_start3A_223 = arith.constant 0 : i32
        %dma_start3A_224 = tpu.memref_slice %arg4[%add3A, %add3A_212, %dma_start3A_223] : memref<32x120x128xi32, #tpu.memory_space<hbm>> -> memref<1x1x128xi32, #tpu.memory_space<hbm>>
        %dma_start3A_225 = tpu.memref_squeeze %dma_start3A_224 : memref<1x1x128xi32, #tpu.memory_space<hbm>> -> memref<128xi32, #tpu.memory_space<hbm>>
        tpu.enqueue_dma source(%dma_start3A_225 : memref<128xi32, #tpu.memory_space<hbm>>) target(%dma_start3A_222 : memref<128xi32, #tpu.memory_space<vmem>>) target_semaphore(%arg16 : memref<!tpu.dma_semaphore, #tpu.memory_space<semaphore_mem>>)
        %dma_wait3A_226 = arith.constant 0 : i32
        %dma_wait3A_227 = arith.constant 1 : i32
        %dma_wait3A_228 = arith.constant 0 : i32
        %dma_wait3A_229 = tpu.memref_slice %arg7[%dma_wait3A_227, %dma_wait3A_228] : memref<2x128xi32, #tpu.memory_space<vmem>> -> memref<1x128xi32, #tpu.memory_space<vmem>>
        %dma_wait3A_230 = tpu.memref_squeeze %dma_wait3A_229 : memref<1x128xi32, #tpu.memory_space<vmem>> -> memref<128xi32, #tpu.memory_space<vmem>>
        %dma_wait3A_231 = arith.constant 0 : i32
        %dma_wait3A_232 = tpu.memref_slice %arg3[%add3A, %dma_wait3A_226, %dma_wait3A_231] : memref<32x120x128xi32, #tpu.memory_space<hbm>> -> memref<1x1x128xi32, #tpu.memory_space<hbm>>
        %dma_wait3A_233 = tpu.memref_squeeze %dma_wait3A_232 : memref<1x1x128xi32, #tpu.memory_space<hbm>> -> memref<128xi32, #tpu.memory_space<hbm>>
        %dma_wait3A_234 = arith.constant 0 : i32
        %dma_wait3A_235 = tpu.memref_slice %arg7[%dma_wait3A_227, %dma_wait3A_234] : memref<2x128xi32, #tpu.memory_space<vmem>> -> memref<1x128xi32, #tpu.memory_space<vmem>>
        %dma_wait3A_236 = tpu.memref_squeeze %dma_wait3A_235 : memref<1x128xi32, #tpu.memory_space<vmem>> -> memref<128xi32, #tpu.memory_space<vmem>>
        %dma_wait3A_237 = arith.constant 0 : i32
        %dma_wait3A_238 = tpu.memref_slice %arg3[%add3A, %dma_wait3A_226, %dma_wait3A_237] : memref<32x120x128xi32, #tpu.memory_space<hbm>> -> memref<1x1x128xi32, #tpu.memory_space<hbm>>
        %dma_wait3A_239 = tpu.memref_squeeze %dma_wait3A_238 : memref<1x1x128xi32, #tpu.memory_space<hbm>> -> memref<128xi32, #tpu.memory_space<hbm>>
        tpu.wait_dma2 semaphore(%arg14 : memref<!tpu.dma_semaphore, #tpu.memory_space<semaphore_mem>>) src(%dma_wait3A_239 : memref<128xi32, #tpu.memory_space<hbm>>) dst(%dma_wait3A_236 : memref<128xi32, #tpu.memory_space<vmem>>)
        %dma_start3A_240 = arith.constant 1 : i32
        %dma_start3A_241 = arith.constant 1 : i32
        %dma_start3A_242 = arith.constant 0 : i32
        %dma_start3A_243 = arith.constant 0 : i32
        %dma_start3A_244 = tpu.memref_slice %arg9[%dma_start3A_241, %dma_start3A_242, %dma_start3A_243] : memref<2x128x128xf32, #tpu.memory_space<vmem>> -> memref<1x128x128xf32, #tpu.memory_space<vmem>>
        %dma_start3A_245 = tpu.memref_squeeze %dma_start3A_244 : memref<1x128x128xf32, #tpu.memory_space<vmem>> -> memref<128x128xf32, #tpu.memory_space<vmem>>
        %dma_start3A_246 = arith.constant 0 : i32
        %dma_start3A_247 = tpu.memref_slice %arg7[%dma_start3A_240, %dma_start3A_246] : memref<2x128xi32, #tpu.memory_space<vmem>> -> memref<1x128xi32, #tpu.memory_space<vmem>>
        %dma_start3A_248 = tpu.memref_squeeze %dma_start3A_247 : memref<1x128xi32, #tpu.memory_space<vmem>> -> memref<128xi32, #tpu.memory_space<vmem>>
        %dma_start3A_249 = arith.constant 0 : i32
        %dma_start3A_250 = arith.constant 0 : i32
        %dma_start3A_251 = tpu.memref_slice %arg2[%dma_start3A_249, %dma_start3A_250] : memref<10112x128xf32, #tpu.memory_space<hbm>> -> memref<10112x128xf32, #tpu.memory_space<hbm>>
        tpu.enqueue_indirect_dma source(%dma_start3A_251 : memref<10112x128xf32, #tpu.memory_space<hbm>>) target(%dma_start3A_245 : memref<128x128xf32, #tpu.memory_space<vmem>>) offsets(%dma_start3A_248 : memref<128xi32, #tpu.memory_space<vmem>>) semaphore(%arg12 : memref<!tpu.dma_semaphore, #tpu.memory_space<semaphore_mem>>)
      } else {
      }
    }
    %while3A_126 = arith.constant 1 : i32
    scf.for %while3A_132 = %while3A_124 to %while3A_120 step %while3A_126  : i32 {
      %mul3A_133 = arith.muli %while3A_132, %while3A : i32
      %add3A_134 = arith.addi %while3A_117, %mul3A_133 : i32
      %dma_wait3A_135 = arith.constant 0 : i32
      %dma_wait3A_136 = arith.constant 0 : i32
      %dma_wait3A_137 = arith.constant 0 : i32
      %dma_wait3A_138 = arith.constant 0 : i32
      %dma_wait3A_139 = tpu.memref_slice %arg9[%dma_wait3A_136, %dma_wait3A_137, %dma_wait3A_138] : memref<2x128x128xf32, #tpu.memory_space<vmem>> -> memref<1x128x128xf32, #tpu.memory_space<vmem>>
      %dma_wait3A_140 = tpu.memref_squeeze %dma_wait3A_139 : memref<1x128x128xf32, #tpu.memory_space<vmem>> -> memref<128x128xf32, #tpu.memory_space<vmem>>
      %dma_wait3A_141 = arith.constant 0 : i32
      %dma_wait3A_142 = tpu.memref_slice %arg7[%dma_wait3A_135, %dma_wait3A_141] : memref<2x128xi32, #tpu.memory_space<vmem>> -> memref<1x128xi32, #tpu.memory_space<vmem>>
      %dma_wait3A_143 = tpu.memref_squeeze %dma_wait3A_142 : memref<1x128xi32, #tpu.memory_space<vmem>> -> memref<128xi32, #tpu.memory_space<vmem>>
      %dma_wait3A_144 = arith.constant 0 : i32
      %dma_wait3A_145 = arith.constant 0 : i32
      %dma_wait3A_146 = tpu.memref_slice %arg2[%dma_wait3A_144, %dma_wait3A_145] : memref<10112x128xf32, #tpu.memory_space<hbm>> -> memref<10112x128xf32, #tpu.memory_space<hbm>>
      tpu.wait_indirect_dma semaphore(%arg11 : memref<!tpu.dma_semaphore, #tpu.memory_space<semaphore_mem>>) src(%dma_wait3A_146 : memref<10112x128xf32, #tpu.memory_space<hbm>>) dst(%dma_wait3A_140 : memref<128x128xf32, #tpu.memory_space<vmem>>)
      %add3A_147 = arith.constant 2 : i32
      %add3A_148 = arith.addi %add3A_134, %add3A_147 : i32
      %lt3A = arith.cmpi slt, %add3A_148, %select_n3A : i32
      %convert_element_type3A = arith.extui %lt3A : i1 to i32
      %cond3A = arith.constant 0 : i32
      %cond3A_149 = arith.cmpi ne, %convert_element_type3A, %cond3A : i32
      scf.if %cond3A_149 {
        %add3A_211 = arith.constant 2 : i32
        %add3A_212 = arith.addi %add3A_134, %add3A_211 : i32
        %dma_start3A_213 = arith.constant 0 : i32
        %dma_start3A_214 = arith.constant 0 : i32
        %dma_start3A_215 = tpu.memref_slice %arg7[%dma_start3A_213, %dma_start3A_214] : memref<2x128xi32, #tpu.memory_space<vmem>> -> memref<1x128xi32, #tpu.memory_space<vmem>>
        %dma_start3A_216 = tpu.memref_squeeze %dma_start3A_215 : memref<1x128xi32, #tpu.memory_space<vmem>> -> memref<128xi32, #tpu.memory_space<vmem>>
        %dma_start3A_217 = arith.constant 0 : i32
        %dma_start3A_218 = tpu.memref_slice %arg3[%add3A, %add3A_212, %dma_start3A_217] : memref<32x120x128xi32, #tpu.memory_space<hbm>> -> memref<1x1x128xi32, #tpu.memory_space<hbm>>
        %dma_start3A_219 = tpu.memref_squeeze %dma_start3A_218 : memref<1x1x128xi32, #tpu.memory_space<hbm>> -> memref<128xi32, #tpu.memory_space<hbm>>
        %dma_start3A_220 = arith.constant 0 : i32
        %dma_start3A_221 = tpu.memref_slice %arg7[%dma_start3A_213, %dma_start3A_220] : memref<2x128xi32, #tpu.memory_space<vmem>> -> memref<1x128xi32, #tpu.memory_space<vmem>>
        %dma_start3A_222 = tpu.memref_squeeze %dma_start3A_221 : memref<1x128xi32, #tpu.memory_space<vmem>> -> memref<128xi32, #tpu.memory_space<vmem>>
        %dma_start3A_223 = arith.constant 0 : i32
        %dma_start3A_224 = tpu.memref_slice %arg3[%add3A, %add3A_212, %dma_start3A_223] : memref<32x120x128xi32, #tpu.memory_space<hbm>> -> memref<1x1x128xi32, #tpu.memory_space<hbm>>
        %dma_start3A_225 = tpu.memref_squeeze %dma_start3A_224 : memref<1x1x128xi32, #tpu.memory_space<hbm>> -> memref<128xi32, #tpu.memory_space<hbm>>
        tpu.enqueue_dma source(%dma_start3A_225 : memref<128xi32, #tpu.memory_space<hbm>>) target(%dma_start3A_222 : memref<128xi32, #tpu.memory_space<vmem>>) target_semaphore(%arg13 : memref<!tpu.dma_semaphore, #tpu.memory_space<semaphore_mem>>)
      } else {
      }
      %dma_wait3A_150 = arith.constant 0 : i32
      %dma_wait3A_151 = arith.constant 0 : i32
      %dma_wait3A_152 = arith.constant 0 : i32
      %dma_wait3A_153 = tpu.memref_slice %arg8[%dma_wait3A_151, %dma_wait3A_152] : memref<2x128xi32, #tpu.memory_space<vmem>> -> memref<1x128xi32, #tpu.memory_space<vmem>>
      %dma_wait3A_154 = tpu.memref_squeeze %dma_wait3A_153 : memref<1x128xi32, #tpu.memory_space<vmem>> -> memref<128xi32, #tpu.memory_space<vmem>>
      %dma_wait3A_155 = arith.constant 0 : i32
      %dma_wait3A_156 = tpu.memref_slice %arg4[%add3A, %dma_wait3A_150, %dma_wait3A_155] : memref<32x120x128xi32, #tpu.memory_space<hbm>> -> memref<1x1x128xi32, #tpu.memory_space<hbm>>
      %dma_wait3A_157 = tpu.memref_squeeze %dma_wait3A_156 : memref<1x1x128xi32, #tpu.memory_space<hbm>> -> memref<128xi32, #tpu.memory_space<hbm>>
      %dma_wait3A_158 = arith.constant 0 : i32
      %dma_wait3A_159 = tpu.memref_slice %arg8[%dma_wait3A_151, %dma_wait3A_158] : memref<2x128xi32, #tpu.memory_space<vmem>> -> memref<1x128xi32, #tpu.memory_space<vmem>>
      %dma_wait3A_160 = tpu.memref_squeeze %dma_wait3A_159 : memref<1x128xi32, #tpu.memory_space<vmem>> -> memref<128xi32, #tpu.memory_space<vmem>>
      %dma_wait3A_161 = arith.constant 0 : i32
      %dma_wait3A_162 = tpu.memref_slice %arg4[%add3A, %dma_wait3A_150, %dma_wait3A_161] : memref<32x120x128xi32, #tpu.memory_space<hbm>> -> memref<1x1x128xi32, #tpu.memory_space<hbm>>
      %dma_wait3A_163 = tpu.memref_squeeze %dma_wait3A_162 : memref<1x1x128xi32, #tpu.memory_space<hbm>> -> memref<128xi32, #tpu.memory_space<hbm>>
      tpu.wait_dma2 semaphore(%arg15 : memref<!tpu.dma_semaphore, #tpu.memory_space<semaphore_mem>>) src(%dma_wait3A_163 : memref<128xi32, #tpu.memory_space<hbm>>) dst(%dma_wait3A_160 : memref<128xi32, #tpu.memory_space<vmem>>)
      %run_scoped3A = arith.constant 0 : i32
      %run_scoped3A_164 = arith.constant 0 : i32
      "tpu.region"() ({
        %run_scoped3A_211 = tpu.sem_alloc : memref<!tpu.dma_semaphore, #tpu.memory_space<semaphore_mem>>
        %dma_start3A_212 = arith.constant 0 : i32
        %dma_start3A_213 = arith.constant 0 : i32
        %dma_start3A_214 = tpu.memref_slice %arg9[%run_scoped3A, %dma_start3A_212, %dma_start3A_213] : memref<2x128x128xf32, #tpu.memory_space<vmem>> -> memref<1x128x128xf32, #tpu.memory_space<vmem>>
        %dma_start3A_215 = tpu.memref_squeeze %dma_start3A_214 : memref<1x128x128xf32, #tpu.memory_space<vmem>> -> memref<128x128xf32, #tpu.memory_space<vmem>>
        %dma_start3A_216 = arith.constant 0 : i32
        %dma_start3A_217 = tpu.memref_slice %arg8[%run_scoped3A_164, %dma_start3A_216] : memref<2x128xi32, #tpu.memory_space<vmem>> -> memref<1x128xi32, #tpu.memory_space<vmem>>
        %dma_start3A_218 = tpu.memref_squeeze %dma_start3A_217 : memref<1x128xi32, #tpu.memory_space<vmem>> -> memref<128xi32, #tpu.memory_space<vmem>>
        %dma_start3A_219 = arith.constant 0 : i32
        %dma_start3A_220 = arith.constant 0 : i32
        %dma_start3A_221 = tpu.memref_slice %arg10[%dma_start3A_219, %dma_start3A_220] : memref<10112x128xf32, #tpu.memory_space<vmem_shared>> -> memref<10112x128xf32, #tpu.memory_space<vmem_shared>>
        tpu.enqueue_indirect_dma source(%dma_start3A_215 : memref<128x128xf32, #tpu.memory_space<vmem>>) target(%dma_start3A_221 : memref<10112x128xf32, #tpu.memory_space<vmem_shared>>) offsets(%dma_start3A_218 : memref<128xi32, #tpu.memory_space<vmem>>) semaphore(%run_scoped3A_211 : memref<!tpu.dma_semaphore, #tpu.memory_space<semaphore_mem>>) {add = true}
        %dma_wait3A_222 = arith.constant 0 : i32
        %dma_wait3A_223 = arith.constant 0 : i32
        %dma_wait3A_224 = tpu.memref_slice %arg9[%run_scoped3A, %dma_wait3A_222, %dma_wait3A_223] : memref<2x128x128xf32, #tpu.memory_space<vmem>> -> memref<1x128x128xf32, #tpu.memory_space<vmem>>
        %dma_wait3A_225 = tpu.memref_squeeze %dma_wait3A_224 : memref<1x128x128xf32, #tpu.memory_space<vmem>> -> memref<128x128xf32, #tpu.memory_space<vmem>>
        %dma_wait3A_226 = arith.constant 0 : i32
        %dma_wait3A_227 = tpu.memref_slice %arg8[%run_scoped3A_164, %dma_wait3A_226] : memref<2x128xi32, #tpu.memory_space<vmem>> -> memref<1x128xi32, #tpu.memory_space<vmem>>
        %dma_wait3A_228 = tpu.memref_squeeze %dma_wait3A_227 : memref<1x128xi32, #tpu.memory_space<vmem>> -> memref<128xi32, #tpu.memory_space<vmem>>
        %dma_wait3A_229 = arith.constant 0 : i32
        %dma_wait3A_230 = arith.constant 0 : i32
        %dma_wait3A_231 = tpu.memref_slice %arg10[%dma_wait3A_229, %dma_wait3A_230] : memref<10112x128xf32, #tpu.memory_space<vmem_shared>> -> memref<10112x128xf32, #tpu.memory_space<vmem_shared>>
        tpu.wait_indirect_dma semaphore(%run_scoped3A_211 : memref<!tpu.dma_semaphore, #tpu.memory_space<semaphore_mem>>) src(%dma_wait3A_225 : memref<128x128xf32, #tpu.memory_space<vmem>>) dst(%dma_wait3A_231 : memref<10112x128xf32, #tpu.memory_space<vmem_shared>>)
        tpu.yield
      }) : () -> ()
      %add3A_165 = arith.constant 2 : i32
      %add3A_166 = arith.addi %add3A_134, %add3A_165 : i32
      %lt3A_167 = arith.cmpi slt, %add3A_166, %select_n3A : i32
      %convert_element_type3A_168 = arith.extui %lt3A_167 : i1 to i32
      %cond3A_169 = arith.constant 0 : i32
      %cond3A_170 = arith.cmpi ne, %convert_element_type3A_168, %cond3A_169 : i32
      scf.if %cond3A_170 {
        %add3A_211 = arith.constant 2 : i32
        %add3A_212 = arith.addi %add3A_134, %add3A_211 : i32
        %dma_start3A_213 = arith.constant 0 : i32
        %dma_start3A_214 = arith.constant 0 : i32
        %dma_start3A_215 = tpu.memref_slice %arg8[%dma_start3A_213, %dma_start3A_214] : memref<2x128xi32, #tpu.memory_space<vmem>> -> memref<1x128xi32, #tpu.memory_space<vmem>>
        %dma_start3A_216 = tpu.memref_squeeze %dma_start3A_215 : memref<1x128xi32, #tpu.memory_space<vmem>> -> memref<128xi32, #tpu.memory_space<vmem>>
        %dma_start3A_217 = arith.constant 0 : i32
        %dma_start3A_218 = tpu.memref_slice %arg4[%add3A, %add3A_212, %dma_start3A_217] : memref<32x120x128xi32, #tpu.memory_space<hbm>> -> memref<1x1x128xi32, #tpu.memory_space<hbm>>
        %dma_start3A_219 = tpu.memref_squeeze %dma_start3A_218 : memref<1x1x128xi32, #tpu.memory_space<hbm>> -> memref<128xi32, #tpu.memory_space<hbm>>
        %dma_start3A_220 = arith.constant 0 : i32
        %dma_start3A_221 = tpu.memref_slice %arg8[%dma_start3A_213, %dma_start3A_220] : memref<2x128xi32, #tpu.memory_space<vmem>> -> memref<1x128xi32, #tpu.memory_space<vmem>>
        %dma_start3A_222 = tpu.memref_squeeze %dma_start3A_221 : memref<1x128xi32, #tpu.memory_space<vmem>> -> memref<128xi32, #tpu.memory_space<vmem>>
        %dma_start3A_223 = arith.constant 0 : i32
        %dma_start3A_224 = tpu.memref_slice %arg4[%add3A, %add3A_212, %dma_start3A_223] : memref<32x120x128xi32, #tpu.memory_space<hbm>> -> memref<1x1x128xi32, #tpu.memory_space<hbm>>
        %dma_start3A_225 = tpu.memref_squeeze %dma_start3A_224 : memref<1x1x128xi32, #tpu.memory_space<hbm>> -> memref<128xi32, #tpu.memory_space<hbm>>
        tpu.enqueue_dma source(%dma_start3A_225 : memref<128xi32, #tpu.memory_space<hbm>>) target(%dma_start3A_222 : memref<128xi32, #tpu.memory_space<vmem>>) target_semaphore(%arg15 : memref<!tpu.dma_semaphore, #tpu.memory_space<semaphore_mem>>)
        %dma_wait3A_226 = arith.constant 0 : i32
        %dma_wait3A_227 = arith.constant 0 : i32
        %dma_wait3A_228 = arith.constant 0 : i32
        %dma_wait3A_229 = tpu.memref_slice %arg7[%dma_wait3A_227, %dma_wait3A_228] : memref<2x128xi32, #tpu.memory_space<vmem>> -> memref<1x128xi32, #tpu.memory_space<vmem>>
        %dma_wait3A_230 = tpu.memref_squeeze %dma_wait3A_229 : memref<1x128xi32, #tpu.memory_space<vmem>> -> memref<128xi32, #tpu.memory_space<vmem>>
        %dma_wait3A_231 = arith.constant 0 : i32
        %dma_wait3A_232 = tpu.memref_slice %arg3[%add3A, %dma_wait3A_226, %dma_wait3A_231] : memref<32x120x128xi32, #tpu.memory_space<hbm>> -> memref<1x1x128xi32, #tpu.memory_space<hbm>>
        %dma_wait3A_233 = tpu.memref_squeeze %dma_wait3A_232 : memref<1x1x128xi32, #tpu.memory_space<hbm>> -> memref<128xi32, #tpu.memory_space<hbm>>
        %dma_wait3A_234 = arith.constant 0 : i32
        %dma_wait3A_235 = tpu.memref_slice %arg7[%dma_wait3A_227, %dma_wait3A_234] : memref<2x128xi32, #tpu.memory_space<vmem>> -> memref<1x128xi32, #tpu.memory_space<vmem>>
        %dma_wait3A_236 = tpu.memref_squeeze %dma_wait3A_235 : memref<1x128xi32, #tpu.memory_space<vmem>> -> memref<128xi32, #tpu.memory_space<vmem>>
        %dma_wait3A_237 = arith.constant 0 : i32
        %dma_wait3A_238 = tpu.memref_slice %arg3[%add3A, %dma_wait3A_226, %dma_wait3A_237] : memref<32x120x128xi32, #tpu.memory_space<hbm>> -> memref<1x1x128xi32, #tpu.memory_space<hbm>>
        %dma_wait3A_239 = tpu.memref_squeeze %dma_wait3A_238 : memref<1x1x128xi32, #tpu.memory_space<hbm>> -> memref<128xi32, #tpu.memory_space<hbm>>
        tpu.wait_dma2 semaphore(%arg13 : memref<!tpu.dma_semaphore, #tpu.memory_space<semaphore_mem>>) src(%dma_wait3A_239 : memref<128xi32, #tpu.memory_space<hbm>>) dst(%dma_wait3A_236 : memref<128xi32, #tpu.memory_space<vmem>>)
        %dma_start3A_240 = arith.constant 0 : i32
        %dma_start3A_241 = arith.constant 0 : i32
        %dma_start3A_242 = arith.constant 0 : i32
        %dma_start3A_243 = arith.constant 0 : i32
        %dma_start3A_244 = tpu.memref_slice %arg9[%dma_start3A_241, %dma_start3A_242, %dma_start3A_243] : memref<2x128x128xf32, #tpu.memory_space<vmem>> -> memref<1x128x128xf32, #tpu.memory_space<vmem>>
        %dma_start3A_245 = tpu.memref_squeeze %dma_start3A_244 : memref<1x128x128xf32, #tpu.memory_space<vmem>> -> memref<128x128xf32, #tpu.memory_space<vmem>>
        %dma_start3A_246 = arith.constant 0 : i32
        %dma_start3A_247 = tpu.memref_slice %arg7[%dma_start3A_240, %dma_start3A_246] : memref<2x128xi32, #tpu.memory_space<vmem>> -> memref<1x128xi32, #tpu.memory_space<vmem>>
        %dma_start3A_248 = tpu.memref_squeeze %dma_start3A_247 : memref<1x128xi32, #tpu.memory_space<vmem>> -> memref<128xi32, #tpu.memory_space<vmem>>
        %dma_start3A_249 = arith.constant 0 : i32
        %dma_start3A_250 = arith.constant 0 : i32
        %dma_start3A_251 = tpu.memref_slice %arg2[%dma_start3A_249, %dma_start3A_250] : memref<10112x128xf32, #tpu.memory_space<hbm>> -> memref<10112x128xf32, #tpu.memory_space<hbm>>
        tpu.enqueue_indirect_dma source(%dma_start3A_251 : memref<10112x128xf32, #tpu.memory_space<hbm>>) target(%dma_start3A_245 : memref<128x128xf32, #tpu.memory_space<vmem>>) offsets(%dma_start3A_248 : memref<128xi32, #tpu.memory_space<vmem>>) semaphore(%arg11 : memref<!tpu.dma_semaphore, #tpu.memory_space<semaphore_mem>>)
      } else {
      }
      %dma_wait3A_171 = arith.constant 1 : i32
      %dma_wait3A_172 = arith.constant 1 : i32
      %dma_wait3A_173 = arith.constant 0 : i32
      %dma_wait3A_174 = arith.constant 0 : i32
      %dma_wait3A_175 = tpu.memref_slice %arg9[%dma_wait3A_172, %dma_wait3A_173, %dma_wait3A_174] : memref<2x128x128xf32, #tpu.memory_space<vmem>> -> memref<1x128x128xf32, #tpu.memory_space<vmem>>
      %dma_wait3A_176 = tpu.memref_squeeze %dma_wait3A_175 : memref<1x128x128xf32, #tpu.memory_space<vmem>> -> memref<128x128xf32, #tpu.memory_space<vmem>>
      %dma_wait3A_177 = arith.constant 0 : i32
      %dma_wait3A_178 = tpu.memref_slice %arg7[%dma_wait3A_171, %dma_wait3A_177] : memref<2x128xi32, #tpu.memory_space<vmem>> -> memref<1x128xi32, #tpu.memory_space<vmem>>
      %dma_wait3A_179 = tpu.memref_squeeze %dma_wait3A_178 : memref<1x128xi32, #tpu.memory_space<vmem>> -> memref<128xi32, #tpu.memory_space<vmem>>
      %dma_wait3A_180 = arith.constant 0 : i32
      %dma_wait3A_181 = arith.constant 0 : i32
      %dma_wait3A_182 = tpu.memref_slice %arg2[%dma_wait3A_180, %dma_wait3A_181] : memref<10112x128xf32, #tpu.memory_space<hbm>> -> memref<10112x128xf32, #tpu.memory_space<hbm>>
      tpu.wait_indirect_dma semaphore(%arg12 : memref<!tpu.dma_semaphore, #tpu.memory_space<semaphore_mem>>) src(%dma_wait3A_182 : memref<10112x128xf32, #tpu.memory_space<hbm>>) dst(%dma_wait3A_176 : memref<128x128xf32, #tpu.memory_space<vmem>>)
      %add3A_183 = arith.constant 3 : i32
      %add3A_184 = arith.addi %add3A_134, %add3A_183 : i32
      %lt3A_185 = arith.cmpi slt, %add3A_184, %select_n3A : i32
      %convert_element_type3A_186 = arith.extui %lt3A_185 : i1 to i32
      %cond3A_187 = arith.constant 0 : i32
      %cond3A_188 = arith.cmpi ne, %convert_element_type3A_186, %cond3A_187 : i32
      scf.if %cond3A_188 {
        %add3A_211 = arith.constant 3 : i32
        %add3A_212 = arith.addi %add3A_134, %add3A_211 : i32
        %dma_start3A_213 = arith.constant 1 : i32
        %dma_start3A_214 = arith.constant 0 : i32
        %dma_start3A_215 = tpu.memref_slice %arg7[%dma_start3A_213, %dma_start3A_214] : memref<2x128xi32, #tpu.memory_space<vmem>> -> memref<1x128xi32, #tpu.memory_space<vmem>>
        %dma_start3A_216 = tpu.memref_squeeze %dma_start3A_215 : memref<1x128xi32, #tpu.memory_space<vmem>> -> memref<128xi32, #tpu.memory_space<vmem>>
        %dma_start3A_217 = arith.constant 0 : i32
        %dma_start3A_218 = tpu.memref_slice %arg3[%add3A, %add3A_212, %dma_start3A_217] : memref<32x120x128xi32, #tpu.memory_space<hbm>> -> memref<1x1x128xi32, #tpu.memory_space<hbm>>
        %dma_start3A_219 = tpu.memref_squeeze %dma_start3A_218 : memref<1x1x128xi32, #tpu.memory_space<hbm>> -> memref<128xi32, #tpu.memory_space<hbm>>
        %dma_start3A_220 = arith.constant 0 : i32
        %dma_start3A_221 = tpu.memref_slice %arg7[%dma_start3A_213, %dma_start3A_220] : memref<2x128xi32, #tpu.memory_space<vmem>> -> memref<1x128xi32, #tpu.memory_space<vmem>>
        %dma_start3A_222 = tpu.memref_squeeze %dma_start3A_221 : memref<1x128xi32, #tpu.memory_space<vmem>> -> memref<128xi32, #tpu.memory_space<vmem>>
        %dma_start3A_223 = arith.constant 0 : i32
        %dma_start3A_224 = tpu.memref_slice %arg3[%add3A, %add3A_212, %dma_start3A_223] : memref<32x120x128xi32, #tpu.memory_space<hbm>> -> memref<1x1x128xi32, #tpu.memory_space<hbm>>
        %dma_start3A_225 = tpu.memref_squeeze %dma_start3A_224 : memref<1x1x128xi32, #tpu.memory_space<hbm>> -> memref<128xi32, #tpu.memory_space<hbm>>
        tpu.enqueue_dma source(%dma_start3A_225 : memref<128xi32, #tpu.memory_space<hbm>>) target(%dma_start3A_222 : memref<128xi32, #tpu.memory_space<vmem>>) target_semaphore(%arg14 : memref<!tpu.dma_semaphore, #tpu.memory_space<semaphore_mem>>)
      } else {
      }
      %dma_wait3A_189 = arith.constant 0 : i32
      %dma_wait3A_190 = arith.constant 1 : i32
      %dma_wait3A_191 = arith.constant 0 : i32
      %dma_wait3A_192 = tpu.memref_slice %arg8[%dma_wait3A_190, %dma_wait3A_191] : memref<2x128xi32, #tpu.memory_space<vmem>> -> memref<1x128xi32, #tpu.memory_space<vmem>>
      %dma_wait3A_193 = tpu.memref_squeeze %dma_wait3A_192 : memref<1x128xi32, #tpu.memory_space<vmem>> -> memref<128xi32, #tpu.memory_space<vmem>>
      %dma_wait3A_194 = arith.constant 0 : i32
      %dma_wait3A_195 = tpu.memref_slice %arg4[%add3A, %dma_wait3A_189, %dma_wait3A_194] : memref<32x120x128xi32, #tpu.memory_space<hbm>> -> memref<1x1x128xi32, #tpu.memory_space<hbm>>
      %dma_wait3A_196 = tpu.memref_squeeze %dma_wait3A_195 : memref<1x1x128xi32, #tpu.memory_space<hbm>> -> memref<128xi32, #tpu.memory_space<hbm>>
      %dma_wait3A_197 = arith.constant 0 : i32
      %dma_wait3A_198 = tpu.memref_slice %arg8[%dma_wait3A_190, %dma_wait3A_197] : memref<2x128xi32, #tpu.memory_space<vmem>> -> memref<1x128xi32, #tpu.memory_space<vmem>>
      %dma_wait3A_199 = tpu.memref_squeeze %dma_wait3A_198 : memref<1x128xi32, #tpu.memory_space<vmem>> -> memref<128xi32, #tpu.memory_space<vmem>>
      %dma_wait3A_200 = arith.constant 0 : i32
      %dma_wait3A_201 = tpu.memref_slice %arg4[%add3A, %dma_wait3A_189, %dma_wait3A_200] : memref<32x120x128xi32, #tpu.memory_space<hbm>> -> memref<1x1x128xi32, #tpu.memory_space<hbm>>
      %dma_wait3A_202 = tpu.memref_squeeze %dma_wait3A_201 : memref<1x1x128xi32, #tpu.memory_space<hbm>> -> memref<128xi32, #tpu.memory_space<hbm>>
      tpu.wait_dma2 semaphore(%arg16 : memref<!tpu.dma_semaphore, #tpu.memory_space<semaphore_mem>>) src(%dma_wait3A_202 : memref<128xi32, #tpu.memory_space<hbm>>) dst(%dma_wait3A_199 : memref<128xi32, #tpu.memory_space<vmem>>)
      %run_scoped3A_203 = arith.constant 1 : i32
      %run_scoped3A_204 = arith.constant 1 : i32
      "tpu.region"() ({
        %run_scoped3A_211 = tpu.sem_alloc : memref<!tpu.dma_semaphore, #tpu.memory_space<semaphore_mem>>
        %dma_start3A_212 = arith.constant 0 : i32
        %dma_start3A_213 = arith.constant 0 : i32
        %dma_start3A_214 = tpu.memref_slice %arg9[%run_scoped3A_203, %dma_start3A_212, %dma_start3A_213] : memref<2x128x128xf32, #tpu.memory_space<vmem>> -> memref<1x128x128xf32, #tpu.memory_space<vmem>>
        %dma_start3A_215 = tpu.memref_squeeze %dma_start3A_214 : memref<1x128x128xf32, #tpu.memory_space<vmem>> -> memref<128x128xf32, #tpu.memory_space<vmem>>
        %dma_start3A_216 = arith.constant 0 : i32
        %dma_start3A_217 = tpu.memref_slice %arg8[%run_scoped3A_204, %dma_start3A_216] : memref<2x128xi32, #tpu.memory_space<vmem>> -> memref<1x128xi32, #tpu.memory_space<vmem>>
        %dma_start3A_218 = tpu.memref_squeeze %dma_start3A_217 : memref<1x128xi32, #tpu.memory_space<vmem>> -> memref<128xi32, #tpu.memory_space<vmem>>
        %dma_start3A_219 = arith.constant 0 : i32
        %dma_start3A_220 = arith.constant 0 : i32
        %dma_start3A_221 = tpu.memref_slice %arg10[%dma_start3A_219, %dma_start3A_220] : memref<10112x128xf32, #tpu.memory_space<vmem_shared>> -> memref<10112x128xf32, #tpu.memory_space<vmem_shared>>
        tpu.enqueue_indirect_dma source(%dma_start3A_215 : memref<128x128xf32, #tpu.memory_space<vmem>>) target(%dma_start3A_221 : memref<10112x128xf32, #tpu.memory_space<vmem_shared>>) offsets(%dma_start3A_218 : memref<128xi32, #tpu.memory_space<vmem>>) semaphore(%run_scoped3A_211 : memref<!tpu.dma_semaphore, #tpu.memory_space<semaphore_mem>>) {add = true}
        %dma_wait3A_222 = arith.constant 0 : i32
        %dma_wait3A_223 = arith.constant 0 : i32
        %dma_wait3A_224 = tpu.memref_slice %arg9[%run_scoped3A_203, %dma_wait3A_222, %dma_wait3A_223] : memref<2x128x128xf32, #tpu.memory_space<vmem>> -> memref<1x128x128xf32, #tpu.memory_space<vmem>>
        %dma_wait3A_225 = tpu.memref_squeeze %dma_wait3A_224 : memref<1x128x128xf32, #tpu.memory_space<vmem>> -> memref<128x128xf32, #tpu.memory_space<vmem>>
        %dma_wait3A_226 = arith.constant 0 : i32
        %dma_wait3A_227 = tpu.memref_slice %arg8[%run_scoped3A_204, %dma_wait3A_226] : memref<2x128xi32, #tpu.memory_space<vmem>> -> memref<1x128xi32, #tpu.memory_space<vmem>>
        %dma_wait3A_228 = tpu.memref_squeeze %dma_wait3A_227 : memref<1x128xi32, #tpu.memory_space<vmem>> -> memref<128xi32, #tpu.memory_space<vmem>>
        %dma_wait3A_229 = arith.constant 0 : i32
        %dma_wait3A_230 = arith.constant 0 : i32
        %dma_wait3A_231 = tpu.memref_slice %arg10[%dma_wait3A_229, %dma_wait3A_230] : memref<10112x128xf32, #tpu.memory_space<vmem_shared>> -> memref<10112x128xf32, #tpu.memory_space<vmem_shared>>
        tpu.wait_indirect_dma semaphore(%run_scoped3A_211 : memref<!tpu.dma_semaphore, #tpu.memory_space<semaphore_mem>>) src(%dma_wait3A_225 : memref<128x128xf32, #tpu.memory_space<vmem>>) dst(%dma_wait3A_231 : memref<10112x128xf32, #tpu.memory_space<vmem_shared>>)
        tpu.yield
      }) : () -> ()
      %add3A_205 = arith.constant 3 : i32
      %add3A_206 = arith.addi %add3A_134, %add3A_205 : i32
      %lt3A_207 = arith.cmpi slt, %add3A_206, %select_n3A : i32
      %convert_element_type3A_208 = arith.extui %lt3A_207 : i1 to i32
      %cond3A_209 = arith.constant 0 : i32
      %cond3A_210 = arith.cmpi ne, %convert_element_type3A_208, %cond3A_209 : i32
      scf.if %cond3A_210 {
        %add3A_211 = arith.constant 3 : i32
        %add3A_212 = arith.addi %add3A_134, %add3A_211 : i32
        %dma_start3A_213 = arith.constant 1 : i32
        %dma_start3A_214 = arith.constant 0 : i32
        %dma_start3A_215 = tpu.memref_slice %arg8[%dma_start3A_213, %dma_start3A_214] : memref<2x128xi32, #tpu.memory_space<vmem>> -> memref<1x128xi32, #tpu.memory_space<vmem>>
        %dma_start3A_216 = tpu.memref_squeeze %dma_start3A_215 : memref<1x128xi32, #tpu.memory_space<vmem>> -> memref<128xi32, #tpu.memory_space<vmem>>
        %dma_start3A_217 = arith.constant 0 : i32
        %dma_start3A_218 = tpu.memref_slice %arg4[%add3A, %add3A_212, %dma_start3A_217] : memref<32x120x128xi32, #tpu.memory_space<hbm>> -> memref<1x1x128xi32, #tpu.memory_space<hbm>>
        %dma_start3A_219 = tpu.memref_squeeze %dma_start3A_218 : memref<1x1x128xi32, #tpu.memory_space<hbm>> -> memref<128xi32, #tpu.memory_space<hbm>>
        %dma_start3A_220 = arith.constant 0 : i32
        %dma_start3A_221 = tpu.memref_slice %arg8[%dma_start3A_213, %dma_start3A_220] : memref<2x128xi32, #tpu.memory_space<vmem>> -> memref<1x128xi32, #tpu.memory_space<vmem>>
        %dma_start3A_222 = tpu.memref_squeeze %dma_start3A_221 : memref<1x128xi32, #tpu.memory_space<vmem>> -> memref<128xi32, #tpu.memory_space<vmem>>
        %dma_start3A_223 = arith.constant 0 : i32
        %dma_start3A_224 = tpu.memref_slice %arg4[%add3A, %add3A_212, %dma_start3A_223] : memref<32x120x128xi32, #tpu.memory_space<hbm>> -> memref<1x1x128xi32, #tpu.memory_space<hbm>>
        %dma_start3A_225 = tpu.memref_squeeze %dma_start3A_224 : memref<1x1x128xi32, #tpu.memory_space<hbm>> -> memref<128xi32, #tpu.memory_space<hbm>>
        tpu.enqueue_dma source(%dma_start3A_225 : memref<128xi32, #tpu.memory_space<hbm>>) target(%dma_start3A_222 : memref<128xi32, #tpu.memory_space<vmem>>) target_semaphore(%arg16 : memref<!tpu.dma_semaphore, #tpu.memory_space<semaphore_mem>>)
        %dma_wait3A_226 = arith.constant 0 : i32
        %dma_wait3A_227 = arith.constant 1 : i32
        %dma_wait3A_228 = arith.constant 0 : i32
        %dma_wait3A_229 = tpu.memref_slice %arg7[%dma_wait3A_227, %dma_wait3A_228] : memref<2x128xi32, #tpu.memory_space<vmem>> -> memref<1x128xi32, #tpu.memory_space<vmem>>
        %dma_wait3A_230 = tpu.memref_squeeze %dma_wait3A_229 : memref<1x128xi32, #tpu.memory_space<vmem>> -> memref<128xi32, #tpu.memory_space<vmem>>
        %dma_wait3A_231 = arith.constant 0 : i32
        %dma_wait3A_232 = tpu.memref_slice %arg3[%add3A, %dma_wait3A_226, %dma_wait3A_231] : memref<32x120x128xi32, #tpu.memory_space<hbm>> -> memref<1x1x128xi32, #tpu.memory_space<hbm>>
        %dma_wait3A_233 = tpu.memref_squeeze %dma_wait3A_232 : memref<1x1x128xi32, #tpu.memory_space<hbm>> -> memref<128xi32, #tpu.memory_space<hbm>>
        %dma_wait3A_234 = arith.constant 0 : i32
        %dma_wait3A_235 = tpu.memref_slice %arg7[%dma_wait3A_227, %dma_wait3A_234] : memref<2x128xi32, #tpu.memory_space<vmem>> -> memref<1x128xi32, #tpu.memory_space<vmem>>
        %dma_wait3A_236 = tpu.memref_squeeze %dma_wait3A_235 : memref<1x128xi32, #tpu.memory_space<vmem>> -> memref<128xi32, #tpu.memory_space<vmem>>
        %dma_wait3A_237 = arith.constant 0 : i32
        %dma_wait3A_238 = tpu.memref_slice %arg3[%add3A, %dma_wait3A_226, %dma_wait3A_237] : memref<32x120x128xi32, #tpu.memory_space<hbm>> -> memref<1x1x128xi32, #tpu.memory_space<hbm>>
        %dma_wait3A_239 = tpu.memref_squeeze %dma_wait3A_238 : memref<1x1x128xi32, #tpu.memory_space<hbm>> -> memref<128xi32, #tpu.memory_space<hbm>>
        tpu.wait_dma2 semaphore(%arg14 : memref<!tpu.dma_semaphore, #tpu.memory_space<semaphore_mem>>) src(%dma_wait3A_239 : memref<128xi32, #tpu.memory_space<hbm>>) dst(%dma_wait3A_236 : memref<128xi32, #tpu.memory_space<vmem>>)
        %dma_start3A_240 = arith.constant 1 : i32
        %dma_start3A_241 = arith.constant 1 : i32
        %dma_start3A_242 = arith.constant 0 : i32
        %dma_start3A_243 = arith.constant 0 : i32
        %dma_start3A_244 = tpu.memref_slice %arg9[%dma_start3A_241, %dma_start3A_242, %dma_start3A_243] : memref<2x128x128xf32, #tpu.memory_space<vmem>> -> memref<1x128x128xf32, #tpu.memory_space<vmem>>
        %dma_start3A_245 = tpu.memref_squeeze %dma_start3A_244 : memref<1x128x128xf32, #tpu.memory_space<vmem>> -> memref<128x128xf32, #tpu.memory_space<vmem>>
        %dma_start3A_246 = arith.constant 0 : i32
        %dma_start3A_247 = tpu.memref_slice %arg7[%dma_start3A_240, %dma_start3A_246] : memref<2x128xi32, #tpu.memory_space<vmem>> -> memref<1x128xi32, #tpu.memory_space<vmem>>
        %dma_start3A_248 = tpu.memref_squeeze %dma_start3A_247 : memref<1x128xi32, #tpu.memory_space<vmem>> -> memref<128xi32, #tpu.memory_space<vmem>>
        %dma_start3A_249 = arith.constant 0 : i32
        %dma_start3A_250 = arith.constant 0 : i32
        %dma_start3A_251 = tpu.memref_slice %arg2[%dma_start3A_249, %dma_start3A_250] : memref<10112x128xf32, #tpu.memory_space<hbm>> -> memref<10112x128xf32, #tpu.memory_space<hbm>>
        tpu.enqueue_indirect_dma source(%dma_start3A_251 : memref<10112x128xf32, #tpu.memory_space<hbm>>) target(%dma_start3A_245 : memref<128x128xf32, #tpu.memory_space<vmem>>) offsets(%dma_start3A_248 : memref<128xi32, #tpu.memory_space<vmem>>) semaphore(%arg12 : memref<!tpu.dma_semaphore, #tpu.memory_space<semaphore_mem>>)
      } else {
      }
    }
    %barrier3A_127 = arith.constant 0 : index
    tpu.barrier barrier_id(%barrier3A_127)
    %mul3A_128 = arith.constant 632 : i32
    %mul3A_129 = arith.muli %arg1, %mul3A_128 : i32
    %mul3A_130 = arith.constant 632 : i32
    %mul3A_131 = arith.muli %arg1, %mul3A_130 : i32
    "tpu.region"() ({
      %run_scoped3A = tpu.sem_alloc : memref<!tpu.dma_semaphore, #tpu.memory_space<semaphore_mem>>
      %dma_start3A_132 = arith.constant 0 : i32
      %dma_start3A_133 = tpu.memref_slice %arg6[%arg0, %mul3A_131, %dma_start3A_132] : memref<2x10112x128xf32, #tpu.memory_space<hbm>> -> memref<1x632x128xf32, #tpu.memory_space<hbm>>
      %dma_start3A_134 = tpu.memref_squeeze %dma_start3A_133 : memref<1x632x128xf32, #tpu.memory_space<hbm>> -> memref<632x128xf32, #tpu.memory_space<hbm>>
      %dma_start3A_135 = arith.constant 0 : i32
      %dma_start3A_136 = tpu.memref_slice %arg10[%mul3A_129, %dma_start3A_135] : memref<10112x128xf32, #tpu.memory_space<vmem_shared>> -> memref<632x128xf32, #tpu.memory_space<vmem_shared>>
      tpu.enqueue_dma source(%dma_start3A_136 : memref<632x128xf32, #tpu.memory_space<vmem_shared>>) target(%dma_start3A_134 : memref<632x128xf32, #tpu.memory_space<hbm>>) target_semaphore(%run_scoped3A : memref<!tpu.dma_semaphore, #tpu.memory_space<semaphore_mem>>)
      %dma_wait3A_137 = arith.constant 0 : i32
      %dma_wait3A_138 = tpu.memref_slice %arg6[%arg0, %mul3A_131, %dma_wait3A_137] : memref<2x10112x128xf32, #tpu.memory_space<hbm>> -> memref<1x632x128xf32, #tpu.memory_space<hbm>>
      %dma_wait3A_139 = tpu.memref_squeeze %dma_wait3A_138 : memref<1x632x128xf32, #tpu.memory_space<hbm>> -> memref<632x128xf32, #tpu.memory_space<hbm>>
      %dma_wait3A_140 = arith.constant 0 : i32
      %dma_wait3A_141 = tpu.memref_slice %arg10[%mul3A_129, %dma_wait3A_140] : memref<10112x128xf32, #tpu.memory_space<vmem_shared>> -> memref<632x128xf32, #tpu.memory_space<vmem_shared>>
      tpu.wait_dma2 semaphore(%run_scoped3A : memref<!tpu.dma_semaphore, #tpu.memory_space<semaphore_mem>>) src(%dma_wait3A_141 : memref<632x128xf32, #tpu.memory_space<vmem_shared>>) dst(%dma_wait3A_139 : memref<632x128xf32, #tpu.memory_space<hbm>>)
      tpu.yield
    }) : () -> ()
    return
  }
}

#map = affine_map<(d0, d1) -> (0, 0)>
#map1 = affine_map<(d0, d1) -> (0, 0, 0)>
module attributes {stable_mosaic.version = 14 : i64} {
  func.func @_agg_body(%arg0: i32, %arg1: i32, %arg2: memref<10112x128xf32, #tpu.memory_space<hbm>>, %arg3: memref<32x120x128xi32, #tpu.memory_space<hbm>>, %arg4: memref<32x120x128xi32, #tpu.memory_space<hbm>>, %arg5: memref<632x128xf32, #tpu.memory_space<hbm>>, %arg6: memref<2x10112x128xf32, #tpu.memory_space<hbm>>, %arg7: memref<2x128xi32, #tpu.memory_space<vmem>>, %arg8: memref<2x128xi32, #tpu.memory_space<vmem>>, %arg9: memref<2x128x128xf32, #tpu.memory_space<vmem>>, %arg10: memref<10112x128xf32, #tpu.memory_space<vmem_shared>>, %arg11: memref<!tpu.dma_semaphore, #tpu.memory_space<semaphore_mem>>, %arg12: memref<!tpu.dma_semaphore, #tpu.memory_space<semaphore_mem>>, %arg13: memref<!tpu.dma_semaphore, #tpu.memory_space<semaphore_mem>>, %arg14: memref<!tpu.dma_semaphore, #tpu.memory_space<semaphore_mem>>, %arg15: memref<!tpu.dma_semaphore, #tpu.memory_space<semaphore_mem>>, %arg16: memref<!tpu.dma_semaphore, #tpu.memory_space<semaphore_mem>>) attributes {dimension_semantics = [#tpu.dimension_semantics<core_parallel>, #tpu.dimension_semantics<subcore_parallel>], iteration_bounds = array<i64: 2, 16>, scalar_prefetch = 0 : i64, scratch_operands = 10 : i64, tpu.core_type = #tpu.core_type<sc_vector_subcore>, window_params = [{transform_indices = #map}, {transform_indices = #map1}, {transform_indices = #map1}, {transform_indices = #map}, {transform_indices = #map1}]} {
    %mul3A = arith.constant 16 : i32
    %mul3A_0 = arith.muli %arg0, %mul3A : i32
    %add3A = arith.addi %mul3A_0, %arg1 : i32
    %eq3A = arith.constant 0 : i32
    %eq3A_1 = arith.cmpi eq, %arg0, %eq3A : i32
    %jit3A = arith.constant 120 : i32
    %jit3A_2 = arith.constant 38 : i32
    %select_n3A = arith.select %eq3A_1, %jit3A, %jit3A_2 : i32
    %mul3A_3 = arith.constant 632 : i32
    %mul3A_4 = arith.muli %arg1, %mul3A_3 : i32
    "tpu.region"() ({
      %run_scoped3A = tpu.sem_alloc : memref<!tpu.dma_semaphore, #tpu.memory_space<semaphore_mem>>
      %dma_start3A_132 = arith.constant 0 : i32
      %dma_start3A_133 = tpu.memref_slice %arg10[%mul3A_4, %dma_start3A_132] : memref<10112x128xf32, #tpu.memory_space<vmem_shared>> -> memref<632x128xf32, #tpu.memory_space<vmem_shared>>
      tpu.enqueue_dma source(%arg5 : memref<632x128xf32, #tpu.memory_space<hbm>>) target(%dma_start3A_133 : memref<632x128xf32, #tpu.memory_space<vmem_shared>>) target_semaphore(%run_scoped3A : memref<!tpu.dma_semaphore, #tpu.memory_space<semaphore_mem>>)
      %dma_wait3A_134 = arith.constant 0 : i32
      %dma_wait3A_135 = tpu.memref_slice %arg10[%mul3A_4, %dma_wait3A_134] : memref<10112x128xf32, #tpu.memory_space<vmem_shared>> -> memref<632x128xf32, #tpu.memory_space<vmem_shared>>
      tpu.wait_dma2 semaphore(%run_scoped3A : memref<!tpu.dma_semaphore, #tpu.memory_space<semaphore_mem>>) src(%arg5 : memref<632x128xf32, #tpu.memory_space<hbm>>) dst(%dma_wait3A_135 : memref<632x128xf32, #tpu.memory_space<vmem_shared>>)
      tpu.yield
    }) : () -> ()
    %dma_start3A = arith.constant 0 : i32
    %dma_start3A_5 = arith.constant 0 : i32
    %dma_start3A_6 = arith.constant 0 : i32
    %dma_start3A_7 = tpu.memref_slice %arg7[%dma_start3A_5, %dma_start3A_6] : memref<2x128xi32, #tpu.memory_space<vmem>> -> memref<1x128xi32, #tpu.memory_space<vmem>>
    %dma_start3A_8 = tpu.memref_squeeze %dma_start3A_7 : memref<1x128xi32, #tpu.memory_space<vmem>> -> memref<128xi32, #tpu.memory_space<vmem>>
    %dma_start3A_9 = arith.constant 0 : i32
    %dma_start3A_10 = tpu.memref_slice %arg3[%add3A, %dma_start3A, %dma_start3A_9] : memref<32x120x128xi32, #tpu.memory_space<hbm>> -> memref<1x1x128xi32, #tpu.memory_space<hbm>>
    %dma_start3A_11 = tpu.memref_squeeze %dma_start3A_10 : memref<1x1x128xi32, #tpu.memory_space<hbm>> -> memref<128xi32, #tpu.memory_space<hbm>>
    %dma_start3A_12 = arith.constant 0 : i32
    %dma_start3A_13 = tpu.memref_slice %arg7[%dma_start3A_5, %dma_start3A_12] : memref<2x128xi32, #tpu.memory_space<vmem>> -> memref<1x128xi32, #tpu.memory_space<vmem>>
    %dma_start3A_14 = tpu.memref_squeeze %dma_start3A_13 : memref<1x128xi32, #tpu.memory_space<vmem>> -> memref<128xi32, #tpu.memory_space<vmem>>
    %dma_start3A_15 = arith.constant 0 : i32
    %dma_start3A_16 = tpu.memref_slice %arg3[%add3A, %dma_start3A, %dma_start3A_15] : memref<32x120x128xi32, #tpu.memory_space<hbm>> -> memref<1x1x128xi32, #tpu.memory_space<hbm>>
    %dma_start3A_17 = tpu.memref_squeeze %dma_start3A_16 : memref<1x1x128xi32, #tpu.memory_space<hbm>> -> memref<128xi32, #tpu.memory_space<hbm>>
    tpu.enqueue_dma source(%dma_start3A_17 : memref<128xi32, #tpu.memory_space<hbm>>) target(%dma_start3A_14 : memref<128xi32, #tpu.memory_space<vmem>>) target_semaphore(%arg13 : memref<!tpu.dma_semaphore, #tpu.memory_space<semaphore_mem>>)
    %dma_start3A_18 = arith.constant 1 : i32
    %dma_start3A_19 = arith.constant 1 : i32
    %dma_start3A_20 = arith.constant 0 : i32
    %dma_start3A_21 = tpu.memref_slice %arg7[%dma_start3A_19, %dma_start3A_20] : memref<2x128xi32, #tpu.memory_space<vmem>> -> memref<1x128xi32, #tpu.memory_space<vmem>>
    %dma_start3A_22 = tpu.memref_squeeze %dma_start3A_21 : memref<1x128xi32, #tpu.memory_space<vmem>> -> memref<128xi32, #tpu.memory_space<vmem>>
    %dma_start3A_23 = arith.constant 0 : i32
    %dma_start3A_24 = tpu.memref_slice %arg3[%add3A, %dma_start3A_18, %dma_start3A_23] : memref<32x120x128xi32, #tpu.memory_space<hbm>> -> memref<1x1x128xi32, #tpu.memory_space<hbm>>
    %dma_start3A_25 = tpu.memref_squeeze %dma_start3A_24 : memref<1x1x128xi32, #tpu.memory_space<hbm>> -> memref<128xi32, #tpu.memory_space<hbm>>
    %dma_start3A_26 = arith.constant 0 : i32
    %dma_start3A_27 = tpu.memref_slice %arg7[%dma_start3A_19, %dma_start3A_26] : memref<2x128xi32, #tpu.memory_space<vmem>> -> memref<1x128xi32, #tpu.memory_space<vmem>>
    %dma_start3A_28 = tpu.memref_squeeze %dma_start3A_27 : memref<1x128xi32, #tpu.memory_space<vmem>> -> memref<128xi32, #tpu.memory_space<vmem>>
    %dma_start3A_29 = arith.constant 0 : i32
    %dma_start3A_30 = tpu.memref_slice %arg3[%add3A, %dma_start3A_18, %dma_start3A_29] : memref<32x120x128xi32, #tpu.memory_space<hbm>> -> memref<1x1x128xi32, #tpu.memory_space<hbm>>
    %dma_start3A_31 = tpu.memref_squeeze %dma_start3A_30 : memref<1x1x128xi32, #tpu.memory_space<hbm>> -> memref<128xi32, #tpu.memory_space<hbm>>
    tpu.enqueue_dma source(%dma_start3A_31 : memref<128xi32, #tpu.memory_space<hbm>>) target(%dma_start3A_28 : memref<128xi32, #tpu.memory_space<vmem>>) target_semaphore(%arg14 : memref<!tpu.dma_semaphore, #tpu.memory_space<semaphore_mem>>)
    %dma_start3A_32 = arith.constant 0 : i32
    %dma_start3A_33 = arith.constant 0 : i32
    %dma_start3A_34 = arith.constant 0 : i32
    %dma_start3A_35 = tpu.memref_slice %arg8[%dma_start3A_33, %dma_start3A_34] : memref<2x128xi32, #tpu.memory_space<vmem>> -> memref<1x128xi32, #tpu.memory_space<vmem>>
    %dma_start3A_36 = tpu.memref_squeeze %dma_start3A_35 : memref<1x128xi32, #tpu.memory_space<vmem>> -> memref<128xi32, #tpu.memory_space<vmem>>
    %dma_start3A_37 = arith.constant 0 : i32
    %dma_start3A_38 = tpu.memref_slice %arg4[%add3A, %dma_start3A_32, %dma_start3A_37] : memref<32x120x128xi32, #tpu.memory_space<hbm>> -> memref<1x1x128xi32, #tpu.memory_space<hbm>>
    %dma_start3A_39 = tpu.memref_squeeze %dma_start3A_38 : memref<1x1x128xi32, #tpu.memory_space<hbm>> -> memref<128xi32, #tpu.memory_space<hbm>>
    %dma_start3A_40 = arith.constant 0 : i32
    %dma_start3A_41 = tpu.memref_slice %arg8[%dma_start3A_33, %dma_start3A_40] : memref<2x128xi32, #tpu.memory_space<vmem>> -> memref<1x128xi32, #tpu.memory_space<vmem>>
    %dma_start3A_42 = tpu.memref_squeeze %dma_start3A_41 : memref<1x128xi32, #tpu.memory_space<vmem>> -> memref<128xi32, #tpu.memory_space<vmem>>
    %dma_start3A_43 = arith.constant 0 : i32
    %dma_start3A_44 = tpu.memref_slice %arg4[%add3A, %dma_start3A_32, %dma_start3A_43] : memref<32x120x128xi32, #tpu.memory_space<hbm>> -> memref<1x1x128xi32, #tpu.memory_space<hbm>>
    %dma_start3A_45 = tpu.memref_squeeze %dma_start3A_44 : memref<1x1x128xi32, #tpu.memory_space<hbm>> -> memref<128xi32, #tpu.memory_space<hbm>>
    tpu.enqueue_dma source(%dma_start3A_45 : memref<128xi32, #tpu.memory_space<hbm>>) target(%dma_start3A_42 : memref<128xi32, #tpu.memory_space<vmem>>) target_semaphore(%arg15 : memref<!tpu.dma_semaphore, #tpu.memory_space<semaphore_mem>>)
    %dma_start3A_46 = arith.constant 1 : i32
    %dma_start3A_47 = arith.constant 1 : i32
    %dma_start3A_48 = arith.constant 0 : i32
    %dma_start3A_49 = tpu.memref_slice %arg8[%dma_start3A_47, %dma_start3A_48] : memref<2x128xi32, #tpu.memory_space<vmem>> -> memref<1x128xi32, #tpu.memory_space<vmem>>
    %dma_start3A_50 = tpu.memref_squeeze %dma_start3A_49 : memref<1x128xi32, #tpu.memory_space<vmem>> -> memref<128xi32, #tpu.memory_space<vmem>>
    %dma_start3A_51 = arith.constant 0 : i32
    %dma_start3A_52 = tpu.memref_slice %arg4[%add3A, %dma_start3A_46, %dma_start3A_51] : memref<32x120x128xi32, #tpu.memory_space<hbm>> -> memref<1x1x128xi32, #tpu.memory_space<hbm>>
    %dma_start3A_53 = tpu.memref_squeeze %dma_start3A_52 : memref<1x1x128xi32, #tpu.memory_space<hbm>> -> memref<128xi32, #tpu.memory_space<hbm>>
    %dma_start3A_54 = arith.constant 0 : i32
    %dma_start3A_55 = tpu.memref_slice %arg8[%dma_start3A_47, %dma_start3A_54] : memref<2x128xi32, #tpu.memory_space<vmem>> -> memref<1x128xi32, #tpu.memory_space<vmem>>
    %dma_start3A_56 = tpu.memref_squeeze %dma_start3A_55 : memref<1x128xi32, #tpu.memory_space<vmem>> -> memref<128xi32, #tpu.memory_space<vmem>>
    %dma_start3A_57 = arith.constant 0 : i32
    %dma_start3A_58 = tpu.memref_slice %arg4[%add3A, %dma_start3A_46, %dma_start3A_57] : memref<32x120x128xi32, #tpu.memory_space<hbm>> -> memref<1x1x128xi32, #tpu.memory_space<hbm>>
    %dma_start3A_59 = tpu.memref_squeeze %dma_start3A_58 : memref<1x1x128xi32, #tpu.memory_space<hbm>> -> memref<128xi32, #tpu.memory_space<hbm>>
    tpu.enqueue_dma source(%dma_start3A_59 : memref<128xi32, #tpu.memory_space<hbm>>) target(%dma_start3A_56 : memref<128xi32, #tpu.memory_space<vmem>>) target_semaphore(%arg16 : memref<!tpu.dma_semaphore, #tpu.memory_space<semaphore_mem>>)
    %barrier3A = arith.constant 0 : index
    tpu.barrier barrier_id(%barrier3A)
    %dma_wait3A = arith.constant 0 : i32
    %dma_wait3A_60 = arith.constant 0 : i32
    %dma_wait3A_61 = arith.constant 0 : i32
    %dma_wait3A_62 = tpu.memref_slice %arg7[%dma_wait3A_60, %dma_wait3A_61] : memref<2x128xi32, #tpu.memory_space<vmem>> -> memref<1x128xi32, #tpu.memory_space<vmem>>
    %dma_wait3A_63 = tpu.memref_squeeze %dma_wait3A_62 : memref<1x128xi32, #tpu.memory_space<vmem>> -> memref<128xi32, #tpu.memory_space<vmem>>
    %dma_wait3A_64 = arith.constant 0 : i32
    %dma_wait3A_65 = tpu.memref_slice %arg3[%add3A, %dma_wait3A, %dma_wait3A_64] : memref<32x120x128xi32, #tpu.memory_space<hbm>> -> memref<1x1x128xi32, #tpu.memory_space<hbm>>
    %dma_wait3A_66 = tpu.memref_squeeze %dma_wait3A_65 : memref<1x1x128xi32, #tpu.memory_space<hbm>> -> memref<128xi32, #tpu.memory_space<hbm>>
    %dma_wait3A_67 = arith.constant 0 : i32
    %dma_wait3A_68 = tpu.memref_slice %arg7[%dma_wait3A_60, %dma_wait3A_67] : memref<2x128xi32, #tpu.memory_space<vmem>> -> memref<1x128xi32, #tpu.memory_space<vmem>>
    %dma_wait3A_69 = tpu.memref_squeeze %dma_wait3A_68 : memref<1x128xi32, #tpu.memory_space<vmem>> -> memref<128xi32, #tpu.memory_space<vmem>>
    %dma_wait3A_70 = arith.constant 0 : i32
    %dma_wait3A_71 = tpu.memref_slice %arg3[%add3A, %dma_wait3A, %dma_wait3A_70] : memref<32x120x128xi32, #tpu.memory_space<hbm>> -> memref<1x1x128xi32, #tpu.memory_space<hbm>>
    %dma_wait3A_72 = tpu.memref_squeeze %dma_wait3A_71 : memref<1x1x128xi32, #tpu.memory_space<hbm>> -> memref<128xi32, #tpu.memory_space<hbm>>
    tpu.wait_dma2 semaphore(%arg13 : memref<!tpu.dma_semaphore, #tpu.memory_space<semaphore_mem>>) src(%dma_wait3A_72 : memref<128xi32, #tpu.memory_space<hbm>>) dst(%dma_wait3A_69 : memref<128xi32, #tpu.memory_space<vmem>>)
    %dma_start3A_73 = arith.constant 0 : i32
    %dma_start3A_74 = arith.constant 0 : i32
    %dma_start3A_75 = arith.constant 0 : i32
    %dma_start3A_76 = arith.constant 0 : i32
    %dma_start3A_77 = tpu.memref_slice %arg9[%dma_start3A_74, %dma_start3A_75, %dma_start3A_76] : memref<2x128x128xf32, #tpu.memory_space<vmem>> -> memref<1x128x128xf32, #tpu.memory_space<vmem>>
    %dma_start3A_78 = tpu.memref_squeeze %dma_start3A_77 : memref<1x128x128xf32, #tpu.memory_space<vmem>> -> memref<128x128xf32, #tpu.memory_space<vmem>>
    %dma_start3A_79 = arith.constant 0 : i32
    %dma_start3A_80 = tpu.memref_slice %arg7[%dma_start3A_73, %dma_start3A_79] : memref<2x128xi32, #tpu.memory_space<vmem>> -> memref<1x128xi32, #tpu.memory_space<vmem>>
    %dma_start3A_81 = tpu.memref_squeeze %dma_start3A_80 : memref<1x128xi32, #tpu.memory_space<vmem>> -> memref<128xi32, #tpu.memory_space<vmem>>
    %dma_start3A_82 = arith.constant 0 : i32
    %dma_start3A_83 = arith.constant 0 : i32
    %dma_start3A_84 = tpu.memref_slice %arg2[%dma_start3A_82, %dma_start3A_83] : memref<10112x128xf32, #tpu.memory_space<hbm>> -> memref<10112x128xf32, #tpu.memory_space<hbm>>
    tpu.enqueue_indirect_dma source(%dma_start3A_84 : memref<10112x128xf32, #tpu.memory_space<hbm>>) target(%dma_start3A_78 : memref<128x128xf32, #tpu.memory_space<vmem>>) offsets(%dma_start3A_81 : memref<128xi32, #tpu.memory_space<vmem>>) semaphore(%arg11 : memref<!tpu.dma_semaphore, #tpu.memory_space<semaphore_mem>>)
    %dma_wait3A_85 = arith.constant 1 : i32
    %dma_wait3A_86 = arith.constant 1 : i32
    %dma_wait3A_87 = arith.constant 0 : i32
    %dma_wait3A_88 = tpu.memref_slice %arg7[%dma_wait3A_86, %dma_wait3A_87] : memref<2x128xi32, #tpu.memory_space<vmem>> -> memref<1x128xi32, #tpu.memory_space<vmem>>
    %dma_wait3A_89 = tpu.memref_squeeze %dma_wait3A_88 : memref<1x128xi32, #tpu.memory_space<vmem>> -> memref<128xi32, #tpu.memory_space<vmem>>
    %dma_wait3A_90 = arith.constant 0 : i32
    %dma_wait3A_91 = tpu.memref_slice %arg3[%add3A, %dma_wait3A_85, %dma_wait3A_90] : memref<32x120x128xi32, #tpu.memory_space<hbm>> -> memref<1x1x128xi32, #tpu.memory_space<hbm>>
    %dma_wait3A_92 = tpu.memref_squeeze %dma_wait3A_91 : memref<1x1x128xi32, #tpu.memory_space<hbm>> -> memref<128xi32, #tpu.memory_space<hbm>>
    %dma_wait3A_93 = arith.constant 0 : i32
    %dma_wait3A_94 = tpu.memref_slice %arg7[%dma_wait3A_86, %dma_wait3A_93] : memref<2x128xi32, #tpu.memory_space<vmem>> -> memref<1x128xi32, #tpu.memory_space<vmem>>
    %dma_wait3A_95 = tpu.memref_squeeze %dma_wait3A_94 : memref<1x128xi32, #tpu.memory_space<vmem>> -> memref<128xi32, #tpu.memory_space<vmem>>
    %dma_wait3A_96 = arith.constant 0 : i32
    %dma_wait3A_97 = tpu.memref_slice %arg3[%add3A, %dma_wait3A_85, %dma_wait3A_96] : memref<32x120x128xi32, #tpu.memory_space<hbm>> -> memref<1x1x128xi32, #tpu.memory_space<hbm>>
    %dma_wait3A_98 = tpu.memref_squeeze %dma_wait3A_97 : memref<1x1x128xi32, #tpu.memory_space<hbm>> -> memref<128xi32, #tpu.memory_space<hbm>>
    tpu.wait_dma2 semaphore(%arg14 : memref<!tpu.dma_semaphore, #tpu.memory_space<semaphore_mem>>) src(%dma_wait3A_98 : memref<128xi32, #tpu.memory_space<hbm>>) dst(%dma_wait3A_95 : memref<128xi32, #tpu.memory_space<vmem>>)
    %dma_start3A_99 = arith.constant 1 : i32
    %dma_start3A_100 = arith.constant 1 : i32
    %dma_start3A_101 = arith.constant 0 : i32
    %dma_start3A_102 = arith.constant 0 : i32
    %dma_start3A_103 = tpu.memref_slice %arg9[%dma_start3A_100, %dma_start3A_101, %dma_start3A_102] : memref<2x128x128xf32, #tpu.memory_space<vmem>> -> memref<1x128x128xf32, #tpu.memory_space<vmem>>
    %dma_start3A_104 = tpu.memref_squeeze %dma_start3A_103 : memref<1x128x128xf32, #tpu.memory_space<vmem>> -> memref<128x128xf32, #tpu.memory_space<vmem>>
    %dma_start3A_105 = arith.constant 0 : i32
    %dma_start3A_106 = tpu.memref_slice %arg7[%dma_start3A_99, %dma_start3A_105] : memref<2x128xi32, #tpu.memory_space<vmem>> -> memref<1x128xi32, #tpu.memory_space<vmem>>
    %dma_start3A_107 = tpu.memref_squeeze %dma_start3A_106 : memref<1x128xi32, #tpu.memory_space<vmem>> -> memref<128xi32, #tpu.memory_space<vmem>>
    %dma_start3A_108 = arith.constant 0 : i32
    %dma_start3A_109 = arith.constant 0 : i32
    %dma_start3A_110 = tpu.memref_slice %arg2[%dma_start3A_108, %dma_start3A_109] : memref<10112x128xf32, #tpu.memory_space<hbm>> -> memref<10112x128xf32, #tpu.memory_space<hbm>>
    tpu.enqueue_indirect_dma source(%dma_start3A_110 : memref<10112x128xf32, #tpu.memory_space<hbm>>) target(%dma_start3A_104 : memref<128x128xf32, #tpu.memory_space<vmem>>) offsets(%dma_start3A_107 : memref<128xi32, #tpu.memory_space<vmem>>) semaphore(%arg12 : memref<!tpu.dma_semaphore, #tpu.memory_space<semaphore_mem>>)
    %sub3A = arith.constant 0 : i32
    %sub3A_111 = arith.subi %select_n3A, %sub3A : i32
    %sub3A_112 = arith.constant 2 : i32
    %sub3A_113 = arith.constant 1 : i32
    %sub3A_114 = arith.subi %sub3A_112, %sub3A_113 : i32
    %add3A_115 = arith.addi %sub3A_111, %sub3A_114 : i32
    %div3A = arith.constant 2 : i32
    %div3A_116 = arith.divsi %add3A_115, %div3A : i32
    %while3A = arith.constant 2 : i32
    %while3A_117 = arith.constant 0 : i32
    %while3A_118 = arith.constant 0 : i32
    %while3A_119 = arith.subi %div3A_116, %while3A_118 : i32
    %while3A_120 = arith.addi %while3A_118, %while3A_119 : i32
    %while3A_121 = arith.constant 1 : i32
    %while3A_122 = arith.divsi %while3A_119, %while3A_121 : i32
    %while3A_123 = arith.muli %while3A_122, %while3A_121 : i32
    %while3A_124 = arith.addi %while3A_118, %while3A_123 : i32
    %while3A_125 = arith.constant 1 : i32
    scf.for %while3A_132 = %while3A_118 to %while3A_124 step %while3A_125  : i32 {
      %mul3A_133 = arith.muli %while3A_132, %while3A : i32
      %add3A_134 = arith.addi %while3A_117, %mul3A_133 : i32
      %dma_wait3A_135 = arith.constant 0 : i32
      %dma_wait3A_136 = arith.constant 0 : i32
      %dma_wait3A_137 = arith.constant 0 : i32
      %dma_wait3A_138 = arith.constant 0 : i32
      %dma_wait3A_139 = tpu.memref_slice %arg9[%dma_wait3A_136, %dma_wait3A_137, %dma_wait3A_138] : memref<2x128x128xf32, #tpu.memory_space<vmem>> -> memref<1x128x128xf32, #tpu.memory_space<vmem>>
      %dma_wait3A_140 = tpu.memref_squeeze %dma_wait3A_139 : memref<1x128x128xf32, #tpu.memory_space<vmem>> -> memref<128x128xf32, #tpu.memory_space<vmem>>
      %dma_wait3A_141 = arith.constant 0 : i32
      %dma_wait3A_142 = tpu.memref_slice %arg7[%dma_wait3A_135, %dma_wait3A_141] : memref<2x128xi32, #tpu.memory_space<vmem>> -> memref<1x128xi32, #tpu.memory_space<vmem>>
      %dma_wait3A_143 = tpu.memref_squeeze %dma_wait3A_142 : memref<1x128xi32, #tpu.memory_space<vmem>> -> memref<128xi32, #tpu.memory_space<vmem>>
      %dma_wait3A_144 = arith.constant 0 : i32
      %dma_wait3A_145 = arith.constant 0 : i32
      %dma_wait3A_146 = tpu.memref_slice %arg2[%dma_wait3A_144, %dma_wait3A_145] : memref<10112x128xf32, #tpu.memory_space<hbm>> -> memref<10112x128xf32, #tpu.memory_space<hbm>>
      tpu.wait_indirect_dma semaphore(%arg11 : memref<!tpu.dma_semaphore, #tpu.memory_space<semaphore_mem>>) src(%dma_wait3A_146 : memref<10112x128xf32, #tpu.memory_space<hbm>>) dst(%dma_wait3A_140 : memref<128x128xf32, #tpu.memory_space<vmem>>)
      %add3A_147 = arith.constant 2 : i32
      %add3A_148 = arith.addi %add3A_134, %add3A_147 : i32
      %lt3A = arith.cmpi slt, %add3A_148, %select_n3A : i32
      %convert_element_type3A = arith.extui %lt3A : i1 to i32
      %cond3A = arith.constant 0 : i32
      %cond3A_149 = arith.cmpi ne, %convert_element_type3A, %cond3A : i32
      scf.if %cond3A_149 {
        %add3A_211 = arith.constant 2 : i32
        %add3A_212 = arith.addi %add3A_134, %add3A_211 : i32
        %dma_start3A_213 = arith.constant 0 : i32
        %dma_start3A_214 = arith.constant 0 : i32
        %dma_start3A_215 = tpu.memref_slice %arg7[%dma_start3A_213, %dma_start3A_214] : memref<2x128xi32, #tpu.memory_space<vmem>> -> memref<1x128xi32, #tpu.memory_space<vmem>>
        %dma_start3A_216 = tpu.memref_squeeze %dma_start3A_215 : memref<1x128xi32, #tpu.memory_space<vmem>> -> memref<128xi32, #tpu.memory_space<vmem>>
        %dma_start3A_217 = arith.constant 0 : i32
        %dma_start3A_218 = tpu.memref_slice %arg3[%add3A, %add3A_212, %dma_start3A_217] : memref<32x120x128xi32, #tpu.memory_space<hbm>> -> memref<1x1x128xi32, #tpu.memory_space<hbm>>
        %dma_start3A_219 = tpu.memref_squeeze %dma_start3A_218 : memref<1x1x128xi32, #tpu.memory_space<hbm>> -> memref<128xi32, #tpu.memory_space<hbm>>
        %dma_start3A_220 = arith.constant 0 : i32
        %dma_start3A_221 = tpu.memref_slice %arg7[%dma_start3A_213, %dma_start3A_220] : memref<2x128xi32, #tpu.memory_space<vmem>> -> memref<1x128xi32, #tpu.memory_space<vmem>>
        %dma_start3A_222 = tpu.memref_squeeze %dma_start3A_221 : memref<1x128xi32, #tpu.memory_space<vmem>> -> memref<128xi32, #tpu.memory_space<vmem>>
        %dma_start3A_223 = arith.constant 0 : i32
        %dma_start3A_224 = tpu.memref_slice %arg3[%add3A, %add3A_212, %dma_start3A_223] : memref<32x120x128xi32, #tpu.memory_space<hbm>> -> memref<1x1x128xi32, #tpu.memory_space<hbm>>
        %dma_start3A_225 = tpu.memref_squeeze %dma_start3A_224 : memref<1x1x128xi32, #tpu.memory_space<hbm>> -> memref<128xi32, #tpu.memory_space<hbm>>
        tpu.enqueue_dma source(%dma_start3A_225 : memref<128xi32, #tpu.memory_space<hbm>>) target(%dma_start3A_222 : memref<128xi32, #tpu.memory_space<vmem>>) target_semaphore(%arg13 : memref<!tpu.dma_semaphore, #tpu.memory_space<semaphore_mem>>)
      } else {
      }
      %dma_wait3A_150 = arith.constant 0 : i32
      %dma_wait3A_151 = arith.constant 0 : i32
      %dma_wait3A_152 = arith.constant 0 : i32
      %dma_wait3A_153 = tpu.memref_slice %arg8[%dma_wait3A_151, %dma_wait3A_152] : memref<2x128xi32, #tpu.memory_space<vmem>> -> memref<1x128xi32, #tpu.memory_space<vmem>>
      %dma_wait3A_154 = tpu.memref_squeeze %dma_wait3A_153 : memref<1x128xi32, #tpu.memory_space<vmem>> -> memref<128xi32, #tpu.memory_space<vmem>>
      %dma_wait3A_155 = arith.constant 0 : i32
      %dma_wait3A_156 = tpu.memref_slice %arg4[%add3A, %dma_wait3A_150, %dma_wait3A_155] : memref<32x120x128xi32, #tpu.memory_space<hbm>> -> memref<1x1x128xi32, #tpu.memory_space<hbm>>
      %dma_wait3A_157 = tpu.memref_squeeze %dma_wait3A_156 : memref<1x1x128xi32, #tpu.memory_space<hbm>> -> memref<128xi32, #tpu.memory_space<hbm>>
      %dma_wait3A_158 = arith.constant 0 : i32
      %dma_wait3A_159 = tpu.memref_slice %arg8[%dma_wait3A_151, %dma_wait3A_158] : memref<2x128xi32, #tpu.memory_space<vmem>> -> memref<1x128xi32, #tpu.memory_space<vmem>>
      %dma_wait3A_160 = tpu.memref_squeeze %dma_wait3A_159 : memref<1x128xi32, #tpu.memory_space<vmem>> -> memref<128xi32, #tpu.memory_space<vmem>>
      %dma_wait3A_161 = arith.constant 0 : i32
      %dma_wait3A_162 = tpu.memref_slice %arg4[%add3A, %dma_wait3A_150, %dma_wait3A_161] : memref<32x120x128xi32, #tpu.memory_space<hbm>> -> memref<1x1x128xi32, #tpu.memory_space<hbm>>
      %dma_wait3A_163 = tpu.memref_squeeze %dma_wait3A_162 : memref<1x1x128xi32, #tpu.memory_space<hbm>> -> memref<128xi32, #tpu.memory_space<hbm>>
      tpu.wait_dma2 semaphore(%arg15 : memref<!tpu.dma_semaphore, #tpu.memory_space<semaphore_mem>>) src(%dma_wait3A_163 : memref<128xi32, #tpu.memory_space<hbm>>) dst(%dma_wait3A_160 : memref<128xi32, #tpu.memory_space<vmem>>)
      %run_scoped3A = arith.constant 0 : i32
      %run_scoped3A_164 = arith.constant 0 : i32
      "tpu.region"() ({
        %run_scoped3A_211 = tpu.sem_alloc : memref<!tpu.dma_semaphore, #tpu.memory_space<semaphore_mem>>
        %dma_start3A_212 = arith.constant 0 : i32
        %dma_start3A_213 = arith.constant 0 : i32
        %dma_start3A_214 = tpu.memref_slice %arg9[%run_scoped3A, %dma_start3A_212, %dma_start3A_213] : memref<2x128x128xf32, #tpu.memory_space<vmem>> -> memref<1x128x128xf32, #tpu.memory_space<vmem>>
        %dma_start3A_215 = tpu.memref_squeeze %dma_start3A_214 : memref<1x128x128xf32, #tpu.memory_space<vmem>> -> memref<128x128xf32, #tpu.memory_space<vmem>>
        %dma_start3A_216 = arith.constant 0 : i32
        %dma_start3A_217 = tpu.memref_slice %arg8[%run_scoped3A_164, %dma_start3A_216] : memref<2x128xi32, #tpu.memory_space<vmem>> -> memref<1x128xi32, #tpu.memory_space<vmem>>
        %dma_start3A_218 = tpu.memref_squeeze %dma_start3A_217 : memref<1x128xi32, #tpu.memory_space<vmem>> -> memref<128xi32, #tpu.memory_space<vmem>>
        %dma_start3A_219 = arith.constant 0 : i32
        %dma_start3A_220 = arith.constant 0 : i32
        %dma_start3A_221 = tpu.memref_slice %arg10[%dma_start3A_219, %dma_start3A_220] : memref<10112x128xf32, #tpu.memory_space<vmem_shared>> -> memref<10112x128xf32, #tpu.memory_space<vmem_shared>>
        tpu.enqueue_indirect_dma source(%dma_start3A_215 : memref<128x128xf32, #tpu.memory_space<vmem>>) target(%dma_start3A_221 : memref<10112x128xf32, #tpu.memory_space<vmem_shared>>) offsets(%dma_start3A_218 : memref<128xi32, #tpu.memory_space<vmem>>) semaphore(%run_scoped3A_211 : memref<!tpu.dma_semaphore, #tpu.memory_space<semaphore_mem>>) {add = true}
        %dma_wait3A_222 = arith.constant 0 : i32
        %dma_wait3A_223 = arith.constant 0 : i32
        %dma_wait3A_224 = tpu.memref_slice %arg9[%run_scoped3A, %dma_wait3A_222, %dma_wait3A_223] : memref<2x128x128xf32, #tpu.memory_space<vmem>> -> memref<1x128x128xf32, #tpu.memory_space<vmem>>
        %dma_wait3A_225 = tpu.memref_squeeze %dma_wait3A_224 : memref<1x128x128xf32, #tpu.memory_space<vmem>> -> memref<128x128xf32, #tpu.memory_space<vmem>>
        %dma_wait3A_226 = arith.constant 0 : i32
        %dma_wait3A_227 = tpu.memref_slice %arg8[%run_scoped3A_164, %dma_wait3A_226] : memref<2x128xi32, #tpu.memory_space<vmem>> -> memref<1x128xi32, #tpu.memory_space<vmem>>
        %dma_wait3A_228 = tpu.memref_squeeze %dma_wait3A_227 : memref<1x128xi32, #tpu.memory_space<vmem>> -> memref<128xi32, #tpu.memory_space<vmem>>
        %dma_wait3A_229 = arith.constant 0 : i32
        %dma_wait3A_230 = arith.constant 0 : i32
        %dma_wait3A_231 = tpu.memref_slice %arg10[%dma_wait3A_229, %dma_wait3A_230] : memref<10112x128xf32, #tpu.memory_space<vmem_shared>> -> memref<10112x128xf32, #tpu.memory_space<vmem_shared>>
        tpu.wait_indirect_dma semaphore(%run_scoped3A_211 : memref<!tpu.dma_semaphore, #tpu.memory_space<semaphore_mem>>) src(%dma_wait3A_225 : memref<128x128xf32, #tpu.memory_space<vmem>>) dst(%dma_wait3A_231 : memref<10112x128xf32, #tpu.memory_space<vmem_shared>>)
        tpu.yield
      }) : () -> ()
      %add3A_165 = arith.constant 2 : i32
      %add3A_166 = arith.addi %add3A_134, %add3A_165 : i32
      %lt3A_167 = arith.cmpi slt, %add3A_166, %select_n3A : i32
      %convert_element_type3A_168 = arith.extui %lt3A_167 : i1 to i32
      %cond3A_169 = arith.constant 0 : i32
      %cond3A_170 = arith.cmpi ne, %convert_element_type3A_168, %cond3A_169 : i32
      scf.if %cond3A_170 {
        %add3A_211 = arith.constant 2 : i32
        %add3A_212 = arith.addi %add3A_134, %add3A_211 : i32
        %dma_start3A_213 = arith.constant 0 : i32
        %dma_start3A_214 = arith.constant 0 : i32
        %dma_start3A_215 = tpu.memref_slice %arg8[%dma_start3A_213, %dma_start3A_214] : memref<2x128xi32, #tpu.memory_space<vmem>> -> memref<1x128xi32, #tpu.memory_space<vmem>>
        %dma_start3A_216 = tpu.memref_squeeze %dma_start3A_215 : memref<1x128xi32, #tpu.memory_space<vmem>> -> memref<128xi32, #tpu.memory_space<vmem>>
        %dma_start3A_217 = arith.constant 0 : i32
        %dma_start3A_218 = tpu.memref_slice %arg4[%add3A, %add3A_212, %dma_start3A_217] : memref<32x120x128xi32, #tpu.memory_space<hbm>> -> memref<1x1x128xi32, #tpu.memory_space<hbm>>
        %dma_start3A_219 = tpu.memref_squeeze %dma_start3A_218 : memref<1x1x128xi32, #tpu.memory_space<hbm>> -> memref<128xi32, #tpu.memory_space<hbm>>
        %dma_start3A_220 = arith.constant 0 : i32
        %dma_start3A_221 = tpu.memref_slice %arg8[%dma_start3A_213, %dma_start3A_220] : memref<2x128xi32, #tpu.memory_space<vmem>> -> memref<1x128xi32, #tpu.memory_space<vmem>>
        %dma_start3A_222 = tpu.memref_squeeze %dma_start3A_221 : memref<1x128xi32, #tpu.memory_space<vmem>> -> memref<128xi32, #tpu.memory_space<vmem>>
        %dma_start3A_223 = arith.constant 0 : i32
        %dma_start3A_224 = tpu.memref_slice %arg4[%add3A, %add3A_212, %dma_start3A_223] : memref<32x120x128xi32, #tpu.memory_space<hbm>> -> memref<1x1x128xi32, #tpu.memory_space<hbm>>
        %dma_start3A_225 = tpu.memref_squeeze %dma_start3A_224 : memref<1x1x128xi32, #tpu.memory_space<hbm>> -> memref<128xi32, #tpu.memory_space<hbm>>
        tpu.enqueue_dma source(%dma_start3A_225 : memref<128xi32, #tpu.memory_space<hbm>>) target(%dma_start3A_222 : memref<128xi32, #tpu.memory_space<vmem>>) target_semaphore(%arg15 : memref<!tpu.dma_semaphore, #tpu.memory_space<semaphore_mem>>)
        %dma_wait3A_226 = arith.constant 0 : i32
        %dma_wait3A_227 = arith.constant 0 : i32
        %dma_wait3A_228 = arith.constant 0 : i32
        %dma_wait3A_229 = tpu.memref_slice %arg7[%dma_wait3A_227, %dma_wait3A_228] : memref<2x128xi32, #tpu.memory_space<vmem>> -> memref<1x128xi32, #tpu.memory_space<vmem>>
        %dma_wait3A_230 = tpu.memref_squeeze %dma_wait3A_229 : memref<1x128xi32, #tpu.memory_space<vmem>> -> memref<128xi32, #tpu.memory_space<vmem>>
        %dma_wait3A_231 = arith.constant 0 : i32
        %dma_wait3A_232 = tpu.memref_slice %arg3[%add3A, %dma_wait3A_226, %dma_wait3A_231] : memref<32x120x128xi32, #tpu.memory_space<hbm>> -> memref<1x1x128xi32, #tpu.memory_space<hbm>>
        %dma_wait3A_233 = tpu.memref_squeeze %dma_wait3A_232 : memref<1x1x128xi32, #tpu.memory_space<hbm>> -> memref<128xi32, #tpu.memory_space<hbm>>
        %dma_wait3A_234 = arith.constant 0 : i32
        %dma_wait3A_235 = tpu.memref_slice %arg7[%dma_wait3A_227, %dma_wait3A_234] : memref<2x128xi32, #tpu.memory_space<vmem>> -> memref<1x128xi32, #tpu.memory_space<vmem>>
        %dma_wait3A_236 = tpu.memref_squeeze %dma_wait3A_235 : memref<1x128xi32, #tpu.memory_space<vmem>> -> memref<128xi32, #tpu.memory_space<vmem>>
        %dma_wait3A_237 = arith.constant 0 : i32
        %dma_wait3A_238 = tpu.memref_slice %arg3[%add3A, %dma_wait3A_226, %dma_wait3A_237] : memref<32x120x128xi32, #tpu.memory_space<hbm>> -> memref<1x1x128xi32, #tpu.memory_space<hbm>>
        %dma_wait3A_239 = tpu.memref_squeeze %dma_wait3A_238 : memref<1x1x128xi32, #tpu.memory_space<hbm>> -> memref<128xi32, #tpu.memory_space<hbm>>
        tpu.wait_dma2 semaphore(%arg13 : memref<!tpu.dma_semaphore, #tpu.memory_space<semaphore_mem>>) src(%dma_wait3A_239 : memref<128xi32, #tpu.memory_space<hbm>>) dst(%dma_wait3A_236 : memref<128xi32, #tpu.memory_space<vmem>>)
        %dma_start3A_240 = arith.constant 0 : i32
        %dma_start3A_241 = arith.constant 0 : i32
        %dma_start3A_242 = arith.constant 0 : i32
        %dma_start3A_243 = arith.constant 0 : i32
        %dma_start3A_244 = tpu.memref_slice %arg9[%dma_start3A_241, %dma_start3A_242, %dma_start3A_243] : memref<2x128x128xf32, #tpu.memory_space<vmem>> -> memref<1x128x128xf32, #tpu.memory_space<vmem>>
        %dma_start3A_245 = tpu.memref_squeeze %dma_start3A_244 : memref<1x128x128xf32, #tpu.memory_space<vmem>> -> memref<128x128xf32, #tpu.memory_space<vmem>>
        %dma_start3A_246 = arith.constant 0 : i32
        %dma_start3A_247 = tpu.memref_slice %arg7[%dma_start3A_240, %dma_start3A_246] : memref<2x128xi32, #tpu.memory_space<vmem>> -> memref<1x128xi32, #tpu.memory_space<vmem>>
        %dma_start3A_248 = tpu.memref_squeeze %dma_start3A_247 : memref<1x128xi32, #tpu.memory_space<vmem>> -> memref<128xi32, #tpu.memory_space<vmem>>
        %dma_start3A_249 = arith.constant 0 : i32
        %dma_start3A_250 = arith.constant 0 : i32
        %dma_start3A_251 = tpu.memref_slice %arg2[%dma_start3A_249, %dma_start3A_250] : memref<10112x128xf32, #tpu.memory_space<hbm>> -> memref<10112x128xf32, #tpu.memory_space<hbm>>
        tpu.enqueue_indirect_dma source(%dma_start3A_251 : memref<10112x128xf32, #tpu.memory_space<hbm>>) target(%dma_start3A_245 : memref<128x128xf32, #tpu.memory_space<vmem>>) offsets(%dma_start3A_248 : memref<128xi32, #tpu.memory_space<vmem>>) semaphore(%arg11 : memref<!tpu.dma_semaphore, #tpu.memory_space<semaphore_mem>>)
      } else {
      }
      %dma_wait3A_171 = arith.constant 1 : i32
      %dma_wait3A_172 = arith.constant 1 : i32
      %dma_wait3A_173 = arith.constant 0 : i32
      %dma_wait3A_174 = arith.constant 0 : i32
      %dma_wait3A_175 = tpu.memref_slice %arg9[%dma_wait3A_172, %dma_wait3A_173, %dma_wait3A_174] : memref<2x128x128xf32, #tpu.memory_space<vmem>> -> memref<1x128x128xf32, #tpu.memory_space<vmem>>
      %dma_wait3A_176 = tpu.memref_squeeze %dma_wait3A_175 : memref<1x128x128xf32, #tpu.memory_space<vmem>> -> memref<128x128xf32, #tpu.memory_space<vmem>>
      %dma_wait3A_177 = arith.constant 0 : i32
      %dma_wait3A_178 = tpu.memref_slice %arg7[%dma_wait3A_171, %dma_wait3A_177] : memref<2x128xi32, #tpu.memory_space<vmem>> -> memref<1x128xi32, #tpu.memory_space<vmem>>
      %dma_wait3A_179 = tpu.memref_squeeze %dma_wait3A_178 : memref<1x128xi32, #tpu.memory_space<vmem>> -> memref<128xi32, #tpu.memory_space<vmem>>
      %dma_wait3A_180 = arith.constant 0 : i32
      %dma_wait3A_181 = arith.constant 0 : i32
      %dma_wait3A_182 = tpu.memref_slice %arg2[%dma_wait3A_180, %dma_wait3A_181] : memref<10112x128xf32, #tpu.memory_space<hbm>> -> memref<10112x128xf32, #tpu.memory_space<hbm>>
      tpu.wait_indirect_dma semaphore(%arg12 : memref<!tpu.dma_semaphore, #tpu.memory_space<semaphore_mem>>) src(%dma_wait3A_182 : memref<10112x128xf32, #tpu.memory_space<hbm>>) dst(%dma_wait3A_176 : memref<128x128xf32, #tpu.memory_space<vmem>>)
      %add3A_183 = arith.constant 3 : i32
      %add3A_184 = arith.addi %add3A_134, %add3A_183 : i32
      %lt3A_185 = arith.cmpi slt, %add3A_184, %select_n3A : i32
      %convert_element_type3A_186 = arith.extui %lt3A_185 : i1 to i32
      %cond3A_187 = arith.constant 0 : i32
      %cond3A_188 = arith.cmpi ne, %convert_element_type3A_186, %cond3A_187 : i32
      scf.if %cond3A_188 {
        %add3A_211 = arith.constant 3 : i32
        %add3A_212 = arith.addi %add3A_134, %add3A_211 : i32
        %dma_start3A_213 = arith.constant 1 : i32
        %dma_start3A_214 = arith.constant 0 : i32
        %dma_start3A_215 = tpu.memref_slice %arg7[%dma_start3A_213, %dma_start3A_214] : memref<2x128xi32, #tpu.memory_space<vmem>> -> memref<1x128xi32, #tpu.memory_space<vmem>>
        %dma_start3A_216 = tpu.memref_squeeze %dma_start3A_215 : memref<1x128xi32, #tpu.memory_space<vmem>> -> memref<128xi32, #tpu.memory_space<vmem>>
        %dma_start3A_217 = arith.constant 0 : i32
        %dma_start3A_218 = tpu.memref_slice %arg3[%add3A, %add3A_212, %dma_start3A_217] : memref<32x120x128xi32, #tpu.memory_space<hbm>> -> memref<1x1x128xi32, #tpu.memory_space<hbm>>
        %dma_start3A_219 = tpu.memref_squeeze %dma_start3A_218 : memref<1x1x128xi32, #tpu.memory_space<hbm>> -> memref<128xi32, #tpu.memory_space<hbm>>
        %dma_start3A_220 = arith.constant 0 : i32
        %dma_start3A_221 = tpu.memref_slice %arg7[%dma_start3A_213, %dma_start3A_220] : memref<2x128xi32, #tpu.memory_space<vmem>> -> memref<1x128xi32, #tpu.memory_space<vmem>>
        %dma_start3A_222 = tpu.memref_squeeze %dma_start3A_221 : memref<1x128xi32, #tpu.memory_space<vmem>> -> memref<128xi32, #tpu.memory_space<vmem>>
        %dma_start3A_223 = arith.constant 0 : i32
        %dma_start3A_224 = tpu.memref_slice %arg3[%add3A, %add3A_212, %dma_start3A_223] : memref<32x120x128xi32, #tpu.memory_space<hbm>> -> memref<1x1x128xi32, #tpu.memory_space<hbm>>
        %dma_start3A_225 = tpu.memref_squeeze %dma_start3A_224 : memref<1x1x128xi32, #tpu.memory_space<hbm>> -> memref<128xi32, #tpu.memory_space<hbm>>
        tpu.enqueue_dma source(%dma_start3A_225 : memref<128xi32, #tpu.memory_space<hbm>>) target(%dma_start3A_222 : memref<128xi32, #tpu.memory_space<vmem>>) target_semaphore(%arg14 : memref<!tpu.dma_semaphore, #tpu.memory_space<semaphore_mem>>)
      } else {
      }
      %dma_wait3A_189 = arith.constant 0 : i32
      %dma_wait3A_190 = arith.constant 1 : i32
      %dma_wait3A_191 = arith.constant 0 : i32
      %dma_wait3A_192 = tpu.memref_slice %arg8[%dma_wait3A_190, %dma_wait3A_191] : memref<2x128xi32, #tpu.memory_space<vmem>> -> memref<1x128xi32, #tpu.memory_space<vmem>>
      %dma_wait3A_193 = tpu.memref_squeeze %dma_wait3A_192 : memref<1x128xi32, #tpu.memory_space<vmem>> -> memref<128xi32, #tpu.memory_space<vmem>>
      %dma_wait3A_194 = arith.constant 0 : i32
      %dma_wait3A_195 = tpu.memref_slice %arg4[%add3A, %dma_wait3A_189, %dma_wait3A_194] : memref<32x120x128xi32, #tpu.memory_space<hbm>> -> memref<1x1x128xi32, #tpu.memory_space<hbm>>
      %dma_wait3A_196 = tpu.memref_squeeze %dma_wait3A_195 : memref<1x1x128xi32, #tpu.memory_space<hbm>> -> memref<128xi32, #tpu.memory_space<hbm>>
      %dma_wait3A_197 = arith.constant 0 : i32
      %dma_wait3A_198 = tpu.memref_slice %arg8[%dma_wait3A_190, %dma_wait3A_197] : memref<2x128xi32, #tpu.memory_space<vmem>> -> memref<1x128xi32, #tpu.memory_space<vmem>>
      %dma_wait3A_199 = tpu.memref_squeeze %dma_wait3A_198 : memref<1x128xi32, #tpu.memory_space<vmem>> -> memref<128xi32, #tpu.memory_space<vmem>>
      %dma_wait3A_200 = arith.constant 0 : i32
      %dma_wait3A_201 = tpu.memref_slice %arg4[%add3A, %dma_wait3A_189, %dma_wait3A_200] : memref<32x120x128xi32, #tpu.memory_space<hbm>> -> memref<1x1x128xi32, #tpu.memory_space<hbm>>
      %dma_wait3A_202 = tpu.memref_squeeze %dma_wait3A_201 : memref<1x1x128xi32, #tpu.memory_space<hbm>> -> memref<128xi32, #tpu.memory_space<hbm>>
      tpu.wait_dma2 semaphore(%arg16 : memref<!tpu.dma_semaphore, #tpu.memory_space<semaphore_mem>>) src(%dma_wait3A_202 : memref<128xi32, #tpu.memory_space<hbm>>) dst(%dma_wait3A_199 : memref<128xi32, #tpu.memory_space<vmem>>)
      %run_scoped3A_203 = arith.constant 1 : i32
      %run_scoped3A_204 = arith.constant 1 : i32
      "tpu.region"() ({
        %run_scoped3A_211 = tpu.sem_alloc : memref<!tpu.dma_semaphore, #tpu.memory_space<semaphore_mem>>
        %dma_start3A_212 = arith.constant 0 : i32
        %dma_start3A_213 = arith.constant 0 : i32
        %dma_start3A_214 = tpu.memref_slice %arg9[%run_scoped3A_203, %dma_start3A_212, %dma_start3A_213] : memref<2x128x128xf32, #tpu.memory_space<vmem>> -> memref<1x128x128xf32, #tpu.memory_space<vmem>>
        %dma_start3A_215 = tpu.memref_squeeze %dma_start3A_214 : memref<1x128x128xf32, #tpu.memory_space<vmem>> -> memref<128x128xf32, #tpu.memory_space<vmem>>
        %dma_start3A_216 = arith.constant 0 : i32
        %dma_start3A_217 = tpu.memref_slice %arg8[%run_scoped3A_204, %dma_start3A_216] : memref<2x128xi32, #tpu.memory_space<vmem>> -> memref<1x128xi32, #tpu.memory_space<vmem>>
        %dma_start3A_218 = tpu.memref_squeeze %dma_start3A_217 : memref<1x128xi32, #tpu.memory_space<vmem>> -> memref<128xi32, #tpu.memory_space<vmem>>
        %dma_start3A_219 = arith.constant 0 : i32
        %dma_start3A_220 = arith.constant 0 : i32
        %dma_start3A_221 = tpu.memref_slice %arg10[%dma_start3A_219, %dma_start3A_220] : memref<10112x128xf32, #tpu.memory_space<vmem_shared>> -> memref<10112x128xf32, #tpu.memory_space<vmem_shared>>
        tpu.enqueue_indirect_dma source(%dma_start3A_215 : memref<128x128xf32, #tpu.memory_space<vmem>>) target(%dma_start3A_221 : memref<10112x128xf32, #tpu.memory_space<vmem_shared>>) offsets(%dma_start3A_218 : memref<128xi32, #tpu.memory_space<vmem>>) semaphore(%run_scoped3A_211 : memref<!tpu.dma_semaphore, #tpu.memory_space<semaphore_mem>>) {add = true}
        %dma_wait3A_222 = arith.constant 0 : i32
        %dma_wait3A_223 = arith.constant 0 : i32
        %dma_wait3A_224 = tpu.memref_slice %arg9[%run_scoped3A_203, %dma_wait3A_222, %dma_wait3A_223] : memref<2x128x128xf32, #tpu.memory_space<vmem>> -> memref<1x128x128xf32, #tpu.memory_space<vmem>>
        %dma_wait3A_225 = tpu.memref_squeeze %dma_wait3A_224 : memref<1x128x128xf32, #tpu.memory_space<vmem>> -> memref<128x128xf32, #tpu.memory_space<vmem>>
        %dma_wait3A_226 = arith.constant 0 : i32
        %dma_wait3A_227 = tpu.memref_slice %arg8[%run_scoped3A_204, %dma_wait3A_226] : memref<2x128xi32, #tpu.memory_space<vmem>> -> memref<1x128xi32, #tpu.memory_space<vmem>>
        %dma_wait3A_228 = tpu.memref_squeeze %dma_wait3A_227 : memref<1x128xi32, #tpu.memory_space<vmem>> -> memref<128xi32, #tpu.memory_space<vmem>>
        %dma_wait3A_229 = arith.constant 0 : i32
        %dma_wait3A_230 = arith.constant 0 : i32
        %dma_wait3A_231 = tpu.memref_slice %arg10[%dma_wait3A_229, %dma_wait3A_230] : memref<10112x128xf32, #tpu.memory_space<vmem_shared>> -> memref<10112x128xf32, #tpu.memory_space<vmem_shared>>
        tpu.wait_indirect_dma semaphore(%run_scoped3A_211 : memref<!tpu.dma_semaphore, #tpu.memory_space<semaphore_mem>>) src(%dma_wait3A_225 : memref<128x128xf32, #tpu.memory_space<vmem>>) dst(%dma_wait3A_231 : memref<10112x128xf32, #tpu.memory_space<vmem_shared>>)
        tpu.yield
      }) : () -> ()
      %add3A_205 = arith.constant 3 : i32
      %add3A_206 = arith.addi %add3A_134, %add3A_205 : i32
      %lt3A_207 = arith.cmpi slt, %add3A_206, %select_n3A : i32
      %convert_element_type3A_208 = arith.extui %lt3A_207 : i1 to i32
      %cond3A_209 = arith.constant 0 : i32
      %cond3A_210 = arith.cmpi ne, %convert_element_type3A_208, %cond3A_209 : i32
      scf.if %cond3A_210 {
        %add3A_211 = arith.constant 3 : i32
        %add3A_212 = arith.addi %add3A_134, %add3A_211 : i32
        %dma_start3A_213 = arith.constant 1 : i32
        %dma_start3A_214 = arith.constant 0 : i32
        %dma_start3A_215 = tpu.memref_slice %arg8[%dma_start3A_213, %dma_start3A_214] : memref<2x128xi32, #tpu.memory_space<vmem>> -> memref<1x128xi32, #tpu.memory_space<vmem>>
        %dma_start3A_216 = tpu.memref_squeeze %dma_start3A_215 : memref<1x128xi32, #tpu.memory_space<vmem>> -> memref<128xi32, #tpu.memory_space<vmem>>
        %dma_start3A_217 = arith.constant 0 : i32
        %dma_start3A_218 = tpu.memref_slice %arg4[%add3A, %add3A_212, %dma_start3A_217] : memref<32x120x128xi32, #tpu.memory_space<hbm>> -> memref<1x1x128xi32, #tpu.memory_space<hbm>>
        %dma_start3A_219 = tpu.memref_squeeze %dma_start3A_218 : memref<1x1x128xi32, #tpu.memory_space<hbm>> -> memref<128xi32, #tpu.memory_space<hbm>>
        %dma_start3A_220 = arith.constant 0 : i32
        %dma_start3A_221 = tpu.memref_slice %arg8[%dma_start3A_213, %dma_start3A_220] : memref<2x128xi32, #tpu.memory_space<vmem>> -> memref<1x128xi32, #tpu.memory_space<vmem>>
        %dma_start3A_222 = tpu.memref_squeeze %dma_start3A_221 : memref<1x128xi32, #tpu.memory_space<vmem>> -> memref<128xi32, #tpu.memory_space<vmem>>
        %dma_start3A_223 = arith.constant 0 : i32
        %dma_start3A_224 = tpu.memref_slice %arg4[%add3A, %add3A_212, %dma_start3A_223] : memref<32x120x128xi32, #tpu.memory_space<hbm>> -> memref<1x1x128xi32, #tpu.memory_space<hbm>>
        %dma_start3A_225 = tpu.memref_squeeze %dma_start3A_224 : memref<1x1x128xi32, #tpu.memory_space<hbm>> -> memref<128xi32, #tpu.memory_space<hbm>>
        tpu.enqueue_dma source(%dma_start3A_225 : memref<128xi32, #tpu.memory_space<hbm>>) target(%dma_start3A_222 : memref<128xi32, #tpu.memory_space<vmem>>) target_semaphore(%arg16 : memref<!tpu.dma_semaphore, #tpu.memory_space<semaphore_mem>>)
        %dma_wait3A_226 = arith.constant 0 : i32
        %dma_wait3A_227 = arith.constant 1 : i32
        %dma_wait3A_228 = arith.constant 0 : i32
        %dma_wait3A_229 = tpu.memref_slice %arg7[%dma_wait3A_227, %dma_wait3A_228] : memref<2x128xi32, #tpu.memory_space<vmem>> -> memref<1x128xi32, #tpu.memory_space<vmem>>
        %dma_wait3A_230 = tpu.memref_squeeze %dma_wait3A_229 : memref<1x128xi32, #tpu.memory_space<vmem>> -> memref<128xi32, #tpu.memory_space<vmem>>
        %dma_wait3A_231 = arith.constant 0 : i32
        %dma_wait3A_232 = tpu.memref_slice %arg3[%add3A, %dma_wait3A_226, %dma_wait3A_231] : memref<32x120x128xi32, #tpu.memory_space<hbm>> -> memref<1x1x128xi32, #tpu.memory_space<hbm>>
        %dma_wait3A_233 = tpu.memref_squeeze %dma_wait3A_232 : memref<1x1x128xi32, #tpu.memory_space<hbm>> -> memref<128xi32, #tpu.memory_space<hbm>>
        %dma_wait3A_234 = arith.constant 0 : i32
        %dma_wait3A_235 = tpu.memref_slice %arg7[%dma_wait3A_227, %dma_wait3A_234] : memref<2x128xi32, #tpu.memory_space<vmem>> -> memref<1x128xi32, #tpu.memory_space<vmem>>
        %dma_wait3A_236 = tpu.memref_squeeze %dma_wait3A_235 : memref<1x128xi32, #tpu.memory_space<vmem>> -> memref<128xi32, #tpu.memory_space<vmem>>
        %dma_wait3A_237 = arith.constant 0 : i32
        %dma_wait3A_238 = tpu.memref_slice %arg3[%add3A, %dma_wait3A_226, %dma_wait3A_237] : memref<32x120x128xi32, #tpu.memory_space<hbm>> -> memref<1x1x128xi32, #tpu.memory_space<hbm>>
        %dma_wait3A_239 = tpu.memref_squeeze %dma_wait3A_238 : memref<1x1x128xi32, #tpu.memory_space<hbm>> -> memref<128xi32, #tpu.memory_space<hbm>>
        tpu.wait_dma2 semaphore(%arg14 : memref<!tpu.dma_semaphore, #tpu.memory_space<semaphore_mem>>) src(%dma_wait3A_239 : memref<128xi32, #tpu.memory_space<hbm>>) dst(%dma_wait3A_236 : memref<128xi32, #tpu.memory_space<vmem>>)
        %dma_start3A_240 = arith.constant 1 : i32
        %dma_start3A_241 = arith.constant 1 : i32
        %dma_start3A_242 = arith.constant 0 : i32
        %dma_start3A_243 = arith.constant 0 : i32
        %dma_start3A_244 = tpu.memref_slice %arg9[%dma_start3A_241, %dma_start3A_242, %dma_start3A_243] : memref<2x128x128xf32, #tpu.memory_space<vmem>> -> memref<1x128x128xf32, #tpu.memory_space<vmem>>
        %dma_start3A_245 = tpu.memref_squeeze %dma_start3A_244 : memref<1x128x128xf32, #tpu.memory_space<vmem>> -> memref<128x128xf32, #tpu.memory_space<vmem>>
        %dma_start3A_246 = arith.constant 0 : i32
        %dma_start3A_247 = tpu.memref_slice %arg7[%dma_start3A_240, %dma_start3A_246] : memref<2x128xi32, #tpu.memory_space<vmem>> -> memref<1x128xi32, #tpu.memory_space<vmem>>
        %dma_start3A_248 = tpu.memref_squeeze %dma_start3A_247 : memref<1x128xi32, #tpu.memory_space<vmem>> -> memref<128xi32, #tpu.memory_space<vmem>>
        %dma_start3A_249 = arith.constant 0 : i32
        %dma_start3A_250 = arith.constant 0 : i32
        %dma_start3A_251 = tpu.memref_slice %arg2[%dma_start3A_249, %dma_start3A_250] : memref<10112x128xf32, #tpu.memory_space<hbm>> -> memref<10112x128xf32, #tpu.memory_space<hbm>>
        tpu.enqueue_indirect_dma source(%dma_start3A_251 : memref<10112x128xf32, #tpu.memory_space<hbm>>) target(%dma_start3A_245 : memref<128x128xf32, #tpu.memory_space<vmem>>) offsets(%dma_start3A_248 : memref<128xi32, #tpu.memory_space<vmem>>) semaphore(%arg12 : memref<!tpu.dma_semaphore, #tpu.memory_space<semaphore_mem>>)
      } else {
      }
    }
    %while3A_126 = arith.constant 1 : i32
    scf.for %while3A_132 = %while3A_124 to %while3A_120 step %while3A_126  : i32 {
      %mul3A_133 = arith.muli %while3A_132, %while3A : i32
      %add3A_134 = arith.addi %while3A_117, %mul3A_133 : i32
      %dma_wait3A_135 = arith.constant 0 : i32
      %dma_wait3A_136 = arith.constant 0 : i32
      %dma_wait3A_137 = arith.constant 0 : i32
      %dma_wait3A_138 = arith.constant 0 : i32
      %dma_wait3A_139 = tpu.memref_slice %arg9[%dma_wait3A_136, %dma_wait3A_137, %dma_wait3A_138] : memref<2x128x128xf32, #tpu.memory_space<vmem>> -> memref<1x128x128xf32, #tpu.memory_space<vmem>>
      %dma_wait3A_140 = tpu.memref_squeeze %dma_wait3A_139 : memref<1x128x128xf32, #tpu.memory_space<vmem>> -> memref<128x128xf32, #tpu.memory_space<vmem>>
      %dma_wait3A_141 = arith.constant 0 : i32
      %dma_wait3A_142 = tpu.memref_slice %arg7[%dma_wait3A_135, %dma_wait3A_141] : memref<2x128xi32, #tpu.memory_space<vmem>> -> memref<1x128xi32, #tpu.memory_space<vmem>>
      %dma_wait3A_143 = tpu.memref_squeeze %dma_wait3A_142 : memref<1x128xi32, #tpu.memory_space<vmem>> -> memref<128xi32, #tpu.memory_space<vmem>>
      %dma_wait3A_144 = arith.constant 0 : i32
      %dma_wait3A_145 = arith.constant 0 : i32
      %dma_wait3A_146 = tpu.memref_slice %arg2[%dma_wait3A_144, %dma_wait3A_145] : memref<10112x128xf32, #tpu.memory_space<hbm>> -> memref<10112x128xf32, #tpu.memory_space<hbm>>
      tpu.wait_indirect_dma semaphore(%arg11 : memref<!tpu.dma_semaphore, #tpu.memory_space<semaphore_mem>>) src(%dma_wait3A_146 : memref<10112x128xf32, #tpu.memory_space<hbm>>) dst(%dma_wait3A_140 : memref<128x128xf32, #tpu.memory_space<vmem>>)
      %add3A_147 = arith.constant 2 : i32
      %add3A_148 = arith.addi %add3A_134, %add3A_147 : i32
      %lt3A = arith.cmpi slt, %add3A_148, %select_n3A : i32
      %convert_element_type3A = arith.extui %lt3A : i1 to i32
      %cond3A = arith.constant 0 : i32
      %cond3A_149 = arith.cmpi ne, %convert_element_type3A, %cond3A : i32
      scf.if %cond3A_149 {
        %add3A_211 = arith.constant 2 : i32
        %add3A_212 = arith.addi %add3A_134, %add3A_211 : i32
        %dma_start3A_213 = arith.constant 0 : i32
        %dma_start3A_214 = arith.constant 0 : i32
        %dma_start3A_215 = tpu.memref_slice %arg7[%dma_start3A_213, %dma_start3A_214] : memref<2x128xi32, #tpu.memory_space<vmem>> -> memref<1x128xi32, #tpu.memory_space<vmem>>
        %dma_start3A_216 = tpu.memref_squeeze %dma_start3A_215 : memref<1x128xi32, #tpu.memory_space<vmem>> -> memref<128xi32, #tpu.memory_space<vmem>>
        %dma_start3A_217 = arith.constant 0 : i32
        %dma_start3A_218 = tpu.memref_slice %arg3[%add3A, %add3A_212, %dma_start3A_217] : memref<32x120x128xi32, #tpu.memory_space<hbm>> -> memref<1x1x128xi32, #tpu.memory_space<hbm>>
        %dma_start3A_219 = tpu.memref_squeeze %dma_start3A_218 : memref<1x1x128xi32, #tpu.memory_space<hbm>> -> memref<128xi32, #tpu.memory_space<hbm>>
        %dma_start3A_220 = arith.constant 0 : i32
        %dma_start3A_221 = tpu.memref_slice %arg7[%dma_start3A_213, %dma_start3A_220] : memref<2x128xi32, #tpu.memory_space<vmem>> -> memref<1x128xi32, #tpu.memory_space<vmem>>
        %dma_start3A_222 = tpu.memref_squeeze %dma_start3A_221 : memref<1x128xi32, #tpu.memory_space<vmem>> -> memref<128xi32, #tpu.memory_space<vmem>>
        %dma_start3A_223 = arith.constant 0 : i32
        %dma_start3A_224 = tpu.memref_slice %arg3[%add3A, %add3A_212, %dma_start3A_223] : memref<32x120x128xi32, #tpu.memory_space<hbm>> -> memref<1x1x128xi32, #tpu.memory_space<hbm>>
        %dma_start3A_225 = tpu.memref_squeeze %dma_start3A_224 : memref<1x1x128xi32, #tpu.memory_space<hbm>> -> memref<128xi32, #tpu.memory_space<hbm>>
        tpu.enqueue_dma source(%dma_start3A_225 : memref<128xi32, #tpu.memory_space<hbm>>) target(%dma_start3A_222 : memref<128xi32, #tpu.memory_space<vmem>>) target_semaphore(%arg13 : memref<!tpu.dma_semaphore, #tpu.memory_space<semaphore_mem>>)
      } else {
      }
      %dma_wait3A_150 = arith.constant 0 : i32
      %dma_wait3A_151 = arith.constant 0 : i32
      %dma_wait3A_152 = arith.constant 0 : i32
      %dma_wait3A_153 = tpu.memref_slice %arg8[%dma_wait3A_151, %dma_wait3A_152] : memref<2x128xi32, #tpu.memory_space<vmem>> -> memref<1x128xi32, #tpu.memory_space<vmem>>
      %dma_wait3A_154 = tpu.memref_squeeze %dma_wait3A_153 : memref<1x128xi32, #tpu.memory_space<vmem>> -> memref<128xi32, #tpu.memory_space<vmem>>
      %dma_wait3A_155 = arith.constant 0 : i32
      %dma_wait3A_156 = tpu.memref_slice %arg4[%add3A, %dma_wait3A_150, %dma_wait3A_155] : memref<32x120x128xi32, #tpu.memory_space<hbm>> -> memref<1x1x128xi32, #tpu.memory_space<hbm>>
      %dma_wait3A_157 = tpu.memref_squeeze %dma_wait3A_156 : memref<1x1x128xi32, #tpu.memory_space<hbm>> -> memref<128xi32, #tpu.memory_space<hbm>>
      %dma_wait3A_158 = arith.constant 0 : i32
      %dma_wait3A_159 = tpu.memref_slice %arg8[%dma_wait3A_151, %dma_wait3A_158] : memref<2x128xi32, #tpu.memory_space<vmem>> -> memref<1x128xi32, #tpu.memory_space<vmem>>
      %dma_wait3A_160 = tpu.memref_squeeze %dma_wait3A_159 : memref<1x128xi32, #tpu.memory_space<vmem>> -> memref<128xi32, #tpu.memory_space<vmem>>
      %dma_wait3A_161 = arith.constant 0 : i32
      %dma_wait3A_162 = tpu.memref_slice %arg4[%add3A, %dma_wait3A_150, %dma_wait3A_161] : memref<32x120x128xi32, #tpu.memory_space<hbm>> -> memref<1x1x128xi32, #tpu.memory_space<hbm>>
      %dma_wait3A_163 = tpu.memref_squeeze %dma_wait3A_162 : memref<1x1x128xi32, #tpu.memory_space<hbm>> -> memref<128xi32, #tpu.memory_space<hbm>>
      tpu.wait_dma2 semaphore(%arg15 : memref<!tpu.dma_semaphore, #tpu.memory_space<semaphore_mem>>) src(%dma_wait3A_163 : memref<128xi32, #tpu.memory_space<hbm>>) dst(%dma_wait3A_160 : memref<128xi32, #tpu.memory_space<vmem>>)
      %run_scoped3A = arith.constant 0 : i32
      %run_scoped3A_164 = arith.constant 0 : i32
      "tpu.region"() ({
        %run_scoped3A_211 = tpu.sem_alloc : memref<!tpu.dma_semaphore, #tpu.memory_space<semaphore_mem>>
        %dma_start3A_212 = arith.constant 0 : i32
        %dma_start3A_213 = arith.constant 0 : i32
        %dma_start3A_214 = tpu.memref_slice %arg9[%run_scoped3A, %dma_start3A_212, %dma_start3A_213] : memref<2x128x128xf32, #tpu.memory_space<vmem>> -> memref<1x128x128xf32, #tpu.memory_space<vmem>>
        %dma_start3A_215 = tpu.memref_squeeze %dma_start3A_214 : memref<1x128x128xf32, #tpu.memory_space<vmem>> -> memref<128x128xf32, #tpu.memory_space<vmem>>
        %dma_start3A_216 = arith.constant 0 : i32
        %dma_start3A_217 = tpu.memref_slice %arg8[%run_scoped3A_164, %dma_start3A_216] : memref<2x128xi32, #tpu.memory_space<vmem>> -> memref<1x128xi32, #tpu.memory_space<vmem>>
        %dma_start3A_218 = tpu.memref_squeeze %dma_start3A_217 : memref<1x128xi32, #tpu.memory_space<vmem>> -> memref<128xi32, #tpu.memory_space<vmem>>
        %dma_start3A_219 = arith.constant 0 : i32
        %dma_start3A_220 = arith.constant 0 : i32
        %dma_start3A_221 = tpu.memref_slice %arg10[%dma_start3A_219, %dma_start3A_220] : memref<10112x128xf32, #tpu.memory_space<vmem_shared>> -> memref<10112x128xf32, #tpu.memory_space<vmem_shared>>
        tpu.enqueue_indirect_dma source(%dma_start3A_215 : memref<128x128xf32, #tpu.memory_space<vmem>>) target(%dma_start3A_221 : memref<10112x128xf32, #tpu.memory_space<vmem_shared>>) offsets(%dma_start3A_218 : memref<128xi32, #tpu.memory_space<vmem>>) semaphore(%run_scoped3A_211 : memref<!tpu.dma_semaphore, #tpu.memory_space<semaphore_mem>>) {add = true}
        %dma_wait3A_222 = arith.constant 0 : i32
        %dma_wait3A_223 = arith.constant 0 : i32
        %dma_wait3A_224 = tpu.memref_slice %arg9[%run_scoped3A, %dma_wait3A_222, %dma_wait3A_223] : memref<2x128x128xf32, #tpu.memory_space<vmem>> -> memref<1x128x128xf32, #tpu.memory_space<vmem>>
        %dma_wait3A_225 = tpu.memref_squeeze %dma_wait3A_224 : memref<1x128x128xf32, #tpu.memory_space<vmem>> -> memref<128x128xf32, #tpu.memory_space<vmem>>
        %dma_wait3A_226 = arith.constant 0 : i32
        %dma_wait3A_227 = tpu.memref_slice %arg8[%run_scoped3A_164, %dma_wait3A_226] : memref<2x128xi32, #tpu.memory_space<vmem>> -> memref<1x128xi32, #tpu.memory_space<vmem>>
        %dma_wait3A_228 = tpu.memref_squeeze %dma_wait3A_227 : memref<1x128xi32, #tpu.memory_space<vmem>> -> memref<128xi32, #tpu.memory_space<vmem>>
        %dma_wait3A_229 = arith.constant 0 : i32
        %dma_wait3A_230 = arith.constant 0 : i32
        %dma_wait3A_231 = tpu.memref_slice %arg10[%dma_wait3A_229, %dma_wait3A_230] : memref<10112x128xf32, #tpu.memory_space<vmem_shared>> -> memref<10112x128xf32, #tpu.memory_space<vmem_shared>>
        tpu.wait_indirect_dma semaphore(%run_scoped3A_211 : memref<!tpu.dma_semaphore, #tpu.memory_space<semaphore_mem>>) src(%dma_wait3A_225 : memref<128x128xf32, #tpu.memory_space<vmem>>) dst(%dma_wait3A_231 : memref<10112x128xf32, #tpu.memory_space<vmem_shared>>)
        tpu.yield
      }) : () -> ()
      %add3A_165 = arith.constant 2 : i32
      %add3A_166 = arith.addi %add3A_134, %add3A_165 : i32
      %lt3A_167 = arith.cmpi slt, %add3A_166, %select_n3A : i32
      %convert_element_type3A_168 = arith.extui %lt3A_167 : i1 to i32
      %cond3A_169 = arith.constant 0 : i32
      %cond3A_170 = arith.cmpi ne, %convert_element_type3A_168, %cond3A_169 : i32
      scf.if %cond3A_170 {
        %add3A_211 = arith.constant 2 : i32
        %add3A_212 = arith.addi %add3A_134, %add3A_211 : i32
        %dma_start3A_213 = arith.constant 0 : i32
        %dma_start3A_214 = arith.constant 0 : i32
        %dma_start3A_215 = tpu.memref_slice %arg8[%dma_start3A_213, %dma_start3A_214] : memref<2x128xi32, #tpu.memory_space<vmem>> -> memref<1x128xi32, #tpu.memory_space<vmem>>
        %dma_start3A_216 = tpu.memref_squeeze %dma_start3A_215 : memref<1x128xi32, #tpu.memory_space<vmem>> -> memref<128xi32, #tpu.memory_space<vmem>>
        %dma_start3A_217 = arith.constant 0 : i32
        %dma_start3A_218 = tpu.memref_slice %arg4[%add3A, %add3A_212, %dma_start3A_217] : memref<32x120x128xi32, #tpu.memory_space<hbm>> -> memref<1x1x128xi32, #tpu.memory_space<hbm>>
        %dma_start3A_219 = tpu.memref_squeeze %dma_start3A_218 : memref<1x1x128xi32, #tpu.memory_space<hbm>> -> memref<128xi32, #tpu.memory_space<hbm>>
        %dma_start3A_220 = arith.constant 0 : i32
        %dma_start3A_221 = tpu.memref_slice %arg8[%dma_start3A_213, %dma_start3A_220] : memref<2x128xi32, #tpu.memory_space<vmem>> -> memref<1x128xi32, #tpu.memory_space<vmem>>
        %dma_start3A_222 = tpu.memref_squeeze %dma_start3A_221 : memref<1x128xi32, #tpu.memory_space<vmem>> -> memref<128xi32, #tpu.memory_space<vmem>>
        %dma_start3A_223 = arith.constant 0 : i32
        %dma_start3A_224 = tpu.memref_slice %arg4[%add3A, %add3A_212, %dma_start3A_223] : memref<32x120x128xi32, #tpu.memory_space<hbm>> -> memref<1x1x128xi32, #tpu.memory_space<hbm>>
        %dma_start3A_225 = tpu.memref_squeeze %dma_start3A_224 : memref<1x1x128xi32, #tpu.memory_space<hbm>> -> memref<128xi32, #tpu.memory_space<hbm>>
        tpu.enqueue_dma source(%dma_start3A_225 : memref<128xi32, #tpu.memory_space<hbm>>) target(%dma_start3A_222 : memref<128xi32, #tpu.memory_space<vmem>>) target_semaphore(%arg15 : memref<!tpu.dma_semaphore, #tpu.memory_space<semaphore_mem>>)
        %dma_wait3A_226 = arith.constant 0 : i32
        %dma_wait3A_227 = arith.constant 0 : i32
        %dma_wait3A_228 = arith.constant 0 : i32
        %dma_wait3A_229 = tpu.memref_slice %arg7[%dma_wait3A_227, %dma_wait3A_228] : memref<2x128xi32, #tpu.memory_space<vmem>> -> memref<1x128xi32, #tpu.memory_space<vmem>>
        %dma_wait3A_230 = tpu.memref_squeeze %dma_wait3A_229 : memref<1x128xi32, #tpu.memory_space<vmem>> -> memref<128xi32, #tpu.memory_space<vmem>>
        %dma_wait3A_231 = arith.constant 0 : i32
        %dma_wait3A_232 = tpu.memref_slice %arg3[%add3A, %dma_wait3A_226, %dma_wait3A_231] : memref<32x120x128xi32, #tpu.memory_space<hbm>> -> memref<1x1x128xi32, #tpu.memory_space<hbm>>
        %dma_wait3A_233 = tpu.memref_squeeze %dma_wait3A_232 : memref<1x1x128xi32, #tpu.memory_space<hbm>> -> memref<128xi32, #tpu.memory_space<hbm>>
        %dma_wait3A_234 = arith.constant 0 : i32
        %dma_wait3A_235 = tpu.memref_slice %arg7[%dma_wait3A_227, %dma_wait3A_234] : memref<2x128xi32, #tpu.memory_space<vmem>> -> memref<1x128xi32, #tpu.memory_space<vmem>>
        %dma_wait3A_236 = tpu.memref_squeeze %dma_wait3A_235 : memref<1x128xi32, #tpu.memory_space<vmem>> -> memref<128xi32, #tpu.memory_space<vmem>>
        %dma_wait3A_237 = arith.constant 0 : i32
        %dma_wait3A_238 = tpu.memref_slice %arg3[%add3A, %dma_wait3A_226, %dma_wait3A_237] : memref<32x120x128xi32, #tpu.memory_space<hbm>> -> memref<1x1x128xi32, #tpu.memory_space<hbm>>
        %dma_wait3A_239 = tpu.memref_squeeze %dma_wait3A_238 : memref<1x1x128xi32, #tpu.memory_space<hbm>> -> memref<128xi32, #tpu.memory_space<hbm>>
        tpu.wait_dma2 semaphore(%arg13 : memref<!tpu.dma_semaphore, #tpu.memory_space<semaphore_mem>>) src(%dma_wait3A_239 : memref<128xi32, #tpu.memory_space<hbm>>) dst(%dma_wait3A_236 : memref<128xi32, #tpu.memory_space<vmem>>)
        %dma_start3A_240 = arith.constant 0 : i32
        %dma_start3A_241 = arith.constant 0 : i32
        %dma_start3A_242 = arith.constant 0 : i32
        %dma_start3A_243 = arith.constant 0 : i32
        %dma_start3A_244 = tpu.memref_slice %arg9[%dma_start3A_241, %dma_start3A_242, %dma_start3A_243] : memref<2x128x128xf32, #tpu.memory_space<vmem>> -> memref<1x128x128xf32, #tpu.memory_space<vmem>>
        %dma_start3A_245 = tpu.memref_squeeze %dma_start3A_244 : memref<1x128x128xf32, #tpu.memory_space<vmem>> -> memref<128x128xf32, #tpu.memory_space<vmem>>
        %dma_start3A_246 = arith.constant 0 : i32
        %dma_start3A_247 = tpu.memref_slice %arg7[%dma_start3A_240, %dma_start3A_246] : memref<2x128xi32, #tpu.memory_space<vmem>> -> memref<1x128xi32, #tpu.memory_space<vmem>>
        %dma_start3A_248 = tpu.memref_squeeze %dma_start3A_247 : memref<1x128xi32, #tpu.memory_space<vmem>> -> memref<128xi32, #tpu.memory_space<vmem>>
        %dma_start3A_249 = arith.constant 0 : i32
        %dma_start3A_250 = arith.constant 0 : i32
        %dma_start3A_251 = tpu.memref_slice %arg2[%dma_start3A_249, %dma_start3A_250] : memref<10112x128xf32, #tpu.memory_space<hbm>> -> memref<10112x128xf32, #tpu.memory_space<hbm>>
        tpu.enqueue_indirect_dma source(%dma_start3A_251 : memref<10112x128xf32, #tpu.memory_space<hbm>>) target(%dma_start3A_245 : memref<128x128xf32, #tpu.memory_space<vmem>>) offsets(%dma_start3A_248 : memref<128xi32, #tpu.memory_space<vmem>>) semaphore(%arg11 : memref<!tpu.dma_semaphore, #tpu.memory_space<semaphore_mem>>)
      } else {
      }
      %dma_wait3A_171 = arith.constant 1 : i32
      %dma_wait3A_172 = arith.constant 1 : i32
      %dma_wait3A_173 = arith.constant 0 : i32
      %dma_wait3A_174 = arith.constant 0 : i32
      %dma_wait3A_175 = tpu.memref_slice %arg9[%dma_wait3A_172, %dma_wait3A_173, %dma_wait3A_174] : memref<2x128x128xf32, #tpu.memory_space<vmem>> -> memref<1x128x128xf32, #tpu.memory_space<vmem>>
      %dma_wait3A_176 = tpu.memref_squeeze %dma_wait3A_175 : memref<1x128x128xf32, #tpu.memory_space<vmem>> -> memref<128x128xf32, #tpu.memory_space<vmem>>
      %dma_wait3A_177 = arith.constant 0 : i32
      %dma_wait3A_178 = tpu.memref_slice %arg7[%dma_wait3A_171, %dma_wait3A_177] : memref<2x128xi32, #tpu.memory_space<vmem>> -> memref<1x128xi32, #tpu.memory_space<vmem>>
      %dma_wait3A_179 = tpu.memref_squeeze %dma_wait3A_178 : memref<1x128xi32, #tpu.memory_space<vmem>> -> memref<128xi32, #tpu.memory_space<vmem>>
      %dma_wait3A_180 = arith.constant 0 : i32
      %dma_wait3A_181 = arith.constant 0 : i32
      %dma_wait3A_182 = tpu.memref_slice %arg2[%dma_wait3A_180, %dma_wait3A_181] : memref<10112x128xf32, #tpu.memory_space<hbm>> -> memref<10112x128xf32, #tpu.memory_space<hbm>>
      tpu.wait_indirect_dma semaphore(%arg12 : memref<!tpu.dma_semaphore, #tpu.memory_space<semaphore_mem>>) src(%dma_wait3A_182 : memref<10112x128xf32, #tpu.memory_space<hbm>>) dst(%dma_wait3A_176 : memref<128x128xf32, #tpu.memory_space<vmem>>)
      %add3A_183 = arith.constant 3 : i32
      %add3A_184 = arith.addi %add3A_134, %add3A_183 : i32
      %lt3A_185 = arith.cmpi slt, %add3A_184, %select_n3A : i32
      %convert_element_type3A_186 = arith.extui %lt3A_185 : i1 to i32
      %cond3A_187 = arith.constant 0 : i32
      %cond3A_188 = arith.cmpi ne, %convert_element_type3A_186, %cond3A_187 : i32
      scf.if %cond3A_188 {
        %add3A_211 = arith.constant 3 : i32
        %add3A_212 = arith.addi %add3A_134, %add3A_211 : i32
        %dma_start3A_213 = arith.constant 1 : i32
        %dma_start3A_214 = arith.constant 0 : i32
        %dma_start3A_215 = tpu.memref_slice %arg7[%dma_start3A_213, %dma_start3A_214] : memref<2x128xi32, #tpu.memory_space<vmem>> -> memref<1x128xi32, #tpu.memory_space<vmem>>
        %dma_start3A_216 = tpu.memref_squeeze %dma_start3A_215 : memref<1x128xi32, #tpu.memory_space<vmem>> -> memref<128xi32, #tpu.memory_space<vmem>>
        %dma_start3A_217 = arith.constant 0 : i32
        %dma_start3A_218 = tpu.memref_slice %arg3[%add3A, %add3A_212, %dma_start3A_217] : memref<32x120x128xi32, #tpu.memory_space<hbm>> -> memref<1x1x128xi32, #tpu.memory_space<hbm>>
        %dma_start3A_219 = tpu.memref_squeeze %dma_start3A_218 : memref<1x1x128xi32, #tpu.memory_space<hbm>> -> memref<128xi32, #tpu.memory_space<hbm>>
        %dma_start3A_220 = arith.constant 0 : i32
        %dma_start3A_221 = tpu.memref_slice %arg7[%dma_start3A_213, %dma_start3A_220] : memref<2x128xi32, #tpu.memory_space<vmem>> -> memref<1x128xi32, #tpu.memory_space<vmem>>
        %dma_start3A_222 = tpu.memref_squeeze %dma_start3A_221 : memref<1x128xi32, #tpu.memory_space<vmem>> -> memref<128xi32, #tpu.memory_space<vmem>>
        %dma_start3A_223 = arith.constant 0 : i32
        %dma_start3A_224 = tpu.memref_slice %arg3[%add3A, %add3A_212, %dma_start3A_223] : memref<32x120x128xi32, #tpu.memory_space<hbm>> -> memref<1x1x128xi32, #tpu.memory_space<hbm>>
        %dma_start3A_225 = tpu.memref_squeeze %dma_start3A_224 : memref<1x1x128xi32, #tpu.memory_space<hbm>> -> memref<128xi32, #tpu.memory_space<hbm>>
        tpu.enqueue_dma source(%dma_start3A_225 : memref<128xi32, #tpu.memory_space<hbm>>) target(%dma_start3A_222 : memref<128xi32, #tpu.memory_space<vmem>>) target_semaphore(%arg14 : memref<!tpu.dma_semaphore, #tpu.memory_space<semaphore_mem>>)
      } else {
      }
      %dma_wait3A_189 = arith.constant 0 : i32
      %dma_wait3A_190 = arith.constant 1 : i32
      %dma_wait3A_191 = arith.constant 0 : i32
      %dma_wait3A_192 = tpu.memref_slice %arg8[%dma_wait3A_190, %dma_wait3A_191] : memref<2x128xi32, #tpu.memory_space<vmem>> -> memref<1x128xi32, #tpu.memory_space<vmem>>
      %dma_wait3A_193 = tpu.memref_squeeze %dma_wait3A_192 : memref<1x128xi32, #tpu.memory_space<vmem>> -> memref<128xi32, #tpu.memory_space<vmem>>
      %dma_wait3A_194 = arith.constant 0 : i32
      %dma_wait3A_195 = tpu.memref_slice %arg4[%add3A, %dma_wait3A_189, %dma_wait3A_194] : memref<32x120x128xi32, #tpu.memory_space<hbm>> -> memref<1x1x128xi32, #tpu.memory_space<hbm>>
      %dma_wait3A_196 = tpu.memref_squeeze %dma_wait3A_195 : memref<1x1x128xi32, #tpu.memory_space<hbm>> -> memref<128xi32, #tpu.memory_space<hbm>>
      %dma_wait3A_197 = arith.constant 0 : i32
      %dma_wait3A_198 = tpu.memref_slice %arg8[%dma_wait3A_190, %dma_wait3A_197] : memref<2x128xi32, #tpu.memory_space<vmem>> -> memref<1x128xi32, #tpu.memory_space<vmem>>
      %dma_wait3A_199 = tpu.memref_squeeze %dma_wait3A_198 : memref<1x128xi32, #tpu.memory_space<vmem>> -> memref<128xi32, #tpu.memory_space<vmem>>
      %dma_wait3A_200 = arith.constant 0 : i32
      %dma_wait3A_201 = tpu.memref_slice %arg4[%add3A, %dma_wait3A_189, %dma_wait3A_200] : memref<32x120x128xi32, #tpu.memory_space<hbm>> -> memref<1x1x128xi32, #tpu.memory_space<hbm>>
      %dma_wait3A_202 = tpu.memref_squeeze %dma_wait3A_201 : memref<1x1x128xi32, #tpu.memory_space<hbm>> -> memref<128xi32, #tpu.memory_space<hbm>>
      tpu.wait_dma2 semaphore(%arg16 : memref<!tpu.dma_semaphore, #tpu.memory_space<semaphore_mem>>) src(%dma_wait3A_202 : memref<128xi32, #tpu.memory_space<hbm>>) dst(%dma_wait3A_199 : memref<128xi32, #tpu.memory_space<vmem>>)
      %run_scoped3A_203 = arith.constant 1 : i32
      %run_scoped3A_204 = arith.constant 1 : i32
      "tpu.region"() ({
        %run_scoped3A_211 = tpu.sem_alloc : memref<!tpu.dma_semaphore, #tpu.memory_space<semaphore_mem>>
        %dma_start3A_212 = arith.constant 0 : i32
        %dma_start3A_213 = arith.constant 0 : i32
        %dma_start3A_214 = tpu.memref_slice %arg9[%run_scoped3A_203, %dma_start3A_212, %dma_start3A_213] : memref<2x128x128xf32, #tpu.memory_space<vmem>> -> memref<1x128x128xf32, #tpu.memory_space<vmem>>
        %dma_start3A_215 = tpu.memref_squeeze %dma_start3A_214 : memref<1x128x128xf32, #tpu.memory_space<vmem>> -> memref<128x128xf32, #tpu.memory_space<vmem>>
        %dma_start3A_216 = arith.constant 0 : i32
        %dma_start3A_217 = tpu.memref_slice %arg8[%run_scoped3A_204, %dma_start3A_216] : memref<2x128xi32, #tpu.memory_space<vmem>> -> memref<1x128xi32, #tpu.memory_space<vmem>>
        %dma_start3A_218 = tpu.memref_squeeze %dma_start3A_217 : memref<1x128xi32, #tpu.memory_space<vmem>> -> memref<128xi32, #tpu.memory_space<vmem>>
        %dma_start3A_219 = arith.constant 0 : i32
        %dma_start3A_220 = arith.constant 0 : i32
        %dma_start3A_221 = tpu.memref_slice %arg10[%dma_start3A_219, %dma_start3A_220] : memref<10112x128xf32, #tpu.memory_space<vmem_shared>> -> memref<10112x128xf32, #tpu.memory_space<vmem_shared>>
        tpu.enqueue_indirect_dma source(%dma_start3A_215 : memref<128x128xf32, #tpu.memory_space<vmem>>) target(%dma_start3A_221 : memref<10112x128xf32, #tpu.memory_space<vmem_shared>>) offsets(%dma_start3A_218 : memref<128xi32, #tpu.memory_space<vmem>>) semaphore(%run_scoped3A_211 : memref<!tpu.dma_semaphore, #tpu.memory_space<semaphore_mem>>) {add = true}
        %dma_wait3A_222 = arith.constant 0 : i32
        %dma_wait3A_223 = arith.constant 0 : i32
        %dma_wait3A_224 = tpu.memref_slice %arg9[%run_scoped3A_203, %dma_wait3A_222, %dma_wait3A_223] : memref<2x128x128xf32, #tpu.memory_space<vmem>> -> memref<1x128x128xf32, #tpu.memory_space<vmem>>
        %dma_wait3A_225 = tpu.memref_squeeze %dma_wait3A_224 : memref<1x128x128xf32, #tpu.memory_space<vmem>> -> memref<128x128xf32, #tpu.memory_space<vmem>>
        %dma_wait3A_226 = arith.constant 0 : i32
        %dma_wait3A_227 = tpu.memref_slice %arg8[%run_scoped3A_204, %dma_wait3A_226] : memref<2x128xi32, #tpu.memory_space<vmem>> -> memref<1x128xi32, #tpu.memory_space<vmem>>
        %dma_wait3A_228 = tpu.memref_squeeze %dma_wait3A_227 : memref<1x128xi32, #tpu.memory_space<vmem>> -> memref<128xi32, #tpu.memory_space<vmem>>
        %dma_wait3A_229 = arith.constant 0 : i32
        %dma_wait3A_230 = arith.constant 0 : i32
        %dma_wait3A_231 = tpu.memref_slice %arg10[%dma_wait3A_229, %dma_wait3A_230] : memref<10112x128xf32, #tpu.memory_space<vmem_shared>> -> memref<10112x128xf32, #tpu.memory_space<vmem_shared>>
        tpu.wait_indirect_dma semaphore(%run_scoped3A_211 : memref<!tpu.dma_semaphore, #tpu.memory_space<semaphore_mem>>) src(%dma_wait3A_225 : memref<128x128xf32, #tpu.memory_space<vmem>>) dst(%dma_wait3A_231 : memref<10112x128xf32, #tpu.memory_space<vmem_shared>>)
        tpu.yield
      }) : () -> ()
      %add3A_205 = arith.constant 3 : i32
      %add3A_206 = arith.addi %add3A_134, %add3A_205 : i32
      %lt3A_207 = arith.cmpi slt, %add3A_206, %select_n3A : i32
      %convert_element_type3A_208 = arith.extui %lt3A_207 : i1 to i32
      %cond3A_209 = arith.constant 0 : i32
      %cond3A_210 = arith.cmpi ne, %convert_element_type3A_208, %cond3A_209 : i32
      scf.if %cond3A_210 {
        %add3A_211 = arith.constant 3 : i32
        %add3A_212 = arith.addi %add3A_134, %add3A_211 : i32
        %dma_start3A_213 = arith.constant 1 : i32
        %dma_start3A_214 = arith.constant 0 : i32
        %dma_start3A_215 = tpu.memref_slice %arg8[%dma_start3A_213, %dma_start3A_214] : memref<2x128xi32, #tpu.memory_space<vmem>> -> memref<1x128xi32, #tpu.memory_space<vmem>>
        %dma_start3A_216 = tpu.memref_squeeze %dma_start3A_215 : memref<1x128xi32, #tpu.memory_space<vmem>> -> memref<128xi32, #tpu.memory_space<vmem>>
        %dma_start3A_217 = arith.constant 0 : i32
        %dma_start3A_218 = tpu.memref_slice %arg4[%add3A, %add3A_212, %dma_start3A_217] : memref<32x120x128xi32, #tpu.memory_space<hbm>> -> memref<1x1x128xi32, #tpu.memory_space<hbm>>
        %dma_start3A_219 = tpu.memref_squeeze %dma_start3A_218 : memref<1x1x128xi32, #tpu.memory_space<hbm>> -> memref<128xi32, #tpu.memory_space<hbm>>
        %dma_start3A_220 = arith.constant 0 : i32
        %dma_start3A_221 = tpu.memref_slice %arg8[%dma_start3A_213, %dma_start3A_220] : memref<2x128xi32, #tpu.memory_space<vmem>> -> memref<1x128xi32, #tpu.memory_space<vmem>>
        %dma_start3A_222 = tpu.memref_squeeze %dma_start3A_221 : memref<1x128xi32, #tpu.memory_space<vmem>> -> memref<128xi32, #tpu.memory_space<vmem>>
        %dma_start3A_223 = arith.constant 0 : i32
        %dma_start3A_224 = tpu.memref_slice %arg4[%add3A, %add3A_212, %dma_start3A_223] : memref<32x120x128xi32, #tpu.memory_space<hbm>> -> memref<1x1x128xi32, #tpu.memory_space<hbm>>
        %dma_start3A_225 = tpu.memref_squeeze %dma_start3A_224 : memref<1x1x128xi32, #tpu.memory_space<hbm>> -> memref<128xi32, #tpu.memory_space<hbm>>
        tpu.enqueue_dma source(%dma_start3A_225 : memref<128xi32, #tpu.memory_space<hbm>>) target(%dma_start3A_222 : memref<128xi32, #tpu.memory_space<vmem>>) target_semaphore(%arg16 : memref<!tpu.dma_semaphore, #tpu.memory_space<semaphore_mem>>)
        %dma_wait3A_226 = arith.constant 0 : i32
        %dma_wait3A_227 = arith.constant 1 : i32
        %dma_wait3A_228 = arith.constant 0 : i32
        %dma_wait3A_229 = tpu.memref_slice %arg7[%dma_wait3A_227, %dma_wait3A_228] : memref<2x128xi32, #tpu.memory_space<vmem>> -> memref<1x128xi32, #tpu.memory_space<vmem>>
        %dma_wait3A_230 = tpu.memref_squeeze %dma_wait3A_229 : memref<1x128xi32, #tpu.memory_space<vmem>> -> memref<128xi32, #tpu.memory_space<vmem>>
        %dma_wait3A_231 = arith.constant 0 : i32
        %dma_wait3A_232 = tpu.memref_slice %arg3[%add3A, %dma_wait3A_226, %dma_wait3A_231] : memref<32x120x128xi32, #tpu.memory_space<hbm>> -> memref<1x1x128xi32, #tpu.memory_space<hbm>>
        %dma_wait3A_233 = tpu.memref_squeeze %dma_wait3A_232 : memref<1x1x128xi32, #tpu.memory_space<hbm>> -> memref<128xi32, #tpu.memory_space<hbm>>
        %dma_wait3A_234 = arith.constant 0 : i32
        %dma_wait3A_235 = tpu.memref_slice %arg7[%dma_wait3A_227, %dma_wait3A_234] : memref<2x128xi32, #tpu.memory_space<vmem>> -> memref<1x128xi32, #tpu.memory_space<vmem>>
        %dma_wait3A_236 = tpu.memref_squeeze %dma_wait3A_235 : memref<1x128xi32, #tpu.memory_space<vmem>> -> memref<128xi32, #tpu.memory_space<vmem>>
        %dma_wait3A_237 = arith.constant 0 : i32
        %dma_wait3A_238 = tpu.memref_slice %arg3[%add3A, %dma_wait3A_226, %dma_wait3A_237] : memref<32x120x128xi32, #tpu.memory_space<hbm>> -> memref<1x1x128xi32, #tpu.memory_space<hbm>>
        %dma_wait3A_239 = tpu.memref_squeeze %dma_wait3A_238 : memref<1x1x128xi32, #tpu.memory_space<hbm>> -> memref<128xi32, #tpu.memory_space<hbm>>
        tpu.wait_dma2 semaphore(%arg14 : memref<!tpu.dma_semaphore, #tpu.memory_space<semaphore_mem>>) src(%dma_wait3A_239 : memref<128xi32, #tpu.memory_space<hbm>>) dst(%dma_wait3A_236 : memref<128xi32, #tpu.memory_space<vmem>>)
        %dma_start3A_240 = arith.constant 1 : i32
        %dma_start3A_241 = arith.constant 1 : i32
        %dma_start3A_242 = arith.constant 0 : i32
        %dma_start3A_243 = arith.constant 0 : i32
        %dma_start3A_244 = tpu.memref_slice %arg9[%dma_start3A_241, %dma_start3A_242, %dma_start3A_243] : memref<2x128x128xf32, #tpu.memory_space<vmem>> -> memref<1x128x128xf32, #tpu.memory_space<vmem>>
        %dma_start3A_245 = tpu.memref_squeeze %dma_start3A_244 : memref<1x128x128xf32, #tpu.memory_space<vmem>> -> memref<128x128xf32, #tpu.memory_space<vmem>>
        %dma_start3A_246 = arith.constant 0 : i32
        %dma_start3A_247 = tpu.memref_slice %arg7[%dma_start3A_240, %dma_start3A_246] : memref<2x128xi32, #tpu.memory_space<vmem>> -> memref<1x128xi32, #tpu.memory_space<vmem>>
        %dma_start3A_248 = tpu.memref_squeeze %dma_start3A_247 : memref<1x128xi32, #tpu.memory_space<vmem>> -> memref<128xi32, #tpu.memory_space<vmem>>
        %dma_start3A_249 = arith.constant 0 : i32
        %dma_start3A_250 = arith.constant 0 : i32
        %dma_start3A_251 = tpu.memref_slice %arg2[%dma_start3A_249, %dma_start3A_250] : memref<10112x128xf32, #tpu.memory_space<hbm>> -> memref<10112x128xf32, #tpu.memory_space<hbm>>
        tpu.enqueue_indirect_dma source(%dma_start3A_251 : memref<10112x128xf32, #tpu.memory_space<hbm>>) target(%dma_start3A_245 : memref<128x128xf32, #tpu.memory_space<vmem>>) offsets(%dma_start3A_248 : memref<128xi32, #tpu.memory_space<vmem>>) semaphore(%arg12 : memref<!tpu.dma_semaphore, #tpu.memory_space<semaphore_mem>>)
      } else {
      }
    }
    %barrier3A_127 = arith.constant 0 : index
    tpu.barrier barrier_id(%barrier3A_127)
    %mul3A_128 = arith.constant 632 : i32
    %mul3A_129 = arith.muli %arg1, %mul3A_128 : i32
    %mul3A_130 = arith.constant 632 : i32
    %mul3A_131 = arith.muli %arg1, %mul3A_130 : i32
    "tpu.region"() ({
      %run_scoped3A = tpu.sem_alloc : memref<!tpu.dma_semaphore, #tpu.memory_space<semaphore_mem>>
      %dma_start3A_132 = arith.constant 0 : i32
      %dma_start3A_133 = tpu.memref_slice %arg6[%arg0, %mul3A_131, %dma_start3A_132] : memref<2x10112x128xf32, #tpu.memory_space<hbm>> -> memref<1x632x128xf32, #tpu.memory_space<hbm>>
      %dma_start3A_134 = tpu.memref_squeeze %dma_start3A_133 : memref<1x632x128xf32, #tpu.memory_space<hbm>> -> memref<632x128xf32, #tpu.memory_space<hbm>>
      %dma_start3A_135 = arith.constant 0 : i32
      %dma_start3A_136 = tpu.memref_slice %arg10[%mul3A_129, %dma_start3A_135] : memref<10112x128xf32, #tpu.memory_space<vmem_shared>> -> memref<632x128xf32, #tpu.memory_space<vmem_shared>>
      tpu.enqueue_dma source(%dma_start3A_136 : memref<632x128xf32, #tpu.memory_space<vmem_shared>>) target(%dma_start3A_134 : memref<632x128xf32, #tpu.memory_space<hbm>>) target_semaphore(%run_scoped3A : memref<!tpu.dma_semaphore, #tpu.memory_space<semaphore_mem>>)
      %dma_wait3A_137 = arith.constant 0 : i32
      %dma_wait3A_138 = tpu.memref_slice %arg6[%arg0, %mul3A_131, %dma_wait3A_137] : memref<2x10112x128xf32, #tpu.memory_space<hbm>> -> memref<1x632x128xf32, #tpu.memory_space<hbm>>
      %dma_wait3A_139 = tpu.memref_squeeze %dma_wait3A_138 : memref<1x632x128xf32, #tpu.memory_space<hbm>> -> memref<632x128xf32, #tpu.memory_space<hbm>>
      %dma_wait3A_140 = arith.constant 0 : i32
      %dma_wait3A_141 = tpu.memref_slice %arg10[%mul3A_129, %dma_wait3A_140] : memref<10112x128xf32, #tpu.memory_space<vmem_shared>> -> memref<632x128xf32, #tpu.memory_space<vmem_shared>>
      tpu.wait_dma2 semaphore(%run_scoped3A : memref<!tpu.dma_semaphore, #tpu.memory_space<semaphore_mem>>) src(%dma_wait3A_141 : memref<632x128xf32, #tpu.memory_space<vmem_shared>>) dst(%dma_wait3A_139 : memref<632x128xf32, #tpu.memory_space<hbm>>)
      tpu.yield
    }) : () -> ()
    return
  }
}

#map = affine_map<(d0, d1) -> (0, 0)>
#map1 = affine_map<(d0, d1) -> (0, 0, 0)>
module attributes {stable_mosaic.version = 14 : i64} {
  func.func @_agg_body(%arg0: i32, %arg1: i32, %arg2: memref<10112x128xf32, #tpu.memory_space<hbm>>, %arg3: memref<32x120x128xi32, #tpu.memory_space<hbm>>, %arg4: memref<32x120x128xi32, #tpu.memory_space<hbm>>, %arg5: memref<632x128xf32, #tpu.memory_space<hbm>>, %arg6: memref<2x10112x128xf32, #tpu.memory_space<hbm>>, %arg7: memref<2x128xi32, #tpu.memory_space<vmem>>, %arg8: memref<2x128xi32, #tpu.memory_space<vmem>>, %arg9: memref<2x128x128xf32, #tpu.memory_space<vmem>>, %arg10: memref<10112x128xf32, #tpu.memory_space<vmem_shared>>, %arg11: memref<!tpu.dma_semaphore, #tpu.memory_space<semaphore_mem>>, %arg12: memref<!tpu.dma_semaphore, #tpu.memory_space<semaphore_mem>>, %arg13: memref<!tpu.dma_semaphore, #tpu.memory_space<semaphore_mem>>, %arg14: memref<!tpu.dma_semaphore, #tpu.memory_space<semaphore_mem>>, %arg15: memref<!tpu.dma_semaphore, #tpu.memory_space<semaphore_mem>>, %arg16: memref<!tpu.dma_semaphore, #tpu.memory_space<semaphore_mem>>) attributes {dimension_semantics = [#tpu.dimension_semantics<core_parallel>, #tpu.dimension_semantics<subcore_parallel>], iteration_bounds = array<i64: 2, 16>, scalar_prefetch = 0 : i64, scratch_operands = 10 : i64, tpu.core_type = #tpu.core_type<sc_vector_subcore>, window_params = [{transform_indices = #map}, {transform_indices = #map1}, {transform_indices = #map1}, {transform_indices = #map}, {transform_indices = #map1}]} {
    %mul3A = arith.constant 16 : i32
    %mul3A_0 = arith.muli %arg0, %mul3A : i32
    %add3A = arith.addi %mul3A_0, %arg1 : i32
    %eq3A = arith.constant 0 : i32
    %eq3A_1 = arith.cmpi eq, %arg0, %eq3A : i32
    %jit3A = arith.constant 120 : i32
    %jit3A_2 = arith.constant 38 : i32
    %select_n3A = arith.select %eq3A_1, %jit3A, %jit3A_2 : i32
    %mul3A_3 = arith.constant 632 : i32
    %mul3A_4 = arith.muli %arg1, %mul3A_3 : i32
    "tpu.region"() ({
      %run_scoped3A = tpu.sem_alloc : memref<!tpu.dma_semaphore, #tpu.memory_space<semaphore_mem>>
      %dma_start3A_132 = arith.constant 0 : i32
      %dma_start3A_133 = tpu.memref_slice %arg10[%mul3A_4, %dma_start3A_132] : memref<10112x128xf32, #tpu.memory_space<vmem_shared>> -> memref<632x128xf32, #tpu.memory_space<vmem_shared>>
      tpu.enqueue_dma source(%arg5 : memref<632x128xf32, #tpu.memory_space<hbm>>) target(%dma_start3A_133 : memref<632x128xf32, #tpu.memory_space<vmem_shared>>) target_semaphore(%run_scoped3A : memref<!tpu.dma_semaphore, #tpu.memory_space<semaphore_mem>>)
      %dma_wait3A_134 = arith.constant 0 : i32
      %dma_wait3A_135 = tpu.memref_slice %arg10[%mul3A_4, %dma_wait3A_134] : memref<10112x128xf32, #tpu.memory_space<vmem_shared>> -> memref<632x128xf32, #tpu.memory_space<vmem_shared>>
      tpu.wait_dma2 semaphore(%run_scoped3A : memref<!tpu.dma_semaphore, #tpu.memory_space<semaphore_mem>>) src(%arg5 : memref<632x128xf32, #tpu.memory_space<hbm>>) dst(%dma_wait3A_135 : memref<632x128xf32, #tpu.memory_space<vmem_shared>>)
      tpu.yield
    }) : () -> ()
    %dma_start3A = arith.constant 0 : i32
    %dma_start3A_5 = arith.constant 0 : i32
    %dma_start3A_6 = arith.constant 0 : i32
    %dma_start3A_7 = tpu.memref_slice %arg7[%dma_start3A_5, %dma_start3A_6] : memref<2x128xi32, #tpu.memory_space<vmem>> -> memref<1x128xi32, #tpu.memory_space<vmem>>
    %dma_start3A_8 = tpu.memref_squeeze %dma_start3A_7 : memref<1x128xi32, #tpu.memory_space<vmem>> -> memref<128xi32, #tpu.memory_space<vmem>>
    %dma_start3A_9 = arith.constant 0 : i32
    %dma_start3A_10 = tpu.memref_slice %arg3[%add3A, %dma_start3A, %dma_start3A_9] : memref<32x120x128xi32, #tpu.memory_space<hbm>> -> memref<1x1x128xi32, #tpu.memory_space<hbm>>
    %dma_start3A_11 = tpu.memref_squeeze %dma_start3A_10 : memref<1x1x128xi32, #tpu.memory_space<hbm>> -> memref<128xi32, #tpu.memory_space<hbm>>
    %dma_start3A_12 = arith.constant 0 : i32
    %dma_start3A_13 = tpu.memref_slice %arg7[%dma_start3A_5, %dma_start3A_12] : memref<2x128xi32, #tpu.memory_space<vmem>> -> memref<1x128xi32, #tpu.memory_space<vmem>>
    %dma_start3A_14 = tpu.memref_squeeze %dma_start3A_13 : memref<1x128xi32, #tpu.memory_space<vmem>> -> memref<128xi32, #tpu.memory_space<vmem>>
    %dma_start3A_15 = arith.constant 0 : i32
    %dma_start3A_16 = tpu.memref_slice %arg3[%add3A, %dma_start3A, %dma_start3A_15] : memref<32x120x128xi32, #tpu.memory_space<hbm>> -> memref<1x1x128xi32, #tpu.memory_space<hbm>>
    %dma_start3A_17 = tpu.memref_squeeze %dma_start3A_16 : memref<1x1x128xi32, #tpu.memory_space<hbm>> -> memref<128xi32, #tpu.memory_space<hbm>>
    tpu.enqueue_dma source(%dma_start3A_17 : memref<128xi32, #tpu.memory_space<hbm>>) target(%dma_start3A_14 : memref<128xi32, #tpu.memory_space<vmem>>) target_semaphore(%arg13 : memref<!tpu.dma_semaphore, #tpu.memory_space<semaphore_mem>>)
    %dma_start3A_18 = arith.constant 1 : i32
    %dma_start3A_19 = arith.constant 1 : i32
    %dma_start3A_20 = arith.constant 0 : i32
    %dma_start3A_21 = tpu.memref_slice %arg7[%dma_start3A_19, %dma_start3A_20] : memref<2x128xi32, #tpu.memory_space<vmem>> -> memref<1x128xi32, #tpu.memory_space<vmem>>
    %dma_start3A_22 = tpu.memref_squeeze %dma_start3A_21 : memref<1x128xi32, #tpu.memory_space<vmem>> -> memref<128xi32, #tpu.memory_space<vmem>>
    %dma_start3A_23 = arith.constant 0 : i32
    %dma_start3A_24 = tpu.memref_slice %arg3[%add3A, %dma_start3A_18, %dma_start3A_23] : memref<32x120x128xi32, #tpu.memory_space<hbm>> -> memref<1x1x128xi32, #tpu.memory_space<hbm>>
    %dma_start3A_25 = tpu.memref_squeeze %dma_start3A_24 : memref<1x1x128xi32, #tpu.memory_space<hbm>> -> memref<128xi32, #tpu.memory_space<hbm>>
    %dma_start3A_26 = arith.constant 0 : i32
    %dma_start3A_27 = tpu.memref_slice %arg7[%dma_start3A_19, %dma_start3A_26] : memref<2x128xi32, #tpu.memory_space<vmem>> -> memref<1x128xi32, #tpu.memory_space<vmem>>
    %dma_start3A_28 = tpu.memref_squeeze %dma_start3A_27 : memref<1x128xi32, #tpu.memory_space<vmem>> -> memref<128xi32, #tpu.memory_space<vmem>>
    %dma_start3A_29 = arith.constant 0 : i32
    %dma_start3A_30 = tpu.memref_slice %arg3[%add3A, %dma_start3A_18, %dma_start3A_29] : memref<32x120x128xi32, #tpu.memory_space<hbm>> -> memref<1x1x128xi32, #tpu.memory_space<hbm>>
    %dma_start3A_31 = tpu.memref_squeeze %dma_start3A_30 : memref<1x1x128xi32, #tpu.memory_space<hbm>> -> memref<128xi32, #tpu.memory_space<hbm>>
    tpu.enqueue_dma source(%dma_start3A_31 : memref<128xi32, #tpu.memory_space<hbm>>) target(%dma_start3A_28 : memref<128xi32, #tpu.memory_space<vmem>>) target_semaphore(%arg14 : memref<!tpu.dma_semaphore, #tpu.memory_space<semaphore_mem>>)
    %dma_start3A_32 = arith.constant 0 : i32
    %dma_start3A_33 = arith.constant 0 : i32
    %dma_start3A_34 = arith.constant 0 : i32
    %dma_start3A_35 = tpu.memref_slice %arg8[%dma_start3A_33, %dma_start3A_34] : memref<2x128xi32, #tpu.memory_space<vmem>> -> memref<1x128xi32, #tpu.memory_space<vmem>>
    %dma_start3A_36 = tpu.memref_squeeze %dma_start3A_35 : memref<1x128xi32, #tpu.memory_space<vmem>> -> memref<128xi32, #tpu.memory_space<vmem>>
    %dma_start3A_37 = arith.constant 0 : i32
    %dma_start3A_38 = tpu.memref_slice %arg4[%add3A, %dma_start3A_32, %dma_start3A_37] : memref<32x120x128xi32, #tpu.memory_space<hbm>> -> memref<1x1x128xi32, #tpu.memory_space<hbm>>
    %dma_start3A_39 = tpu.memref_squeeze %dma_start3A_38 : memref<1x1x128xi32, #tpu.memory_space<hbm>> -> memref<128xi32, #tpu.memory_space<hbm>>
    %dma_start3A_40 = arith.constant 0 : i32
    %dma_start3A_41 = tpu.memref_slice %arg8[%dma_start3A_33, %dma_start3A_40] : memref<2x128xi32, #tpu.memory_space<vmem>> -> memref<1x128xi32, #tpu.memory_space<vmem>>
    %dma_start3A_42 = tpu.memref_squeeze %dma_start3A_41 : memref<1x128xi32, #tpu.memory_space<vmem>> -> memref<128xi32, #tpu.memory_space<vmem>>
    %dma_start3A_43 = arith.constant 0 : i32
    %dma_start3A_44 = tpu.memref_slice %arg4[%add3A, %dma_start3A_32, %dma_start3A_43] : memref<32x120x128xi32, #tpu.memory_space<hbm>> -> memref<1x1x128xi32, #tpu.memory_space<hbm>>
    %dma_start3A_45 = tpu.memref_squeeze %dma_start3A_44 : memref<1x1x128xi32, #tpu.memory_space<hbm>> -> memref<128xi32, #tpu.memory_space<hbm>>
    tpu.enqueue_dma source(%dma_start3A_45 : memref<128xi32, #tpu.memory_space<hbm>>) target(%dma_start3A_42 : memref<128xi32, #tpu.memory_space<vmem>>) target_semaphore(%arg15 : memref<!tpu.dma_semaphore, #tpu.memory_space<semaphore_mem>>)
    %dma_start3A_46 = arith.constant 1 : i32
    %dma_start3A_47 = arith.constant 1 : i32
    %dma_start3A_48 = arith.constant 0 : i32
    %dma_start3A_49 = tpu.memref_slice %arg8[%dma_start3A_47, %dma_start3A_48] : memref<2x128xi32, #tpu.memory_space<vmem>> -> memref<1x128xi32, #tpu.memory_space<vmem>>
    %dma_start3A_50 = tpu.memref_squeeze %dma_start3A_49 : memref<1x128xi32, #tpu.memory_space<vmem>> -> memref<128xi32, #tpu.memory_space<vmem>>
    %dma_start3A_51 = arith.constant 0 : i32
    %dma_start3A_52 = tpu.memref_slice %arg4[%add3A, %dma_start3A_46, %dma_start3A_51] : memref<32x120x128xi32, #tpu.memory_space<hbm>> -> memref<1x1x128xi32, #tpu.memory_space<hbm>>
    %dma_start3A_53 = tpu.memref_squeeze %dma_start3A_52 : memref<1x1x128xi32, #tpu.memory_space<hbm>> -> memref<128xi32, #tpu.memory_space<hbm>>
    %dma_start3A_54 = arith.constant 0 : i32
    %dma_start3A_55 = tpu.memref_slice %arg8[%dma_start3A_47, %dma_start3A_54] : memref<2x128xi32, #tpu.memory_space<vmem>> -> memref<1x128xi32, #tpu.memory_space<vmem>>
    %dma_start3A_56 = tpu.memref_squeeze %dma_start3A_55 : memref<1x128xi32, #tpu.memory_space<vmem>> -> memref<128xi32, #tpu.memory_space<vmem>>
    %dma_start3A_57 = arith.constant 0 : i32
    %dma_start3A_58 = tpu.memref_slice %arg4[%add3A, %dma_start3A_46, %dma_start3A_57] : memref<32x120x128xi32, #tpu.memory_space<hbm>> -> memref<1x1x128xi32, #tpu.memory_space<hbm>>
    %dma_start3A_59 = tpu.memref_squeeze %dma_start3A_58 : memref<1x1x128xi32, #tpu.memory_space<hbm>> -> memref<128xi32, #tpu.memory_space<hbm>>
    tpu.enqueue_dma source(%dma_start3A_59 : memref<128xi32, #tpu.memory_space<hbm>>) target(%dma_start3A_56 : memref<128xi32, #tpu.memory_space<vmem>>) target_semaphore(%arg16 : memref<!tpu.dma_semaphore, #tpu.memory_space<semaphore_mem>>)
    %barrier3A = arith.constant 0 : index
    tpu.barrier barrier_id(%barrier3A)
    %dma_wait3A = arith.constant 0 : i32
    %dma_wait3A_60 = arith.constant 0 : i32
    %dma_wait3A_61 = arith.constant 0 : i32
    %dma_wait3A_62 = tpu.memref_slice %arg7[%dma_wait3A_60, %dma_wait3A_61] : memref<2x128xi32, #tpu.memory_space<vmem>> -> memref<1x128xi32, #tpu.memory_space<vmem>>
    %dma_wait3A_63 = tpu.memref_squeeze %dma_wait3A_62 : memref<1x128xi32, #tpu.memory_space<vmem>> -> memref<128xi32, #tpu.memory_space<vmem>>
    %dma_wait3A_64 = arith.constant 0 : i32
    %dma_wait3A_65 = tpu.memref_slice %arg3[%add3A, %dma_wait3A, %dma_wait3A_64] : memref<32x120x128xi32, #tpu.memory_space<hbm>> -> memref<1x1x128xi32, #tpu.memory_space<hbm>>
    %dma_wait3A_66 = tpu.memref_squeeze %dma_wait3A_65 : memref<1x1x128xi32, #tpu.memory_space<hbm>> -> memref<128xi32, #tpu.memory_space<hbm>>
    %dma_wait3A_67 = arith.constant 0 : i32
    %dma_wait3A_68 = tpu.memref_slice %arg7[%dma_wait3A_60, %dma_wait3A_67] : memref<2x128xi32, #tpu.memory_space<vmem>> -> memref<1x128xi32, #tpu.memory_space<vmem>>
    %dma_wait3A_69 = tpu.memref_squeeze %dma_wait3A_68 : memref<1x128xi32, #tpu.memory_space<vmem>> -> memref<128xi32, #tpu.memory_space<vmem>>
    %dma_wait3A_70 = arith.constant 0 : i32
    %dma_wait3A_71 = tpu.memref_slice %arg3[%add3A, %dma_wait3A, %dma_wait3A_70] : memref<32x120x128xi32, #tpu.memory_space<hbm>> -> memref<1x1x128xi32, #tpu.memory_space<hbm>>
    %dma_wait3A_72 = tpu.memref_squeeze %dma_wait3A_71 : memref<1x1x128xi32, #tpu.memory_space<hbm>> -> memref<128xi32, #tpu.memory_space<hbm>>
    tpu.wait_dma2 semaphore(%arg13 : memref<!tpu.dma_semaphore, #tpu.memory_space<semaphore_mem>>) src(%dma_wait3A_72 : memref<128xi32, #tpu.memory_space<hbm>>) dst(%dma_wait3A_69 : memref<128xi32, #tpu.memory_space<vmem>>)
    %dma_start3A_73 = arith.constant 0 : i32
    %dma_start3A_74 = arith.constant 0 : i32
    %dma_start3A_75 = arith.constant 0 : i32
    %dma_start3A_76 = arith.constant 0 : i32
    %dma_start3A_77 = tpu.memref_slice %arg9[%dma_start3A_74, %dma_start3A_75, %dma_start3A_76] : memref<2x128x128xf32, #tpu.memory_space<vmem>> -> memref<1x128x128xf32, #tpu.memory_space<vmem>>
    %dma_start3A_78 = tpu.memref_squeeze %dma_start3A_77 : memref<1x128x128xf32, #tpu.memory_space<vmem>> -> memref<128x128xf32, #tpu.memory_space<vmem>>
    %dma_start3A_79 = arith.constant 0 : i32
    %dma_start3A_80 = tpu.memref_slice %arg7[%dma_start3A_73, %dma_start3A_79] : memref<2x128xi32, #tpu.memory_space<vmem>> -> memref<1x128xi32, #tpu.memory_space<vmem>>
    %dma_start3A_81 = tpu.memref_squeeze %dma_start3A_80 : memref<1x128xi32, #tpu.memory_space<vmem>> -> memref<128xi32, #tpu.memory_space<vmem>>
    %dma_start3A_82 = arith.constant 0 : i32
    %dma_start3A_83 = arith.constant 0 : i32
    %dma_start3A_84 = tpu.memref_slice %arg2[%dma_start3A_82, %dma_start3A_83] : memref<10112x128xf32, #tpu.memory_space<hbm>> -> memref<10112x128xf32, #tpu.memory_space<hbm>>
    tpu.enqueue_indirect_dma source(%dma_start3A_84 : memref<10112x128xf32, #tpu.memory_space<hbm>>) target(%dma_start3A_78 : memref<128x128xf32, #tpu.memory_space<vmem>>) offsets(%dma_start3A_81 : memref<128xi32, #tpu.memory_space<vmem>>) semaphore(%arg11 : memref<!tpu.dma_semaphore, #tpu.memory_space<semaphore_mem>>)
    %dma_wait3A_85 = arith.constant 1 : i32
    %dma_wait3A_86 = arith.constant 1 : i32
    %dma_wait3A_87 = arith.constant 0 : i32
    %dma_wait3A_88 = tpu.memref_slice %arg7[%dma_wait3A_86, %dma_wait3A_87] : memref<2x128xi32, #tpu.memory_space<vmem>> -> memref<1x128xi32, #tpu.memory_space<vmem>>
    %dma_wait3A_89 = tpu.memref_squeeze %dma_wait3A_88 : memref<1x128xi32, #tpu.memory_space<vmem>> -> memref<128xi32, #tpu.memory_space<vmem>>
    %dma_wait3A_90 = arith.constant 0 : i32
    %dma_wait3A_91 = tpu.memref_slice %arg3[%add3A, %dma_wait3A_85, %dma_wait3A_90] : memref<32x120x128xi32, #tpu.memory_space<hbm>> -> memref<1x1x128xi32, #tpu.memory_space<hbm>>
    %dma_wait3A_92 = tpu.memref_squeeze %dma_wait3A_91 : memref<1x1x128xi32, #tpu.memory_space<hbm>> -> memref<128xi32, #tpu.memory_space<hbm>>
    %dma_wait3A_93 = arith.constant 0 : i32
    %dma_wait3A_94 = tpu.memref_slice %arg7[%dma_wait3A_86, %dma_wait3A_93] : memref<2x128xi32, #tpu.memory_space<vmem>> -> memref<1x128xi32, #tpu.memory_space<vmem>>
    %dma_wait3A_95 = tpu.memref_squeeze %dma_wait3A_94 : memref<1x128xi32, #tpu.memory_space<vmem>> -> memref<128xi32, #tpu.memory_space<vmem>>
    %dma_wait3A_96 = arith.constant 0 : i32
    %dma_wait3A_97 = tpu.memref_slice %arg3[%add3A, %dma_wait3A_85, %dma_wait3A_96] : memref<32x120x128xi32, #tpu.memory_space<hbm>> -> memref<1x1x128xi32, #tpu.memory_space<hbm>>
    %dma_wait3A_98 = tpu.memref_squeeze %dma_wait3A_97 : memref<1x1x128xi32, #tpu.memory_space<hbm>> -> memref<128xi32, #tpu.memory_space<hbm>>
    tpu.wait_dma2 semaphore(%arg14 : memref<!tpu.dma_semaphore, #tpu.memory_space<semaphore_mem>>) src(%dma_wait3A_98 : memref<128xi32, #tpu.memory_space<hbm>>) dst(%dma_wait3A_95 : memref<128xi32, #tpu.memory_space<vmem>>)
    %dma_start3A_99 = arith.constant 1 : i32
    %dma_start3A_100 = arith.constant 1 : i32
    %dma_start3A_101 = arith.constant 0 : i32
    %dma_start3A_102 = arith.constant 0 : i32
    %dma_start3A_103 = tpu.memref_slice %arg9[%dma_start3A_100, %dma_start3A_101, %dma_start3A_102] : memref<2x128x128xf32, #tpu.memory_space<vmem>> -> memref<1x128x128xf32, #tpu.memory_space<vmem>>
    %dma_start3A_104 = tpu.memref_squeeze %dma_start3A_103 : memref<1x128x128xf32, #tpu.memory_space<vmem>> -> memref<128x128xf32, #tpu.memory_space<vmem>>
    %dma_start3A_105 = arith.constant 0 : i32
    %dma_start3A_106 = tpu.memref_slice %arg7[%dma_start3A_99, %dma_start3A_105] : memref<2x128xi32, #tpu.memory_space<vmem>> -> memref<1x128xi32, #tpu.memory_space<vmem>>
    %dma_start3A_107 = tpu.memref_squeeze %dma_start3A_106 : memref<1x128xi32, #tpu.memory_space<vmem>> -> memref<128xi32, #tpu.memory_space<vmem>>
    %dma_start3A_108 = arith.constant 0 : i32
    %dma_start3A_109 = arith.constant 0 : i32
    %dma_start3A_110 = tpu.memref_slice %arg2[%dma_start3A_108, %dma_start3A_109] : memref<10112x128xf32, #tpu.memory_space<hbm>> -> memref<10112x128xf32, #tpu.memory_space<hbm>>
    tpu.enqueue_indirect_dma source(%dma_start3A_110 : memref<10112x128xf32, #tpu.memory_space<hbm>>) target(%dma_start3A_104 : memref<128x128xf32, #tpu.memory_space<vmem>>) offsets(%dma_start3A_107 : memref<128xi32, #tpu.memory_space<vmem>>) semaphore(%arg12 : memref<!tpu.dma_semaphore, #tpu.memory_space<semaphore_mem>>)
    %sub3A = arith.constant 0 : i32
    %sub3A_111 = arith.subi %select_n3A, %sub3A : i32
    %sub3A_112 = arith.constant 2 : i32
    %sub3A_113 = arith.constant 1 : i32
    %sub3A_114 = arith.subi %sub3A_112, %sub3A_113 : i32
    %add3A_115 = arith.addi %sub3A_111, %sub3A_114 : i32
    %div3A = arith.constant 2 : i32
    %div3A_116 = arith.divsi %add3A_115, %div3A : i32
    %while3A = arith.constant 2 : i32
    %while3A_117 = arith.constant 0 : i32
    %while3A_118 = arith.constant 0 : i32
    %while3A_119 = arith.subi %div3A_116, %while3A_118 : i32
    %while3A_120 = arith.addi %while3A_118, %while3A_119 : i32
    %while3A_121 = arith.constant 1 : i32
    %while3A_122 = arith.divsi %while3A_119, %while3A_121 : i32
    %while3A_123 = arith.muli %while3A_122, %while3A_121 : i32
    %while3A_124 = arith.addi %while3A_118, %while3A_123 : i32
    %while3A_125 = arith.constant 1 : i32
    scf.for %while3A_132 = %while3A_118 to %while3A_124 step %while3A_125  : i32 {
      %mul3A_133 = arith.muli %while3A_132, %while3A : i32
      %add3A_134 = arith.addi %while3A_117, %mul3A_133 : i32
      %dma_wait3A_135 = arith.constant 0 : i32
      %dma_wait3A_136 = arith.constant 0 : i32
      %dma_wait3A_137 = arith.constant 0 : i32
      %dma_wait3A_138 = arith.constant 0 : i32
      %dma_wait3A_139 = tpu.memref_slice %arg9[%dma_wait3A_136, %dma_wait3A_137, %dma_wait3A_138] : memref<2x128x128xf32, #tpu.memory_space<vmem>> -> memref<1x128x128xf32, #tpu.memory_space<vmem>>
      %dma_wait3A_140 = tpu.memref_squeeze %dma_wait3A_139 : memref<1x128x128xf32, #tpu.memory_space<vmem>> -> memref<128x128xf32, #tpu.memory_space<vmem>>
      %dma_wait3A_141 = arith.constant 0 : i32
      %dma_wait3A_142 = tpu.memref_slice %arg7[%dma_wait3A_135, %dma_wait3A_141] : memref<2x128xi32, #tpu.memory_space<vmem>> -> memref<1x128xi32, #tpu.memory_space<vmem>>
      %dma_wait3A_143 = tpu.memref_squeeze %dma_wait3A_142 : memref<1x128xi32, #tpu.memory_space<vmem>> -> memref<128xi32, #tpu.memory_space<vmem>>
      %dma_wait3A_144 = arith.constant 0 : i32
      %dma_wait3A_145 = arith.constant 0 : i32
      %dma_wait3A_146 = tpu.memref_slice %arg2[%dma_wait3A_144, %dma_wait3A_145] : memref<10112x128xf32, #tpu.memory_space<hbm>> -> memref<10112x128xf32, #tpu.memory_space<hbm>>
      tpu.wait_indirect_dma semaphore(%arg11 : memref<!tpu.dma_semaphore, #tpu.memory_space<semaphore_mem>>) src(%dma_wait3A_146 : memref<10112x128xf32, #tpu.memory_space<hbm>>) dst(%dma_wait3A_140 : memref<128x128xf32, #tpu.memory_space<vmem>>)
      %add3A_147 = arith.constant 2 : i32
      %add3A_148 = arith.addi %add3A_134, %add3A_147 : i32
      %lt3A = arith.cmpi slt, %add3A_148, %select_n3A : i32
      %convert_element_type3A = arith.extui %lt3A : i1 to i32
      %cond3A = arith.constant 0 : i32
      %cond3A_149 = arith.cmpi ne, %convert_element_type3A, %cond3A : i32
      scf.if %cond3A_149 {
        %add3A_211 = arith.constant 2 : i32
        %add3A_212 = arith.addi %add3A_134, %add3A_211 : i32
        %dma_start3A_213 = arith.constant 0 : i32
        %dma_start3A_214 = arith.constant 0 : i32
        %dma_start3A_215 = tpu.memref_slice %arg7[%dma_start3A_213, %dma_start3A_214] : memref<2x128xi32, #tpu.memory_space<vmem>> -> memref<1x128xi32, #tpu.memory_space<vmem>>
        %dma_start3A_216 = tpu.memref_squeeze %dma_start3A_215 : memref<1x128xi32, #tpu.memory_space<vmem>> -> memref<128xi32, #tpu.memory_space<vmem>>
        %dma_start3A_217 = arith.constant 0 : i32
        %dma_start3A_218 = tpu.memref_slice %arg3[%add3A, %add3A_212, %dma_start3A_217] : memref<32x120x128xi32, #tpu.memory_space<hbm>> -> memref<1x1x128xi32, #tpu.memory_space<hbm>>
        %dma_start3A_219 = tpu.memref_squeeze %dma_start3A_218 : memref<1x1x128xi32, #tpu.memory_space<hbm>> -> memref<128xi32, #tpu.memory_space<hbm>>
        %dma_start3A_220 = arith.constant 0 : i32
        %dma_start3A_221 = tpu.memref_slice %arg7[%dma_start3A_213, %dma_start3A_220] : memref<2x128xi32, #tpu.memory_space<vmem>> -> memref<1x128xi32, #tpu.memory_space<vmem>>
        %dma_start3A_222 = tpu.memref_squeeze %dma_start3A_221 : memref<1x128xi32, #tpu.memory_space<vmem>> -> memref<128xi32, #tpu.memory_space<vmem>>
        %dma_start3A_223 = arith.constant 0 : i32
        %dma_start3A_224 = tpu.memref_slice %arg3[%add3A, %add3A_212, %dma_start3A_223] : memref<32x120x128xi32, #tpu.memory_space<hbm>> -> memref<1x1x128xi32, #tpu.memory_space<hbm>>
        %dma_start3A_225 = tpu.memref_squeeze %dma_start3A_224 : memref<1x1x128xi32, #tpu.memory_space<hbm>> -> memref<128xi32, #tpu.memory_space<hbm>>
        tpu.enqueue_dma source(%dma_start3A_225 : memref<128xi32, #tpu.memory_space<hbm>>) target(%dma_start3A_222 : memref<128xi32, #tpu.memory_space<vmem>>) target_semaphore(%arg13 : memref<!tpu.dma_semaphore, #tpu.memory_space<semaphore_mem>>)
      } else {
      }
      %dma_wait3A_150 = arith.constant 0 : i32
      %dma_wait3A_151 = arith.constant 0 : i32
      %dma_wait3A_152 = arith.constant 0 : i32
      %dma_wait3A_153 = tpu.memref_slice %arg8[%dma_wait3A_151, %dma_wait3A_152] : memref<2x128xi32, #tpu.memory_space<vmem>> -> memref<1x128xi32, #tpu.memory_space<vmem>>
      %dma_wait3A_154 = tpu.memref_squeeze %dma_wait3A_153 : memref<1x128xi32, #tpu.memory_space<vmem>> -> memref<128xi32, #tpu.memory_space<vmem>>
      %dma_wait3A_155 = arith.constant 0 : i32
      %dma_wait3A_156 = tpu.memref_slice %arg4[%add3A, %dma_wait3A_150, %dma_wait3A_155] : memref<32x120x128xi32, #tpu.memory_space<hbm>> -> memref<1x1x128xi32, #tpu.memory_space<hbm>>
      %dma_wait3A_157 = tpu.memref_squeeze %dma_wait3A_156 : memref<1x1x128xi32, #tpu.memory_space<hbm>> -> memref<128xi32, #tpu.memory_space<hbm>>
      %dma_wait3A_158 = arith.constant 0 : i32
      %dma_wait3A_159 = tpu.memref_slice %arg8[%dma_wait3A_151, %dma_wait3A_158] : memref<2x128xi32, #tpu.memory_space<vmem>> -> memref<1x128xi32, #tpu.memory_space<vmem>>
      %dma_wait3A_160 = tpu.memref_squeeze %dma_wait3A_159 : memref<1x128xi32, #tpu.memory_space<vmem>> -> memref<128xi32, #tpu.memory_space<vmem>>
      %dma_wait3A_161 = arith.constant 0 : i32
      %dma_wait3A_162 = tpu.memref_slice %arg4[%add3A, %dma_wait3A_150, %dma_wait3A_161] : memref<32x120x128xi32, #tpu.memory_space<hbm>> -> memref<1x1x128xi32, #tpu.memory_space<hbm>>
      %dma_wait3A_163 = tpu.memref_squeeze %dma_wait3A_162 : memref<1x1x128xi32, #tpu.memory_space<hbm>> -> memref<128xi32, #tpu.memory_space<hbm>>
      tpu.wait_dma2 semaphore(%arg15 : memref<!tpu.dma_semaphore, #tpu.memory_space<semaphore_mem>>) src(%dma_wait3A_163 : memref<128xi32, #tpu.memory_space<hbm>>) dst(%dma_wait3A_160 : memref<128xi32, #tpu.memory_space<vmem>>)
      %run_scoped3A = arith.constant 0 : i32
      %run_scoped3A_164 = arith.constant 0 : i32
      "tpu.region"() ({
        %run_scoped3A_211 = tpu.sem_alloc : memref<!tpu.dma_semaphore, #tpu.memory_space<semaphore_mem>>
        %dma_start3A_212 = arith.constant 0 : i32
        %dma_start3A_213 = arith.constant 0 : i32
        %dma_start3A_214 = tpu.memref_slice %arg9[%run_scoped3A, %dma_start3A_212, %dma_start3A_213] : memref<2x128x128xf32, #tpu.memory_space<vmem>> -> memref<1x128x128xf32, #tpu.memory_space<vmem>>
        %dma_start3A_215 = tpu.memref_squeeze %dma_start3A_214 : memref<1x128x128xf32, #tpu.memory_space<vmem>> -> memref<128x128xf32, #tpu.memory_space<vmem>>
        %dma_start3A_216 = arith.constant 0 : i32
        %dma_start3A_217 = tpu.memref_slice %arg8[%run_scoped3A_164, %dma_start3A_216] : memref<2x128xi32, #tpu.memory_space<vmem>> -> memref<1x128xi32, #tpu.memory_space<vmem>>
        %dma_start3A_218 = tpu.memref_squeeze %dma_start3A_217 : memref<1x128xi32, #tpu.memory_space<vmem>> -> memref<128xi32, #tpu.memory_space<vmem>>
        %dma_start3A_219 = arith.constant 0 : i32
        %dma_start3A_220 = arith.constant 0 : i32
        %dma_start3A_221 = tpu.memref_slice %arg10[%dma_start3A_219, %dma_start3A_220] : memref<10112x128xf32, #tpu.memory_space<vmem_shared>> -> memref<10112x128xf32, #tpu.memory_space<vmem_shared>>
        tpu.enqueue_indirect_dma source(%dma_start3A_215 : memref<128x128xf32, #tpu.memory_space<vmem>>) target(%dma_start3A_221 : memref<10112x128xf32, #tpu.memory_space<vmem_shared>>) offsets(%dma_start3A_218 : memref<128xi32, #tpu.memory_space<vmem>>) semaphore(%run_scoped3A_211 : memref<!tpu.dma_semaphore, #tpu.memory_space<semaphore_mem>>) {add = true}
        %dma_wait3A_222 = arith.constant 0 : i32
        %dma_wait3A_223 = arith.constant 0 : i32
        %dma_wait3A_224 = tpu.memref_slice %arg9[%run_scoped3A, %dma_wait3A_222, %dma_wait3A_223] : memref<2x128x128xf32, #tpu.memory_space<vmem>> -> memref<1x128x128xf32, #tpu.memory_space<vmem>>
        %dma_wait3A_225 = tpu.memref_squeeze %dma_wait3A_224 : memref<1x128x128xf32, #tpu.memory_space<vmem>> -> memref<128x128xf32, #tpu.memory_space<vmem>>
        %dma_wait3A_226 = arith.constant 0 : i32
        %dma_wait3A_227 = tpu.memref_slice %arg8[%run_scoped3A_164, %dma_wait3A_226] : memref<2x128xi32, #tpu.memory_space<vmem>> -> memref<1x128xi32, #tpu.memory_space<vmem>>
        %dma_wait3A_228 = tpu.memref_squeeze %dma_wait3A_227 : memref<1x128xi32, #tpu.memory_space<vmem>> -> memref<128xi32, #tpu.memory_space<vmem>>
        %dma_wait3A_229 = arith.constant 0 : i32
        %dma_wait3A_230 = arith.constant 0 : i32
        %dma_wait3A_231 = tpu.memref_slice %arg10[%dma_wait3A_229, %dma_wait3A_230] : memref<10112x128xf32, #tpu.memory_space<vmem_shared>> -> memref<10112x128xf32, #tpu.memory_space<vmem_shared>>
        tpu.wait_indirect_dma semaphore(%run_scoped3A_211 : memref<!tpu.dma_semaphore, #tpu.memory_space<semaphore_mem>>) src(%dma_wait3A_225 : memref<128x128xf32, #tpu.memory_space<vmem>>) dst(%dma_wait3A_231 : memref<10112x128xf32, #tpu.memory_space<vmem_shared>>)
        tpu.yield
      }) : () -> ()
      %add3A_165 = arith.constant 2 : i32
      %add3A_166 = arith.addi %add3A_134, %add3A_165 : i32
      %lt3A_167 = arith.cmpi slt, %add3A_166, %select_n3A : i32
      %convert_element_type3A_168 = arith.extui %lt3A_167 : i1 to i32
      %cond3A_169 = arith.constant 0 : i32
      %cond3A_170 = arith.cmpi ne, %convert_element_type3A_168, %cond3A_169 : i32
      scf.if %cond3A_170 {
        %add3A_211 = arith.constant 2 : i32
        %add3A_212 = arith.addi %add3A_134, %add3A_211 : i32
        %dma_start3A_213 = arith.constant 0 : i32
        %dma_start3A_214 = arith.constant 0 : i32
        %dma_start3A_215 = tpu.memref_slice %arg8[%dma_start3A_213, %dma_start3A_214] : memref<2x128xi32, #tpu.memory_space<vmem>> -> memref<1x128xi32, #tpu.memory_space<vmem>>
        %dma_start3A_216 = tpu.memref_squeeze %dma_start3A_215 : memref<1x128xi32, #tpu.memory_space<vmem>> -> memref<128xi32, #tpu.memory_space<vmem>>
        %dma_start3A_217 = arith.constant 0 : i32
        %dma_start3A_218 = tpu.memref_slice %arg4[%add3A, %add3A_212, %dma_start3A_217] : memref<32x120x128xi32, #tpu.memory_space<hbm>> -> memref<1x1x128xi32, #tpu.memory_space<hbm>>
        %dma_start3A_219 = tpu.memref_squeeze %dma_start3A_218 : memref<1x1x128xi32, #tpu.memory_space<hbm>> -> memref<128xi32, #tpu.memory_space<hbm>>
        %dma_start3A_220 = arith.constant 0 : i32
        %dma_start3A_221 = tpu.memref_slice %arg8[%dma_start3A_213, %dma_start3A_220] : memref<2x128xi32, #tpu.memory_space<vmem>> -> memref<1x128xi32, #tpu.memory_space<vmem>>
        %dma_start3A_222 = tpu.memref_squeeze %dma_start3A_221 : memref<1x128xi32, #tpu.memory_space<vmem>> -> memref<128xi32, #tpu.memory_space<vmem>>
        %dma_start3A_223 = arith.constant 0 : i32
        %dma_start3A_224 = tpu.memref_slice %arg4[%add3A, %add3A_212, %dma_start3A_223] : memref<32x120x128xi32, #tpu.memory_space<hbm>> -> memref<1x1x128xi32, #tpu.memory_space<hbm>>
        %dma_start3A_225 = tpu.memref_squeeze %dma_start3A_224 : memref<1x1x128xi32, #tpu.memory_space<hbm>> -> memref<128xi32, #tpu.memory_space<hbm>>
        tpu.enqueue_dma source(%dma_start3A_225 : memref<128xi32, #tpu.memory_space<hbm>>) target(%dma_start3A_222 : memref<128xi32, #tpu.memory_space<vmem>>) target_semaphore(%arg15 : memref<!tpu.dma_semaphore, #tpu.memory_space<semaphore_mem>>)
        %dma_wait3A_226 = arith.constant 0 : i32
        %dma_wait3A_227 = arith.constant 0 : i32
        %dma_wait3A_228 = arith.constant 0 : i32
        %dma_wait3A_229 = tpu.memref_slice %arg7[%dma_wait3A_227, %dma_wait3A_228] : memref<2x128xi32, #tpu.memory_space<vmem>> -> memref<1x128xi32, #tpu.memory_space<vmem>>
        %dma_wait3A_230 = tpu.memref_squeeze %dma_wait3A_229 : memref<1x128xi32, #tpu.memory_space<vmem>> -> memref<128xi32, #tpu.memory_space<vmem>>
        %dma_wait3A_231 = arith.constant 0 : i32
        %dma_wait3A_232 = tpu.memref_slice %arg3[%add3A, %dma_wait3A_226, %dma_wait3A_231] : memref<32x120x128xi32, #tpu.memory_space<hbm>> -> memref<1x1x128xi32, #tpu.memory_space<hbm>>
        %dma_wait3A_233 = tpu.memref_squeeze %dma_wait3A_232 : memref<1x1x128xi32, #tpu.memory_space<hbm>> -> memref<128xi32, #tpu.memory_space<hbm>>
        %dma_wait3A_234 = arith.constant 0 : i32
        %dma_wait3A_235 = tpu.memref_slice %arg7[%dma_wait3A_227, %dma_wait3A_234] : memref<2x128xi32, #tpu.memory_space<vmem>> -> memref<1x128xi32, #tpu.memory_space<vmem>>
        %dma_wait3A_236 = tpu.memref_squeeze %dma_wait3A_235 : memref<1x128xi32, #tpu.memory_space<vmem>> -> memref<128xi32, #tpu.memory_space<vmem>>
        %dma_wait3A_237 = arith.constant 0 : i32
        %dma_wait3A_238 = tpu.memref_slice %arg3[%add3A, %dma_wait3A_226, %dma_wait3A_237] : memref<32x120x128xi32, #tpu.memory_space<hbm>> -> memref<1x1x128xi32, #tpu.memory_space<hbm>>
        %dma_wait3A_239 = tpu.memref_squeeze %dma_wait3A_238 : memref<1x1x128xi32, #tpu.memory_space<hbm>> -> memref<128xi32, #tpu.memory_space<hbm>>
        tpu.wait_dma2 semaphore(%arg13 : memref<!tpu.dma_semaphore, #tpu.memory_space<semaphore_mem>>) src(%dma_wait3A_239 : memref<128xi32, #tpu.memory_space<hbm>>) dst(%dma_wait3A_236 : memref<128xi32, #tpu.memory_space<vmem>>)
        %dma_start3A_240 = arith.constant 0 : i32
        %dma_start3A_241 = arith.constant 0 : i32
        %dma_start3A_242 = arith.constant 0 : i32
        %dma_start3A_243 = arith.constant 0 : i32
        %dma_start3A_244 = tpu.memref_slice %arg9[%dma_start3A_241, %dma_start3A_242, %dma_start3A_243] : memref<2x128x128xf32, #tpu.memory_space<vmem>> -> memref<1x128x128xf32, #tpu.memory_space<vmem>>
        %dma_start3A_245 = tpu.memref_squeeze %dma_start3A_244 : memref<1x128x128xf32, #tpu.memory_space<vmem>> -> memref<128x128xf32, #tpu.memory_space<vmem>>
        %dma_start3A_246 = arith.constant 0 : i32
        %dma_start3A_247 = tpu.memref_slice %arg7[%dma_start3A_240, %dma_start3A_246] : memref<2x128xi32, #tpu.memory_space<vmem>> -> memref<1x128xi32, #tpu.memory_space<vmem>>
        %dma_start3A_248 = tpu.memref_squeeze %dma_start3A_247 : memref<1x128xi32, #tpu.memory_space<vmem>> -> memref<128xi32, #tpu.memory_space<vmem>>
        %dma_start3A_249 = arith.constant 0 : i32
        %dma_start3A_250 = arith.constant 0 : i32
        %dma_start3A_251 = tpu.memref_slice %arg2[%dma_start3A_249, %dma_start3A_250] : memref<10112x128xf32, #tpu.memory_space<hbm>> -> memref<10112x128xf32, #tpu.memory_space<hbm>>
        tpu.enqueue_indirect_dma source(%dma_start3A_251 : memref<10112x128xf32, #tpu.memory_space<hbm>>) target(%dma_start3A_245 : memref<128x128xf32, #tpu.memory_space<vmem>>) offsets(%dma_start3A_248 : memref<128xi32, #tpu.memory_space<vmem>>) semaphore(%arg11 : memref<!tpu.dma_semaphore, #tpu.memory_space<semaphore_mem>>)
      } else {
      }
      %dma_wait3A_171 = arith.constant 1 : i32
      %dma_wait3A_172 = arith.constant 1 : i32
      %dma_wait3A_173 = arith.constant 0 : i32
      %dma_wait3A_174 = arith.constant 0 : i32
      %dma_wait3A_175 = tpu.memref_slice %arg9[%dma_wait3A_172, %dma_wait3A_173, %dma_wait3A_174] : memref<2x128x128xf32, #tpu.memory_space<vmem>> -> memref<1x128x128xf32, #tpu.memory_space<vmem>>
      %dma_wait3A_176 = tpu.memref_squeeze %dma_wait3A_175 : memref<1x128x128xf32, #tpu.memory_space<vmem>> -> memref<128x128xf32, #tpu.memory_space<vmem>>
      %dma_wait3A_177 = arith.constant 0 : i32
      %dma_wait3A_178 = tpu.memref_slice %arg7[%dma_wait3A_171, %dma_wait3A_177] : memref<2x128xi32, #tpu.memory_space<vmem>> -> memref<1x128xi32, #tpu.memory_space<vmem>>
      %dma_wait3A_179 = tpu.memref_squeeze %dma_wait3A_178 : memref<1x128xi32, #tpu.memory_space<vmem>> -> memref<128xi32, #tpu.memory_space<vmem>>
      %dma_wait3A_180 = arith.constant 0 : i32
      %dma_wait3A_181 = arith.constant 0 : i32
      %dma_wait3A_182 = tpu.memref_slice %arg2[%dma_wait3A_180, %dma_wait3A_181] : memref<10112x128xf32, #tpu.memory_space<hbm>> -> memref<10112x128xf32, #tpu.memory_space<hbm>>
      tpu.wait_indirect_dma semaphore(%arg12 : memref<!tpu.dma_semaphore, #tpu.memory_space<semaphore_mem>>) src(%dma_wait3A_182 : memref<10112x128xf32, #tpu.memory_space<hbm>>) dst(%dma_wait3A_176 : memref<128x128xf32, #tpu.memory_space<vmem>>)
      %add3A_183 = arith.constant 3 : i32
      %add3A_184 = arith.addi %add3A_134, %add3A_183 : i32
      %lt3A_185 = arith.cmpi slt, %add3A_184, %select_n3A : i32
      %convert_element_type3A_186 = arith.extui %lt3A_185 : i1 to i32
      %cond3A_187 = arith.constant 0 : i32
      %cond3A_188 = arith.cmpi ne, %convert_element_type3A_186, %cond3A_187 : i32
      scf.if %cond3A_188 {
        %add3A_211 = arith.constant 3 : i32
        %add3A_212 = arith.addi %add3A_134, %add3A_211 : i32
        %dma_start3A_213 = arith.constant 1 : i32
        %dma_start3A_214 = arith.constant 0 : i32
        %dma_start3A_215 = tpu.memref_slice %arg7[%dma_start3A_213, %dma_start3A_214] : memref<2x128xi32, #tpu.memory_space<vmem>> -> memref<1x128xi32, #tpu.memory_space<vmem>>
        %dma_start3A_216 = tpu.memref_squeeze %dma_start3A_215 : memref<1x128xi32, #tpu.memory_space<vmem>> -> memref<128xi32, #tpu.memory_space<vmem>>
        %dma_start3A_217 = arith.constant 0 : i32
        %dma_start3A_218 = tpu.memref_slice %arg3[%add3A, %add3A_212, %dma_start3A_217] : memref<32x120x128xi32, #tpu.memory_space<hbm>> -> memref<1x1x128xi32, #tpu.memory_space<hbm>>
        %dma_start3A_219 = tpu.memref_squeeze %dma_start3A_218 : memref<1x1x128xi32, #tpu.memory_space<hbm>> -> memref<128xi32, #tpu.memory_space<hbm>>
        %dma_start3A_220 = arith.constant 0 : i32
        %dma_start3A_221 = tpu.memref_slice %arg7[%dma_start3A_213, %dma_start3A_220] : memref<2x128xi32, #tpu.memory_space<vmem>> -> memref<1x128xi32, #tpu.memory_space<vmem>>
        %dma_start3A_222 = tpu.memref_squeeze %dma_start3A_221 : memref<1x128xi32, #tpu.memory_space<vmem>> -> memref<128xi32, #tpu.memory_space<vmem>>
        %dma_start3A_223 = arith.constant 0 : i32
        %dma_start3A_224 = tpu.memref_slice %arg3[%add3A, %add3A_212, %dma_start3A_223] : memref<32x120x128xi32, #tpu.memory_space<hbm>> -> memref<1x1x128xi32, #tpu.memory_space<hbm>>
        %dma_start3A_225 = tpu.memref_squeeze %dma_start3A_224 : memref<1x1x128xi32, #tpu.memory_space<hbm>> -> memref<128xi32, #tpu.memory_space<hbm>>
        tpu.enqueue_dma source(%dma_start3A_225 : memref<128xi32, #tpu.memory_space<hbm>>) target(%dma_start3A_222 : memref<128xi32, #tpu.memory_space<vmem>>) target_semaphore(%arg14 : memref<!tpu.dma_semaphore, #tpu.memory_space<semaphore_mem>>)
      } else {
      }
      %dma_wait3A_189 = arith.constant 0 : i32
      %dma_wait3A_190 = arith.constant 1 : i32
      %dma_wait3A_191 = arith.constant 0 : i32
      %dma_wait3A_192 = tpu.memref_slice %arg8[%dma_wait3A_190, %dma_wait3A_191] : memref<2x128xi32, #tpu.memory_space<vmem>> -> memref<1x128xi32, #tpu.memory_space<vmem>>
      %dma_wait3A_193 = tpu.memref_squeeze %dma_wait3A_192 : memref<1x128xi32, #tpu.memory_space<vmem>> -> memref<128xi32, #tpu.memory_space<vmem>>
      %dma_wait3A_194 = arith.constant 0 : i32
      %dma_wait3A_195 = tpu.memref_slice %arg4[%add3A, %dma_wait3A_189, %dma_wait3A_194] : memref<32x120x128xi32, #tpu.memory_space<hbm>> -> memref<1x1x128xi32, #tpu.memory_space<hbm>>
      %dma_wait3A_196 = tpu.memref_squeeze %dma_wait3A_195 : memref<1x1x128xi32, #tpu.memory_space<hbm>> -> memref<128xi32, #tpu.memory_space<hbm>>
      %dma_wait3A_197 = arith.constant 0 : i32
      %dma_wait3A_198 = tpu.memref_slice %arg8[%dma_wait3A_190, %dma_wait3A_197] : memref<2x128xi32, #tpu.memory_space<vmem>> -> memref<1x128xi32, #tpu.memory_space<vmem>>
      %dma_wait3A_199 = tpu.memref_squeeze %dma_wait3A_198 : memref<1x128xi32, #tpu.memory_space<vmem>> -> memref<128xi32, #tpu.memory_space<vmem>>
      %dma_wait3A_200 = arith.constant 0 : i32
      %dma_wait3A_201 = tpu.memref_slice %arg4[%add3A, %dma_wait3A_189, %dma_wait3A_200] : memref<32x120x128xi32, #tpu.memory_space<hbm>> -> memref<1x1x128xi32, #tpu.memory_space<hbm>>
      %dma_wait3A_202 = tpu.memref_squeeze %dma_wait3A_201 : memref<1x1x128xi32, #tpu.memory_space<hbm>> -> memref<128xi32, #tpu.memory_space<hbm>>
      tpu.wait_dma2 semaphore(%arg16 : memref<!tpu.dma_semaphore, #tpu.memory_space<semaphore_mem>>) src(%dma_wait3A_202 : memref<128xi32, #tpu.memory_space<hbm>>) dst(%dma_wait3A_199 : memref<128xi32, #tpu.memory_space<vmem>>)
      %run_scoped3A_203 = arith.constant 1 : i32
      %run_scoped3A_204 = arith.constant 1 : i32
      "tpu.region"() ({
        %run_scoped3A_211 = tpu.sem_alloc : memref<!tpu.dma_semaphore, #tpu.memory_space<semaphore_mem>>
        %dma_start3A_212 = arith.constant 0 : i32
        %dma_start3A_213 = arith.constant 0 : i32
        %dma_start3A_214 = tpu.memref_slice %arg9[%run_scoped3A_203, %dma_start3A_212, %dma_start3A_213] : memref<2x128x128xf32, #tpu.memory_space<vmem>> -> memref<1x128x128xf32, #tpu.memory_space<vmem>>
        %dma_start3A_215 = tpu.memref_squeeze %dma_start3A_214 : memref<1x128x128xf32, #tpu.memory_space<vmem>> -> memref<128x128xf32, #tpu.memory_space<vmem>>
        %dma_start3A_216 = arith.constant 0 : i32
        %dma_start3A_217 = tpu.memref_slice %arg8[%run_scoped3A_204, %dma_start3A_216] : memref<2x128xi32, #tpu.memory_space<vmem>> -> memref<1x128xi32, #tpu.memory_space<vmem>>
        %dma_start3A_218 = tpu.memref_squeeze %dma_start3A_217 : memref<1x128xi32, #tpu.memory_space<vmem>> -> memref<128xi32, #tpu.memory_space<vmem>>
        %dma_start3A_219 = arith.constant 0 : i32
        %dma_start3A_220 = arith.constant 0 : i32
        %dma_start3A_221 = tpu.memref_slice %arg10[%dma_start3A_219, %dma_start3A_220] : memref<10112x128xf32, #tpu.memory_space<vmem_shared>> -> memref<10112x128xf32, #tpu.memory_space<vmem_shared>>
        tpu.enqueue_indirect_dma source(%dma_start3A_215 : memref<128x128xf32, #tpu.memory_space<vmem>>) target(%dma_start3A_221 : memref<10112x128xf32, #tpu.memory_space<vmem_shared>>) offsets(%dma_start3A_218 : memref<128xi32, #tpu.memory_space<vmem>>) semaphore(%run_scoped3A_211 : memref<!tpu.dma_semaphore, #tpu.memory_space<semaphore_mem>>) {add = true}
        %dma_wait3A_222 = arith.constant 0 : i32
        %dma_wait3A_223 = arith.constant 0 : i32
        %dma_wait3A_224 = tpu.memref_slice %arg9[%run_scoped3A_203, %dma_wait3A_222, %dma_wait3A_223] : memref<2x128x128xf32, #tpu.memory_space<vmem>> -> memref<1x128x128xf32, #tpu.memory_space<vmem>>
        %dma_wait3A_225 = tpu.memref_squeeze %dma_wait3A_224 : memref<1x128x128xf32, #tpu.memory_space<vmem>> -> memref<128x128xf32, #tpu.memory_space<vmem>>
        %dma_wait3A_226 = arith.constant 0 : i32
        %dma_wait3A_227 = tpu.memref_slice %arg8[%run_scoped3A_204, %dma_wait3A_226] : memref<2x128xi32, #tpu.memory_space<vmem>> -> memref<1x128xi32, #tpu.memory_space<vmem>>
        %dma_wait3A_228 = tpu.memref_squeeze %dma_wait3A_227 : memref<1x128xi32, #tpu.memory_space<vmem>> -> memref<128xi32, #tpu.memory_space<vmem>>
        %dma_wait3A_229 = arith.constant 0 : i32
        %dma_wait3A_230 = arith.constant 0 : i32
        %dma_wait3A_231 = tpu.memref_slice %arg10[%dma_wait3A_229, %dma_wait3A_230] : memref<10112x128xf32, #tpu.memory_space<vmem_shared>> -> memref<10112x128xf32, #tpu.memory_space<vmem_shared>>
        tpu.wait_indirect_dma semaphore(%run_scoped3A_211 : memref<!tpu.dma_semaphore, #tpu.memory_space<semaphore_mem>>) src(%dma_wait3A_225 : memref<128x128xf32, #tpu.memory_space<vmem>>) dst(%dma_wait3A_231 : memref<10112x128xf32, #tpu.memory_space<vmem_shared>>)
        tpu.yield
      }) : () -> ()
      %add3A_205 = arith.constant 3 : i32
      %add3A_206 = arith.addi %add3A_134, %add3A_205 : i32
      %lt3A_207 = arith.cmpi slt, %add3A_206, %select_n3A : i32
      %convert_element_type3A_208 = arith.extui %lt3A_207 : i1 to i32
      %cond3A_209 = arith.constant 0 : i32
      %cond3A_210 = arith.cmpi ne, %convert_element_type3A_208, %cond3A_209 : i32
      scf.if %cond3A_210 {
        %add3A_211 = arith.constant 3 : i32
        %add3A_212 = arith.addi %add3A_134, %add3A_211 : i32
        %dma_start3A_213 = arith.constant 1 : i32
        %dma_start3A_214 = arith.constant 0 : i32
        %dma_start3A_215 = tpu.memref_slice %arg8[%dma_start3A_213, %dma_start3A_214] : memref<2x128xi32, #tpu.memory_space<vmem>> -> memref<1x128xi32, #tpu.memory_space<vmem>>
        %dma_start3A_216 = tpu.memref_squeeze %dma_start3A_215 : memref<1x128xi32, #tpu.memory_space<vmem>> -> memref<128xi32, #tpu.memory_space<vmem>>
        %dma_start3A_217 = arith.constant 0 : i32
        %dma_start3A_218 = tpu.memref_slice %arg4[%add3A, %add3A_212, %dma_start3A_217] : memref<32x120x128xi32, #tpu.memory_space<hbm>> -> memref<1x1x128xi32, #tpu.memory_space<hbm>>
        %dma_start3A_219 = tpu.memref_squeeze %dma_start3A_218 : memref<1x1x128xi32, #tpu.memory_space<hbm>> -> memref<128xi32, #tpu.memory_space<hbm>>
        %dma_start3A_220 = arith.constant 0 : i32
        %dma_start3A_221 = tpu.memref_slice %arg8[%dma_start3A_213, %dma_start3A_220] : memref<2x128xi32, #tpu.memory_space<vmem>> -> memref<1x128xi32, #tpu.memory_space<vmem>>
        %dma_start3A_222 = tpu.memref_squeeze %dma_start3A_221 : memref<1x128xi32, #tpu.memory_space<vmem>> -> memref<128xi32, #tpu.memory_space<vmem>>
        %dma_start3A_223 = arith.constant 0 : i32
        %dma_start3A_224 = tpu.memref_slice %arg4[%add3A, %add3A_212, %dma_start3A_223] : memref<32x120x128xi32, #tpu.memory_space<hbm>> -> memref<1x1x128xi32, #tpu.memory_space<hbm>>
        %dma_start3A_225 = tpu.memref_squeeze %dma_start3A_224 : memref<1x1x128xi32, #tpu.memory_space<hbm>> -> memref<128xi32, #tpu.memory_space<hbm>>
        tpu.enqueue_dma source(%dma_start3A_225 : memref<128xi32, #tpu.memory_space<hbm>>) target(%dma_start3A_222 : memref<128xi32, #tpu.memory_space<vmem>>) target_semaphore(%arg16 : memref<!tpu.dma_semaphore, #tpu.memory_space<semaphore_mem>>)
        %dma_wait3A_226 = arith.constant 0 : i32
        %dma_wait3A_227 = arith.constant 1 : i32
        %dma_wait3A_228 = arith.constant 0 : i32
        %dma_wait3A_229 = tpu.memref_slice %arg7[%dma_wait3A_227, %dma_wait3A_228] : memref<2x128xi32, #tpu.memory_space<vmem>> -> memref<1x128xi32, #tpu.memory_space<vmem>>
        %dma_wait3A_230 = tpu.memref_squeeze %dma_wait3A_229 : memref<1x128xi32, #tpu.memory_space<vmem>> -> memref<128xi32, #tpu.memory_space<vmem>>
        %dma_wait3A_231 = arith.constant 0 : i32
        %dma_wait3A_232 = tpu.memref_slice %arg3[%add3A, %dma_wait3A_226, %dma_wait3A_231] : memref<32x120x128xi32, #tpu.memory_space<hbm>> -> memref<1x1x128xi32, #tpu.memory_space<hbm>>
        %dma_wait3A_233 = tpu.memref_squeeze %dma_wait3A_232 : memref<1x1x128xi32, #tpu.memory_space<hbm>> -> memref<128xi32, #tpu.memory_space<hbm>>
        %dma_wait3A_234 = arith.constant 0 : i32
        %dma_wait3A_235 = tpu.memref_slice %arg7[%dma_wait3A_227, %dma_wait3A_234] : memref<2x128xi32, #tpu.memory_space<vmem>> -> memref<1x128xi32, #tpu.memory_space<vmem>>
        %dma_wait3A_236 = tpu.memref_squeeze %dma_wait3A_235 : memref<1x128xi32, #tpu.memory_space<vmem>> -> memref<128xi32, #tpu.memory_space<vmem>>
        %dma_wait3A_237 = arith.constant 0 : i32
        %dma_wait3A_238 = tpu.memref_slice %arg3[%add3A, %dma_wait3A_226, %dma_wait3A_237] : memref<32x120x128xi32, #tpu.memory_space<hbm>> -> memref<1x1x128xi32, #tpu.memory_space<hbm>>
        %dma_wait3A_239 = tpu.memref_squeeze %dma_wait3A_238 : memref<1x1x128xi32, #tpu.memory_space<hbm>> -> memref<128xi32, #tpu.memory_space<hbm>>
        tpu.wait_dma2 semaphore(%arg14 : memref<!tpu.dma_semaphore, #tpu.memory_space<semaphore_mem>>) src(%dma_wait3A_239 : memref<128xi32, #tpu.memory_space<hbm>>) dst(%dma_wait3A_236 : memref<128xi32, #tpu.memory_space<vmem>>)
        %dma_start3A_240 = arith.constant 1 : i32
        %dma_start3A_241 = arith.constant 1 : i32
        %dma_start3A_242 = arith.constant 0 : i32
        %dma_start3A_243 = arith.constant 0 : i32
        %dma_start3A_244 = tpu.memref_slice %arg9[%dma_start3A_241, %dma_start3A_242, %dma_start3A_243] : memref<2x128x128xf32, #tpu.memory_space<vmem>> -> memref<1x128x128xf32, #tpu.memory_space<vmem>>
        %dma_start3A_245 = tpu.memref_squeeze %dma_start3A_244 : memref<1x128x128xf32, #tpu.memory_space<vmem>> -> memref<128x128xf32, #tpu.memory_space<vmem>>
        %dma_start3A_246 = arith.constant 0 : i32
        %dma_start3A_247 = tpu.memref_slice %arg7[%dma_start3A_240, %dma_start3A_246] : memref<2x128xi32, #tpu.memory_space<vmem>> -> memref<1x128xi32, #tpu.memory_space<vmem>>
        %dma_start3A_248 = tpu.memref_squeeze %dma_start3A_247 : memref<1x128xi32, #tpu.memory_space<vmem>> -> memref<128xi32, #tpu.memory_space<vmem>>
        %dma_start3A_249 = arith.constant 0 : i32
        %dma_start3A_250 = arith.constant 0 : i32
        %dma_start3A_251 = tpu.memref_slice %arg2[%dma_start3A_249, %dma_start3A_250] : memref<10112x128xf32, #tpu.memory_space<hbm>> -> memref<10112x128xf32, #tpu.memory_space<hbm>>
        tpu.enqueue_indirect_dma source(%dma_start3A_251 : memref<10112x128xf32, #tpu.memory_space<hbm>>) target(%dma_start3A_245 : memref<128x128xf32, #tpu.memory_space<vmem>>) offsets(%dma_start3A_248 : memref<128xi32, #tpu.memory_space<vmem>>) semaphore(%arg12 : memref<!tpu.dma_semaphore, #tpu.memory_space<semaphore_mem>>)
      } else {
      }
    }
    %while3A_126 = arith.constant 1 : i32
    scf.for %while3A_132 = %while3A_124 to %while3A_120 step %while3A_126  : i32 {
      %mul3A_133 = arith.muli %while3A_132, %while3A : i32
      %add3A_134 = arith.addi %while3A_117, %mul3A_133 : i32
      %dma_wait3A_135 = arith.constant 0 : i32
      %dma_wait3A_136 = arith.constant 0 : i32
      %dma_wait3A_137 = arith.constant 0 : i32
      %dma_wait3A_138 = arith.constant 0 : i32
      %dma_wait3A_139 = tpu.memref_slice %arg9[%dma_wait3A_136, %dma_wait3A_137, %dma_wait3A_138] : memref<2x128x128xf32, #tpu.memory_space<vmem>> -> memref<1x128x128xf32, #tpu.memory_space<vmem>>
      %dma_wait3A_140 = tpu.memref_squeeze %dma_wait3A_139 : memref<1x128x128xf32, #tpu.memory_space<vmem>> -> memref<128x128xf32, #tpu.memory_space<vmem>>
      %dma_wait3A_141 = arith.constant 0 : i32
      %dma_wait3A_142 = tpu.memref_slice %arg7[%dma_wait3A_135, %dma_wait3A_141] : memref<2x128xi32, #tpu.memory_space<vmem>> -> memref<1x128xi32, #tpu.memory_space<vmem>>
      %dma_wait3A_143 = tpu.memref_squeeze %dma_wait3A_142 : memref<1x128xi32, #tpu.memory_space<vmem>> -> memref<128xi32, #tpu.memory_space<vmem>>
      %dma_wait3A_144 = arith.constant 0 : i32
      %dma_wait3A_145 = arith.constant 0 : i32
      %dma_wait3A_146 = tpu.memref_slice %arg2[%dma_wait3A_144, %dma_wait3A_145] : memref<10112x128xf32, #tpu.memory_space<hbm>> -> memref<10112x128xf32, #tpu.memory_space<hbm>>
      tpu.wait_indirect_dma semaphore(%arg11 : memref<!tpu.dma_semaphore, #tpu.memory_space<semaphore_mem>>) src(%dma_wait3A_146 : memref<10112x128xf32, #tpu.memory_space<hbm>>) dst(%dma_wait3A_140 : memref<128x128xf32, #tpu.memory_space<vmem>>)
      %add3A_147 = arith.constant 2 : i32
      %add3A_148 = arith.addi %add3A_134, %add3A_147 : i32
      %lt3A = arith.cmpi slt, %add3A_148, %select_n3A : i32
      %convert_element_type3A = arith.extui %lt3A : i1 to i32
      %cond3A = arith.constant 0 : i32
      %cond3A_149 = arith.cmpi ne, %convert_element_type3A, %cond3A : i32
      scf.if %cond3A_149 {
        %add3A_211 = arith.constant 2 : i32
        %add3A_212 = arith.addi %add3A_134, %add3A_211 : i32
        %dma_start3A_213 = arith.constant 0 : i32
        %dma_start3A_214 = arith.constant 0 : i32
        %dma_start3A_215 = tpu.memref_slice %arg7[%dma_start3A_213, %dma_start3A_214] : memref<2x128xi32, #tpu.memory_space<vmem>> -> memref<1x128xi32, #tpu.memory_space<vmem>>
        %dma_start3A_216 = tpu.memref_squeeze %dma_start3A_215 : memref<1x128xi32, #tpu.memory_space<vmem>> -> memref<128xi32, #tpu.memory_space<vmem>>
        %dma_start3A_217 = arith.constant 0 : i32
        %dma_start3A_218 = tpu.memref_slice %arg3[%add3A, %add3A_212, %dma_start3A_217] : memref<32x120x128xi32, #tpu.memory_space<hbm>> -> memref<1x1x128xi32, #tpu.memory_space<hbm>>
        %dma_start3A_219 = tpu.memref_squeeze %dma_start3A_218 : memref<1x1x128xi32, #tpu.memory_space<hbm>> -> memref<128xi32, #tpu.memory_space<hbm>>
        %dma_start3A_220 = arith.constant 0 : i32
        %dma_start3A_221 = tpu.memref_slice %arg7[%dma_start3A_213, %dma_start3A_220] : memref<2x128xi32, #tpu.memory_space<vmem>> -> memref<1x128xi32, #tpu.memory_space<vmem>>
        %dma_start3A_222 = tpu.memref_squeeze %dma_start3A_221 : memref<1x128xi32, #tpu.memory_space<vmem>> -> memref<128xi32, #tpu.memory_space<vmem>>
        %dma_start3A_223 = arith.constant 0 : i32
        %dma_start3A_224 = tpu.memref_slice %arg3[%add3A, %add3A_212, %dma_start3A_223] : memref<32x120x128xi32, #tpu.memory_space<hbm>> -> memref<1x1x128xi32, #tpu.memory_space<hbm>>
        %dma_start3A_225 = tpu.memref_squeeze %dma_start3A_224 : memref<1x1x128xi32, #tpu.memory_space<hbm>> -> memref<128xi32, #tpu.memory_space<hbm>>
        tpu.enqueue_dma source(%dma_start3A_225 : memref<128xi32, #tpu.memory_space<hbm>>) target(%dma_start3A_222 : memref<128xi32, #tpu.memory_space<vmem>>) target_semaphore(%arg13 : memref<!tpu.dma_semaphore, #tpu.memory_space<semaphore_mem>>)
      } else {
      }
      %dma_wait3A_150 = arith.constant 0 : i32
      %dma_wait3A_151 = arith.constant 0 : i32
      %dma_wait3A_152 = arith.constant 0 : i32
      %dma_wait3A_153 = tpu.memref_slice %arg8[%dma_wait3A_151, %dma_wait3A_152] : memref<2x128xi32, #tpu.memory_space<vmem>> -> memref<1x128xi32, #tpu.memory_space<vmem>>
      %dma_wait3A_154 = tpu.memref_squeeze %dma_wait3A_153 : memref<1x128xi32, #tpu.memory_space<vmem>> -> memref<128xi32, #tpu.memory_space<vmem>>
      %dma_wait3A_155 = arith.constant 0 : i32
      %dma_wait3A_156 = tpu.memref_slice %arg4[%add3A, %dma_wait3A_150, %dma_wait3A_155] : memref<32x120x128xi32, #tpu.memory_space<hbm>> -> memref<1x1x128xi32, #tpu.memory_space<hbm>>
      %dma_wait3A_157 = tpu.memref_squeeze %dma_wait3A_156 : memref<1x1x128xi32, #tpu.memory_space<hbm>> -> memref<128xi32, #tpu.memory_space<hbm>>
      %dma_wait3A_158 = arith.constant 0 : i32
      %dma_wait3A_159 = tpu.memref_slice %arg8[%dma_wait3A_151, %dma_wait3A_158] : memref<2x128xi32, #tpu.memory_space<vmem>> -> memref<1x128xi32, #tpu.memory_space<vmem>>
      %dma_wait3A_160 = tpu.memref_squeeze %dma_wait3A_159 : memref<1x128xi32, #tpu.memory_space<vmem>> -> memref<128xi32, #tpu.memory_space<vmem>>
      %dma_wait3A_161 = arith.constant 0 : i32
      %dma_wait3A_162 = tpu.memref_slice %arg4[%add3A, %dma_wait3A_150, %dma_wait3A_161] : memref<32x120x128xi32, #tpu.memory_space<hbm>> -> memref<1x1x128xi32, #tpu.memory_space<hbm>>
      %dma_wait3A_163 = tpu.memref_squeeze %dma_wait3A_162 : memref<1x1x128xi32, #tpu.memory_space<hbm>> -> memref<128xi32, #tpu.memory_space<hbm>>
      tpu.wait_dma2 semaphore(%arg15 : memref<!tpu.dma_semaphore, #tpu.memory_space<semaphore_mem>>) src(%dma_wait3A_163 : memref<128xi32, #tpu.memory_space<hbm>>) dst(%dma_wait3A_160 : memref<128xi32, #tpu.memory_space<vmem>>)
      %run_scoped3A = arith.constant 0 : i32
      %run_scoped3A_164 = arith.constant 0 : i32
      "tpu.region"() ({
        %run_scoped3A_211 = tpu.sem_alloc : memref<!tpu.dma_semaphore, #tpu.memory_space<semaphore_mem>>
        %dma_start3A_212 = arith.constant 0 : i32
        %dma_start3A_213 = arith.constant 0 : i32
        %dma_start3A_214 = tpu.memref_slice %arg9[%run_scoped3A, %dma_start3A_212, %dma_start3A_213] : memref<2x128x128xf32, #tpu.memory_space<vmem>> -> memref<1x128x128xf32, #tpu.memory_space<vmem>>
        %dma_start3A_215 = tpu.memref_squeeze %dma_start3A_214 : memref<1x128x128xf32, #tpu.memory_space<vmem>> -> memref<128x128xf32, #tpu.memory_space<vmem>>
        %dma_start3A_216 = arith.constant 0 : i32
        %dma_start3A_217 = tpu.memref_slice %arg8[%run_scoped3A_164, %dma_start3A_216] : memref<2x128xi32, #tpu.memory_space<vmem>> -> memref<1x128xi32, #tpu.memory_space<vmem>>
        %dma_start3A_218 = tpu.memref_squeeze %dma_start3A_217 : memref<1x128xi32, #tpu.memory_space<vmem>> -> memref<128xi32, #tpu.memory_space<vmem>>
        %dma_start3A_219 = arith.constant 0 : i32
        %dma_start3A_220 = arith.constant 0 : i32
        %dma_start3A_221 = tpu.memref_slice %arg10[%dma_start3A_219, %dma_start3A_220] : memref<10112x128xf32, #tpu.memory_space<vmem_shared>> -> memref<10112x128xf32, #tpu.memory_space<vmem_shared>>
        tpu.enqueue_indirect_dma source(%dma_start3A_215 : memref<128x128xf32, #tpu.memory_space<vmem>>) target(%dma_start3A_221 : memref<10112x128xf32, #tpu.memory_space<vmem_shared>>) offsets(%dma_start3A_218 : memref<128xi32, #tpu.memory_space<vmem>>) semaphore(%run_scoped3A_211 : memref<!tpu.dma_semaphore, #tpu.memory_space<semaphore_mem>>) {add = true}
        %dma_wait3A_222 = arith.constant 0 : i32
        %dma_wait3A_223 = arith.constant 0 : i32
        %dma_wait3A_224 = tpu.memref_slice %arg9[%run_scoped3A, %dma_wait3A_222, %dma_wait3A_223] : memref<2x128x128xf32, #tpu.memory_space<vmem>> -> memref<1x128x128xf32, #tpu.memory_space<vmem>>
        %dma_wait3A_225 = tpu.memref_squeeze %dma_wait3A_224 : memref<1x128x128xf32, #tpu.memory_space<vmem>> -> memref<128x128xf32, #tpu.memory_space<vmem>>
        %dma_wait3A_226 = arith.constant 0 : i32
        %dma_wait3A_227 = tpu.memref_slice %arg8[%run_scoped3A_164, %dma_wait3A_226] : memref<2x128xi32, #tpu.memory_space<vmem>> -> memref<1x128xi32, #tpu.memory_space<vmem>>
        %dma_wait3A_228 = tpu.memref_squeeze %dma_wait3A_227 : memref<1x128xi32, #tpu.memory_space<vmem>> -> memref<128xi32, #tpu.memory_space<vmem>>
        %dma_wait3A_229 = arith.constant 0 : i32
        %dma_wait3A_230 = arith.constant 0 : i32
        %dma_wait3A_231 = tpu.memref_slice %arg10[%dma_wait3A_229, %dma_wait3A_230] : memref<10112x128xf32, #tpu.memory_space<vmem_shared>> -> memref<10112x128xf32, #tpu.memory_space<vmem_shared>>
        tpu.wait_indirect_dma semaphore(%run_scoped3A_211 : memref<!tpu.dma_semaphore, #tpu.memory_space<semaphore_mem>>) src(%dma_wait3A_225 : memref<128x128xf32, #tpu.memory_space<vmem>>) dst(%dma_wait3A_231 : memref<10112x128xf32, #tpu.memory_space<vmem_shared>>)
        tpu.yield
      }) : () -> ()
      %add3A_165 = arith.constant 2 : i32
      %add3A_166 = arith.addi %add3A_134, %add3A_165 : i32
      %lt3A_167 = arith.cmpi slt, %add3A_166, %select_n3A : i32
      %convert_element_type3A_168 = arith.extui %lt3A_167 : i1 to i32
      %cond3A_169 = arith.constant 0 : i32
      %cond3A_170 = arith.cmpi ne, %convert_element_type3A_168, %cond3A_169 : i32
      scf.if %cond3A_170 {
        %add3A_211 = arith.constant 2 : i32
        %add3A_212 = arith.addi %add3A_134, %add3A_211 : i32
        %dma_start3A_213 = arith.constant 0 : i32
        %dma_start3A_214 = arith.constant 0 : i32
        %dma_start3A_215 = tpu.memref_slice %arg8[%dma_start3A_213, %dma_start3A_214] : memref<2x128xi32, #tpu.memory_space<vmem>> -> memref<1x128xi32, #tpu.memory_space<vmem>>
        %dma_start3A_216 = tpu.memref_squeeze %dma_start3A_215 : memref<1x128xi32, #tpu.memory_space<vmem>> -> memref<128xi32, #tpu.memory_space<vmem>>
        %dma_start3A_217 = arith.constant 0 : i32
        %dma_start3A_218 = tpu.memref_slice %arg4[%add3A, %add3A_212, %dma_start3A_217] : memref<32x120x128xi32, #tpu.memory_space<hbm>> -> memref<1x1x128xi32, #tpu.memory_space<hbm>>
        %dma_start3A_219 = tpu.memref_squeeze %dma_start3A_218 : memref<1x1x128xi32, #tpu.memory_space<hbm>> -> memref<128xi32, #tpu.memory_space<hbm>>
        %dma_start3A_220 = arith.constant 0 : i32
        %dma_start3A_221 = tpu.memref_slice %arg8[%dma_start3A_213, %dma_start3A_220] : memref<2x128xi32, #tpu.memory_space<vmem>> -> memref<1x128xi32, #tpu.memory_space<vmem>>
        %dma_start3A_222 = tpu.memref_squeeze %dma_start3A_221 : memref<1x128xi32, #tpu.memory_space<vmem>> -> memref<128xi32, #tpu.memory_space<vmem>>
        %dma_start3A_223 = arith.constant 0 : i32
        %dma_start3A_224 = tpu.memref_slice %arg4[%add3A, %add3A_212, %dma_start3A_223] : memref<32x120x128xi32, #tpu.memory_space<hbm>> -> memref<1x1x128xi32, #tpu.memory_space<hbm>>
        %dma_start3A_225 = tpu.memref_squeeze %dma_start3A_224 : memref<1x1x128xi32, #tpu.memory_space<hbm>> -> memref<128xi32, #tpu.memory_space<hbm>>
        tpu.enqueue_dma source(%dma_start3A_225 : memref<128xi32, #tpu.memory_space<hbm>>) target(%dma_start3A_222 : memref<128xi32, #tpu.memory_space<vmem>>) target_semaphore(%arg15 : memref<!tpu.dma_semaphore, #tpu.memory_space<semaphore_mem>>)
        %dma_wait3A_226 = arith.constant 0 : i32
        %dma_wait3A_227 = arith.constant 0 : i32
        %dma_wait3A_228 = arith.constant 0 : i32
        %dma_wait3A_229 = tpu.memref_slice %arg7[%dma_wait3A_227, %dma_wait3A_228] : memref<2x128xi32, #tpu.memory_space<vmem>> -> memref<1x128xi32, #tpu.memory_space<vmem>>
        %dma_wait3A_230 = tpu.memref_squeeze %dma_wait3A_229 : memref<1x128xi32, #tpu.memory_space<vmem>> -> memref<128xi32, #tpu.memory_space<vmem>>
        %dma_wait3A_231 = arith.constant 0 : i32
        %dma_wait3A_232 = tpu.memref_slice %arg3[%add3A, %dma_wait3A_226, %dma_wait3A_231] : memref<32x120x128xi32, #tpu.memory_space<hbm>> -> memref<1x1x128xi32, #tpu.memory_space<hbm>>
        %dma_wait3A_233 = tpu.memref_squeeze %dma_wait3A_232 : memref<1x1x128xi32, #tpu.memory_space<hbm>> -> memref<128xi32, #tpu.memory_space<hbm>>
        %dma_wait3A_234 = arith.constant 0 : i32
        %dma_wait3A_235 = tpu.memref_slice %arg7[%dma_wait3A_227, %dma_wait3A_234] : memref<2x128xi32, #tpu.memory_space<vmem>> -> memref<1x128xi32, #tpu.memory_space<vmem>>
        %dma_wait3A_236 = tpu.memref_squeeze %dma_wait3A_235 : memref<1x128xi32, #tpu.memory_space<vmem>> -> memref<128xi32, #tpu.memory_space<vmem>>
        %dma_wait3A_237 = arith.constant 0 : i32
        %dma_wait3A_238 = tpu.memref_slice %arg3[%add3A, %dma_wait3A_226, %dma_wait3A_237] : memref<32x120x128xi32, #tpu.memory_space<hbm>> -> memref<1x1x128xi32, #tpu.memory_space<hbm>>
        %dma_wait3A_239 = tpu.memref_squeeze %dma_wait3A_238 : memref<1x1x128xi32, #tpu.memory_space<hbm>> -> memref<128xi32, #tpu.memory_space<hbm>>
        tpu.wait_dma2 semaphore(%arg13 : memref<!tpu.dma_semaphore, #tpu.memory_space<semaphore_mem>>) src(%dma_wait3A_239 : memref<128xi32, #tpu.memory_space<hbm>>) dst(%dma_wait3A_236 : memref<128xi32, #tpu.memory_space<vmem>>)
        %dma_start3A_240 = arith.constant 0 : i32
        %dma_start3A_241 = arith.constant 0 : i32
        %dma_start3A_242 = arith.constant 0 : i32
        %dma_start3A_243 = arith.constant 0 : i32
        %dma_start3A_244 = tpu.memref_slice %arg9[%dma_start3A_241, %dma_start3A_242, %dma_start3A_243] : memref<2x128x128xf32, #tpu.memory_space<vmem>> -> memref<1x128x128xf32, #tpu.memory_space<vmem>>
        %dma_start3A_245 = tpu.memref_squeeze %dma_start3A_244 : memref<1x128x128xf32, #tpu.memory_space<vmem>> -> memref<128x128xf32, #tpu.memory_space<vmem>>
        %dma_start3A_246 = arith.constant 0 : i32
        %dma_start3A_247 = tpu.memref_slice %arg7[%dma_start3A_240, %dma_start3A_246] : memref<2x128xi32, #tpu.memory_space<vmem>> -> memref<1x128xi32, #tpu.memory_space<vmem>>
        %dma_start3A_248 = tpu.memref_squeeze %dma_start3A_247 : memref<1x128xi32, #tpu.memory_space<vmem>> -> memref<128xi32, #tpu.memory_space<vmem>>
        %dma_start3A_249 = arith.constant 0 : i32
        %dma_start3A_250 = arith.constant 0 : i32
        %dma_start3A_251 = tpu.memref_slice %arg2[%dma_start3A_249, %dma_start3A_250] : memref<10112x128xf32, #tpu.memory_space<hbm>> -> memref<10112x128xf32, #tpu.memory_space<hbm>>
        tpu.enqueue_indirect_dma source(%dma_start3A_251 : memref<10112x128xf32, #tpu.memory_space<hbm>>) target(%dma_start3A_245 : memref<128x128xf32, #tpu.memory_space<vmem>>) offsets(%dma_start3A_248 : memref<128xi32, #tpu.memory_space<vmem>>) semaphore(%arg11 : memref<!tpu.dma_semaphore, #tpu.memory_space<semaphore_mem>>)
      } else {
      }
      %dma_wait3A_171 = arith.constant 1 : i32
      %dma_wait3A_172 = arith.constant 1 : i32
      %dma_wait3A_173 = arith.constant 0 : i32
      %dma_wait3A_174 = arith.constant 0 : i32
      %dma_wait3A_175 = tpu.memref_slice %arg9[%dma_wait3A_172, %dma_wait3A_173, %dma_wait3A_174] : memref<2x128x128xf32, #tpu.memory_space<vmem>> -> memref<1x128x128xf32, #tpu.memory_space<vmem>>
      %dma_wait3A_176 = tpu.memref_squeeze %dma_wait3A_175 : memref<1x128x128xf32, #tpu.memory_space<vmem>> -> memref<128x128xf32, #tpu.memory_space<vmem>>
      %dma_wait3A_177 = arith.constant 0 : i32
      %dma_wait3A_178 = tpu.memref_slice %arg7[%dma_wait3A_171, %dma_wait3A_177] : memref<2x128xi32, #tpu.memory_space<vmem>> -> memref<1x128xi32, #tpu.memory_space<vmem>>
      %dma_wait3A_179 = tpu.memref_squeeze %dma_wait3A_178 : memref<1x128xi32, #tpu.memory_space<vmem>> -> memref<128xi32, #tpu.memory_space<vmem>>
      %dma_wait3A_180 = arith.constant 0 : i32
      %dma_wait3A_181 = arith.constant 0 : i32
      %dma_wait3A_182 = tpu.memref_slice %arg2[%dma_wait3A_180, %dma_wait3A_181] : memref<10112x128xf32, #tpu.memory_space<hbm>> -> memref<10112x128xf32, #tpu.memory_space<hbm>>
      tpu.wait_indirect_dma semaphore(%arg12 : memref<!tpu.dma_semaphore, #tpu.memory_space<semaphore_mem>>) src(%dma_wait3A_182 : memref<10112x128xf32, #tpu.memory_space<hbm>>) dst(%dma_wait3A_176 : memref<128x128xf32, #tpu.memory_space<vmem>>)
      %add3A_183 = arith.constant 3 : i32
      %add3A_184 = arith.addi %add3A_134, %add3A_183 : i32
      %lt3A_185 = arith.cmpi slt, %add3A_184, %select_n3A : i32
      %convert_element_type3A_186 = arith.extui %lt3A_185 : i1 to i32
      %cond3A_187 = arith.constant 0 : i32
      %cond3A_188 = arith.cmpi ne, %convert_element_type3A_186, %cond3A_187 : i32
      scf.if %cond3A_188 {
        %add3A_211 = arith.constant 3 : i32
        %add3A_212 = arith.addi %add3A_134, %add3A_211 : i32
        %dma_start3A_213 = arith.constant 1 : i32
        %dma_start3A_214 = arith.constant 0 : i32
        %dma_start3A_215 = tpu.memref_slice %arg7[%dma_start3A_213, %dma_start3A_214] : memref<2x128xi32, #tpu.memory_space<vmem>> -> memref<1x128xi32, #tpu.memory_space<vmem>>
        %dma_start3A_216 = tpu.memref_squeeze %dma_start3A_215 : memref<1x128xi32, #tpu.memory_space<vmem>> -> memref<128xi32, #tpu.memory_space<vmem>>
        %dma_start3A_217 = arith.constant 0 : i32
        %dma_start3A_218 = tpu.memref_slice %arg3[%add3A, %add3A_212, %dma_start3A_217] : memref<32x120x128xi32, #tpu.memory_space<hbm>> -> memref<1x1x128xi32, #tpu.memory_space<hbm>>
        %dma_start3A_219 = tpu.memref_squeeze %dma_start3A_218 : memref<1x1x128xi32, #tpu.memory_space<hbm>> -> memref<128xi32, #tpu.memory_space<hbm>>
        %dma_start3A_220 = arith.constant 0 : i32
        %dma_start3A_221 = tpu.memref_slice %arg7[%dma_start3A_213, %dma_start3A_220] : memref<2x128xi32, #tpu.memory_space<vmem>> -> memref<1x128xi32, #tpu.memory_space<vmem>>
        %dma_start3A_222 = tpu.memref_squeeze %dma_start3A_221 : memref<1x128xi32, #tpu.memory_space<vmem>> -> memref<128xi32, #tpu.memory_space<vmem>>
        %dma_start3A_223 = arith.constant 0 : i32
        %dma_start3A_224 = tpu.memref_slice %arg3[%add3A, %add3A_212, %dma_start3A_223] : memref<32x120x128xi32, #tpu.memory_space<hbm>> -> memref<1x1x128xi32, #tpu.memory_space<hbm>>
        %dma_start3A_225 = tpu.memref_squeeze %dma_start3A_224 : memref<1x1x128xi32, #tpu.memory_space<hbm>> -> memref<128xi32, #tpu.memory_space<hbm>>
        tpu.enqueue_dma source(%dma_start3A_225 : memref<128xi32, #tpu.memory_space<hbm>>) target(%dma_start3A_222 : memref<128xi32, #tpu.memory_space<vmem>>) target_semaphore(%arg14 : memref<!tpu.dma_semaphore, #tpu.memory_space<semaphore_mem>>)
      } else {
      }
      %dma_wait3A_189 = arith.constant 0 : i32
      %dma_wait3A_190 = arith.constant 1 : i32
      %dma_wait3A_191 = arith.constant 0 : i32
      %dma_wait3A_192 = tpu.memref_slice %arg8[%dma_wait3A_190, %dma_wait3A_191] : memref<2x128xi32, #tpu.memory_space<vmem>> -> memref<1x128xi32, #tpu.memory_space<vmem>>
      %dma_wait3A_193 = tpu.memref_squeeze %dma_wait3A_192 : memref<1x128xi32, #tpu.memory_space<vmem>> -> memref<128xi32, #tpu.memory_space<vmem>>
      %dma_wait3A_194 = arith.constant 0 : i32
      %dma_wait3A_195 = tpu.memref_slice %arg4[%add3A, %dma_wait3A_189, %dma_wait3A_194] : memref<32x120x128xi32, #tpu.memory_space<hbm>> -> memref<1x1x128xi32, #tpu.memory_space<hbm>>
      %dma_wait3A_196 = tpu.memref_squeeze %dma_wait3A_195 : memref<1x1x128xi32, #tpu.memory_space<hbm>> -> memref<128xi32, #tpu.memory_space<hbm>>
      %dma_wait3A_197 = arith.constant 0 : i32
      %dma_wait3A_198 = tpu.memref_slice %arg8[%dma_wait3A_190, %dma_wait3A_197] : memref<2x128xi32, #tpu.memory_space<vmem>> -> memref<1x128xi32, #tpu.memory_space<vmem>>
      %dma_wait3A_199 = tpu.memref_squeeze %dma_wait3A_198 : memref<1x128xi32, #tpu.memory_space<vmem>> -> memref<128xi32, #tpu.memory_space<vmem>>
      %dma_wait3A_200 = arith.constant 0 : i32
      %dma_wait3A_201 = tpu.memref_slice %arg4[%add3A, %dma_wait3A_189, %dma_wait3A_200] : memref<32x120x128xi32, #tpu.memory_space<hbm>> -> memref<1x1x128xi32, #tpu.memory_space<hbm>>
      %dma_wait3A_202 = tpu.memref_squeeze %dma_wait3A_201 : memref<1x1x128xi32, #tpu.memory_space<hbm>> -> memref<128xi32, #tpu.memory_space<hbm>>
      tpu.wait_dma2 semaphore(%arg16 : memref<!tpu.dma_semaphore, #tpu.memory_space<semaphore_mem>>) src(%dma_wait3A_202 : memref<128xi32, #tpu.memory_space<hbm>>) dst(%dma_wait3A_199 : memref<128xi32, #tpu.memory_space<vmem>>)
      %run_scoped3A_203 = arith.constant 1 : i32
      %run_scoped3A_204 = arith.constant 1 : i32
      "tpu.region"() ({
        %run_scoped3A_211 = tpu.sem_alloc : memref<!tpu.dma_semaphore, #tpu.memory_space<semaphore_mem>>
        %dma_start3A_212 = arith.constant 0 : i32
        %dma_start3A_213 = arith.constant 0 : i32
        %dma_start3A_214 = tpu.memref_slice %arg9[%run_scoped3A_203, %dma_start3A_212, %dma_start3A_213] : memref<2x128x128xf32, #tpu.memory_space<vmem>> -> memref<1x128x128xf32, #tpu.memory_space<vmem>>
        %dma_start3A_215 = tpu.memref_squeeze %dma_start3A_214 : memref<1x128x128xf32, #tpu.memory_space<vmem>> -> memref<128x128xf32, #tpu.memory_space<vmem>>
        %dma_start3A_216 = arith.constant 0 : i32
        %dma_start3A_217 = tpu.memref_slice %arg8[%run_scoped3A_204, %dma_start3A_216] : memref<2x128xi32, #tpu.memory_space<vmem>> -> memref<1x128xi32, #tpu.memory_space<vmem>>
        %dma_start3A_218 = tpu.memref_squeeze %dma_start3A_217 : memref<1x128xi32, #tpu.memory_space<vmem>> -> memref<128xi32, #tpu.memory_space<vmem>>
        %dma_start3A_219 = arith.constant 0 : i32
        %dma_start3A_220 = arith.constant 0 : i32
        %dma_start3A_221 = tpu.memref_slice %arg10[%dma_start3A_219, %dma_start3A_220] : memref<10112x128xf32, #tpu.memory_space<vmem_shared>> -> memref<10112x128xf32, #tpu.memory_space<vmem_shared>>
        tpu.enqueue_indirect_dma source(%dma_start3A_215 : memref<128x128xf32, #tpu.memory_space<vmem>>) target(%dma_start3A_221 : memref<10112x128xf32, #tpu.memory_space<vmem_shared>>) offsets(%dma_start3A_218 : memref<128xi32, #tpu.memory_space<vmem>>) semaphore(%run_scoped3A_211 : memref<!tpu.dma_semaphore, #tpu.memory_space<semaphore_mem>>) {add = true}
        %dma_wait3A_222 = arith.constant 0 : i32
        %dma_wait3A_223 = arith.constant 0 : i32
        %dma_wait3A_224 = tpu.memref_slice %arg9[%run_scoped3A_203, %dma_wait3A_222, %dma_wait3A_223] : memref<2x128x128xf32, #tpu.memory_space<vmem>> -> memref<1x128x128xf32, #tpu.memory_space<vmem>>
        %dma_wait3A_225 = tpu.memref_squeeze %dma_wait3A_224 : memref<1x128x128xf32, #tpu.memory_space<vmem>> -> memref<128x128xf32, #tpu.memory_space<vmem>>
        %dma_wait3A_226 = arith.constant 0 : i32
        %dma_wait3A_227 = tpu.memref_slice %arg8[%run_scoped3A_204, %dma_wait3A_226] : memref<2x128xi32, #tpu.memory_space<vmem>> -> memref<1x128xi32, #tpu.memory_space<vmem>>
        %dma_wait3A_228 = tpu.memref_squeeze %dma_wait3A_227 : memref<1x128xi32, #tpu.memory_space<vmem>> -> memref<128xi32, #tpu.memory_space<vmem>>
        %dma_wait3A_229 = arith.constant 0 : i32
        %dma_wait3A_230 = arith.constant 0 : i32
        %dma_wait3A_231 = tpu.memref_slice %arg10[%dma_wait3A_229, %dma_wait3A_230] : memref<10112x128xf32, #tpu.memory_space<vmem_shared>> -> memref<10112x128xf32, #tpu.memory_space<vmem_shared>>
        tpu.wait_indirect_dma semaphore(%run_scoped3A_211 : memref<!tpu.dma_semaphore, #tpu.memory_space<semaphore_mem>>) src(%dma_wait3A_225 : memref<128x128xf32, #tpu.memory_space<vmem>>) dst(%dma_wait3A_231 : memref<10112x128xf32, #tpu.memory_space<vmem_shared>>)
        tpu.yield
      }) : () -> ()
      %add3A_205 = arith.constant 3 : i32
      %add3A_206 = arith.addi %add3A_134, %add3A_205 : i32
      %lt3A_207 = arith.cmpi slt, %add3A_206, %select_n3A : i32
      %convert_element_type3A_208 = arith.extui %lt3A_207 : i1 to i32
      %cond3A_209 = arith.constant 0 : i32
      %cond3A_210 = arith.cmpi ne, %convert_element_type3A_208, %cond3A_209 : i32
      scf.if %cond3A_210 {
        %add3A_211 = arith.constant 3 : i32
        %add3A_212 = arith.addi %add3A_134, %add3A_211 : i32
        %dma_start3A_213 = arith.constant 1 : i32
        %dma_start3A_214 = arith.constant 0 : i32
        %dma_start3A_215 = tpu.memref_slice %arg8[%dma_start3A_213, %dma_start3A_214] : memref<2x128xi32, #tpu.memory_space<vmem>> -> memref<1x128xi32, #tpu.memory_space<vmem>>
        %dma_start3A_216 = tpu.memref_squeeze %dma_start3A_215 : memref<1x128xi32, #tpu.memory_space<vmem>> -> memref<128xi32, #tpu.memory_space<vmem>>
        %dma_start3A_217 = arith.constant 0 : i32
        %dma_start3A_218 = tpu.memref_slice %arg4[%add3A, %add3A_212, %dma_start3A_217] : memref<32x120x128xi32, #tpu.memory_space<hbm>> -> memref<1x1x128xi32, #tpu.memory_space<hbm>>
        %dma_start3A_219 = tpu.memref_squeeze %dma_start3A_218 : memref<1x1x128xi32, #tpu.memory_space<hbm>> -> memref<128xi32, #tpu.memory_space<hbm>>
        %dma_start3A_220 = arith.constant 0 : i32
        %dma_start3A_221 = tpu.memref_slice %arg8[%dma_start3A_213, %dma_start3A_220] : memref<2x128xi32, #tpu.memory_space<vmem>> -> memref<1x128xi32, #tpu.memory_space<vmem>>
        %dma_start3A_222 = tpu.memref_squeeze %dma_start3A_221 : memref<1x128xi32, #tpu.memory_space<vmem>> -> memref<128xi32, #tpu.memory_space<vmem>>
        %dma_start3A_223 = arith.constant 0 : i32
        %dma_start3A_224 = tpu.memref_slice %arg4[%add3A, %add3A_212, %dma_start3A_223] : memref<32x120x128xi32, #tpu.memory_space<hbm>> -> memref<1x1x128xi32, #tpu.memory_space<hbm>>
        %dma_start3A_225 = tpu.memref_squeeze %dma_start3A_224 : memref<1x1x128xi32, #tpu.memory_space<hbm>> -> memref<128xi32, #tpu.memory_space<hbm>>
        tpu.enqueue_dma source(%dma_start3A_225 : memref<128xi32, #tpu.memory_space<hbm>>) target(%dma_start3A_222 : memref<128xi32, #tpu.memory_space<vmem>>) target_semaphore(%arg16 : memref<!tpu.dma_semaphore, #tpu.memory_space<semaphore_mem>>)
        %dma_wait3A_226 = arith.constant 0 : i32
        %dma_wait3A_227 = arith.constant 1 : i32
        %dma_wait3A_228 = arith.constant 0 : i32
        %dma_wait3A_229 = tpu.memref_slice %arg7[%dma_wait3A_227, %dma_wait3A_228] : memref<2x128xi32, #tpu.memory_space<vmem>> -> memref<1x128xi32, #tpu.memory_space<vmem>>
        %dma_wait3A_230 = tpu.memref_squeeze %dma_wait3A_229 : memref<1x128xi32, #tpu.memory_space<vmem>> -> memref<128xi32, #tpu.memory_space<vmem>>
        %dma_wait3A_231 = arith.constant 0 : i32
        %dma_wait3A_232 = tpu.memref_slice %arg3[%add3A, %dma_wait3A_226, %dma_wait3A_231] : memref<32x120x128xi32, #tpu.memory_space<hbm>> -> memref<1x1x128xi32, #tpu.memory_space<hbm>>
        %dma_wait3A_233 = tpu.memref_squeeze %dma_wait3A_232 : memref<1x1x128xi32, #tpu.memory_space<hbm>> -> memref<128xi32, #tpu.memory_space<hbm>>
        %dma_wait3A_234 = arith.constant 0 : i32
        %dma_wait3A_235 = tpu.memref_slice %arg7[%dma_wait3A_227, %dma_wait3A_234] : memref<2x128xi32, #tpu.memory_space<vmem>> -> memref<1x128xi32, #tpu.memory_space<vmem>>
        %dma_wait3A_236 = tpu.memref_squeeze %dma_wait3A_235 : memref<1x128xi32, #tpu.memory_space<vmem>> -> memref<128xi32, #tpu.memory_space<vmem>>
        %dma_wait3A_237 = arith.constant 0 : i32
        %dma_wait3A_238 = tpu.memref_slice %arg3[%add3A, %dma_wait3A_226, %dma_wait3A_237] : memref<32x120x128xi32, #tpu.memory_space<hbm>> -> memref<1x1x128xi32, #tpu.memory_space<hbm>>
        %dma_wait3A_239 = tpu.memref_squeeze %dma_wait3A_238 : memref<1x1x128xi32, #tpu.memory_space<hbm>> -> memref<128xi32, #tpu.memory_space<hbm>>
        tpu.wait_dma2 semaphore(%arg14 : memref<!tpu.dma_semaphore, #tpu.memory_space<semaphore_mem>>) src(%dma_wait3A_239 : memref<128xi32, #tpu.memory_space<hbm>>) dst(%dma_wait3A_236 : memref<128xi32, #tpu.memory_space<vmem>>)
        %dma_start3A_240 = arith.constant 1 : i32
        %dma_start3A_241 = arith.constant 1 : i32
        %dma_start3A_242 = arith.constant 0 : i32
        %dma_start3A_243 = arith.constant 0 : i32
        %dma_start3A_244 = tpu.memref_slice %arg9[%dma_start3A_241, %dma_start3A_242, %dma_start3A_243] : memref<2x128x128xf32, #tpu.memory_space<vmem>> -> memref<1x128x128xf32, #tpu.memory_space<vmem>>
        %dma_start3A_245 = tpu.memref_squeeze %dma_start3A_244 : memref<1x128x128xf32, #tpu.memory_space<vmem>> -> memref<128x128xf32, #tpu.memory_space<vmem>>
        %dma_start3A_246 = arith.constant 0 : i32
        %dma_start3A_247 = tpu.memref_slice %arg7[%dma_start3A_240, %dma_start3A_246] : memref<2x128xi32, #tpu.memory_space<vmem>> -> memref<1x128xi32, #tpu.memory_space<vmem>>
        %dma_start3A_248 = tpu.memref_squeeze %dma_start3A_247 : memref<1x128xi32, #tpu.memory_space<vmem>> -> memref<128xi32, #tpu.memory_space<vmem>>
        %dma_start3A_249 = arith.constant 0 : i32
        %dma_start3A_250 = arith.constant 0 : i32
        %dma_start3A_251 = tpu.memref_slice %arg2[%dma_start3A_249, %dma_start3A_250] : memref<10112x128xf32, #tpu.memory_space<hbm>> -> memref<10112x128xf32, #tpu.memory_space<hbm>>
        tpu.enqueue_indirect_dma source(%dma_start3A_251 : memref<10112x128xf32, #tpu.memory_space<hbm>>) target(%dma_start3A_245 : memref<128x128xf32, #tpu.memory_space<vmem>>) offsets(%dma_start3A_248 : memref<128xi32, #tpu.memory_space<vmem>>) semaphore(%arg12 : memref<!tpu.dma_semaphore, #tpu.memory_space<semaphore_mem>>)
      } else {
      }
    }
    %barrier3A_127 = arith.constant 0 : index
    tpu.barrier barrier_id(%barrier3A_127)
    %mul3A_128 = arith.constant 632 : i32
    %mul3A_129 = arith.muli %arg1, %mul3A_128 : i32
    %mul3A_130 = arith.constant 632 : i32
    %mul3A_131 = arith.muli %arg1, %mul3A_130 : i32
    "tpu.region"() ({
      %run_scoped3A = tpu.sem_alloc : memref<!tpu.dma_semaphore, #tpu.memory_space<semaphore_mem>>
      %dma_start3A_132 = arith.constant 0 : i32
      %dma_start3A_133 = tpu.memref_slice %arg6[%arg0, %mul3A_131, %dma_start3A_132] : memref<2x10112x128xf32, #tpu.memory_space<hbm>> -> memref<1x632x128xf32, #tpu.memory_space<hbm>>
      %dma_start3A_134 = tpu.memref_squeeze %dma_start3A_133 : memref<1x632x128xf32, #tpu.memory_space<hbm>> -> memref<632x128xf32, #tpu.memory_space<hbm>>
      %dma_start3A_135 = arith.constant 0 : i32
      %dma_start3A_136 = tpu.memref_slice %arg10[%mul3A_129, %dma_start3A_135] : memref<10112x128xf32, #tpu.memory_space<vmem_shared>> -> memref<632x128xf32, #tpu.memory_space<vmem_shared>>
      tpu.enqueue_dma source(%dma_start3A_136 : memref<632x128xf32, #tpu.memory_space<vmem_shared>>) target(%dma_start3A_134 : memref<632x128xf32, #tpu.memory_space<hbm>>) target_semaphore(%run_scoped3A : memref<!tpu.dma_semaphore, #tpu.memory_space<semaphore_mem>>)
      %dma_wait3A_137 = arith.constant 0 : i32
      %dma_wait3A_138 = tpu.memref_slice %arg6[%arg0, %mul3A_131, %dma_wait3A_137] : memref<2x10112x128xf32, #tpu.memory_space<hbm>> -> memref<1x632x128xf32, #tpu.memory_space<hbm>>
      %dma_wait3A_139 = tpu.memref_squeeze %dma_wait3A_138 : memref<1x632x128xf32, #tpu.memory_space<hbm>> -> memref<632x128xf32, #tpu.memory_space<hbm>>
      %dma_wait3A_140 = arith.constant 0 : i32
      %dma_wait3A_141 = tpu.memref_slice %arg10[%mul3A_129, %dma_wait3A_140] : memref<10112x128xf32, #tpu.memory_space<vmem_shared>> -> memref<632x128xf32, #tpu.memory_space<vmem_shared>>
      tpu.wait_dma2 semaphore(%run_scoped3A : memref<!tpu.dma_semaphore, #tpu.memory_space<semaphore_mem>>) src(%dma_wait3A_141 : memref<632x128xf32, #tpu.memory_space<vmem_shared>>) dst(%dma_wait3A_139 : memref<632x128xf32, #tpu.memory_space<hbm>>)
      tpu.yield
    }) : () -> ()
    return
  }
}

module attributes {stable_mosaic.version = 14 : i64} {
  func.func @_mlp_body(%arg0: memref<10112x128xf32, #tpu.memory_space<vmem>>, %arg1: memref<2x10112x128xf32, #tpu.memory_space<vmem>>, %arg2: memref<128x256xf32, #tpu.memory_space<vmem>>, %arg3: memref<1x256xf32, #tpu.memory_space<vmem>>, %arg4: memref<1x256xf32, #tpu.memory_space<vmem>>, %arg5: memref<1x256xf32, #tpu.memory_space<vmem>>, %arg6: memref<256x128xf32, #tpu.memory_space<vmem>>, %arg7: memref<1x128xf32, #tpu.memory_space<vmem>>, %arg8: memref<1xf32, #tpu.memory_space<smem>>, %arg9: memref<10112x128xf32, #tpu.memory_space<vmem>>) attributes {dimension_semantics = [], scalar_prefetch = 0 : i64, scratch_operands = 0 : i64, tpu.core_type = #tpu.core_type<tc>} {
    %get3A = arith.constant 0 : index
    %get3A_0 = arith.constant 0 : index
    %get3A_1 = vector.load %arg0[%get3A, %get3A_0] : memref<10112x128xf32, #tpu.memory_space<vmem>>, vector<10000x128xf32>
    %get3A_2 = arith.constant 0 : index
    %get3A_3 = arith.constant 0 : index
    %get3A_4 = arith.constant 0 : index
    %get3A_5 = vector.load %arg1[%get3A_2, %get3A_3, %get3A_4] : memref<2x10112x128xf32, #tpu.memory_space<vmem>>, vector<1x10000x128xf32>
    %get3A_6 = vector.shape_cast %get3A_5 : vector<1x10000x128xf32> to vector<10000x128xf32>
    %get3A_7 = arith.constant 1 : index
    %get3A_8 = arith.constant 0 : index
    %get3A_9 = arith.constant 0 : index
    %get3A_10 = vector.load %arg1[%get3A_7, %get3A_8, %get3A_9] : memref<2x10112x128xf32, #tpu.memory_space<vmem>>, vector<1x10000x128xf32>
    %get3A_11 = vector.shape_cast %get3A_10 : vector<1x10000x128xf32> to vector<10000x128xf32>
    %add3A = arith.addf %get3A_6, %get3A_11 : vector<10000x128xf32>
    %get3A_12 = arith.constant 0 : index
    %get3A_13 = memref.load %arg8[%get3A_12] : memref<1xf32, #tpu.memory_space<smem>>
    %add3A_14 = arith.constant 1.000000e+00 : f32
    %add3A_15 = arith.addf %add3A_14, %get3A_13 : f32
    %mul3A = vector.broadcast %add3A_15 : f32 to vector<10000x128xf32>
    %mul3A_16 = arith.mulf %mul3A, %get3A_1 : vector<10000x128xf32>
    %add3A_17 = arith.addf %mul3A_16, %add3A : vector<10000x128xf32>
    %get3A_18 = arith.constant 0 : index
    %get3A_19 = arith.constant 0 : index
    %get3A_20 = vector.load %arg2[%get3A_18, %get3A_19] : memref<128x256xf32, #tpu.memory_space<vmem>>, vector<128x256xf32>
    %dot_general3A = arith.constant dense<0.000000e+00> : vector<10000x256xf32>
    %dot_general3A_21 = tpu.matmul %add3A_17, %get3A_20, %dot_general3A {dimension_numbers = #tpu.dot_dimension_numbers<[1], [0], [0], [1], [0, 0, 1, 1], [], []>, transpose_lhs_hint = false} : vector<10000x128xf32>, vector<128x256xf32>, vector<10000x256xf32> -> vector<10000x256xf32>
    %get3A_22 = arith.constant 0 : index
    %get3A_23 = arith.constant 0 : index
    %get3A_24 = vector.load %arg3[%get3A_22, %get3A_23] : memref<1x256xf32, #tpu.memory_space<vmem>>, vector<1x256xf32>
    %add3A_25 = vector.broadcast %get3A_24 : vector<1x256xf32> to vector<10000x256xf32>
    %add3A_26 = arith.addf %dot_general3A_21, %add3A_25 : vector<10000x256xf32>
    %reduce_sum3A = arith.constant dense<0.000000e+00> : vector<256xf32>
    %reduce_sum3A_27 = vector.multi_reduction <add>, %add3A_26, %reduce_sum3A [0] : vector<10000x256xf32> to vector<256xf32>
    %broadcast_in_dim3A = vector.shape_cast %reduce_sum3A_27 : vector<256xf32> to vector<1x256xf32>
    %div3A = arith.constant 1.000000e+04 : f32
    %div3A_28 = vector.broadcast %div3A : f32 to vector<1x256xf32>
    %div3A_29 = arith.divf %broadcast_in_dim3A, %div3A_28 : vector<1x256xf32>
    %sub3A = vector.broadcast %div3A_29 : vector<1x256xf32> to vector<10000x256xf32>
    %sub3A_30 = arith.subf %add3A_26, %sub3A : vector<10000x256xf32>
    %mul3A_31 = arith.mulf %sub3A_30, %sub3A_30 : vector<10000x256xf32>
    %reduce_sum3A_32 = arith.constant dense<0.000000e+00> : vector<256xf32>
    %reduce_sum3A_33 = vector.multi_reduction <add>, %mul3A_31, %reduce_sum3A_32 [0] : vector<10000x256xf32> to vector<256xf32>
    %broadcast_in_dim3A_34 = vector.shape_cast %reduce_sum3A_33 : vector<256xf32> to vector<1x256xf32>
    %div3A_35 = arith.constant 1.000000e+04 : f32
    %div3A_36 = vector.broadcast %div3A_35 : f32 to vector<1x256xf32>
    %div3A_37 = arith.divf %broadcast_in_dim3A_34, %div3A_36 : vector<1x256xf32>
    %add3A_38 = arith.constant 9.99999974E-6 : f32
    %add3A_39 = vector.broadcast %add3A_38 : f32 to vector<1x256xf32>
    %add3A_40 = arith.addf %div3A_37, %add3A_39 : vector<1x256xf32>
    %rsqrt3A = math.rsqrt %add3A_40 : vector<1x256xf32>
    %mul3A_41 = vector.broadcast %rsqrt3A : vector<1x256xf32> to vector<10000x256xf32>
    %mul3A_42 = arith.mulf %sub3A_30, %mul3A_41 : vector<10000x256xf32>
    %get3A_43 = arith.constant 0 : index
    %get3A_44 = arith.constant 0 : index
    %get3A_45 = vector.load %arg4[%get3A_43, %get3A_44] : memref<1x256xf32, #tpu.memory_space<vmem>>, vector<1x256xf32>
    %mul3A_46 = vector.broadcast %get3A_45 : vector<1x256xf32> to vector<10000x256xf32>
    %mul3A_47 = arith.mulf %mul3A_42, %mul3A_46 : vector<10000x256xf32>
    %get3A_48 = arith.constant 0 : index
    %get3A_49 = arith.constant 0 : index
    %get3A_50 = vector.load %arg5[%get3A_48, %get3A_49] : memref<1x256xf32, #tpu.memory_space<vmem>>, vector<1x256xf32>
    %add3A_51 = vector.broadcast %get3A_50 : vector<1x256xf32> to vector<10000x256xf32>
    %add3A_52 = arith.addf %mul3A_47, %add3A_51 : vector<10000x256xf32>
    %max3A = arith.constant 0.000000e+00 : f32
    %max3A_53 = vector.broadcast %max3A : f32 to vector<10000x256xf32>
    %max3A_54 = arith.maximumf %add3A_52, %max3A_53 : vector<10000x256xf32>
    %get3A_55 = arith.constant 0 : index
    %get3A_56 = arith.constant 0 : index
    %get3A_57 = vector.load %arg6[%get3A_55, %get3A_56] : memref<256x128xf32, #tpu.memory_space<vmem>>, vector<256x128xf32>
    %dot_general3A_58 = arith.constant dense<0.000000e+00> : vector<10000x128xf32>
    %dot_general3A_59 = tpu.matmul %max3A_54, %get3A_57, %dot_general3A_58 {dimension_numbers = #tpu.dot_dimension_numbers<[1], [0], [0], [1], [0, 0, 1, 1], [], []>, transpose_lhs_hint = false} : vector<10000x256xf32>, vector<256x128xf32>, vector<10000x128xf32> -> vector<10000x128xf32>
    %get3A_60 = arith.constant 0 : index
    %get3A_61 = arith.constant 0 : index
    %get3A_62 = vector.load %arg7[%get3A_60, %get3A_61] : memref<1x128xf32, #tpu.memory_space<vmem>>, vector<1x128xf32>
    %add3A_63 = vector.broadcast %get3A_62 : vector<1x128xf32> to vector<10000x128xf32>
    %add3A_64 = arith.addf %dot_general3A_59, %add3A_63 : vector<10000x128xf32>
    %swap3A = arith.constant 0 : index
    %swap3A_65 = arith.constant 0 : index
    %swap3A_66 = vector.load %arg9[%swap3A, %swap3A_65] : memref<10112x128xf32, #tpu.memory_space<vmem>>, vector<10000x128xf32>
    tpu.vector_store %arg9[%swap3A, %swap3A_65], %add3A_64 {strides = array<i32>} : memref<10112x128xf32, #tpu.memory_space<vmem>>, vector<10000x128xf32>,
    %broadcast_in_dim3A_67 = arith.constant 0.000000e+00 : f32
    %broadcast_in_dim3A_68 = vector.broadcast %broadcast_in_dim3A_67 : f32 to vector<112x128xf32>
    %swap3A_69 = arith.constant 10000 : index
    %swap3A_70 = arith.constant 0 : index
    %swap3A_71 = vector.load %arg9[%swap3A_69, %swap3A_70] : memref<10112x128xf32, #tpu.memory_space<vmem>>, vector<112x128xf32>
    tpu.vector_store %arg9[%swap3A_69, %swap3A_70], %broadcast_in_dim3A_68 {strides = array<i32>} : memref<10112x128xf32, #tpu.memory_space<vmem>>, vector<112x128xf32>,
    return
  }
}

module attributes {stable_mosaic.version = 14 : i64} {
  func.func @_mlp_final_body(%arg0: memref<10112x128xf32, #tpu.memory_space<vmem>>, %arg1: memref<2x10112x128xf32, #tpu.memory_space<vmem>>, %arg2: memref<128x256xf32, #tpu.memory_space<vmem>>, %arg3: memref<1x256xf32, #tpu.memory_space<vmem>>, %arg4: memref<1x256xf32, #tpu.memory_space<vmem>>, %arg5: memref<1x256xf32, #tpu.memory_space<vmem>>, %arg6: memref<256x128xf32, #tpu.memory_space<vmem>>, %arg7: memref<1x128xf32, #tpu.memory_space<vmem>>, %arg8: memref<128x128xf32, #tpu.memory_space<vmem>>, %arg9: memref<1x128xf32, #tpu.memory_space<vmem>>, %arg10: memref<1xf32, #tpu.memory_space<smem>>, %arg11: memref<10000x128xf32, #tpu.memory_space<vmem>>) attributes {dimension_semantics = [], scalar_prefetch = 0 : i64, scratch_operands = 0 : i64, tpu.core_type = #tpu.core_type<tc>} {
    %get3A = arith.constant 0 : index
    %get3A_0 = arith.constant 0 : index
    %get3A_1 = vector.load %arg0[%get3A, %get3A_0] : memref<10112x128xf32, #tpu.memory_space<vmem>>, vector<10000x128xf32>
    %get3A_2 = arith.constant 0 : index
    %get3A_3 = arith.constant 0 : index
    %get3A_4 = arith.constant 0 : index
    %get3A_5 = vector.load %arg1[%get3A_2, %get3A_3, %get3A_4] : memref<2x10112x128xf32, #tpu.memory_space<vmem>>, vector<1x10000x128xf32>
    %get3A_6 = vector.shape_cast %get3A_5 : vector<1x10000x128xf32> to vector<10000x128xf32>
    %get3A_7 = arith.constant 1 : index
    %get3A_8 = arith.constant 0 : index
    %get3A_9 = arith.constant 0 : index
    %get3A_10 = vector.load %arg1[%get3A_7, %get3A_8, %get3A_9] : memref<2x10112x128xf32, #tpu.memory_space<vmem>>, vector<1x10000x128xf32>
    %get3A_11 = vector.shape_cast %get3A_10 : vector<1x10000x128xf32> to vector<10000x128xf32>
    %add3A = arith.addf %get3A_6, %get3A_11 : vector<10000x128xf32>
    %get3A_12 = arith.constant 0 : index
    %get3A_13 = memref.load %arg10[%get3A_12] : memref<1xf32, #tpu.memory_space<smem>>
    %add3A_14 = arith.constant 1.000000e+00 : f32
    %add3A_15 = arith.addf %add3A_14, %get3A_13 : f32
    %mul3A = vector.broadcast %add3A_15 : f32 to vector<10000x128xf32>
    %mul3A_16 = arith.mulf %mul3A, %get3A_1 : vector<10000x128xf32>
    %add3A_17 = arith.addf %mul3A_16, %add3A : vector<10000x128xf32>
    %get3A_18 = arith.constant 0 : index
    %get3A_19 = arith.constant 0 : index
    %get3A_20 = vector.load %arg2[%get3A_18, %get3A_19] : memref<128x256xf32, #tpu.memory_space<vmem>>, vector<128x256xf32>
    %dot_general3A = arith.constant dense<0.000000e+00> : vector<10000x256xf32>
    %dot_general3A_21 = tpu.matmul %add3A_17, %get3A_20, %dot_general3A {dimension_numbers = #tpu.dot_dimension_numbers<[1], [0], [0], [1], [0, 0, 1, 1], [], []>, transpose_lhs_hint = false} : vector<10000x128xf32>, vector<128x256xf32>, vector<10000x256xf32> -> vector<10000x256xf32>
    %get3A_22 = arith.constant 0 : index
    %get3A_23 = arith.constant 0 : index
    %get3A_24 = vector.load %arg3[%get3A_22, %get3A_23] : memref<1x256xf32, #tpu.memory_space<vmem>>, vector<1x256xf32>
    %add3A_25 = vector.broadcast %get3A_24 : vector<1x256xf32> to vector<10000x256xf32>
    %add3A_26 = arith.addf %dot_general3A_21, %add3A_25 : vector<10000x256xf32>
    %reduce_sum3A = arith.constant dense<0.000000e+00> : vector<256xf32>
    %reduce_sum3A_27 = vector.multi_reduction <add>, %add3A_26, %reduce_sum3A [0] : vector<10000x256xf32> to vector<256xf32>
    %broadcast_in_dim3A = vector.shape_cast %reduce_sum3A_27 : vector<256xf32> to vector<1x256xf32>
    %div3A = arith.constant 1.000000e+04 : f32
    %div3A_28 = vector.broadcast %div3A : f32 to vector<1x256xf32>
    %div3A_29 = arith.divf %broadcast_in_dim3A, %div3A_28 : vector<1x256xf32>
    %sub3A = vector.broadcast %div3A_29 : vector<1x256xf32> to vector<10000x256xf32>
    %sub3A_30 = arith.subf %add3A_26, %sub3A : vector<10000x256xf32>
    %mul3A_31 = arith.mulf %sub3A_30, %sub3A_30 : vector<10000x256xf32>
    %reduce_sum3A_32 = arith.constant dense<0.000000e+00> : vector<256xf32>
    %reduce_sum3A_33 = vector.multi_reduction <add>, %mul3A_31, %reduce_sum3A_32 [0] : vector<10000x256xf32> to vector<256xf32>
    %broadcast_in_dim3A_34 = vector.shape_cast %reduce_sum3A_33 : vector<256xf32> to vector<1x256xf32>
    %div3A_35 = arith.constant 1.000000e+04 : f32
    %div3A_36 = vector.broadcast %div3A_35 : f32 to vector<1x256xf32>
    %div3A_37 = arith.divf %broadcast_in_dim3A_34, %div3A_36 : vector<1x256xf32>
    %add3A_38 = arith.constant 9.99999974E-6 : f32
    %add3A_39 = vector.broadcast %add3A_38 : f32 to vector<1x256xf32>
    %add3A_40 = arith.addf %div3A_37, %add3A_39 : vector<1x256xf32>
    %rsqrt3A = math.rsqrt %add3A_40 : vector<1x256xf32>
    %mul3A_41 = vector.broadcast %rsqrt3A : vector<1x256xf32> to vector<10000x256xf32>
    %mul3A_42 = arith.mulf %sub3A_30, %mul3A_41 : vector<10000x256xf32>
    %get3A_43 = arith.constant 0 : index
    %get3A_44 = arith.constant 0 : index
    %get3A_45 = vector.load %arg4[%get3A_43, %get3A_44] : memref<1x256xf32, #tpu.memory_space<vmem>>, vector<1x256xf32>
    %mul3A_46 = vector.broadcast %get3A_45 : vector<1x256xf32> to vector<10000x256xf32>
    %mul3A_47 = arith.mulf %mul3A_42, %mul3A_46 : vector<10000x256xf32>
    %get3A_48 = arith.constant 0 : index
    %get3A_49 = arith.constant 0 : index
    %get3A_50 = vector.load %arg5[%get3A_48, %get3A_49] : memref<1x256xf32, #tpu.memory_space<vmem>>, vector<1x256xf32>
    %add3A_51 = vector.broadcast %get3A_50 : vector<1x256xf32> to vector<10000x256xf32>
    %add3A_52 = arith.addf %mul3A_47, %add3A_51 : vector<10000x256xf32>
    %max3A = arith.constant 0.000000e+00 : f32
    %max3A_53 = vector.broadcast %max3A : f32 to vector<10000x256xf32>
    %max3A_54 = arith.maximumf %add3A_52, %max3A_53 : vector<10000x256xf32>
    %get3A_55 = arith.constant 0 : index
    %get3A_56 = arith.constant 0 : index
    %get3A_57 = vector.load %arg6[%get3A_55, %get3A_56] : memref<256x128xf32, #tpu.memory_space<vmem>>, vector<256x128xf32>
    %dot_general3A_58 = arith.constant dense<0.000000e+00> : vector<10000x128xf32>
    %dot_general3A_59 = tpu.matmul %max3A_54, %get3A_57, %dot_general3A_58 {dimension_numbers = #tpu.dot_dimension_numbers<[1], [0], [0], [1], [0, 0, 1, 1], [], []>, transpose_lhs_hint = false} : vector<10000x256xf32>, vector<256x128xf32>, vector<10000x128xf32> -> vector<10000x128xf32>
    %get3A_60 = arith.constant 0 : index
    %get3A_61 = arith.constant 0 : index
    %get3A_62 = vector.load %arg7[%get3A_60, %get3A_61] : memref<1x128xf32, #tpu.memory_space<vmem>>, vector<1x128xf32>
    %add3A_63 = vector.broadcast %get3A_62 : vector<1x128xf32> to vector<10000x128xf32>
    %add3A_64 = arith.addf %dot_general3A_59, %add3A_63 : vector<10000x128xf32>
    %get3A_65 = arith.constant 0 : index
    %get3A_66 = arith.constant 0 : index
    %get3A_67 = vector.load %arg8[%get3A_65, %get3A_66] : memref<128x128xf32, #tpu.memory_space<vmem>>, vector<128x128xf32>
    %dot_general3A_68 = arith.constant dense<0.000000e+00> : vector<10000x128xf32>
    %dot_general3A_69 = tpu.matmul %add3A_64, %get3A_67, %dot_general3A_68 {dimension_numbers = #tpu.dot_dimension_numbers<[1], [0], [0], [1], [0, 0, 1, 1], [], []>, transpose_lhs_hint = false} : vector<10000x128xf32>, vector<128x128xf32>, vector<10000x128xf32> -> vector<10000x128xf32>
    %get3A_70 = arith.constant 0 : index
    %get3A_71 = arith.constant 0 : index
    %get3A_72 = vector.load %arg9[%get3A_70, %get3A_71] : memref<1x128xf32, #tpu.memory_space<vmem>>, vector<1x128xf32>
    %add3A_73 = vector.broadcast %get3A_72 : vector<1x128xf32> to vector<10000x128xf32>
    %add3A_74 = arith.addf %dot_general3A_69, %add3A_73 : vector<10000x128xf32>
    %swap3A = arith.constant 0 : index
    %swap3A_75 = arith.constant 0 : index
    %swap3A_76 = vector.load %arg11[%swap3A, %swap3A_75] : memref<10000x128xf32, #tpu.memory_space<vmem>>, vector<10000x128xf32>
    tpu.vector_store %arg11[%swap3A, %swap3A_75], %add3A_74 {strides = array<i32>} : memref<10000x128xf32, #tpu.memory_space<vmem>>, vector<10000x128xf32>,
    return
  }
}

</mosaic_0001>

<sc_bundles>
// kernel: kernel.11.cloned.1.call-start
scs
__scs_entry_jumppad:
0x0: {  	(pc) =	sbr.rel $0x88, $3  }
0x1: {  	(tag) =	ssettag $0x0;
	lr =	simm.s32 $0x1  }
0x2: {  	[smem:$0x3F88] =	sst lr;
	_ =	strace $0xD0000000  }
0x3: {  	_ = 	snop  }
0x4: {  	_ = 	snop  }
0x5: {  	_ = 	snop  }
0x6: {  	_ = 	snop  }
0x7: {  	_ = 	snop  }
__scs_overlays_trampoline_lowered:
0x8: {  	[smem:$0x3F97] =	sst s0  }
0x9: {  	[smem:$0x3F98] =	sst s1  }
0xa: {  	[smem:$0x3F99] =	sst s2  }
0xb: {  	[smem:$0x3F9A] =	sst s3  }
0xc: {  	[smem:$0x3F9B] =	sst s4  }
0xd: {  	[smem:$0x3F9C] =	sst s5  }
0xe: {  	[smem:$0x3F9D] =	sst s6  }
0xf: {  	[smem:$0x3F9E] =	sst s7  }
0x10: {  	[smem:$0x3F9F] =	sst s8  }
0x11: {  	[smem:$0x3FA0] =	sst s9;
	s0 =	simm.s32 @!p0 $0x0  }
0x12: {  	s1 =	sld [smem:$0x3F86];
	s0 =	simm.s32 @p0 $0x1  }
0x13: {  	[smem:$0x3FA1] =	sst s0;
	s0 =	simm.s32 @!p1 $0x0  }
0x14: {  	s2 =	sld [smem:$0x3F85];
	s0 =	simm.s32 @p1 $0x1  }
0x15: {  	[smem:$0x3FA2] =	sst s0;
	s0 =	simm.s32 @!p2 $0x0  }
0x16: {  	s3 =	sld [smem:$0x3FDB];
	s0 =	simm.s32 @p2 $0x1  }
0x17: {  	s4 =	simm.s32 $0x1BF5;
	[smem:$0x3FA4] =	sst s0  }
0x18: {  	s0 =	sld [smem:$0x3F87];
	_ =	swait.ge [sflag:s4], $0x0  }
0x19: {  	s7 =	sld [smem:$0x3F88]  }
0x1a: {  	s8 =	sadd.s32 $0xFFFFE003, lr  }
0x1b: {  	s9 =	sadd.s32 $0xFFFFFEF7, lr;
	s5 =	simm.s32 $0xFFFFFFFF;
	p2 =	slt.u32 s8, $0xFFFFF086  }
0x1c: {  	p1 =	slt.u32 s9, $0xF7A;
	s5 =	simm.s32 @!p2 $0x0  }
0x1d: {  	s5 =	simm.s32 @p1 $0x1;
	p0 =	seq.s32 s7, s2  }
0x1e: {  	s7 =	smul.u32 @!p0 $0xF7A, s2;
	p2 =	seq.s32 @!p0 s5, $0x0  }
0x1f: {  	s9 =	smul.u32 $0xF7A, s1;
	s8 =	simm.s32 @!p0 $0x1BF5;
	p2 =	por !p2, p0  }
0x20: {  	[sflag:s8] =	ssyncset.s32 @!p0 $0xFFFFF086;
	s6 =	sadd.s32 @!p0 s3, s7;
	s7 =	simm.s32 @!p0 $0x108  }
0x21: {  	s3 =	sadd.s32 s3, s9;
	s6 =	sadd.s32 @!p0 $0x88, s6;
	s7 =	simm.s32 @p2 $0x1082  }
0x22: {  	[simem:s7], [sflag:s8] =	dma.local @!p0 [hbm:s6], $0xF7A  }
0x23: {  	s9 =	sor.u32 $0xD0000000, s2;
	s6 =	simm.s32 $0x108;
	_ =	swait.ge @!p0 [sflag:s8], $0x0  }
0x24: {  	s3 =	sadd.s32 $0x88, s3;
	s6 =	simm.s32 @!p1 $0x1082;
	[sflag:s4] =	ssyncset.s32 $0xFFFFF086  }
0x25: {  	[simem:s6], [sflag:s4] =	dma.local [hbm:s3], $0xF7A  }
0x26: {  	[smem:$0x3F88] =	sst s1;
	(tag) =	ssettag s2;
	_ =	strace s9  }
0x27: {  	s1 =	sld [smem:$0x3F98]  }
0x28: {  	s2 =	sld [smem:$0x3F99]  }
0x29: {  	s4 =	sld [smem:$0x3F9B]  }
0x2a: {  	p0 =	seq.s32 s5, $0x0;
	s5 =	sld [smem:$0x3F9C]  }
0x2b: {  	s6 =	sld [smem:$0x3F9D]  }
0x2c: {  	s7 =	sld [smem:$0x3F9E]  }
0x2d: {  	s3 =	simm.s32 $0x108;
	s8 =	sld [smem:$0x3F9F]  }
0x2e: {  	s3 =	simm.s32 @!p0 $0x1082;
	s9 =	sld [smem:$0x3FA0]  }
0x2f: {  	lr =	sadd.s32 s0, s3;
	s0 =	sld [smem:$0x3F97]  }
0x30: {  	s3 =	sld [smem:$0x3F9A]  }
0x31: {  	[smem:$0x3FA3] =	sst s10  }
0x32: {  	s10 =	sld [smem:$0x3FA1];
	_ =	sdelay $0x3  }
0x33: {  	p0 =	seq.s32 s10, $0x1;
	s10 =	sld [smem:$0x3FA3];
	_ =	sdelay $0x3  }
0x34: {  	[smem:$0x3FA3] =	sst s10  }
0x35: {  	s10 =	sld [smem:$0x3FA2];
	_ =	sdelay $0x3  }
0x36: {  	p1 =	seq.s32 s10, $0x1;
	s10 =	sld [smem:$0x3FA3];
	_ =	sdelay $0x3  }
0x37: {  	[smem:$0x3FA3] =	sst s10  }
0x38: {  	s10 =	sld [smem:$0x3FA4]  }
0x39: {  	_ = 	snop;
	(pc) =	sbr.ind lr, $3  }
0x3a: {  	_ = 	snop  }
0x3b: {  	_ = 	snop  }
0x3c: {  	p2 =	seq.s32 s10, $0x1;
	s10 =	sld [smem:$0x3FA3]  }
0x3d: {  	_ =	shalt  }
0x3e: {  	_ =	shalt  }
0x3f: {  	_ =	shalt  }
0x40: {  	_ =	shalt  }
0x41: {  	_ =	shalt  }
0x42: {  	_ =	shalt  }
0x43: {  	_ =	shalt  }
0x44: {  	_ =	shalt  }
0x45: {  	_ =	shalt  }
0x46: {  	_ =	shalt  }
0x47: {  	_ =	shalt  }
0x48: {  	_ =	shalt  }
0x49: {  	_ =	shalt  }
0x4a: {  	_ =	shalt  }
0x4b: {  	_ =	shalt  }
0x4c: {  	_ =	shalt  }
0x4d: {  	_ =	shalt  }
0x4e: {  	_ =	shalt  }
0x4f: {  	_ =	shalt  }
0x50: {  	_ =	shalt  }
0x51: {  	_ =	shalt  }
0x52: {  	_ =	shalt  }
0x53: {  	_ =	shalt  }
0x54: {  	_ =	shalt  }
0x55: {  	_ =	shalt  }
0x56: {  	_ =	shalt  }
0x57: {  	_ =	shalt  }
0x58: {  	_ =	shalt  }
0x59: {  	_ =	shalt  }
0x5a: {  	_ =	shalt  }
0x5b: {  	_ =	shalt  }
0x5c: {  	_ =	shalt  }
0x5d: {  	_ =	shalt  }
0x5e: {  	_ =	shalt  }
0x5f: {  	_ =	shalt  }
0x60: {  	_ =	shalt  }
0x61: {  	_ =	shalt  }
0x62: {  	_ =	shalt  }
0x63: {  	_ =	shalt  }
0x64: {  	_ =	shalt  }
0x65: {  	_ =	shalt  }
0x66: {  	_ =	shalt  }
0x67: {  	_ =	shalt  }
0x68: {  	_ =	shalt  }
0x69: {  	_ =	shalt  }
0x6a: {  	_ =	shalt  }
0x6b: {  	_ =	shalt  }
0x6c: {  	_ =	shalt  }
0x6d: {  	_ =	shalt  }
0x6e: {  	_ =	shalt  }
0x6f: {  	_ =	shalt  }
0x70: {  	_ =	shalt  }
0x71: {  	_ =	shalt  }
0x72: {  	_ =	shalt  }
0x73: {  	_ =	shalt  }
0x74: {  	_ =	shalt  }
0x75: {  	_ =	shalt  }
0x76: {  	_ =	shalt  }
0x77: {  	_ =	shalt  }
0x78: {  	_ =	shalt  }
0x79: {  	_ =	shalt  }
0x7a: {  	_ =	shalt  }
0x7b: {  	_ =	shalt  }
0x7c: {  	_ =	shalt  }
0x7d: {  	_ =	shalt  }
0x7e: {  	_ =	shalt  }
0x7f: {  	_ =	shalt  }
0x80: {  	_ =	shalt  }
0x81: {  	_ =	shalt  }
0x82: {  	_ =	shalt  }
0x83: {  	_ =	shalt  }
0x84: {  	_ =	shalt  }
0x85: {  	_ =	shalt  }
0x86: {  	_ =	shalt  }
0x87: {  	_ =	shalt  }
.Lfunc_end0:
.L_simem_size_0:
called_computation.1_lowered:
.L_overlay_start_0:
0x88: {  	s2 =	sld [smem:$0x3FD9]  }
0x89: {  	s3 =	sld [smem:$0x3FFE];
	_ =	sdelay $0x1  }
0x8a: {  	s1 =	srdreg.scid  }
0x8b: {  	s0 =	sand.u32 $0x1, s1  }
0x8c: {  	s17 =	sshll.u32 s0, $0xA;
	s2 =	sadd.s32 s3, s2  }
0x8d: {  	s2 =	sadd.s32 s2, s17  }
0x8e: {  	[smem:$0x3FAF] =	sst s2  }
0x8f: {  	_ = 	snop  }
0x90: {  	s2 =	sld [smem:$0x3FD0];
	(tm) =	ssettm $0x1  }
0x91: {  	s18 =	sld [smem:$0x3FFB];
	_ =	sdelay $0x3  }
0x92: {  	_ =	strace s18  }
0x93: {  	s3 =	sld [smem:$0x3FFC];
	_ =	sdelay $0x3  }
0x94: {  	_ =	strace s3  }
0x95: {  	s3 =	sld [smem:$0x3FFD];
	_ =	sdelay $0x3  }
0x96: {  	_ =	strace s3  }
0x97: {  	_ =	strace $0x8FFFFFFF  }
0x98: {  	s19 =	sld [smem:$0x3FDB];
	_ =	sdelay $0x1  }
0x99: {  	s4 =	simm.s32 $_scs_section_size  }
0x9a: {  	s5 =	simm.s32 $_size__tile_overlayer_lowered;
	s6 =	simm.s32 $_tile_overlayer_lowered  }
0x9b: {  	s22 =	simm.s32 $0x1BFF;
	s21 =	sshll.u32 s6, $0x1;
	s3 =	sadd.s32 s4, s19  }
0x9c: {  	s7 =	simm.s32 $0x0;
	s20 =	sshll.u32 s5, $0x1;
	s5 =	sadd.s32 s21, s3  }
0x9d: {  	[timem:s7], [sflag:s22] =	dma.local [hbm:s5], s20  }
0x9e: {  	_ =	swait.ge [sflag:s22], s20  }
0x9f: {  	s4 =	ssub.s32 $0x0, s20;
	[sflag:s22] =	ssyncset.done $0x0  }
0xa0: {  	[sflag:s22] =	ssyncadd.s32 s4;
	_ =	sdelay $0x1  }
0xa1: {  	s23 =	simm.s32 $0x1B8B  }
0xa2: {  	_ =	swait.ge [sflag:s23], $0x1  }
0xa3: {  	[sflag:s23] =	ssyncset.done $0x0  }
0xa4: {  	s25 =	simm.s32 $0x1B8E;
	s24 =	sld [smem:$0x3FFE];
	[sflag:s23] =	ssyncadd.s32 $0xFFFFFFFF  }
0xa5: {  	s26 =	simm.s32 $execute0_lowered;
	[smem:$0x3FD2] =	sst s25  }
0xa6: {  	s5 =	sshll.u32 s26, $0x1;
	_ =	strace $0x80000049;
	[dreg:$0x1] =	wrdreg $0xFFFFFFFF  }
0xa7: {  	s28 =	simm.s32 $_size_execute0_lowered;
	s3 =	sadd.s32 s3, s5;
	[dreg:$0x0] =	wrdreg $0x0  }
0xa8: {  	s5 =	sshll.u32 s28, $0x1;
	[dreg:$0x2] =	wrdreg s3  }
0xa9: {  	[dreg:$0x3] =	wrdreg s5  }
0xaa: {  	[dreg:$0x4] =	wrdreg $0xC0  }
0xab: {  	_ =	task [dreg:s7], $0x5FFFF  }
0xac: {  	[dreg:$0x1] =	wrdreg $0xFFFFFFFF  }
0xad: {  	[dreg:$0x0] =	wrdreg $0x60  }
0xae: {  	[dreg:$0x2] =	wrdreg s24  }
0xaf: {  	[dreg:$0x3] =	wrdreg s2  }
0xb0: {  	[dreg:$0x4] =	wrdreg $0x82000  }
0xb1: {  	[dreg:$0x5] =	wrdreg $0x9  }
0xb2: {  	_ =	task.clear_ibuf [dreg:s7], $0x6FFFF;
	_ =	strace $0x90000049  }
0xb3: {  	s29 =	simm.s32 $0x9;
	_ =	strace $0x8000004B  }
0xb4: {  	_ =	swait.ge [sflag:s29], $0x1  }
0xb5: {  	[sflag:s29] =	ssyncadd.s32 $0xFFFFFFFF  }
0xb6: {  	_ =	strace $0x9000004B  }
0xb7: {  	_ =	sfence  }
0xb8: {  	s30 =	sld [smem:$0x0];
	_ =	sdelay $0x2  }
0xb9: {  	s31 =	sshll.u32 s1, $0xD;
	s1 =	sshrl.u32 s1, $0x2  }
0xba: {  	s3 =	sand.u32 $0x4000, s31;
	s1 =	sadd.s32 s1, s30  }
0xbb: {  	s0 =	sor.u32 s3, s0;
	s1 =	sshll.u32 s1, $0x11  }
0xbc: {  	s0 =	sor.u32 s1, s0  }
0xbd: {  	s0 =	sadd.s32 $0x8F2B, s0  }
0xbe: {  	[sflag:s0] =	ssyncadd.remote.s32 $0x1  }
0xbf: {  	_ =	sfence.sel $0xFFFF  }
0xc0: {  	[dreg:$0x0] =	wrdreg $0xFFFFFFFF;
	(pc) =	sbr.abs _section_cstart, $3  }
0xc1: {  	[dreg:$0x1] =	wrdreg $0xFFFFFFFF  }
0xc2: {  	_ =	task.clear_ibuf [dreg:s7], $0x2FFFF;
	_ =	strace $0x9FFFFFFF  }
0xc3: {  	(tm) =	ssettm $0x7FFFFFFF  }
tec
execute0_lowered:
.L_overlay_start_1:
0x0: {  	(tag) =	ssettag $0x1  }
0x1: {  	s8 =	rddreg [dreg:$0x0]  }
0x2: {  	s1 =	rddreg [dreg:$0x1]  }
0x3: {  	s2 =	rddreg [dreg:$0x2];
	s3 =	srdreg.scid  }
0x4: {  	s4 =	simm.s32 $0x0;
	s0 =	stileid.u32;
	s19 =	simm.s32 $0x80  }
0x5: {  	s22 =	simm.s32 $0x3;
	s24 =	simm.s32 $0x4;
	s28 =	simm.s32 $0x2  }
0x6: {  	s29 =	simm.s32 $0x0;
	s9 =	sand.u32 $0x1, s3;
	s10 =	smul.u32 $0x13C00, s0  }
0x7: {  	[smem:$0x7FF] =	sst s4;
	s5 =	sadd.s32 $0x5000, s8;
	s13 =	smul.u32 $0x4F000, s0  }
0x8: {  	s6 =	sadd.s32 $0x2C800, s8;
	s31 =	sshll.u32 s0, $0x6;
	s7 =	smul.u32 $0x13C000, s9  }
0x9: {  	_ =	strace $0x8000004A;
	s11 =	sshll.u32 s9, $0x4;
	s12 =	ssub.s32 $0x2, s9  }
0xa: {  	p0 =	seq.s32 s9, $0x0;
	s9 =	simm.s32 $0x78;
	s11 =	sor.u32 s0, s11  }
0xb: {  	s25 =	sshrl.u32 s12, $0x1;
	s9 =	simm.s32 @!p0 $0x26;
	s26 =	sshrl.u32 s13, $0x2  }
0xc: {  	s10 =	sadd.s32 s10, s7;
	s7 =	sadd.s32 $0x3B800, s8;
	s16 =	ssub.s32 s12, s25  }
0xd: {  	s17 =	sadd.s32 s26, s2;
	s18 =	sshll.u32 s9, $0x7;
	s10 =	sshrl.u32 s10, $0x3  }
0xe: {  	s26 =	simm.s32 $0x1;
	s15 =	sadd.s32 s10, s8;
	s8 =	smul.u32 $0x3C00, s11  }
0xf: {  	s16 =	smax.u32 s16, $0x1;
	[dreg:$0x4] =	wrdreg s18;
	s17 =	sshrl.u32 s17, $0x3  }
0x10: {  	s18 =	simm.s32 $0x7;
	s10 =	sor.u32 $0x1C07, s31;
	s30 =	sshrl.u32 s8, $0x3  }
0x11: {  	s15 =	sadd.s32 $0x3E000, s15;
	s14 =	sor.u32 $0x10, s30;
	s11 =	sadd.s32 s6, s30  }
0x12: {  	s13 =	sadd.s32 s1, s30;
	s12 =	sadd.s32 s6, s14;
	s14 =	sadd.s32 s1, s14  }
.LBB2_1:
0x13: {  	[spmem:s17], [sflag:s10] =	dma.local [hbm:s7], $0x2780  }
0x14: {  	_ =	swait.ge [sflag:s18], $0x2780  }
0x15: {  	[sflag:s18] =	ssyncset.done $0x0  }
0x16: {  	[sflag:s18] =	ssyncadd.s32 $0xFFFFD880  }
0x17: {  	[tilespmem:s4], [sflag:$0x3] =	stream.linear.gather [hbm4b:s11+s4], $0x80, $0x38;
	[tilespmem:$0x1BE00] =	vst v63  }
0x18: {  	_ = 	snop  }
0x19: {  	[tilespmem:s19], [sflag:$0x4] =	stream.linear.gather [hbm4b:s12+s4], $0x80, $0x38;
	[tilespmem:$0x1BE00] =	vst v63  }
0x1a: {  	s0 =	simm.s32 $0x100  }
0x1b: {  	[tilespmem:s0], [sflag:$0x5] =	stream.linear.gather [hbm4b:s13+s4], $0x80, $0x38;
	[tilespmem:$0x1BE00] =	vst v63  }
0x1c: {  	s21 =	simm.s32 $0x180  }
0x1d: {  	[tilespmem:s21], [sflag:$0x6] =	stream.linear.gather [hbm4b:s14+s4], $0x80, $0x38;
	[tilespmem:$0x1BE00] =	vst v63  }
0x1e: {  	[bflag:$0x0] =	sbarrier.arrive $0xFFFF  }
0x1f: {  	_ =	swait.ge [sflag:s22], $0x80  }
0x20: {  	[sflag:s22] =	ssyncset.done $0x0  }
0x21: {  	s23 =	simm.s32 $0x200;
	[sflag:s22] =	ssyncadd.s32 $0xFFFFFF80  }
0x22: {  	[tilespmem:s23], [sflag:$0x1] =	stream.indirect.gather [hbm4b:s5+s19], $0x80, s4, s19, $0xb8;
	[tilespmem:$0x1BE00] =	vst v63  }
0x23: {  	_ =	swait.ge [sflag:s24], $0x80  }
0x24: {  	s25 =	simm.s32 $0x4200;
	[sflag:s24] =	ssyncset.done $0x0  }
0x25: {  	s30 =	simm.s32 $0x2;
	s31 =	simm.s32 $0x0;
	[sflag:s24] =	ssyncadd.s32 $0xFFFFFF80  }
0x26: {  	[tilespmem:s25], [sflag:$0x2] =	stream.indirect.gather [hbm4b:s5+s19], $0x80, s19, s19, $0xb8;
	[tilespmem:$0x1BE00] =	vst v63  }
.LBB2_2:
0x27: {  	_ =	swait.ge [sflag:s26], $0x4000  }
0x28: {  	p0 =	sge.u32 s30, s9;
	[sflag:s26] =	ssyncset.done $0x0  }
0x29: {  	s0 =	simm.s32 @p0 $0x5;
	[sflag:s26] =	ssyncadd.s32 $0xFFFFC000  }
0x2a: {  	_ =	swait.ge @p0 [sflag:s0], $0x80  }
0x2b: {  	s3 =	simm.s32 @p0 $0x100;
	[sflag:s0] =	ssyncset.done @p0 $0x0  }
0x2c: {  	s20 =	simm.s32 @p0 $0x200;
	[sflag:s0] =	ssyncadd.s32 @p0 $0xFFFFFF80;
	s0 =	simm.s32 @p0 $0x80  }
0x2d: {  	[spmem:s2] =	stream.indirect.scatter.add.f32 @p0 [tilespmem:s20], [sflag:$0x7], $0x80, s3, s0, $0xb8;
	[tilespmem:$0x1BE00] =	vst v63  }
0x2e: {  	s0 =	sadd.s32 @!p0 $0x100, s31  }
0x2f: {  	s3 =	sand.u32 @!p0 $0x7FFFFC00, s0  }
0x30: {  	s20 =	simm.s32 @p0 $0x7;
	s0 =	sand.u32 @!p0 $0x300, s0;
	s3 =	sadd.s32 @!p0 s8, s3  }
0x31: {  	_ =	swait.ge @p0 [sflag:s20], $0x4000;
	s0 =	sor.u32 @!p0 s0, s3  }
0x32: {  	[sflag:s20] =	ssyncset.done @p0 $0x0;
	s0 =	sshrl.u32 @!p0 s0, $0x3  }
0x33: {  	[sflag:s20] =	ssyncadd.s32 @p0 $0xFFFFC000;
	s20 =	simm.s32 @!p0 $0x0;
	s3 =	sadd.s32 @!p0 s6, s0  }
0x34: {  	[tilespmem:s20], [sflag:$0x3] =	stream.linear.gather @!p0 [hbm4b:s3+s20], $0x80, $0x38;
	[tilespmem:$0x1BE00] =	vst v63  }
0x35: {  	s3 =	simm.s32 @!p0 $0x5  }
0x36: {  	_ =	swait.ge @!p0 [sflag:s3], $0x80  }
0x37: {  	s21 =	simm.s32 @!p0 $0x100;
	s23 =	simm.s32 @!p0 $0x200;
	[sflag:s3] =	ssyncset.done @!p0 $0x0  }
0x38: {  	s25 =	simm.s32 @!p0 $0x7;
	[sflag:s3] =	ssyncadd.s32 @!p0 $0xFFFFFF80;
	s3 =	simm.s32 @!p0 $0x80  }
0x39: {  	[spmem:s2] =	stream.indirect.scatter.add.f32 @!p0 [tilespmem:s23], [sflag:$0x7], $0x80, s21, s3, $0xb8;
	[tilespmem:$0x1BE00] =	vst v63  }
0x3a: {  	_ =	swait.ge @!p0 [sflag:s25], $0x4000  }
0x3b: {  	[sflag:s25] =	ssyncset.done @!p0 $0x0  }
0x3c: {  	s0 =	sadd.s32 @!p0 s1, s0;
	[sflag:s25] =	ssyncadd.s32 @!p0 $0xFFFFC000  }
0x3d: {  	[tilespmem:s21], [sflag:$0x5] =	stream.linear.gather @!p0 [hbm4b:s0+s20], $0x80, $0x38;
	[tilespmem:$0x1BE00] =	vst v63  }
0x3e: {  	s0 =	simm.s32 @!p0 $0x3  }
0x3f: {  	_ =	swait.ge @!p0 [sflag:s0], $0x80  }
0x40: {  	[sflag:s0] =	ssyncset.done @!p0 $0x0  }
0x41: {  	[sflag:s0] =	ssyncadd.s32 @!p0 $0xFFFFFF80  }
0x42: {  	[tilespmem:s23], [sflag:$0x1] =	stream.indirect.gather @!p0 [hbm4b:s5+s3], $0x80, s20, s3, $0xb8;
	[tilespmem:$0x1BE00] =	vst v63  }
0x43: {  	s23 =	sadd.s32 $0x1, s30;
	_ =	swait.ge [sflag:s28], $0x4000  }
0x44: {  	p0 =	sge.u32 s23, s9;
	[sflag:s28] =	ssyncset.done $0x0  }
0x45: {  	s0 =	simm.s32 @p0 $0x6;
	[sflag:s28] =	ssyncadd.s32 $0xFFFFC000  }
0x46: {  	_ =	swait.ge @p0 [sflag:s0], $0x80  }
0x47: {  	s3 =	simm.s32 @p0 $0x180;
	[sflag:s0] =	ssyncset.done @p0 $0x0  }
0x48: {  	s20 =	simm.s32 @p0 $0x4200;
	[sflag:s0] =	ssyncadd.s32 @p0 $0xFFFFFF80;
	s0 =	simm.s32 @p0 $0x80  }
0x49: {  	[spmem:s2] =	stream.indirect.scatter.add.f32 @p0 [tilespmem:s20], [sflag:$0x7], $0x80, s3, s0, $0xb8;
	[tilespmem:$0x1BE00] =	vst v63  }
0x4a: {  	s0 =	sadd.s32 @!p0 $0x180, s31  }
0x4b: {  	s20 =	sand.u32 @!p0 $0x7FFFFC00, s0  }
0x4c: {  	s3 =	simm.s32 @p0 $0x7;
	s0 =	sand.u32 @!p0 $0x380, s0;
	s20 =	sadd.s32 @!p0 s8, s20  }
0x4d: {  	_ =	swait.ge @p0 [sflag:s3], $0x4000;
	s0 =	sor.u32 @!p0 s0, s20  }
0x4e: {  	s21 =	simm.s32 @!p0 $0x80;
	[sflag:s3] =	ssyncset.done @p0 $0x0;
	s0 =	sshrl.u32 @!p0 s0, $0x3  }
0x4f: {  	[sflag:s3] =	ssyncadd.s32 @p0 $0xFFFFC000;
	s20 =	simm.s32 @!p0 $0x0;
	s3 =	sadd.s32 @!p0 s6, s0  }
0x50: {  	[tilespmem:s21], [sflag:$0x4] =	stream.linear.gather @!p0 [hbm4b:s3+s20], $0x80, $0x38;
	[tilespmem:$0x1BE00] =	vst v63  }
0x51: {  	s3 =	simm.s32 @!p0 $0x6  }
0x52: {  	_ =	swait.ge @!p0 [sflag:s3], $0x80  }
0x53: {  	s23 =	simm.s32 @!p0 $0x4200;
	[sflag:s3] =	ssyncset.done @!p0 $0x0  }
0x54: {  	s25 =	simm.s32 @!p0 $0x7;
	[sflag:s3] =	ssyncadd.s32 @!p0 $0xFFFFFF80;
	s3 =	simm.s32 @!p0 $0x180  }
0x55: {  	[spmem:s2] =	stream.indirect.scatter.add.f32 @!p0 [tilespmem:s23], [sflag:$0x7], $0x80, s3, s21, $0xb8;
	[tilespmem:$0x1BE00] =	vst v63  }
0x56: {  	_ =	swait.ge @!p0 [sflag:s25], $0x4000  }
0x57: {  	[sflag:s25] =	ssyncset.done @!p0 $0x0  }
0x58: {  	s0 =	sadd.s32 @!p0 s1, s0;
	[sflag:s25] =	ssyncadd.s32 @!p0 $0xFFFFC000  }
0x59: {  	[tilespmem:s3], [sflag:$0x6] =	stream.linear.gather @!p0 [hbm4b:s0+s20], $0x80, $0x38;
	[tilespmem:$0x1BE00] =	vst v63  }
0x5a: {  	s0 =	simm.s32 @!p0 $0x4  }
0x5b: {  	_ =	swait.ge @!p0 [sflag:s0], $0x80  }
0x5c: {  	[sflag:s0] =	ssyncset.done @!p0 $0x0  }
0x5d: {  	s31 =	sadd.s32 $0x100, s31;
	s25 =	rddreg [dreg:$0x4];
	[sflag:s0] =	ssyncadd.s32 @!p0 $0xFFFFFF80  }
0x5e: {  	[tilespmem:s23], [sflag:$0x2] =	stream.indirect.gather @!p0 [hbm4b:s5+s21], $0x80, s21, s21, $0xb8;
	[tilespmem:$0x1BE00] =	vst v63  }
0x5f: {  	p0 =	sne.s32 s25, s31  }
.Ltmp0:
0x60: {  	_ = 	snop;
	(pc) =	sbr.rel @p0 .LBB2_2-.Ltmp0, $2  }
0x61: {  	_ =	sdelay $0x2  }
0x62: {  	s30 =	sadd.s32 $0x2, s30  }
0x63: {  	s29 =	sadd.s32 $0x1, s29  }
0x64: {  	p0 =	sne.s32 s29, s16  }
.Ltmp1:
0x65: {  	[bflag:$0x0] =	sbarrier.arrive $0xFFFF;
	(pc) =	sbr.rel @p0 .LBB2_1-.Ltmp1, $4  }
0x66: {  	[hbm:s15], [sflag:s10] =	dma.local [spmem:s17], $0x2780  }
0x67: {  	_ =	swait.ge [sflag:s18], $0x2780  }
0x68: {  	[sflag:s18] =	ssyncset.done $0x0  }
0x69: {  	[sflag:s18] =	ssyncadd.s32 $0xFFFFD880  }
0x6a: {  	_ =	sfence.sel $0x180000  }
0x6b: {  	[bflag:$0x0] =	sbarrier.arrive $0xFFFF  }
0x6c: {  	_ =	strace $0x9000004A  }
0x6d: {  	s0 =	stileid.u32;
	[bflag:$0x2] =	sbarrier.arrive $0xFFFF  }
0x6e: {  	p0 =	sne.s32 s0, $0x0;
	s0 =	rddreg [dreg:$0x3]  }
0x6f: {  	s0 =	sadd.s32 @!p0 $0x100000, s0  }
0x70: {  	[sflag:s0] =	ssyncadd.tile.s32 @!p0 $0x1;
	_ =	shalt  }
.Lfunc_end2:
_tile_overlayer_lowered:
.L_overlay_start_2:
0x71: {  	(tag) =	ssettag $0x2  }
0x72: {  	s0 =	rddreg [dreg:$0x0];
	s2 =	stileid.u32  }
0x73: {  	s1 =	rddreg [dreg:$0x1];
	p0 =	sne.s32 s2, $0x0  }
0x74: {  	s3 =	rddreg [dreg:$0x2];
	[bflag:$0x3] =	sbarrier.arrive $0xFFFF;
	s2 =	simm.s32 @!p0 $0x1C07  }
0x75: {  	[timem:s3], [sflag:s2] =	dma.local @!p0 [hbm:s0], s1  }
0x76: {  	s0 =	simm.s32 @!p0 $0x7  }
0x77: {  	_ =	swait.ge @!p0 [sflag:s0], s1  }
0x78: {  	s1 =	ssub.s32 @!p0 $0x0, s1;
	[sflag:s0] =	ssyncset.done @!p0 $0x0  }
0x79: {  	[sflag:s0] =	ssyncadd.s32 @!p0 s1  }
0x7a: {  	[bflag:$0x3] =	sbarrier.arrive $0xFFFF  }
0x7b: {  	_ =	shalt  }

// kernel: kernel.14.cloned.1.call-start
scs
__scs_entry_jumppad:
0x0: {  	(pc) =	sbr.rel $0x88, $3  }
0x1: {  	(tag) =	ssettag $0x0;
	lr =	simm.s32 $0x1  }
0x2: {  	[smem:$0x3F88] =	sst lr;
	_ =	strace $0xD0000000  }
0x3: {  	_ = 	snop  }
0x4: {  	_ = 	snop  }
0x5: {  	_ = 	snop  }
0x6: {  	_ = 	snop  }
0x7: {  	_ = 	snop  }
__scs_overlays_trampoline_lowered:
0x8: {  	[smem:$0x3F97] =	sst s0  }
0x9: {  	[smem:$0x3F98] =	sst s1  }
0xa: {  	[smem:$0x3F99] =	sst s2  }
0xb: {  	[smem:$0x3F9A] =	sst s3  }
0xc: {  	[smem:$0x3F9B] =	sst s4  }
0xd: {  	[smem:$0x3F9C] =	sst s5  }
0xe: {  	[smem:$0x3F9D] =	sst s6  }
0xf: {  	[smem:$0x3F9E] =	sst s7  }
0x10: {  	[smem:$0x3F9F] =	sst s8  }
0x11: {  	[smem:$0x3FA0] =	sst s9;
	s0 =	simm.s32 @!p0 $0x0  }
0x12: {  	s1 =	sld [smem:$0x3F86];
	s0 =	simm.s32 @p0 $0x1  }
0x13: {  	[smem:$0x3FA1] =	sst s0;
	s0 =	simm.s32 @!p1 $0x0  }
0x14: {  	s2 =	sld [smem:$0x3F85];
	s0 =	simm.s32 @p1 $0x1  }
0x15: {  	[smem:$0x3FA2] =	sst s0;
	s0 =	simm.s32 @!p2 $0x0  }
0x16: {  	s3 =	sld [smem:$0x3FDB];
	s0 =	simm.s32 @p2 $0x1  }
0x17: {  	s4 =	simm.s32 $0x1BF5;
	[smem:$0x3FA4] =	sst s0  }
0x18: {  	s0 =	sld [smem:$0x3F87];
	_ =	swait.ge [sflag:s4], $0x0  }
0x19: {  	s7 =	sld [smem:$0x3F88]  }
0x1a: {  	s8 =	sadd.s32 $0xFFFFE003, lr  }
0x1b: {  	s9 =	sadd.s32 $0xFFFFFEF7, lr;
	s5 =	simm.s32 $0xFFFFFFFF;
	p2 =	slt.u32 s8, $0xFFFFF086  }
0x1c: {  	p1 =	slt.u32 s9, $0xF7A;
	s5 =	simm.s32 @!p2 $0x0  }
0x1d: {  	s5 =	simm.s32 @p1 $0x1;
	p0 =	seq.s32 s7, s2  }
0x1e: {  	s7 =	smul.u32 @!p0 $0xF7A, s2;
	p2 =	seq.s32 @!p0 s5, $0x0  }
0x1f: {  	s9 =	smul.u32 $0xF7A, s1;
	s8 =	simm.s32 @!p0 $0x1BF5;
	p2 =	por !p2, p0  }
0x20: {  	[sflag:s8] =	ssyncset.s32 @!p0 $0xFFFFF086;
	s6 =	sadd.s32 @!p0 s3, s7;
	s7 =	simm.s32 @!p0 $0x108  }
0x21: {  	s3 =	sadd.s32 s3, s9;
	s6 =	sadd.s32 @!p0 $0x88, s6;
	s7 =	simm.s32 @p2 $0x1082  }
0x22: {  	[simem:s7], [sflag:s8] =	dma.local @!p0 [hbm:s6], $0xF7A  }
0x23: {  	s9 =	sor.u32 $0xD0000000, s2;
	s6 =	simm.s32 $0x108;
	_ =	swait.ge @!p0 [sflag:s8], $0x0  }
0x24: {  	s3 =	sadd.s32 $0x88, s3;
	s6 =	simm.s32 @!p1 $0x1082;
	[sflag:s4] =	ssyncset.s32 $0xFFFFF086  }
0x25: {  	[simem:s6], [sflag:s4] =	dma.local [hbm:s3], $0xF7A  }
0x26: {  	[smem:$0x3F88] =	sst s1;
	(tag) =	ssettag s2;
	_ =	strace s9  }
0x27: {  	s1 =	sld [smem:$0x3F98]  }
0x28: {  	s2 =	sld [smem:$0x3F99]  }
0x29: {  	s4 =	sld [smem:$0x3F9B]  }
0x2a: {  	p0 =	seq.s32 s5, $0x0;
	s5 =	sld [smem:$0x3F9C]  }
0x2b: {  	s6 =	sld [smem:$0x3F9D]  }
0x2c: {  	s7 =	sld [smem:$0x3F9E]  }
0x2d: {  	s3 =	simm.s32 $0x108;
	s8 =	sld [smem:$0x3F9F]  }
0x2e: {  	s3 =	simm.s32 @!p0 $0x1082;
	s9 =	sld [smem:$0x3FA0]  }
0x2f: {  	lr =	sadd.s32 s0, s3;
	s0 =	sld [smem:$0x3F97]  }
0x30: {  	s3 =	sld [smem:$0x3F9A]  }
0x31: {  	[smem:$0x3FA3] =	sst s10  }
0x32: {  	s10 =	sld [smem:$0x3FA1];
	_ =	sdelay $0x3  }
0x33: {  	p0 =	seq.s32 s10, $0x1;
	s10 =	sld [smem:$0x3FA3];
	_ =	sdelay $0x3  }
0x34: {  	[smem:$0x3FA3] =	sst s10  }
0x35: {  	s10 =	sld [smem:$0x3FA2];
	_ =	sdelay $0x3  }
0x36: {  	p1 =	seq.s32 s10, $0x1;
	s10 =	sld [smem:$0x3FA3];
	_ =	sdelay $0x3  }
0x37: {  	[smem:$0x3FA3] =	sst s10  }
0x38: {  	s10 =	sld [smem:$0x3FA4]  }
0x39: {  	_ = 	snop;
	(pc) =	sbr.ind lr, $3  }
0x3a: {  	_ = 	snop  }
0x3b: {  	_ = 	snop  }
0x3c: {  	p2 =	seq.s32 s10, $0x1;
	s10 =	sld [smem:$0x3FA3]  }
0x3d: {  	_ =	shalt  }
0x3e: {  	_ =	shalt  }
0x3f: {  	_ =	shalt  }
0x40: {  	_ =	shalt  }
0x41: {  	_ =	shalt  }
0x42: {  	_ =	shalt  }
0x43: {  	_ =	shalt  }
0x44: {  	_ =	shalt  }
0x45: {  	_ =	shalt  }
0x46: {  	_ =	shalt  }
0x47: {  	_ =	shalt  }
0x48: {  	_ =	shalt  }
0x49: {  	_ =	shalt  }
0x4a: {  	_ =	shalt  }
0x4b: {  	_ =	shalt  }
0x4c: {  	_ =	shalt  }
0x4d: {  	_ =	shalt  }
0x4e: {  	_ =	shalt  }
0x4f: {  	_ =	shalt  }
0x50: {  	_ =	shalt  }
0x51: {  	_ =	shalt  }
0x52: {  	_ =	shalt  }
0x53: {  	_ =	shalt  }
0x54: {  	_ =	shalt  }
0x55: {  	_ =	shalt  }
0x56: {  	_ =	shalt  }
0x57: {  	_ =	shalt  }
0x58: {  	_ =	shalt  }
0x59: {  	_ =	shalt  }
0x5a: {  	_ =	shalt  }
0x5b: {  	_ =	shalt  }
0x5c: {  	_ =	shalt  }
0x5d: {  	_ =	shalt  }
0x5e: {  	_ =	shalt  }
0x5f: {  	_ =	shalt  }
0x60: {  	_ =	shalt  }
0x61: {  	_ =	shalt  }
0x62: {  	_ =	shalt  }
0x63: {  	_ =	shalt  }
0x64: {  	_ =	shalt  }
0x65: {  	_ =	shalt  }
0x66: {  	_ =	shalt  }
0x67: {  	_ =	shalt  }
0x68: {  	_ =	shalt  }
0x69: {  	_ =	shalt  }
0x6a: {  	_ =	shalt  }
0x6b: {  	_ =	shalt  }
0x6c: {  	_ =	shalt  }
0x6d: {  	_ =	shalt  }
0x6e: {  	_ =	shalt  }
0x6f: {  	_ =	shalt  }
0x70: {  	_ =	shalt  }
0x71: {  	_ =	shalt  }
0x72: {  	_ =	shalt  }
0x73: {  	_ =	shalt  }
0x74: {  	_ =	shalt  }
0x75: {  	_ =	shalt  }
0x76: {  	_ =	shalt  }
0x77: {  	_ =	shalt  }
0x78: {  	_ =	shalt  }
0x79: {  	_ =	shalt  }
0x7a: {  	_ =	shalt  }
0x7b: {  	_ =	shalt  }
0x7c: {  	_ =	shalt  }
0x7d: {  	_ =	shalt  }
0x7e: {  	_ =	shalt  }
0x7f: {  	_ =	shalt  }
0x80: {  	_ =	shalt  }
0x81: {  	_ =	shalt  }
0x82: {  	_ =	shalt  }
0x83: {  	_ =	shalt  }
0x84: {  	_ =	shalt  }
0x85: {  	_ =	shalt  }
0x86: {  	_ =	shalt  }
0x87: {  	_ =	shalt  }
.Lfunc_end0:
.L_simem_size_0:
called_computation.2_lowered:
.L_overlay_start_0:
0x88: {  	s2 =	sld [smem:$0x3FD9]  }
0x89: {  	s3 =	sld [smem:$0x3FFE];
	_ =	sdelay $0x1  }
0x8a: {  	s1 =	srdreg.scid  }
0x8b: {  	s0 =	sand.u32 $0x1, s1  }
0x8c: {  	s17 =	sshll.u32 s0, $0xA;
	s2 =	sadd.s32 s3, s2  }
0x8d: {  	s2 =	sadd.s32 s2, s17  }
0x8e: {  	[smem:$0x3FAF] =	sst s2  }
0x8f: {  	_ = 	snop  }
0x90: {  	s2 =	sld [smem:$0x3FD0];
	(tm) =	ssettm $0x1  }
0x91: {  	s18 =	sld [smem:$0x3FFB];
	_ =	sdelay $0x3  }
0x92: {  	_ =	strace s18  }
0x93: {  	s3 =	sld [smem:$0x3FFC];
	_ =	sdelay $0x3  }
0x94: {  	_ =	strace s3  }
0x95: {  	s3 =	sld [smem:$0x3FFD];
	_ =	sdelay $0x3  }
0x96: {  	_ =	strace s3  }
0x97: {  	_ =	strace $0x8FFFFFFF  }
0x98: {  	s19 =	sld [smem:$0x3FDB];
	_ =	sdelay $0x1  }
0x99: {  	s4 =	simm.s32 $_scs_section_size  }
0x9a: {  	s5 =	simm.s32 $_size__tile_overlayer_lowered;
	s6 =	simm.s32 $_tile_overlayer_lowered  }
0x9b: {  	s22 =	simm.s32 $0x1BFF;
	s21 =	sshll.u32 s6, $0x1;
	s3 =	sadd.s32 s4, s19  }
0x9c: {  	s7 =	simm.s32 $0x0;
	s20 =	sshll.u32 s5, $0x1;
	s5 =	sadd.s32 s21, s3  }
0x9d: {  	[timem:s7], [sflag:s22] =	dma.local [hbm:s5], s20  }
0x9e: {  	_ =	swait.ge [sflag:s22], s20  }
0x9f: {  	s4 =	ssub.s32 $0x0, s20;
	[sflag:s22] =	ssyncset.done $0x0  }
0xa0: {  	[sflag:s22] =	ssyncadd.s32 s4;
	_ =	sdelay $0x1  }
0xa1: {  	s23 =	simm.s32 $0x1B8B  }
0xa2: {  	_ =	swait.ge [sflag:s23], $0x1  }
0xa3: {  	[sflag:s23] =	ssyncset.done $0x0  }
0xa4: {  	s25 =	simm.s32 $0x1B8E;
	s24 =	sld [smem:$0x3FFE];
	[sflag:s23] =	ssyncadd.s32 $0xFFFFFFFF  }
0xa5: {  	s26 =	simm.s32 $execute0_lowered;
	[smem:$0x3FD2] =	sst s25  }
0xa6: {  	s5 =	sshll.u32 s26, $0x1;
	_ =	strace $0x8000004C;
	[dreg:$0x1] =	wrdreg $0xFFFFFFFF  }
0xa7: {  	s28 =	simm.s32 $_size_execute0_lowered;
	s3 =	sadd.s32 s3, s5;
	[dreg:$0x0] =	wrdreg $0x0  }
0xa8: {  	s5 =	sshll.u32 s28, $0x1;
	[dreg:$0x2] =	wrdreg s3  }
0xa9: {  	[dreg:$0x3] =	wrdreg s5  }
0xaa: {  	[dreg:$0x4] =	wrdreg $0xC0  }
0xab: {  	_ =	task [dreg:s7], $0x5FFFF  }
0xac: {  	[dreg:$0x1] =	wrdreg $0xFFFFFFFF  }
0xad: {  	[dreg:$0x0] =	wrdreg $0x60  }
0xae: {  	[dreg:$0x2] =	wrdreg s24  }
0xaf: {  	[dreg:$0x3] =	wrdreg s2  }
0xb0: {  	[dreg:$0x4] =	wrdreg $0x82000  }
0xb1: {  	[dreg:$0x5] =	wrdreg $0x9  }
0xb2: {  	_ =	task.clear_ibuf [dreg:s7], $0x6FFFF;
	_ =	strace $0x9000004C  }
0xb3: {  	s29 =	simm.s32 $0x9;
	_ =	strace $0x8000004E  }
0xb4: {  	_ =	swait.ge [sflag:s29], $0x1  }
0xb5: {  	[sflag:s29] =	ssyncadd.s32 $0xFFFFFFFF  }
0xb6: {  	_ =	strace $0x9000004E  }
0xb7: {  	_ =	sfence  }
0xb8: {  	s30 =	sld [smem:$0x0];
	_ =	sdelay $0x2  }
0xb9: {  	s31 =	sshll.u32 s1, $0xD;
	s1 =	sshrl.u32 s1, $0x2  }
0xba: {  	s3 =	sand.u32 $0x4000, s31;
	s1 =	sadd.s32 s1, s30  }
0xbb: {  	s0 =	sor.u32 s3, s0;
	s1 =	sshll.u32 s1, $0x11  }
0xbc: {  	s0 =	sor.u32 s1, s0  }
0xbd: {  	s0 =	sadd.s32 $0x8F2B, s0  }
0xbe: {  	[sflag:s0] =	ssyncadd.remote.s32 $0x1  }
0xbf: {  	_ =	sfence.sel $0xFFFF  }
0xc0: {  	[dreg:$0x0] =	wrdreg $0xFFFFFFFF;
	(pc) =	sbr.abs _section_cstart, $3  }
0xc1: {  	[dreg:$0x1] =	wrdreg $0xFFFFFFFF  }
0xc2: {  	_ =	task.clear_ibuf [dreg:s7], $0x2FFFF;
	_ =	strace $0x9FFFFFFF  }
0xc3: {  	(tm) =	ssettm $0x7FFFFFFF  }
tec
execute0_lowered:
.L_overlay_start_1:
0x0: {  	(tag) =	ssettag $0x1  }
0x1: {  	s8 =	rddreg [dreg:$0x0]  }
0x2: {  	s1 =	rddreg [dreg:$0x1]  }
0x3: {  	s2 =	rddreg [dreg:$0x2];
	s3 =	srdreg.scid  }
0x4: {  	s4 =	simm.s32 $0x0;
	s0 =	stileid.u32;
	s19 =	simm.s32 $0x80  }
0x5: {  	s22 =	simm.s32 $0x3;
	s24 =	simm.s32 $0x4;
	s28 =	simm.s32 $0x2  }
0x6: {  	s29 =	simm.s32 $0x0;
	s9 =	sand.u32 $0x1, s3;
	s10 =	smul.u32 $0x13C00, s0  }
0x7: {  	[smem:$0x7FF] =	sst s4;
	s5 =	sadd.s32 $0x5000, s8;
	s13 =	smul.u32 $0x4F000, s0  }
0x8: {  	s6 =	sadd.s32 $0x2C800, s8;
	s31 =	sshll.u32 s0, $0x6;
	s7 =	smul.u32 $0x13C000, s9  }
0x9: {  	_ =	strace $0x8000004D;
	s11 =	sshll.u32 s9, $0x4;
	s12 =	ssub.s32 $0x2, s9  }
0xa: {  	p0 =	seq.s32 s9, $0x0;
	s9 =	simm.s32 $0x78;
	s11 =	sor.u32 s0, s11  }
0xb: {  	s25 =	sshrl.u32 s12, $0x1;
	s9 =	simm.s32 @!p0 $0x26;
	s26 =	sshrl.u32 s13, $0x2  }
0xc: {  	s10 =	sadd.s32 s10, s7;
	s7 =	sadd.s32 $0x3B800, s8;
	s16 =	ssub.s32 s12, s25  }
0xd: {  	s17 =	sadd.s32 s26, s2;
	s18 =	sshll.u32 s9, $0x7;
	s10 =	sshrl.u32 s10, $0x3  }
0xe: {  	s26 =	simm.s32 $0x1;
	s15 =	sadd.s32 s10, s8;
	s8 =	smul.u32 $0x3C00, s11  }
0xf: {  	s16 =	smax.u32 s16, $0x1;
	[dreg:$0x4] =	wrdreg s18;
	s17 =	sshrl.u32 s17, $0x3  }
0x10: {  	s18 =	simm.s32 $0x7;
	s10 =	sor.u32 $0x1C07, s31;
	s30 =	sshrl.u32 s8, $0x3  }
0x11: {  	s15 =	sadd.s32 $0x3E000, s15;
	s14 =	sor.u32 $0x10, s30;
	s11 =	sadd.s32 s6, s30  }
0x12: {  	s13 =	sadd.s32 s1, s30;
	s12 =	sadd.s32 s6, s14;
	s14 =	sadd.s32 s1, s14  }
.LBB2_1:
0x13: {  	[spmem:s17], [sflag:s10] =	dma.local [hbm:s7], $0x2780  }
0x14: {  	_ =	swait.ge [sflag:s18], $0x2780  }
0x15: {  	[sflag:s18] =	ssyncset.done $0x0  }
0x16: {  	[sflag:s18] =	ssyncadd.s32 $0xFFFFD880  }
0x17: {  	[tilespmem:s4], [sflag:$0x3] =	stream.linear.gather [hbm4b:s11+s4], $0x80, $0x38;
	[tilespmem:$0x1BE00] =	vst v63  }
0x18: {  	_ = 	snop  }
0x19: {  	[tilespmem:s19], [sflag:$0x4] =	stream.linear.gather [hbm4b:s12+s4], $0x80, $0x38;
	[tilespmem:$0x1BE00] =	vst v63  }
0x1a: {  	s0 =	simm.s32 $0x100  }
0x1b: {  	[tilespmem:s0], [sflag:$0x5] =	stream.linear.gather [hbm4b:s13+s4], $0x80, $0x38;
	[tilespmem:$0x1BE00] =	vst v63  }
0x1c: {  	s21 =	simm.s32 $0x180  }
0x1d: {  	[tilespmem:s21], [sflag:$0x6] =	stream.linear.gather [hbm4b:s14+s4], $0x80, $0x38;
	[tilespmem:$0x1BE00] =	vst v63  }
0x1e: {  	[bflag:$0x0] =	sbarrier.arrive $0xFFFF  }
0x1f: {  	_ =	swait.ge [sflag:s22], $0x80  }
0x20: {  	[sflag:s22] =	ssyncset.done $0x0  }
0x21: {  	s23 =	simm.s32 $0x200;
	[sflag:s22] =	ssyncadd.s32 $0xFFFFFF80  }
0x22: {  	[tilespmem:s23], [sflag:$0x1] =	stream.indirect.gather [hbm4b:s5+s19], $0x80, s4, s19, $0xb8;
	[tilespmem:$0x1BE00] =	vst v63  }
0x23: {  	_ =	swait.ge [sflag:s24], $0x80  }
0x24: {  	s25 =	simm.s32 $0x4200;
	[sflag:s24] =	ssyncset.done $0x0  }
0x25: {  	s30 =	simm.s32 $0x2;
	s31 =	simm.s32 $0x0;
	[sflag:s24] =	ssyncadd.s32 $0xFFFFFF80  }
0x26: {  	[tilespmem:s25], [sflag:$0x2] =	stream.indirect.gather [hbm4b:s5+s19], $0x80, s19, s19, $0xb8;
	[tilespmem:$0x1BE00] =	vst v63  }
.LBB2_2:
0x27: {  	_ =	swait.ge [sflag:s26], $0x4000  }
0x28: {  	p0 =	sge.u32 s30, s9;
	[sflag:s26] =	ssyncset.done $0x0  }
0x29: {  	s0 =	simm.s32 @p0 $0x5;
	[sflag:s26] =	ssyncadd.s32 $0xFFFFC000  }
0x2a: {  	_ =	swait.ge @p0 [sflag:s0], $0x80  }
0x2b: {  	s3 =	simm.s32 @p0 $0x100;
	[sflag:s0] =	ssyncset.done @p0 $0x0  }
0x2c: {  	s20 =	simm.s32 @p0 $0x200;
	[sflag:s0] =	ssyncadd.s32 @p0 $0xFFFFFF80;
	s0 =	simm.s32 @p0 $0x80  }
0x2d: {  	[spmem:s2] =	stream.indirect.scatter.add.f32 @p0 [tilespmem:s20], [sflag:$0x7], $0x80, s3, s0, $0xb8;
	[tilespmem:$0x1BE00] =	vst v63  }
0x2e: {  	s0 =	sadd.s32 @!p0 $0x100, s31  }
0x2f: {  	s3 =	sand.u32 @!p0 $0x7FFFFC00, s0  }
0x30: {  	s20 =	simm.s32 @p0 $0x7;
	s0 =	sand.u32 @!p0 $0x300, s0;
	s3 =	sadd.s32 @!p0 s8, s3  }
0x31: {  	_ =	swait.ge @p0 [sflag:s20], $0x4000;
	s0 =	sor.u32 @!p0 s0, s3  }
0x32: {  	[sflag:s20] =	ssyncset.done @p0 $0x0;
	s0 =	sshrl.u32 @!p0 s0, $0x3  }
0x33: {  	[sflag:s20] =	ssyncadd.s32 @p0 $0xFFFFC000;
	s20 =	simm.s32 @!p0 $0x0;
	s3 =	sadd.s32 @!p0 s6, s0  }
0x34: {  	[tilespmem:s20], [sflag:$0x3] =	stream.linear.gather @!p0 [hbm4b:s3+s20], $0x80, $0x38;
	[tilespmem:$0x1BE00] =	vst v63  }
0x35: {  	s3 =	simm.s32 @!p0 $0x5  }
0x36: {  	_ =	swait.ge @!p0 [sflag:s3], $0x80  }
0x37: {  	s21 =	simm.s32 @!p0 $0x100;
	s23 =	simm.s32 @!p0 $0x200;
	[sflag:s3] =	ssyncset.done @!p0 $0x0  }
0x38: {  	s25 =	simm.s32 @!p0 $0x7;
	[sflag:s3] =	ssyncadd.s32 @!p0 $0xFFFFFF80;
	s3 =	simm.s32 @!p0 $0x80  }
0x39: {  	[spmem:s2] =	stream.indirect.scatter.add.f32 @!p0 [tilespmem:s23], [sflag:$0x7], $0x80, s21, s3, $0xb8;
	[tilespmem:$0x1BE00] =	vst v63  }
0x3a: {  	_ =	swait.ge @!p0 [sflag:s25], $0x4000  }
0x3b: {  	[sflag:s25] =	ssyncset.done @!p0 $0x0  }
0x3c: {  	s0 =	sadd.s32 @!p0 s1, s0;
	[sflag:s25] =	ssyncadd.s32 @!p0 $0xFFFFC000  }
0x3d: {  	[tilespmem:s21], [sflag:$0x5] =	stream.linear.gather @!p0 [hbm4b:s0+s20], $0x80, $0x38;
	[tilespmem:$0x1BE00] =	vst v63  }
0x3e: {  	s0 =	simm.s32 @!p0 $0x3  }
0x3f: {  	_ =	swait.ge @!p0 [sflag:s0], $0x80  }
0x40: {  	[sflag:s0] =	ssyncset.done @!p0 $0x0  }
0x41: {  	[sflag:s0] =	ssyncadd.s32 @!p0 $0xFFFFFF80  }
0x42: {  	[tilespmem:s23], [sflag:$0x1] =	stream.indirect.gather @!p0 [hbm4b:s5+s3], $0x80, s20, s3, $0xb8;
	[tilespmem:$0x1BE00] =	vst v63  }
0x43: {  	s23 =	sadd.s32 $0x1, s30;
	_ =	swait.ge [sflag:s28], $0x4000  }
0x44: {  	p0 =	sge.u32 s23, s9;
	[sflag:s28] =	ssyncset.done $0x0  }
0x45: {  	s0 =	simm.s32 @p0 $0x6;
	[sflag:s28] =	ssyncadd.s32 $0xFFFFC000  }
0x46: {  	_ =	swait.ge @p0 [sflag:s0], $0x80  }
0x47: {  	s3 =	simm.s32 @p0 $0x180;
	[sflag:s0] =	ssyncset.done @p0 $0x0  }
0x48: {  	s20 =	simm.s32 @p0 $0x4200;
	[sflag:s0] =	ssyncadd.s32 @p0 $0xFFFFFF80;
	s0 =	simm.s32 @p0 $0x80  }
0x49: {  	[spmem:s2] =	stream.indirect.scatter.add.f32 @p0 [tilespmem:s20], [sflag:$0x7], $0x80, s3, s0, $0xb8;
	[tilespmem:$0x1BE00] =	vst v63  }
0x4a: {  	s0 =	sadd.s32 @!p0 $0x180, s31  }
0x4b: {  	s20 =	sand.u32 @!p0 $0x7FFFFC00, s0  }
0x4c: {  	s3 =	simm.s32 @p0 $0x7;
	s0 =	sand.u32 @!p0 $0x380, s0;
	s20 =	sadd.s32 @!p0 s8, s20  }
0x4d: {  	_ =	swait.ge @p0 [sflag:s3], $0x4000;
	s0 =	sor.u32 @!p0 s0, s20  }
0x4e: {  	s21 =	simm.s32 @!p0 $0x80;
	[sflag:s3] =	ssyncset.done @p0 $0x0;
	s0 =	sshrl.u32 @!p0 s0, $0x3  }
0x4f: {  	[sflag:s3] =	ssyncadd.s32 @p0 $0xFFFFC000;
	s20 =	simm.s32 @!p0 $0x0;
	s3 =	sadd.s32 @!p0 s6, s0  }
0x50: {  	[tilespmem:s21], [sflag:$0x4] =	stream.linear.gather @!p0 [hbm4b:s3+s20], $0x80, $0x38;
	[tilespmem:$0x1BE00] =	vst v63  }
0x51: {  	s3 =	simm.s32 @!p0 $0x6  }
0x52: {  	_ =	swait.ge @!p0 [sflag:s3], $0x80  }
0x53: {  	s23 =	simm.s32 @!p0 $0x4200;
	[sflag:s3] =	ssyncset.done @!p0 $0x0  }
0x54: {  	s25 =	simm.s32 @!p0 $0x7;
	[sflag:s3] =	ssyncadd.s32 @!p0 $0xFFFFFF80;
	s3 =	simm.s32 @!p0 $0x180  }
0x55: {  	[spmem:s2] =	stream.indirect.scatter.add.f32 @!p0 [tilespmem:s23], [sflag:$0x7], $0x80, s3, s21, $0xb8;
	[tilespmem:$0x1BE00] =	vst v63  }
0x56: {  	_ =	swait.ge @!p0 [sflag:s25], $0x4000  }
0x57: {  	[sflag:s25] =	ssyncset.done @!p0 $0x0  }
0x58: {  	s0 =	sadd.s32 @!p0 s1, s0;
	[sflag:s25] =	ssyncadd.s32 @!p0 $0xFFFFC000  }
0x59: {  	[tilespmem:s3], [sflag:$0x6] =	stream.linear.gather @!p0 [hbm4b:s0+s20], $0x80, $0x38;
	[tilespmem:$0x1BE00] =	vst v63  }
0x5a: {  	s0 =	simm.s32 @!p0 $0x4  }
0x5b: {  	_ =	swait.ge @!p0 [sflag:s0], $0x80  }
0x5c: {  	[sflag:s0] =	ssyncset.done @!p0 $0x0  }
0x5d: {  	s31 =	sadd.s32 $0x100, s31;
	s25 =	rddreg [dreg:$0x4];
	[sflag:s0] =	ssyncadd.s32 @!p0 $0xFFFFFF80  }
0x5e: {  	[tilespmem:s23], [sflag:$0x2] =	stream.indirect.gather @!p0 [hbm4b:s5+s21], $0x80, s21, s21, $0xb8;
	[tilespmem:$0x1BE00] =	vst v63  }
0x5f: {  	p0 =	sne.s32 s25, s31  }
.Ltmp0:
0x60: {  	_ = 	snop;
	(pc) =	sbr.rel @p0 .LBB2_2-.Ltmp0, $2  }
0x61: {  	_ =	sdelay $0x2  }
0x62: {  	s30 =	sadd.s32 $0x2, s30  }
0x63: {  	s29 =	sadd.s32 $0x1, s29  }
0x64: {  	p0 =	sne.s32 s29, s16  }
.Ltmp1:
0x65: {  	[bflag:$0x0] =	sbarrier.arrive $0xFFFF;
	(pc) =	sbr.rel @p0 .LBB2_1-.Ltmp1, $4  }
0x66: {  	[hbm:s15], [sflag:s10] =	dma.local [spmem:s17], $0x2780  }
0x67: {  	_ =	swait.ge [sflag:s18], $0x2780  }
0x68: {  	[sflag:s18] =	ssyncset.done $0x0  }
0x69: {  	[sflag:s18] =	ssyncadd.s32 $0xFFFFD880  }
0x6a: {  	_ =	sfence.sel $0x180000  }
0x6b: {  	[bflag:$0x0] =	sbarrier.arrive $0xFFFF  }
0x6c: {  	_ =	strace $0x9000004D  }
0x6d: {  	s0 =	stileid.u32;
	[bflag:$0x2] =	sbarrier.arrive $0xFFFF  }
0x6e: {  	p0 =	sne.s32 s0, $0x0;
	s0 =	rddreg [dreg:$0x3]  }
0x6f: {  	s0 =	sadd.s32 @!p0 $0x100000, s0  }
0x70: {  	[sflag:s0] =	ssyncadd.tile.s32 @!p0 $0x1;
	_ =	shalt  }
.Lfunc_end2:
_tile_overlayer_lowered:
.L_overlay_start_2:
0x71: {  	(tag) =	ssettag $0x2  }
0x72: {  	s0 =	rddreg [dreg:$0x0];
	s2 =	stileid.u32  }
0x73: {  	s1 =	rddreg [dreg:$0x1];
	p0 =	sne.s32 s2, $0x0  }
0x74: {  	s3 =	rddreg [dreg:$0x2];
	[bflag:$0x3] =	sbarrier.arrive $0xFFFF;
	s2 =	simm.s32 @!p0 $0x1C07  }
0x75: {  	[timem:s3], [sflag:s2] =	dma.local @!p0 [hbm:s0], s1  }
0x76: {  	s0 =	simm.s32 @!p0 $0x7  }
0x77: {  	_ =	swait.ge @!p0 [sflag:s0], s1  }
0x78: {  	s1 =	ssub.s32 @!p0 $0x0, s1;
	[sflag:s0] =	ssyncset.done @!p0 $0x0  }
0x79: {  	[sflag:s0] =	ssyncadd.s32 @!p0 s1  }
0x7a: {  	[bflag:$0x3] =	sbarrier.arrive $0xFFFF  }
0x7b: {  	_ =	shalt  }

// kernel: kernel.8.cloned.1.call-start
scs
__scs_entry_jumppad:
0x0: {  	(pc) =	sbr.rel $0x88, $3  }
0x1: {  	(tag) =	ssettag $0x0;
	lr =	simm.s32 $0x1  }
0x2: {  	[smem:$0x3F88] =	sst lr;
	_ =	strace $0xD0000000  }
0x3: {  	_ = 	snop  }
0x4: {  	_ = 	snop  }
0x5: {  	_ = 	snop  }
0x6: {  	_ = 	snop  }
0x7: {  	_ = 	snop  }
__scs_overlays_trampoline_lowered:
0x8: {  	[smem:$0x3F97] =	sst s0  }
0x9: {  	[smem:$0x3F98] =	sst s1  }
0xa: {  	[smem:$0x3F99] =	sst s2  }
0xb: {  	[smem:$0x3F9A] =	sst s3  }
0xc: {  	[smem:$0x3F9B] =	sst s4  }
0xd: {  	[smem:$0x3F9C] =	sst s5  }
0xe: {  	[smem:$0x3F9D] =	sst s6  }
0xf: {  	[smem:$0x3F9E] =	sst s7  }
0x10: {  	[smem:$0x3F9F] =	sst s8  }
0x11: {  	[smem:$0x3FA0] =	sst s9;
	s0 =	simm.s32 @!p0 $0x0  }
0x12: {  	s1 =	sld [smem:$0x3F86];
	s0 =	simm.s32 @p0 $0x1  }
0x13: {  	[smem:$0x3FA1] =	sst s0;
	s0 =	simm.s32 @!p1 $0x0  }
0x14: {  	s2 =	sld [smem:$0x3F85];
	s0 =	simm.s32 @p1 $0x1  }
0x15: {  	[smem:$0x3FA2] =	sst s0;
	s0 =	simm.s32 @!p2 $0x0  }
0x16: {  	s3 =	sld [smem:$0x3FDB];
	s0 =	simm.s32 @p2 $0x1  }
0x17: {  	s4 =	simm.s32 $0x1BF5;
	[smem:$0x3FA4] =	sst s0  }
0x18: {  	s0 =	sld [smem:$0x3F87];
	_ =	swait.ge [sflag:s4], $0x0  }
0x19: {  	s7 =	sld [smem:$0x3F88]  }
0x1a: {  	s8 =	sadd.s32 $0xFFFFE003, lr  }
0x1b: {  	s9 =	sadd.s32 $0xFFFFFEF7, lr;
	s5 =	simm.s32 $0xFFFFFFFF;
	p2 =	slt.u32 s8, $0xFFFFF086  }
0x1c: {  	p1 =	slt.u32 s9, $0xF7A;
	s5 =	simm.s32 @!p2 $0x0  }
0x1d: {  	s5 =	simm.s32 @p1 $0x1;
	p0 =	seq.s32 s7, s2  }
0x1e: {  	s7 =	smul.u32 @!p0 $0xF7A, s2;
	p2 =	seq.s32 @!p0 s5, $0x0  }
0x1f: {  	s9 =	smul.u32 $0xF7A, s1;
	s8 =	simm.s32 @!p0 $0x1BF5;
	p2 =	por !p2, p0  }
0x20: {  	[sflag:s8] =	ssyncset.s32 @!p0 $0xFFFFF086;
	s6 =	sadd.s32 @!p0 s3, s7;
	s7 =	simm.s32 @!p0 $0x108  }
0x21: {  	s3 =	sadd.s32 s3, s9;
	s6 =	sadd.s32 @!p0 $0x88, s6;
	s7 =	simm.s32 @p2 $0x1082  }
0x22: {  	[simem:s7], [sflag:s8] =	dma.local @!p0 [hbm:s6], $0xF7A  }
0x23: {  	s9 =	sor.u32 $0xD0000000, s2;
	s6 =	simm.s32 $0x108;
	_ =	swait.ge @!p0 [sflag:s8], $0x0  }
0x24: {  	s3 =	sadd.s32 $0x88, s3;
	s6 =	simm.s32 @!p1 $0x1082;
	[sflag:s4] =	ssyncset.s32 $0xFFFFF086  }
0x25: {  	[simem:s6], [sflag:s4] =	dma.local [hbm:s3], $0xF7A  }
0x26: {  	[smem:$0x3F88] =	sst s1;
	(tag) =	ssettag s2;
	_ =	strace s9  }
0x27: {  	s1 =	sld [smem:$0x3F98]  }
0x28: {  	s2 =	sld [smem:$0x3F99]  }
0x29: {  	s4 =	sld [smem:$0x3F9B]  }
0x2a: {  	p0 =	seq.s32 s5, $0x0;
	s5 =	sld [smem:$0x3F9C]  }
0x2b: {  	s6 =	sld [smem:$0x3F9D]  }
0x2c: {  	s7 =	sld [smem:$0x3F9E]  }
0x2d: {  	s3 =	simm.s32 $0x108;
	s8 =	sld [smem:$0x3F9F]  }
0x2e: {  	s3 =	simm.s32 @!p0 $0x1082;
	s9 =	sld [smem:$0x3FA0]  }
0x2f: {  	lr =	sadd.s32 s0, s3;
	s0 =	sld [smem:$0x3F97]  }
0x30: {  	s3 =	sld [smem:$0x3F9A]  }
0x31: {  	[smem:$0x3FA3] =	sst s10  }
0x32: {  	s10 =	sld [smem:$0x3FA1];
	_ =	sdelay $0x3  }
0x33: {  	p0 =	seq.s32 s10, $0x1;
	s10 =	sld [smem:$0x3FA3];
	_ =	sdelay $0x3  }
0x34: {  	[smem:$0x3FA3] =	sst s10  }
0x35: {  	s10 =	sld [smem:$0x3FA2];
	_ =	sdelay $0x3  }
0x36: {  	p1 =	seq.s32 s10, $0x1;
	s10 =	sld [smem:$0x3FA3];
	_ =	sdelay $0x3  }
0x37: {  	[smem:$0x3FA3] =	sst s10  }
0x38: {  	s10 =	sld [smem:$0x3FA4]  }
0x39: {  	_ = 	snop;
	(pc) =	sbr.ind lr, $3  }
0x3a: {  	_ = 	snop  }
0x3b: {  	_ = 	snop  }
0x3c: {  	p2 =	seq.s32 s10, $0x1;
	s10 =	sld [smem:$0x3FA3]  }
0x3d: {  	_ =	shalt  }
0x3e: {  	_ =	shalt  }
0x3f: {  	_ =	shalt  }
0x40: {  	_ =	shalt  }
0x41: {  	_ =	shalt  }
0x42: {  	_ =	shalt  }
0x43: {  	_ =	shalt  }
0x44: {  	_ =	shalt  }
0x45: {  	_ =	shalt  }
0x46: {  	_ =	shalt  }
0x47: {  	_ =	shalt  }
0x48: {  	_ =	shalt  }
0x49: {  	_ =	shalt  }
0x4a: {  	_ =	shalt  }
0x4b: {  	_ =	shalt  }
0x4c: {  	_ =	shalt  }
0x4d: {  	_ =	shalt  }
0x4e: {  	_ =	shalt  }
0x4f: {  	_ =	shalt  }
0x50: {  	_ =	shalt  }
0x51: {  	_ =	shalt  }
0x52: {  	_ =	shalt  }
0x53: {  	_ =	shalt  }
0x54: {  	_ =	shalt  }
0x55: {  	_ =	shalt  }
0x56: {  	_ =	shalt  }
0x57: {  	_ =	shalt  }
0x58: {  	_ =	shalt  }
0x59: {  	_ =	shalt  }
0x5a: {  	_ =	shalt  }
0x5b: {  	_ =	shalt  }
0x5c: {  	_ =	shalt  }
0x5d: {  	_ =	shalt  }
0x5e: {  	_ =	shalt  }
0x5f: {  	_ =	shalt  }
0x60: {  	_ =	shalt  }
0x61: {  	_ =	shalt  }
0x62: {  	_ =	shalt  }
0x63: {  	_ =	shalt  }
0x64: {  	_ =	shalt  }
0x65: {  	_ =	shalt  }
0x66: {  	_ =	shalt  }
0x67: {  	_ =	shalt  }
0x68: {  	_ =	shalt  }
0x69: {  	_ =	shalt  }
0x6a: {  	_ =	shalt  }
0x6b: {  	_ =	shalt  }
0x6c: {  	_ =	shalt  }
0x6d: {  	_ =	shalt  }
0x6e: {  	_ =	shalt  }
0x6f: {  	_ =	shalt  }
0x70: {  	_ =	shalt  }
0x71: {  	_ =	shalt  }
0x72: {  	_ =	shalt  }
0x73: {  	_ =	shalt  }
0x74: {  	_ =	shalt  }
0x75: {  	_ =	shalt  }
0x76: {  	_ =	shalt  }
0x77: {  	_ =	shalt  }
0x78: {  	_ =	shalt  }
0x79: {  	_ =	shalt  }
0x7a: {  	_ =	shalt  }
0x7b: {  	_ =	shalt  }
0x7c: {  	_ =	shalt  }
0x7d: {  	_ =	shalt  }
0x7e: {  	_ =	shalt  }
0x7f: {  	_ =	shalt  }
0x80: {  	_ =	shalt  }
0x81: {  	_ =	shalt  }
0x82: {  	_ =	shalt  }
0x83: {  	_ =	shalt  }
0x84: {  	_ =	shalt  }
0x85: {  	_ =	shalt  }
0x86: {  	_ =	shalt  }
0x87: {  	_ =	shalt  }
.Lfunc_end0:
.L_simem_size_0:
called_computation_lowered:
.L_overlay_start_0:
0x88: {  	s2 =	sld [smem:$0x3FD9]  }
0x89: {  	s3 =	sld [smem:$0x3FFE];
	_ =	sdelay $0x1  }
0x8a: {  	s1 =	srdreg.scid  }
0x8b: {  	s0 =	sand.u32 $0x1, s1  }
0x8c: {  	s17 =	sshll.u32 s0, $0xA;
	s2 =	sadd.s32 s3, s2  }
0x8d: {  	s2 =	sadd.s32 s2, s17  }
0x8e: {  	[smem:$0x3FAF] =	sst s2  }
0x8f: {  	_ = 	snop  }
0x90: {  	s2 =	sld [smem:$0x3FD0];
	(tm) =	ssettm $0x1  }
0x91: {  	s18 =	sld [smem:$0x3FFB];
	_ =	sdelay $0x3  }
0x92: {  	_ =	strace s18  }
0x93: {  	s3 =	sld [smem:$0x3FFC];
	_ =	sdelay $0x3  }
0x94: {  	_ =	strace s3  }
0x95: {  	s3 =	sld [smem:$0x3FFD];
	_ =	sdelay $0x3  }
0x96: {  	_ =	strace s3  }
0x97: {  	_ =	strace $0x8FFFFFFF  }
0x98: {  	s19 =	sld [smem:$0x3FDB];
	_ =	sdelay $0x1  }
0x99: {  	s4 =	simm.s32 $_scs_section_size  }
0x9a: {  	s5 =	simm.s32 $_size__tile_overlayer_lowered;
	s6 =	simm.s32 $_tile_overlayer_lowered  }
0x9b: {  	s22 =	simm.s32 $0x1BFF;
	s21 =	sshll.u32 s6, $0x1;
	s3 =	sadd.s32 s4, s19  }
0x9c: {  	s7 =	simm.s32 $0x0;
	s20 =	sshll.u32 s5, $0x1;
	s5 =	sadd.s32 s21, s3  }
0x9d: {  	[timem:s7], [sflag:s22] =	dma.local [hbm:s5], s20  }
0x9e: {  	_ =	swait.ge [sflag:s22], s20  }
0x9f: {  	s4 =	ssub.s32 $0x0, s20;
	[sflag:s22] =	ssyncset.done $0x0  }
0xa0: {  	[sflag:s22] =	ssyncadd.s32 s4;
	_ =	sdelay $0x1  }
0xa1: {  	s23 =	simm.s32 $0x1B8B  }
0xa2: {  	_ =	swait.ge [sflag:s23], $0x1  }
0xa3: {  	[sflag:s23] =	ssyncset.done $0x0  }
0xa4: {  	s25 =	simm.s32 $0x1B8E;
	s24 =	sld [smem:$0x3FFE];
	[sflag:s23] =	ssyncadd.s32 $0xFFFFFFFF  }
0xa5: {  	s26 =	simm.s32 $execute0_lowered;
	[smem:$0x3FD2] =	sst s25  }
0xa6: {  	s5 =	sshll.u32 s26, $0x1;
	_ =	strace $0x80000046;
	[dreg:$0x1] =	wrdreg $0xFFFFFFFF  }
0xa7: {  	s28 =	simm.s32 $_size_execute0_lowered;
	s3 =	sadd.s32 s3, s5;
	[dreg:$0x0] =	wrdreg $0x0  }
0xa8: {  	s5 =	sshll.u32 s28, $0x1;
	[dreg:$0x2] =	wrdreg s3  }
0xa9: {  	[dreg:$0x3] =	wrdreg s5  }
0xaa: {  	[dreg:$0x4] =	wrdreg $0xC0  }
0xab: {  	_ =	task [dreg:s7], $0x5FFFF  }
0xac: {  	[dreg:$0x1] =	wrdreg $0xFFFFFFFF  }
0xad: {  	[dreg:$0x0] =	wrdreg $0x60  }
0xae: {  	[dreg:$0x2] =	wrdreg s24  }
0xaf: {  	[dreg:$0x3] =	wrdreg s2  }
0xb0: {  	[dreg:$0x4] =	wrdreg $0x82000  }
0xb1: {  	[dreg:$0x5] =	wrdreg $0x9  }
0xb2: {  	_ =	task.clear_ibuf [dreg:s7], $0x6FFFF;
	_ =	strace $0x90000046  }
0xb3: {  	s29 =	simm.s32 $0x9;
	_ =	strace $0x80000048  }
0xb4: {  	_ =	swait.ge [sflag:s29], $0x1  }
0xb5: {  	[sflag:s29] =	ssyncadd.s32 $0xFFFFFFFF  }
0xb6: {  	_ =	strace $0x90000048  }
0xb7: {  	_ =	sfence  }
0xb8: {  	s30 =	sld [smem:$0x0];
	_ =	sdelay $0x2  }
0xb9: {  	s31 =	sshll.u32 s1, $0xD;
	s1 =	sshrl.u32 s1, $0x2  }
0xba: {  	s3 =	sand.u32 $0x4000, s31;
	s1 =	sadd.s32 s1, s30  }
0xbb: {  	s0 =	sor.u32 s3, s0;
	s1 =	sshll.u32 s1, $0x11  }
0xbc: {  	s0 =	sor.u32 s1, s0  }
0xbd: {  	s0 =	sadd.s32 $0x8F2B, s0  }
0xbe: {  	[sflag:s0] =	ssyncadd.remote.s32 $0x1  }
0xbf: {  	_ =	sfence.sel $0xFFFF  }
0xc0: {  	[dreg:$0x0] =	wrdreg $0xFFFFFFFF;
	(pc) =	sbr.abs _section_cstart, $3  }
0xc1: {  	[dreg:$0x1] =	wrdreg $0xFFFFFFFF  }
0xc2: {  	_ =	task.clear_ibuf [dreg:s7], $0x2FFFF;
	_ =	strace $0x9FFFFFFF  }
0xc3: {  	(tm) =	ssettm $0x7FFFFFFF  }
tec
execute0_lowered:
.L_overlay_start_1:
0x0: {  	(tag) =	ssettag $0x1  }
0x1: {  	s8 =	rddreg [dreg:$0x0]  }
0x2: {  	s1 =	rddreg [dreg:$0x1]  }
0x3: {  	s2 =	rddreg [dreg:$0x2];
	s3 =	srdreg.scid  }
0x4: {  	s4 =	simm.s32 $0x0;
	s0 =	stileid.u32;
	s19 =	simm.s32 $0x80  }
0x5: {  	s22 =	simm.s32 $0x3;
	s24 =	simm.s32 $0x4;
	s28 =	simm.s32 $0x2  }
0x6: {  	s29 =	simm.s32 $0x0;
	s9 =	sand.u32 $0x1, s3;
	s10 =	smul.u32 $0x13C00, s0  }
0x7: {  	[smem:$0x7FF] =	sst s4;
	s5 =	sadd.s32 $0x5000, s8;
	s13 =	smul.u32 $0x4F000, s0  }
0x8: {  	s6 =	sadd.s32 $0x2C800, s8;
	s31 =	sshll.u32 s0, $0x6;
	s7 =	smul.u32 $0x13C000, s9  }
0x9: {  	_ =	strace $0x80000047;
	s11 =	sshll.u32 s9, $0x4;
	s12 =	ssub.s32 $0x2, s9  }
0xa: {  	p0 =	seq.s32 s9, $0x0;
	s9 =	simm.s32 $0x78;
	s11 =	sor.u32 s0, s11  }
0xb: {  	s25 =	sshrl.u32 s12, $0x1;
	s9 =	simm.s32 @!p0 $0x26;
	s26 =	sshrl.u32 s13, $0x2  }
0xc: {  	s10 =	sadd.s32 s10, s7;
	s7 =	sadd.s32 $0x3B800, s8;
	s16 =	ssub.s32 s12, s25  }
0xd: {  	s17 =	sadd.s32 s26, s2;
	s18 =	sshll.u32 s9, $0x7;
	s10 =	sshrl.u32 s10, $0x3  }
0xe: {  	s26 =	simm.s32 $0x1;
	s15 =	sadd.s32 s10, s8;
	s8 =	smul.u32 $0x3C00, s11  }
0xf: {  	s16 =	smax.u32 s16, $0x1;
	[dreg:$0x4] =	wrdreg s18;
	s17 =	sshrl.u32 s17, $0x3  }
0x10: {  	s18 =	simm.s32 $0x7;
	s10 =	sor.u32 $0x1C07, s31;
	s30 =	sshrl.u32 s8, $0x3  }
0x11: {  	s15 =	sadd.s32 $0x3E000, s15;
	s14 =	sor.u32 $0x10, s30;
	s11 =	sadd.s32 s6, s30  }
0x12: {  	s13 =	sadd.s32 s1, s30;
	s12 =	sadd.s32 s6, s14;
	s14 =	sadd.s32 s1, s14  }
.LBB2_1:
0x13: {  	[spmem:s17], [sflag:s10] =	dma.local [hbm:s7], $0x2780  }
0x14: {  	_ =	swait.ge [sflag:s18], $0x2780  }
0x15: {  	[sflag:s18] =	ssyncset.done $0x0  }
0x16: {  	[sflag:s18] =	ssyncadd.s32 $0xFFFFD880  }
0x17: {  	[tilespmem:s4], [sflag:$0x3] =	stream.linear.gather [hbm4b:s11+s4], $0x80, $0x38;
	[tilespmem:$0x1BE00] =	vst v63  }
0x18: {  	_ = 	snop  }
0x19: {  	[tilespmem:s19], [sflag:$0x4] =	stream.linear.gather [hbm4b:s12+s4], $0x80, $0x38;
	[tilespmem:$0x1BE00] =	vst v63  }
0x1a: {  	s0 =	simm.s32 $0x100  }
0x1b: {  	[tilespmem:s0], [sflag:$0x5] =	stream.linear.gather [hbm4b:s13+s4], $0x80, $0x38;
	[tilespmem:$0x1BE00] =	vst v63  }
0x1c: {  	s21 =	simm.s32 $0x180  }
0x1d: {  	[tilespmem:s21], [sflag:$0x6] =	stream.linear.gather [hbm4b:s14+s4], $0x80, $0x38;
	[tilespmem:$0x1BE00] =	vst v63  }
0x1e: {  	[bflag:$0x0] =	sbarrier.arrive $0xFFFF  }
0x1f: {  	_ =	swait.ge [sflag:s22], $0x80  }
0x20: {  	[sflag:s22] =	ssyncset.done $0x0  }
0x21: {  	s23 =	simm.s32 $0x200;
	[sflag:s22] =	ssyncadd.s32 $0xFFFFFF80  }
0x22: {  	[tilespmem:s23], [sflag:$0x1] =	stream.indirect.gather [hbm4b:s5+s19], $0x80, s4, s19, $0xb8;
	[tilespmem:$0x1BE00] =	vst v63  }
0x23: {  	_ =	swait.ge [sflag:s24], $0x80  }
0x24: {  	s25 =	simm.s32 $0x4200;
	[sflag:s24] =	ssyncset.done $0x0  }
0x25: {  	s30 =	simm.s32 $0x2;
	s31 =	simm.s32 $0x0;
	[sflag:s24] =	ssyncadd.s32 $0xFFFFFF80  }
0x26: {  	[tilespmem:s25], [sflag:$0x2] =	stream.indirect.gather [hbm4b:s5+s19], $0x80, s19, s19, $0xb8;
	[tilespmem:$0x1BE00] =	vst v63  }
.LBB2_2:
0x27: {  	_ =	swait.ge [sflag:s26], $0x4000  }
0x28: {  	p0 =	sge.u32 s30, s9;
	[sflag:s26] =	ssyncset.done $0x0  }
0x29: {  	s0 =	simm.s32 @p0 $0x5;
	[sflag:s26] =	ssyncadd.s32 $0xFFFFC000  }
0x2a: {  	_ =	swait.ge @p0 [sflag:s0], $0x80  }
0x2b: {  	s3 =	simm.s32 @p0 $0x100;
	[sflag:s0] =	ssyncset.done @p0 $0x0  }
0x2c: {  	s20 =	simm.s32 @p0 $0x200;
	[sflag:s0] =	ssyncadd.s32 @p0 $0xFFFFFF80;
	s0 =	simm.s32 @p0 $0x80  }
0x2d: {  	[spmem:s2] =	stream.indirect.scatter.add.f32 @p0 [tilespmem:s20], [sflag:$0x7], $0x80, s3, s0, $0xb8;
	[tilespmem:$0x1BE00] =	vst v63  }
0x2e: {  	s0 =	sadd.s32 @!p0 $0x100, s31  }
0x2f: {  	s3 =	sand.u32 @!p0 $0x7FFFFC00, s0  }
0x30: {  	s20 =	simm.s32 @p0 $0x7;
	s0 =	sand.u32 @!p0 $0x300, s0;
	s3 =	sadd.s32 @!p0 s8, s3  }
0x31: {  	_ =	swait.ge @p0 [sflag:s20], $0x4000;
	s0 =	sor.u32 @!p0 s0, s3  }
0x32: {  	[sflag:s20] =	ssyncset.done @p0 $0x0;
	s0 =	sshrl.u32 @!p0 s0, $0x3  }
0x33: {  	[sflag:s20] =	ssyncadd.s32 @p0 $0xFFFFC000;
	s20 =	simm.s32 @!p0 $0x0;
	s3 =	sadd.s32 @!p0 s6, s0  }
0x34: {  	[tilespmem:s20], [sflag:$0x3] =	stream.linear.gather @!p0 [hbm4b:s3+s20], $0x80, $0x38;
	[tilespmem:$0x1BE00] =	vst v63  }
0x35: {  	s3 =	simm.s32 @!p0 $0x5  }
0x36: {  	_ =	swait.ge @!p0 [sflag:s3], $0x80  }
0x37: {  	s21 =	simm.s32 @!p0 $0x100;
	s23 =	simm.s32 @!p0 $0x200;
	[sflag:s3] =	ssyncset.done @!p0 $0x0  }
0x38: {  	s25 =	simm.s32 @!p0 $0x7;
	[sflag:s3] =	ssyncadd.s32 @!p0 $0xFFFFFF80;
	s3 =	simm.s32 @!p0 $0x80  }
0x39: {  	[spmem:s2] =	stream.indirect.scatter.add.f32 @!p0 [tilespmem:s23], [sflag:$0x7], $0x80, s21, s3, $0xb8;
	[tilespmem:$0x1BE00] =	vst v63  }
0x3a: {  	_ =	swait.ge @!p0 [sflag:s25], $0x4000  }
0x3b: {  	[sflag:s25] =	ssyncset.done @!p0 $0x0  }
0x3c: {  	s0 =	sadd.s32 @!p0 s1, s0;
	[sflag:s25] =	ssyncadd.s32 @!p0 $0xFFFFC000  }
0x3d: {  	[tilespmem:s21], [sflag:$0x5] =	stream.linear.gather @!p0 [hbm4b:s0+s20], $0x80, $0x38;
	[tilespmem:$0x1BE00] =	vst v63  }
0x3e: {  	s0 =	simm.s32 @!p0 $0x3  }
0x3f: {  	_ =	swait.ge @!p0 [sflag:s0], $0x80  }
0x40: {  	[sflag:s0] =	ssyncset.done @!p0 $0x0  }
0x41: {  	[sflag:s0] =	ssyncadd.s32 @!p0 $0xFFFFFF80  }
0x42: {  	[tilespmem:s23], [sflag:$0x1] =	stream.indirect.gather @!p0 [hbm4b:s5+s3], $0x80, s20, s3, $0xb8;
	[tilespmem:$0x1BE00] =	vst v63  }
0x43: {  	s23 =	sadd.s32 $0x1, s30;
	_ =	swait.ge [sflag:s28], $0x4000  }
0x44: {  	p0 =	sge.u32 s23, s9;
	[sflag:s28] =	ssyncset.done $0x0  }
0x45: {  	s0 =	simm.s32 @p0 $0x6;
	[sflag:s28] =	ssyncadd.s32 $0xFFFFC000  }
0x46: {  	_ =	swait.ge @p0 [sflag:s0], $0x80  }
0x47: {  	s3 =	simm.s32 @p0 $0x180;
	[sflag:s0] =	ssyncset.done @p0 $0x0  }
0x48: {  	s20 =	simm.s32 @p0 $0x4200;
	[sflag:s0] =	ssyncadd.s32 @p0 $0xFFFFFF80;
	s0 =	simm.s32 @p0 $0x80  }
0x49: {  	[spmem:s2] =	stream.indirect.scatter.add.f32 @p0 [tilespmem:s20], [sflag:$0x7], $0x80, s3, s0, $0xb8;
	[tilespmem:$0x1BE00] =	vst v63  }
0x4a: {  	s0 =	sadd.s32 @!p0 $0x180, s31  }
0x4b: {  	s20 =	sand.u32 @!p0 $0x7FFFFC00, s0  }
0x4c: {  	s3 =	simm.s32 @p0 $0x7;
	s0 =	sand.u32 @!p0 $0x380, s0;
	s20 =	sadd.s32 @!p0 s8, s20  }
0x4d: {  	_ =	swait.ge @p0 [sflag:s3], $0x4000;
	s0 =	sor.u32 @!p0 s0, s20  }
0x4e: {  	s21 =	simm.s32 @!p0 $0x80;
	[sflag:s3] =	ssyncset.done @p0 $0x0;
	s0 =	sshrl.u32 @!p0 s0, $0x3  }
0x4f: {  	[sflag:s3] =	ssyncadd.s32 @p0 $0xFFFFC000;
	s20 =	simm.s32 @!p0 $0x0;
	s3 =	sadd.s32 @!p0 s6, s0  }
0x50: {  	[tilespmem:s21], [sflag:$0x4] =	stream.linear.gather @!p0 [hbm4b:s3+s20], $0x80, $0x38;
	[tilespmem:$0x1BE00] =	vst v63  }
0x51: {  	s3 =	simm.s32 @!p0 $0x6  }
0x52: {  	_ =	swait.ge @!p0 [sflag:s3], $0x80  }
0x53: {  	s23 =	simm.s32 @!p0 $0x4200;
	[sflag:s3] =	ssyncset.done @!p0 $0x0  }
0x54: {  	s25 =	simm.s32 @!p0 $0x7;
	[sflag:s3] =	ssyncadd.s32 @!p0 $0xFFFFFF80;
	s3 =	simm.s32 @!p0 $0x180  }
0x55: {  	[spmem:s2] =	stream.indirect.scatter.add.f32 @!p0 [tilespmem:s23], [sflag:$0x7], $0x80, s3, s21, $0xb8;
	[tilespmem:$0x1BE00] =	vst v63  }
0x56: {  	_ =	swait.ge @!p0 [sflag:s25], $0x4000  }
0x57: {  	[sflag:s25] =	ssyncset.done @!p0 $0x0  }
0x58: {  	s0 =	sadd.s32 @!p0 s1, s0;
	[sflag:s25] =	ssyncadd.s32 @!p0 $0xFFFFC000  }
0x59: {  	[tilespmem:s3], [sflag:$0x6] =	stream.linear.gather @!p0 [hbm4b:s0+s20], $0x80, $0x38;
	[tilespmem:$0x1BE00] =	vst v63  }
0x5a: {  	s0 =	simm.s32 @!p0 $0x4  }
0x5b: {  	_ =	swait.ge @!p0 [sflag:s0], $0x80  }
0x5c: {  	[sflag:s0] =	ssyncset.done @!p0 $0x0  }
0x5d: {  	s31 =	sadd.s32 $0x100, s31;
	s25 =	rddreg [dreg:$0x4];
	[sflag:s0] =	ssyncadd.s32 @!p0 $0xFFFFFF80  }
0x5e: {  	[tilespmem:s23], [sflag:$0x2] =	stream.indirect.gather @!p0 [hbm4b:s5+s21], $0x80, s21, s21, $0xb8;
	[tilespmem:$0x1BE00] =	vst v63  }
0x5f: {  	p0 =	sne.s32 s25, s31  }
.Ltmp0:
0x60: {  	_ = 	snop;
	(pc) =	sbr.rel @p0 .LBB2_2-.Ltmp0, $2  }
0x61: {  	_ =	sdelay $0x2  }
0x62: {  	s30 =	sadd.s32 $0x2, s30  }
0x63: {  	s29 =	sadd.s32 $0x1, s29  }
0x64: {  	p0 =	sne.s32 s29, s16  }
.Ltmp1:
0x65: {  	[bflag:$0x0] =	sbarrier.arrive $0xFFFF;
	(pc) =	sbr.rel @p0 .LBB2_1-.Ltmp1, $4  }
0x66: {  	[hbm:s15], [sflag:s10] =	dma.local [spmem:s17], $0x2780  }
0x67: {  	_ =	swait.ge [sflag:s18], $0x2780  }
0x68: {  	[sflag:s18] =	ssyncset.done $0x0  }
0x69: {  	[sflag:s18] =	ssyncadd.s32 $0xFFFFD880  }
0x6a: {  	_ =	sfence.sel $0x180000  }
0x6b: {  	[bflag:$0x0] =	sbarrier.arrive $0xFFFF  }
0x6c: {  	_ =	strace $0x90000047  }
0x6d: {  	s0 =	stileid.u32;
	[bflag:$0x2] =	sbarrier.arrive $0xFFFF  }
0x6e: {  	p0 =	sne.s32 s0, $0x0;
	s0 =	rddreg [dreg:$0x3]  }
0x6f: {  	s0 =	sadd.s32 @!p0 $0x100000, s0  }
0x70: {  	[sflag:s0] =	ssyncadd.tile.s32 @!p0 $0x1;
	_ =	shalt  }
.Lfunc_end2:
_tile_overlayer_lowered:
.L_overlay_start_2:
0x71: {  	(tag) =	ssettag $0x2  }
0x72: {  	s0 =	rddreg [dreg:$0x0];
	s2 =	stileid.u32  }
0x73: {  	s1 =	rddreg [dreg:$0x1];
	p0 =	sne.s32 s2, $0x0  }
0x74: {  	s3 =	rddreg [dreg:$0x2];
	[bflag:$0x3] =	sbarrier.arrive $0xFFFF;
	s2 =	simm.s32 @!p0 $0x1C07  }
0x75: {  	[timem:s3], [sflag:s2] =	dma.local @!p0 [hbm:s0], s1  }
0x76: {  	s0 =	simm.s32 @!p0 $0x7  }
0x77: {  	_ =	swait.ge @!p0 [sflag:s0], s1  }
0x78: {  	s1 =	ssub.s32 @!p0 $0x0, s1;
	[sflag:s0] =	ssyncset.done @!p0 $0x0  }
0x79: {  	[sflag:s0] =	ssyncadd.s32 @!p0 s1  }
0x7a: {  	[bflag:$0x3] =	sbarrier.arrive $0xFFFF  }
0x7b: {  	_ =	shalt  }

</sc_bundles>
